<compile_context>
chip_gen: v7x
topology: tpu7x:2x2x1
jax: 0.10.2.dev20260603
libtpu: 0.0.44.dev20260713+nightly
codegen_flags: <defaults>
</compile_context>

<pallas_src>
import jax
import jax.numpy as jnp
from jax import lax
from jax.experimental import pallas as pl
from jax.experimental.pallas import tpu as pltpu
from jax.experimental.pallas import tpu_sc as plsc

N_FEATURES = 1_000_000
N_DIM = 16
BATCH = 16384
N_FIELDS = 26

NC = 2
NS = 16
NW = NC * NS
ROWS_PER_W = BATCH // NW
CHUNK = 64
N_CHUNKS = ROWS_PER_W // CHUNK
IDX_PER_CHUNK = CHUNK * N_FIELDS
IDX_TILE = 128
N_TILES = IDX_PER_CHUNK // IDX_TILE
GROUPS = CHUNK // 16


def _shuf(x, perm):
    return lax.gather(
        x, perm[:, None],
        lax.GatherDimensionNumbers(
            offset_dims=(), collapsed_slice_dims=(0,), start_index_map=(0,)),
        slice_sizes=(1,),
        mode=lax.GatherScatterMode.PROMISE_IN_BOUNDS)


def _fm_body(idx_hbm, bias_hbm, vect_hbm, out_hbm,
             idx_v, rows_v, bias_v, out_v, sem_rows, sem_bias):
    wid = lax.axis_index("s") * NC + lax.axis_index("c")
    lanes = lax.iota(jnp.int32, 16)
    tiles_per_w = ROWS_PER_W * N_FIELDS // IDX_TILE

    pltpu.sync_copy(idx_hbm.at[pl.ds(wid * tiles_per_w, tiles_per_w)], idx_v)

    def chunk_body(c, carry):
        descs = []
        for i in range(N_TILES):
            descs.append(pltpu.async_copy(
                vect_hbm.at[idx_v.at[c * N_TILES + i]],
                rows_v.at[pl.ds(i * IDX_TILE, IDX_TILE)],
                sem_rows))
            descs.append(pltpu.async_copy(
                bias_hbm.at[idx_v.at[c * N_TILES + i]],
                bias_v.at[pl.ds(i * IDX_TILE, IDX_TILE)],
                sem_bias))
        for d in descs:
            d.wait()

        def group_body(g, carry2):
            ts = []
            for j in range(16):
                base = (g * 16 + j) * N_FIELDS
                s = jnp.zeros((16,), jnp.float32)
                q = jnp.zeros((16,), jnp.float32)
                for f in range(N_FIELDS):
                    v = rows_v[base + f]
                    s = s + v
                    q = q + v * v
                b0 = bias_v[pl.ds(base, 16)]
                b1 = bias_v[pl.ds(base + 16, 16)]
                b1 = jnp.where(lanes < N_FIELDS - 16, b1, 0.0)
                ts.append(0.5 * (s * s - q) + b0 + b1)
            for k in range(4):
                step = 1 << k
                perm = lanes ^ step
                keep = ((lanes >> k) & 1) == 0
                nxt = []
                for p in range(0, len(ts), 2):
                    a = ts[p] + _shuf(ts[p], perm)
                    b = ts[p + 1] + _shuf(ts[p + 1], perm)
                    nxt.append(jnp.where(keep, a, b))
                ts = nxt
            out_v[pl.ds(g * 16, 16)] = ts[0]
            return carry2

        lax.fori_loop(0, GROUPS, group_body, 0)
        pltpu.sync_copy(out_v,
                        out_hbm.at[pl.ds(wid * ROWS_PER_W + c * CHUNK, CHUNK)])
        return carry

    lax.fori_loop(0, N_CHUNKS, chunk_body, 0)


def kernel(idx, feat_bias, feat_vect):
    idx2 = idx.astype(jnp.int32).reshape(BATCH * N_FIELDS // IDX_TILE, IDX_TILE)
    bias_flat = feat_bias.reshape(N_FEATURES)
    mesh = plsc.VectorSubcoreMesh(core_axis_name="c", subcore_axis_name="s")
    k = pl.kernel(
        _fm_body,
        mesh=mesh,
        compiler_params=pltpu.CompilerParams(use_tc_tiling_on_sc=False),
        out_type=jax.ShapeDtypeStruct((BATCH,), jnp.float32),
        scratch_types=[
            pltpu.VMEM((ROWS_PER_W * N_FIELDS // IDX_TILE, IDX_TILE), jnp.int32),
            pltpu.VMEM((IDX_PER_CHUNK, N_DIM), jnp.float32),
            pltpu.VMEM((IDX_PER_CHUNK + 32,), jnp.float32),
            pltpu.VMEM((CHUNK,), jnp.float32),
            pltpu.SemaphoreType.DMA,
            pltpu.SemaphoreType.DMA,
        ],
    )
    return k(idx2, bias_flat, feat_vect)

# --- scband reference (transcript-rebuilt; emitter-appended) ---
"""Pipeline reference for scband-fm-11948599018221 (READ-ONLY COPY).

The authoritative reference and input builder live on the scoring server;
editing this copy changes nothing except your own understanding.
"""

import jax, jax.numpy as jnp
import numpy as np

N_FEATURES = 1000000
N_DIM = 16
BATCH = 16384
N_FIELDS = 26


def setup_inputs(seed: int = 0) -> dict:
    key = jax.random.key(seed)
    k1, k2, k3 = jax.random.split(key, 3)
    idx = jax.random.randint(k1, (BATCH, N_FIELDS), 0, N_FEATURES, dtype=jnp.int64)
    feat_bias = jax.random.normal(k2, (N_FEATURES, 1), dtype=jnp.float32) * 0.01
    feat_vect = jax.random.normal(k3, (N_FEATURES, N_DIM), dtype=jnp.float32) * 0.01
    return {"idx": idx, "feat_bias": feat_bias, "feat_vect": feat_vect}


def factorization_machine(v):
    # v: [B, F, D]; w defaults to ones so (v*w) == v
    t0 = jnp.sum(v, axis=1) ** 2.0          # [B, D]
    t1 = jnp.sum(v ** 2.0, axis=1)           # [B, D]
    return 0.5 * (t0 - t1)                   # [B, D]


def reference(idx, feat_bias, feat_vect):
    # index_into: gather rows of the embedding tables
    biases = jnp.take(feat_bias, idx, axis=0)   # [B, F, 1]
    biases = jnp.squeeze(biases, axis=-1)       # [B, F]
    vectrs = jnp.take(feat_vect, idx, axis=0)   # [B, F, D]
    vector = factorization_machine(vectrs)      # [B, D]
    logodds = jnp.sum(biases, axis=1) + jnp.sum(vector, axis=1)  # [B]
    return logodds

if __name__ == "__main__":
    import jax
    _d = setup_inputs()
    print(jax.jit(kernel)(*tuple(_d.values())))

</pallas_src>

<mosaic_0001>
#map = affine_map<(d0, d1) -> (0, 0)>
#map1 = affine_map<(d0, d1) -> (0)>
module attributes {stable_mosaic.version = 14 : i64} {
  func.func @_fm_body(%arg0: i32, %arg1: i32, %arg2: memref<3328x128xi32, #tpu.memory_space<hbm>>, %arg3: memref<1000000xf32, #tpu.memory_space<hbm>>, %arg4: memref<1000000x16xf32, #tpu.memory_space<hbm>>, %arg5: memref<16384xf32, #tpu.memory_space<hbm>>, %arg6: memref<104x128xi32, #tpu.memory_space<vmem>>, %arg7: memref<1664x16xf32, #tpu.memory_space<vmem>>, %arg8: memref<1696xf32, #tpu.memory_space<vmem>>, %arg9: memref<64xf32, #tpu.memory_space<vmem>>, %arg10: memref<!tpu.dma_semaphore, #tpu.memory_space<semaphore_mem>>, %arg11: memref<!tpu.dma_semaphore, #tpu.memory_space<semaphore_mem>>) attributes {dimension_semantics = [#tpu.dimension_semantics<core_parallel>, #tpu.dimension_semantics<subcore_parallel>], iteration_bounds = array<i64: 2, 16>, scalar_prefetch = 0 : i64, scratch_operands = 6 : i64, tpu.core_type = #tpu.core_type<sc_vector_subcore>, window_params = [{transform_indices = #map}, {transform_indices = #map1}, {transform_indices = #map}, {transform_indices = #map1}]} {
    %mul3A = arith.constant 2 : i32
    %mul3A_0 = arith.muli %arg1, %mul3A : i32
    %add3A = arith.addi %mul3A_0, %arg0 : i32
    %iota3A = tpu.iota {dimensions = array<i32: 0>} : vector<16xi32>
    %mul3A_1 = arith.constant 104 : i32
    %mul3A_2 = arith.muli %add3A, %mul3A_1 : i32
    "tpu.region"() ({
      %run_scoped3A = tpu.sem_alloc : memref<!tpu.dma_semaphore, #tpu.memory_space<semaphore_mem>>
      %dma_start3A = arith.constant 0 : i32
      %dma_start3A_8 = tpu.memref_slice %arg2[%mul3A_2, %dma_start3A] : memref<3328x128xi32, #tpu.memory_space<hbm>> -> memref<104x128xi32, #tpu.memory_space<hbm>>
      %dma_start3A_9 = arith.constant 0 : i32
      %dma_start3A_10 = tpu.memref_slice %arg2[%mul3A_2, %dma_start3A_9] : memref<3328x128xi32, #tpu.memory_space<hbm>> -> memref<104x128xi32, #tpu.memory_space<hbm>>
      tpu.enqueue_dma source(%dma_start3A_10 : memref<104x128xi32, #tpu.memory_space<hbm>>) target(%arg6 : memref<104x128xi32, #tpu.memory_space<vmem>>) target_semaphore(%run_scoped3A : memref<!tpu.dma_semaphore, #tpu.memory_space<semaphore_mem>>)
      %dma_wait3A = arith.constant 0 : i32
      %dma_wait3A_11 = tpu.memref_slice %arg2[%mul3A_2, %dma_wait3A] : memref<3328x128xi32, #tpu.memory_space<hbm>> -> memref<104x128xi32, #tpu.memory_space<hbm>>
      %dma_wait3A_12 = arith.constant 0 : i32
      %dma_wait3A_13 = tpu.memref_slice %arg2[%mul3A_2, %dma_wait3A_12] : memref<3328x128xi32, #tpu.memory_space<hbm>> -> memref<104x128xi32, #tpu.memory_space<hbm>>
      tpu.wait_dma2 semaphore(%run_scoped3A : memref<!tpu.dma_semaphore, #tpu.memory_space<semaphore_mem>>) src(%dma_wait3A_13 : memref<104x128xi32, #tpu.memory_space<hbm>>) dst(%arg6 : memref<104x128xi32, #tpu.memory_space<vmem>>)
      tpu.yield
    }) : () -> ()
    %scan3A = arith.constant 0 : i32
    %scan3A_3 = arith.constant 0 : i32
    %scan3A_4 = arith.constant 8 : i32
    %scan3A_5 = arith.addi %scan3A_3, %scan3A_4 : i32
    %scan3A_6 = arith.constant 1 : i32
    scf.for %scan3A_8 = %scan3A_3 to %scan3A_5 step %scan3A_6  : i32 {
      %mul3A_9 = arith.constant 13 : i32
      %mul3A_10 = arith.muli %scan3A_8, %mul3A_9 : i32
      %add3A_11 = arith.constant 0 : i32
      %add3A_12 = arith.addi %mul3A_10, %add3A_11 : i32
      %dma_start3A = arith.constant 0 : i32
      %dma_start3A_13 = arith.constant 0 : i32
      %dma_start3A_14 = tpu.memref_slice %arg7[%dma_start3A, %dma_start3A_13] : memref<1664x16xf32, #tpu.memory_space<vmem>> -> memref<128x16xf32, #tpu.memory_space<vmem>>
      %dma_start3A_15 = arith.constant 0 : i32
      %dma_start3A_16 = tpu.memref_slice %arg6[%add3A_12, %dma_start3A_15] : memref<104x128xi32, #tpu.memory_space<vmem>> -> memref<1x128xi32, #tpu.memory_space<vmem>>
      %dma_start3A_17 = tpu.memref_squeeze %dma_start3A_16 : memref<1x128xi32, #tpu.memory_space<vmem>> -> memref<128xi32, #tpu.memory_space<vmem>>
      %dma_start3A_18 = arith.constant 0 : i32
      %dma_start3A_19 = arith.constant 0 : i32
      %dma_start3A_20 = tpu.memref_slice %arg4[%dma_start3A_18, %dma_start3A_19] : memref<1000000x16xf32, #tpu.memory_space<hbm>> -> memref<1000000x16xf32, #tpu.memory_space<hbm>>
      tpu.enqueue_indirect_dma source(%dma_start3A_20 : memref<1000000x16xf32, #tpu.memory_space<hbm>>) target(%dma_start3A_14 : memref<128x16xf32, #tpu.memory_space<vmem>>) offsets(%dma_start3A_17 : memref<128xi32, #tpu.memory_space<vmem>>) semaphore(%arg10 : memref<!tpu.dma_semaphore, #tpu.memory_space<semaphore_mem>>)
      %mul3A_21 = arith.constant 13 : i32
      %mul3A_22 = arith.muli %scan3A_8, %mul3A_21 : i32
      %add3A_23 = arith.constant 0 : i32
      %add3A_24 = arith.addi %mul3A_22, %add3A_23 : i32
      %dma_start3A_25 = arith.constant 0 : i32
      %dma_start3A_26 = tpu.memref_slice %arg8[%dma_start3A_25] : memref<1696xf32, #tpu.memory_space<vmem>> -> memref<128xf32, #tpu.memory_space<vmem>>
      %dma_start3A_27 = arith.constant 0 : i32
      %dma_start3A_28 = tpu.memref_slice %arg6[%add3A_24, %dma_start3A_27] : memref<104x128xi32, #tpu.memory_space<vmem>> -> memref<1x128xi32, #tpu.memory_space<vmem>>
      %dma_start3A_29 = tpu.memref_squeeze %dma_start3A_28 : memref<1x128xi32, #tpu.memory_space<vmem>> -> memref<128xi32, #tpu.memory_space<vmem>>
      %dma_start3A_30 = arith.constant 0 : i32
      %dma_start3A_31 = tpu.memref_slice %arg3[%dma_start3A_30] : memref<1000000xf32, #tpu.memory_space<hbm>> -> memref<1000000xf32, #tpu.memory_space<hbm>>
      tpu.enqueue_indirect_dma source(%dma_start3A_31 : memref<1000000xf32, #tpu.memory_space<hbm>>) target(%dma_start3A_26 : memref<128xf32, #tpu.memory_space<vmem>>) offsets(%dma_start3A_29 : memref<128xi32, #tpu.memory_space<vmem>>) semaphore(%arg11 : memref<!tpu.dma_semaphore, #tpu.memory_space<semaphore_mem>>)
      %mul3A_32 = arith.constant 13 : i32
      %mul3A_33 = arith.muli %scan3A_8, %mul3A_32 : i32
      %add3A_34 = arith.constant 1 : i32
      %add3A_35 = arith.addi %mul3A_33, %add3A_34 : i32
      %dma_start3A_36 = arith.constant 128 : i32
      %dma_start3A_37 = arith.constant 0 : i32
      %dma_start3A_38 = tpu.memref_slice %arg7[%dma_start3A_36, %dma_start3A_37] : memref<1664x16xf32, #tpu.memory_space<vmem>> -> memref<128x16xf32, #tpu.memory_space<vmem>>
      %dma_start3A_39 = arith.constant 0 : i32
      %dma_start3A_40 = tpu.memref_slice %arg6[%add3A_35, %dma_start3A_39] : memref<104x128xi32, #tpu.memory_space<vmem>> -> memref<1x128xi32, #tpu.memory_space<vmem>>
      %dma_start3A_41 = tpu.memref_squeeze %dma_start3A_40 : memref<1x128xi32, #tpu.memory_space<vmem>> -> memref<128xi32, #tpu.memory_space<vmem>>
      %dma_start3A_42 = arith.constant 0 : i32
      %dma_start3A_43 = arith.constant 0 : i32
      %dma_start3A_44 = tpu.memref_slice %arg4[%dma_start3A_42, %dma_start3A_43] : memref<1000000x16xf32, #tpu.memory_space<hbm>> -> memref<1000000x16xf32, #tpu.memory_space<hbm>>
      tpu.enqueue_indirect_dma source(%dma_start3A_44 : memref<1000000x16xf32, #tpu.memory_space<hbm>>) target(%dma_start3A_38 : memref<128x16xf32, #tpu.memory_space<vmem>>) offsets(%dma_start3A_41 : memref<128xi32, #tpu.memory_space<vmem>>) semaphore(%arg10 : memref<!tpu.dma_semaphore, #tpu.memory_space<semaphore_mem>>)
      %mul3A_45 = arith.constant 13 : i32
      %mul3A_46 = arith.muli %scan3A_8, %mul3A_45 : i32
      %add3A_47 = arith.constant 1 : i32
      %add3A_48 = arith.addi %mul3A_46, %add3A_47 : i32
      %dma_start3A_49 = arith.constant 128 : i32
      %dma_start3A_50 = tpu.memref_slice %arg8[%dma_start3A_49] : memref<1696xf32, #tpu.memory_space<vmem>> -> memref<128xf32, #tpu.memory_space<vmem>>
      %dma_start3A_51 = arith.constant 0 : i32
      %dma_start3A_52 = tpu.memref_slice %arg6[%add3A_48, %dma_start3A_51] : memref<104x128xi32, #tpu.memory_space<vmem>> -> memref<1x128xi32, #tpu.memory_space<vmem>>
      %dma_start3A_53 = tpu.memref_squeeze %dma_start3A_52 : memref<1x128xi32, #tpu.memory_space<vmem>> -> memref<128xi32, #tpu.memory_space<vmem>>
      %dma_start3A_54 = arith.constant 0 : i32
      %dma_start3A_55 = tpu.memref_slice %arg3[%dma_start3A_54] : memref<1000000xf32, #tpu.memory_space<hbm>> -> memref<1000000xf32, #tpu.memory_space<hbm>>
      tpu.enqueue_indirect_dma source(%dma_start3A_55 : memref<1000000xf32, #tpu.memory_space<hbm>>) target(%dma_start3A_50 : memref<128xf32, #tpu.memory_space<vmem>>) offsets(%dma_start3A_53 : memref<128xi32, #tpu.memory_space<vmem>>) semaphore(%arg11 : memref<!tpu.dma_semaphore, #tpu.memory_space<semaphore_mem>>)
      %mul3A_56 = arith.constant 13 : i32
      %mul3A_57 = arith.muli %scan3A_8, %mul3A_56 : i32
      %add3A_58 = arith.constant 2 : i32
      %add3A_59 = arith.addi %mul3A_57, %add3A_58 : i32
      %dma_start3A_60 = arith.constant 256 : i32
      %dma_start3A_61 = arith.constant 0 : i32
      %dma_start3A_62 = tpu.memref_slice %arg7[%dma_start3A_60, %dma_start3A_61] : memref<1664x16xf32, #tpu.memory_space<vmem>> -> memref<128x16xf32, #tpu.memory_space<vmem>>
      %dma_start3A_63 = arith.constant 0 : i32
      %dma_start3A_64 = tpu.memref_slice %arg6[%add3A_59, %dma_start3A_63] : memref<104x128xi32, #tpu.memory_space<vmem>> -> memref<1x128xi32, #tpu.memory_space<vmem>>
      %dma_start3A_65 = tpu.memref_squeeze %dma_start3A_64 : memref<1x128xi32, #tpu.memory_space<vmem>> -> memref<128xi32, #tpu.memory_space<vmem>>
      %dma_start3A_66 = arith.constant 0 : i32
      %dma_start3A_67 = arith.constant 0 : i32
      %dma_start3A_68 = tpu.memref_slice %arg4[%dma_start3A_66, %dma_start3A_67] : memref<1000000x16xf32, #tpu.memory_space<hbm>> -> memref<1000000x16xf32, #tpu.memory_space<hbm>>
      tpu.enqueue_indirect_dma source(%dma_start3A_68 : memref<1000000x16xf32, #tpu.memory_space<hbm>>) target(%dma_start3A_62 : memref<128x16xf32, #tpu.memory_space<vmem>>) offsets(%dma_start3A_65 : memref<128xi32, #tpu.memory_space<vmem>>) semaphore(%arg10 : memref<!tpu.dma_semaphore, #tpu.memory_space<semaphore_mem>>)
      %mul3A_69 = arith.constant 13 : i32
      %mul3A_70 = arith.muli %scan3A_8, %mul3A_69 : i32
      %add3A_71 = arith.constant 2 : i32
      %add3A_72 = arith.addi %mul3A_70, %add3A_71 : i32
      %dma_start3A_73 = arith.constant 256 : i32
      %dma_start3A_74 = tpu.memref_slice %arg8[%dma_start3A_73] : memref<1696xf32, #tpu.memory_space<vmem>> -> memref<128xf32, #tpu.memory_space<vmem>>
      %dma_start3A_75 = arith.constant 0 : i32
      %dma_start3A_76 = tpu.memref_slice %arg6[%add3A_72, %dma_start3A_75] : memref<104x128xi32, #tpu.memory_space<vmem>> -> memref<1x128xi32, #tpu.memory_space<vmem>>
      %dma_start3A_77 = tpu.memref_squeeze %dma_start3A_76 : memref<1x128xi32, #tpu.memory_space<vmem>> -> memref<128xi32, #tpu.memory_space<vmem>>
      %dma_start3A_78 = arith.constant 0 : i32
      %dma_start3A_79 = tpu.memref_slice %arg3[%dma_start3A_78] : memref<1000000xf32, #tpu.memory_space<hbm>> -> memref<1000000xf32, #tpu.memory_space<hbm>>
      tpu.enqueue_indirect_dma source(%dma_start3A_79 : memref<1000000xf32, #tpu.memory_space<hbm>>) target(%dma_start3A_74 : memref<128xf32, #tpu.memory_space<vmem>>) offsets(%dma_start3A_77 : memref<128xi32, #tpu.memory_space<vmem>>) semaphore(%arg11 : memref<!tpu.dma_semaphore, #tpu.memory_space<semaphore_mem>>)
      %mul3A_80 = arith.constant 13 : i32
      %mul3A_81 = arith.muli %scan3A_8, %mul3A_80 : i32
      %add3A_82 = arith.constant 3 : i32
      %add3A_83 = arith.addi %mul3A_81, %add3A_82 : i32
      %dma_start3A_84 = arith.constant 384 : i32
      %dma_start3A_85 = arith.constant 0 : i32
      %dma_start3A_86 = tpu.memref_slice %arg7[%dma_start3A_84, %dma_start3A_85] : memref<1664x16xf32, #tpu.memory_space<vmem>> -> memref<128x16xf32, #tpu.memory_space<vmem>>
      %dma_start3A_87 = arith.constant 0 : i32
      %dma_start3A_88 = tpu.memref_slice %arg6[%add3A_83, %dma_start3A_87] : memref<104x128xi32, #tpu.memory_space<vmem>> -> memref<1x128xi32, #tpu.memory_space<vmem>>
      %dma_start3A_89 = tpu.memref_squeeze %dma_start3A_88 : memref<1x128xi32, #tpu.memory_space<vmem>> -> memref<128xi32, #tpu.memory_space<vmem>>
      %dma_start3A_90 = arith.constant 0 : i32
      %dma_start3A_91 = arith.constant 0 : i32
      %dma_start3A_92 = tpu.memref_slice %arg4[%dma_start3A_90, %dma_start3A_91] : memref<1000000x16xf32, #tpu.memory_space<hbm>> -> memref<1000000x16xf32, #tpu.memory_space<hbm>>
      tpu.enqueue_indirect_dma source(%dma_start3A_92 : memref<1000000x16xf32, #tpu.memory_space<hbm>>) target(%dma_start3A_86 : memref<128x16xf32, #tpu.memory_space<vmem>>) offsets(%dma_start3A_89 : memref<128xi32, #tpu.memory_space<vmem>>) semaphore(%arg10 : memref<!tpu.dma_semaphore, #tpu.memory_space<semaphore_mem>>)
      %mul3A_93 = arith.constant 13 : i32
      %mul3A_94 = arith.muli %scan3A_8, %mul3A_93 : i32
      %add3A_95 = arith.constant 3 : i32
      %add3A_96 = arith.addi %mul3A_94, %add3A_95 : i32
      %dma_start3A_97 = arith.constant 384 : i32
      %dma_start3A_98 = tpu.memref_slice %arg8[%dma_start3A_97] : memref<1696xf32, #tpu.memory_space<vmem>> -> memref<128xf32, #tpu.memory_space<vmem>>
      %dma_start3A_99 = arith.constant 0 : i32
      %dma_start3A_100 = tpu.memref_slice %arg6[%add3A_96, %dma_start3A_99] : memref<104x128xi32, #tpu.memory_space<vmem>> -> memref<1x128xi32, #tpu.memory_space<vmem>>
      %dma_start3A_101 = tpu.memref_squeeze %dma_start3A_100 : memref<1x128xi32, #tpu.memory_space<vmem>> -> memref<128xi32, #tpu.memory_space<vmem>>
      %dma_start3A_102 = arith.constant 0 : i32
      %dma_start3A_103 = tpu.memref_slice %arg3[%dma_start3A_102] : memref<1000000xf32, #tpu.memory_space<hbm>> -> memref<1000000xf32, #tpu.memory_space<hbm>>
      tpu.enqueue_indirect_dma source(%dma_start3A_103 : memref<1000000xf32, #tpu.memory_space<hbm>>) target(%dma_start3A_98 : memref<128xf32, #tpu.memory_space<vmem>>) offsets(%dma_start3A_101 : memref<128xi32, #tpu.memory_space<vmem>>) semaphore(%arg11 : memref<!tpu.dma_semaphore, #tpu.memory_space<semaphore_mem>>)
      %mul3A_104 = arith.constant 13 : i32
      %mul3A_105 = arith.muli %scan3A_8, %mul3A_104 : i32
      %add3A_106 = arith.constant 4 : i32
      %add3A_107 = arith.addi %mul3A_105, %add3A_106 : i32
      %dma_start3A_108 = arith.constant 512 : i32
      %dma_start3A_109 = arith.constant 0 : i32
      %dma_start3A_110 = tpu.memref_slice %arg7[%dma_start3A_108, %dma_start3A_109] : memref<1664x16xf32, #tpu.memory_space<vmem>> -> memref<128x16xf32, #tpu.memory_space<vmem>>
      %dma_start3A_111 = arith.constant 0 : i32
      %dma_start3A_112 = tpu.memref_slice %arg6[%add3A_107, %dma_start3A_111] : memref<104x128xi32, #tpu.memory_space<vmem>> -> memref<1x128xi32, #tpu.memory_space<vmem>>
      %dma_start3A_113 = tpu.memref_squeeze %dma_start3A_112 : memref<1x128xi32, #tpu.memory_space<vmem>> -> memref<128xi32, #tpu.memory_space<vmem>>
      %dma_start3A_114 = arith.constant 0 : i32
      %dma_start3A_115 = arith.constant 0 : i32
      %dma_start3A_116 = tpu.memref_slice %arg4[%dma_start3A_114, %dma_start3A_115] : memref<1000000x16xf32, #tpu.memory_space<hbm>> -> memref<1000000x16xf32, #tpu.memory_space<hbm>>
      tpu.enqueue_indirect_dma source(%dma_start3A_116 : memref<1000000x16xf32, #tpu.memory_space<hbm>>) target(%dma_start3A_110 : memref<128x16xf32, #tpu.memory_space<vmem>>) offsets(%dma_start3A_113 : memref<128xi32, #tpu.memory_space<vmem>>) semaphore(%arg10 : memref<!tpu.dma_semaphore, #tpu.memory_space<semaphore_mem>>)
      %mul3A_117 = arith.constant 13 : i32
      %mul3A_118 = arith.muli %scan3A_8, %mul3A_117 : i32
      %add3A_119 = arith.constant 4 : i32
      %add3A_120 = arith.addi %mul3A_118, %add3A_119 : i32
      %dma_start3A_121 = arith.constant 512 : i32
      %dma_start3A_122 = tpu.memref_slice %arg8[%dma_start3A_121] : memref<1696xf32, #tpu.memory_space<vmem>> -> memref<128xf32, #tpu.memory_space<vmem>>
      %dma_start3A_123 = arith.constant 0 : i32
      %dma_start3A_124 = tpu.memref_slice %arg6[%add3A_120, %dma_start3A_123] : memref<104x128xi32, #tpu.memory_space<vmem>> -> memref<1x128xi32, #tpu.memory_space<vmem>>
      %dma_start3A_125 = tpu.memref_squeeze %dma_start3A_124 : memref<1x128xi32, #tpu.memory_space<vmem>> -> memref<128xi32, #tpu.memory_space<vmem>>
      %dma_start3A_126 = arith.constant 0 : i32
      %dma_start3A_127 = tpu.memref_slice %arg3[%dma_start3A_126] : memref<1000000xf32, #tpu.memory_space<hbm>> -> memref<1000000xf32, #tpu.memory_space<hbm>>
      tpu.enqueue_indirect_dma source(%dma_start3A_127 : memref<1000000xf32, #tpu.memory_space<hbm>>) target(%dma_start3A_122 : memref<128xf32, #tpu.memory_space<vmem>>) offsets(%dma_start3A_125 : memref<128xi32, #tpu.memory_space<vmem>>) semaphore(%arg11 : memref<!tpu.dma_semaphore, #tpu.memory_space<semaphore_mem>>)
      %mul3A_128 = arith.constant 13 : i32
      %mul3A_129 = arith.muli %scan3A_8, %mul3A_128 : i32
      %add3A_130 = arith.constant 5 : i32
      %add3A_131 = arith.addi %mul3A_129, %add3A_130 : i32
      %dma_start3A_132 = arith.constant 640 : i32
      %dma_start3A_133 = arith.constant 0 : i32
      %dma_start3A_134 = tpu.memref_slice %arg7[%dma_start3A_132, %dma_start3A_133] : memref<1664x16xf32, #tpu.memory_space<vmem>> -> memref<128x16xf32, #tpu.memory_space<vmem>>
      %dma_start3A_135 = arith.constant 0 : i32
      %dma_start3A_136 = tpu.memref_slice %arg6[%add3A_131, %dma_start3A_135] : memref<104x128xi32, #tpu.memory_space<vmem>> -> memref<1x128xi32, #tpu.memory_space<vmem>>
      %dma_start3A_137 = tpu.memref_squeeze %dma_start3A_136 : memref<1x128xi32, #tpu.memory_space<vmem>> -> memref<128xi32, #tpu.memory_space<vmem>>
      %dma_start3A_138 = arith.constant 0 : i32
      %dma_start3A_139 = arith.constant 0 : i32
      %dma_start3A_140 = tpu.memref_slice %arg4[%dma_start3A_138, %dma_start3A_139] : memref<1000000x16xf32, #tpu.memory_space<hbm>> -> memref<1000000x16xf32, #tpu.memory_space<hbm>>
      tpu.enqueue_indirect_dma source(%dma_start3A_140 : memref<1000000x16xf32, #tpu.memory_space<hbm>>) target(%dma_start3A_134 : memref<128x16xf32, #tpu.memory_space<vmem>>) offsets(%dma_start3A_137 : memref<128xi32, #tpu.memory_space<vmem>>) semaphore(%arg10 : memref<!tpu.dma_semaphore, #tpu.memory_space<semaphore_mem>>)
      %mul3A_141 = arith.constant 13 : i32
      %mul3A_142 = arith.muli %scan3A_8, %mul3A_141 : i32
      %add3A_143 = arith.constant 5 : i32
      %add3A_144 = arith.addi %mul3A_142, %add3A_143 : i32
      %dma_start3A_145 = arith.constant 640 : i32
      %dma_start3A_146 = tpu.memref_slice %arg8[%dma_start3A_145] : memref<1696xf32, #tpu.memory_space<vmem>> -> memref<128xf32, #tpu.memory_space<vmem>>
      %dma_start3A_147 = arith.constant 0 : i32
      %dma_start3A_148 = tpu.memref_slice %arg6[%add3A_144, %dma_start3A_147] : memref<104x128xi32, #tpu.memory_space<vmem>> -> memref<1x128xi32, #tpu.memory_space<vmem>>
      %dma_start3A_149 = tpu.memref_squeeze %dma_start3A_148 : memref<1x128xi32, #tpu.memory_space<vmem>> -> memref<128xi32, #tpu.memory_space<vmem>>
      %dma_start3A_150 = arith.constant 0 : i32
      %dma_start3A_151 = tpu.memref_slice %arg3[%dma_start3A_150] : memref<1000000xf32, #tpu.memory_space<hbm>> -> memref<1000000xf32, #tpu.memory_space<hbm>>
      tpu.enqueue_indirect_dma source(%dma_start3A_151 : memref<1000000xf32, #tpu.memory_space<hbm>>) target(%dma_start3A_146 : memref<128xf32, #tpu.memory_space<vmem>>) offsets(%dma_start3A_149 : memref<128xi32, #tpu.memory_space<vmem>>) semaphore(%arg11 : memref<!tpu.dma_semaphore, #tpu.memory_space<semaphore_mem>>)
      %mul3A_152 = arith.constant 13 : i32
      %mul3A_153 = arith.muli %scan3A_8, %mul3A_152 : i32
      %add3A_154 = arith.constant 6 : i32
      %add3A_155 = arith.addi %mul3A_153, %add3A_154 : i32
      %dma_start3A_156 = arith.constant 768 : i32
      %dma_start3A_157 = arith.constant 0 : i32
      %dma_start3A_158 = tpu.memref_slice %arg7[%dma_start3A_156, %dma_start3A_157] : memref<1664x16xf32, #tpu.memory_space<vmem>> -> memref<128x16xf32, #tpu.memory_space<vmem>>
      %dma_start3A_159 = arith.constant 0 : i32
      %dma_start3A_160 = tpu.memref_slice %arg6[%add3A_155, %dma_start3A_159] : memref<104x128xi32, #tpu.memory_space<vmem>> -> memref<1x128xi32, #tpu.memory_space<vmem>>
      %dma_start3A_161 = tpu.memref_squeeze %dma_start3A_160 : memref<1x128xi32, #tpu.memory_space<vmem>> -> memref<128xi32, #tpu.memory_space<vmem>>
      %dma_start3A_162 = arith.constant 0 : i32
      %dma_start3A_163 = arith.constant 0 : i32
      %dma_start3A_164 = tpu.memref_slice %arg4[%dma_start3A_162, %dma_start3A_163] : memref<1000000x16xf32, #tpu.memory_space<hbm>> -> memref<1000000x16xf32, #tpu.memory_space<hbm>>
      tpu.enqueue_indirect_dma source(%dma_start3A_164 : memref<1000000x16xf32, #tpu.memory_space<hbm>>) target(%dma_start3A_158 : memref<128x16xf32, #tpu.memory_space<vmem>>) offsets(%dma_start3A_161 : memref<128xi32, #tpu.memory_space<vmem>>) semaphore(%arg10 : memref<!tpu.dma_semaphore, #tpu.memory_space<semaphore_mem>>)
      %mul3A_165 = arith.constant 13 : i32
      %mul3A_166 = arith.muli %scan3A_8, %mul3A_165 : i32
      %add3A_167 = arith.constant 6 : i32
      %add3A_168 = arith.addi %mul3A_166, %add3A_167 : i32
      %dma_start3A_169 = arith.constant 768 : i32
      %dma_start3A_170 = tpu.memref_slice %arg8[%dma_start3A_169] : memref<1696xf32, #tpu.memory_space<vmem>> -> memref<128xf32, #tpu.memory_space<vmem>>
      %dma_start3A_171 = arith.constant 0 : i32
      %dma_start3A_172 = tpu.memref_slice %arg6[%add3A_168, %dma_start3A_171] : memref<104x128xi32, #tpu.memory_space<vmem>> -> memref<1x128xi32, #tpu.memory_space<vmem>>
      %dma_start3A_173 = tpu.memref_squeeze %dma_start3A_172 : memref<1x128xi32, #tpu.memory_space<vmem>> -> memref<128xi32, #tpu.memory_space<vmem>>
      %dma_start3A_174 = arith.constant 0 : i32
      %dma_start3A_175 = tpu.memref_slice %arg3[%dma_start3A_174] : memref<1000000xf32, #tpu.memory_space<hbm>> -> memref<1000000xf32, #tpu.memory_space<hbm>>
      tpu.enqueue_indirect_dma source(%dma_start3A_175 : memref<1000000xf32, #tpu.memory_space<hbm>>) target(%dma_start3A_170 : memref<128xf32, #tpu.memory_space<vmem>>) offsets(%dma_start3A_173 : memref<128xi32, #tpu.memory_space<vmem>>) semaphore(%arg11 : memref<!tpu.dma_semaphore, #tpu.memory_space<semaphore_mem>>)
      %mul3A_176 = arith.constant 13 : i32
      %mul3A_177 = arith.muli %scan3A_8, %mul3A_176 : i32
      %add3A_178 = arith.constant 7 : i32
      %add3A_179 = arith.addi %mul3A_177, %add3A_178 : i32
      %dma_start3A_180 = arith.constant 896 : i32
      %dma_start3A_181 = arith.constant 0 : i32
      %dma_start3A_182 = tpu.memref_slice %arg7[%dma_start3A_180, %dma_start3A_181] : memref<1664x16xf32, #tpu.memory_space<vmem>> -> memref<128x16xf32, #tpu.memory_space<vmem>>
      %dma_start3A_183 = arith.constant 0 : i32
      %dma_start3A_184 = tpu.memref_slice %arg6[%add3A_179, %dma_start3A_183] : memref<104x128xi32, #tpu.memory_space<vmem>> -> memref<1x128xi32, #tpu.memory_space<vmem>>
      %dma_start3A_185 = tpu.memref_squeeze %dma_start3A_184 : memref<1x128xi32, #tpu.memory_space<vmem>> -> memref<128xi32, #tpu.memory_space<vmem>>
      %dma_start3A_186 = arith.constant 0 : i32
      %dma_start3A_187 = arith.constant 0 : i32
      %dma_start3A_188 = tpu.memref_slice %arg4[%dma_start3A_186, %dma_start3A_187] : memref<1000000x16xf32, #tpu.memory_space<hbm>> -> memref<1000000x16xf32, #tpu.memory_space<hbm>>
      tpu.enqueue_indirect_dma source(%dma_start3A_188 : memref<1000000x16xf32, #tpu.memory_space<hbm>>) target(%dma_start3A_182 : memref<128x16xf32, #tpu.memory_space<vmem>>) offsets(%dma_start3A_185 : memref<128xi32, #tpu.memory_space<vmem>>) semaphore(%arg10 : memref<!tpu.dma_semaphore, #tpu.memory_space<semaphore_mem>>)
      %mul3A_189 = arith.constant 13 : i32
      %mul3A_190 = arith.muli %scan3A_8, %mul3A_189 : i32
      %add3A_191 = arith.constant 7 : i32
      %add3A_192 = arith.addi %mul3A_190, %add3A_191 : i32
      %dma_start3A_193 = arith.constant 896 : i32
      %dma_start3A_194 = tpu.memref_slice %arg8[%dma_start3A_193] : memref<1696xf32, #tpu.memory_space<vmem>> -> memref<128xf32, #tpu.memory_space<vmem>>
      %dma_start3A_195 = arith.constant 0 : i32
      %dma_start3A_196 = tpu.memref_slice %arg6[%add3A_192, %dma_start3A_195] : memref<104x128xi32, #tpu.memory_space<vmem>> -> memref<1x128xi32, #tpu.memory_space<vmem>>
      %dma_start3A_197 = tpu.memref_squeeze %dma_start3A_196 : memref<1x128xi32, #tpu.memory_space<vmem>> -> memref<128xi32, #tpu.memory_space<vmem>>
      %dma_start3A_198 = arith.constant 0 : i32
      %dma_start3A_199 = tpu.memref_slice %arg3[%dma_start3A_198] : memref<1000000xf32, #tpu.memory_space<hbm>> -> memref<1000000xf32, #tpu.memory_space<hbm>>
      tpu.enqueue_indirect_dma source(%dma_start3A_199 : memref<1000000xf32, #tpu.memory_space<hbm>>) target(%dma_start3A_194 : memref<128xf32, #tpu.memory_space<vmem>>) offsets(%dma_start3A_197 : memref<128xi32, #tpu.memory_space<vmem>>) semaphore(%arg11 : memref<!tpu.dma_semaphore, #tpu.memory_space<semaphore_mem>>)
      %mul3A_200 = arith.constant 13 : i32
      %mul3A_201 = arith.muli %scan3A_8, %mul3A_200 : i32
      %add3A_202 = arith.constant 8 : i32
      %add3A_203 = arith.addi %mul3A_201, %add3A_202 : i32
      %dma_start3A_204 = arith.constant 1024 : i32
      %dma_start3A_205 = arith.constant 0 : i32
      %dma_start3A_206 = tpu.memref_slice %arg7[%dma_start3A_204, %dma_start3A_205] : memref<1664x16xf32, #tpu.memory_space<vmem>> -> memref<128x16xf32, #tpu.memory_space<vmem>>
      %dma_start3A_207 = arith.constant 0 : i32
      %dma_start3A_208 = tpu.memref_slice %arg6[%add3A_203, %dma_start3A_207] : memref<104x128xi32, #tpu.memory_space<vmem>> -> memref<1x128xi32, #tpu.memory_space<vmem>>
      %dma_start3A_209 = tpu.memref_squeeze %dma_start3A_208 : memref<1x128xi32, #tpu.memory_space<vmem>> -> memref<128xi32, #tpu.memory_space<vmem>>
      %dma_start3A_210 = arith.constant 0 : i32
      %dma_start3A_211 = arith.constant 0 : i32
      %dma_start3A_212 = tpu.memref_slice %arg4[%dma_start3A_210, %dma_start3A_211] : memref<1000000x16xf32, #tpu.memory_space<hbm>> -> memref<1000000x16xf32, #tpu.memory_space<hbm>>
      tpu.enqueue_indirect_dma source(%dma_start3A_212 : memref<1000000x16xf32, #tpu.memory_space<hbm>>) target(%dma_start3A_206 : memref<128x16xf32, #tpu.memory_space<vmem>>) offsets(%dma_start3A_209 : memref<128xi32, #tpu.memory_space<vmem>>) semaphore(%arg10 : memref<!tpu.dma_semaphore, #tpu.memory_space<semaphore_mem>>)
      %mul3A_213 = arith.constant 13 : i32
      %mul3A_214 = arith.muli %scan3A_8, %mul3A_213 : i32
      %add3A_215 = arith.constant 8 : i32
      %add3A_216 = arith.addi %mul3A_214, %add3A_215 : i32
      %dma_start3A_217 = arith.constant 1024 : i32
      %dma_start3A_218 = tpu.memref_slice %arg8[%dma_start3A_217] : memref<1696xf32, #tpu.memory_space<vmem>> -> memref<128xf32, #tpu.memory_space<vmem>>
      %dma_start3A_219 = arith.constant 0 : i32
      %dma_start3A_220 = tpu.memref_slice %arg6[%add3A_216, %dma_start3A_219] : memref<104x128xi32, #tpu.memory_space<vmem>> -> memref<1x128xi32, #tpu.memory_space<vmem>>
      %dma_start3A_221 = tpu.memref_squeeze %dma_start3A_220 : memref<1x128xi32, #tpu.memory_space<vmem>> -> memref<128xi32, #tpu.memory_space<vmem>>
      %dma_start3A_222 = arith.constant 0 : i32
      %dma_start3A_223 = tpu.memref_slice %arg3[%dma_start3A_222] : memref<1000000xf32, #tpu.memory_space<hbm>> -> memref<1000000xf32, #tpu.memory_space<hbm>>
      tpu.enqueue_indirect_dma source(%dma_start3A_223 : memref<1000000xf32, #tpu.memory_space<hbm>>) target(%dma_start3A_218 : memref<128xf32, #tpu.memory_space<vmem>>) offsets(%dma_start3A_221 : memref<128xi32, #tpu.memory_space<vmem>>) semaphore(%arg11 : memref<!tpu.dma_semaphore, #tpu.memory_space<semaphore_mem>>)
      %mul3A_224 = arith.constant 13 : i32
      %mul3A_225 = arith.muli %scan3A_8, %mul3A_224 : i32
      %add3A_226 = arith.constant 9 : i32
      %add3A_227 = arith.addi %mul3A_225, %add3A_226 : i32
      %dma_start3A_228 = arith.constant 1152 : i32
      %dma_start3A_229 = arith.constant 0 : i32
      %dma_start3A_230 = tpu.memref_slice %arg7[%dma_start3A_228, %dma_start3A_229] : memref<1664x16xf32, #tpu.memory_space<vmem>> -> memref<128x16xf32, #tpu.memory_space<vmem>>
      %dma_start3A_231 = arith.constant 0 : i32
      %dma_start3A_232 = tpu.memref_slice %arg6[%add3A_227, %dma_start3A_231] : memref<104x128xi32, #tpu.memory_space<vmem>> -> memref<1x128xi32, #tpu.memory_space<vmem>>
      %dma_start3A_233 = tpu.memref_squeeze %dma_start3A_232 : memref<1x128xi32, #tpu.memory_space<vmem>> -> memref<128xi32, #tpu.memory_space<vmem>>
      %dma_start3A_234 = arith.constant 0 : i32
      %dma_start3A_235 = arith.constant 0 : i32
      %dma_start3A_236 = tpu.memref_slice %arg4[%dma_start3A_234, %dma_start3A_235] : memref<1000000x16xf32, #tpu.memory_space<hbm>> -> memref<1000000x16xf32, #tpu.memory_space<hbm>>
      tpu.enqueue_indirect_dma source(%dma_start3A_236 : memref<1000000x16xf32, #tpu.memory_space<hbm>>) target(%dma_start3A_230 : memref<128x16xf32, #tpu.memory_space<vmem>>) offsets(%dma_start3A_233 : memref<128xi32, #tpu.memory_space<vmem>>) semaphore(%arg10 : memref<!tpu.dma_semaphore, #tpu.memory_space<semaphore_mem>>)
      %mul3A_237 = arith.constant 13 : i32
      %mul3A_238 = arith.muli %scan3A_8, %mul3A_237 : i32
      %add3A_239 = arith.constant 9 : i32
      %add3A_240 = arith.addi %mul3A_238, %add3A_239 : i32
      %dma_start3A_241 = arith.constant 1152 : i32
      %dma_start3A_242 = tpu.memref_slice %arg8[%dma_start3A_241] : memref<1696xf32, #tpu.memory_space<vmem>> -> memref<128xf32, #tpu.memory_space<vmem>>
      %dma_start3A_243 = arith.constant 0 : i32
      %dma_start3A_244 = tpu.memref_slice %arg6[%add3A_240, %dma_start3A_243] : memref<104x128xi32, #tpu.memory_space<vmem>> -> memref<1x128xi32, #tpu.memory_space<vmem>>
      %dma_start3A_245 = tpu.memref_squeeze %dma_start3A_244 : memref<1x128xi32, #tpu.memory_space<vmem>> -> memref<128xi32, #tpu.memory_space<vmem>>
      %dma_start3A_246 = arith.constant 0 : i32
      %dma_start3A_247 = tpu.memref_slice %arg3[%dma_start3A_246] : memref<1000000xf32, #tpu.memory_space<hbm>> -> memref<1000000xf32, #tpu.memory_space<hbm>>
      tpu.enqueue_indirect_dma source(%dma_start3A_247 : memref<1000000xf32, #tpu.memory_space<hbm>>) target(%dma_start3A_242 : memref<128xf32, #tpu.memory_space<vmem>>) offsets(%dma_start3A_245 : memref<128xi32, #tpu.memory_space<vmem>>) semaphore(%arg11 : memref<!tpu.dma_semaphore, #tpu.memory_space<semaphore_mem>>)
      %mul3A_248 = arith.constant 13 : i32
      %mul3A_249 = arith.muli %scan3A_8, %mul3A_248 : i32
      %add3A_250 = arith.constant 10 : i32
      %add3A_251 = arith.addi %mul3A_249, %add3A_250 : i32
      %dma_start3A_252 = arith.constant 1280 : i32
      %dma_start3A_253 = arith.constant 0 : i32
      %dma_start3A_254 = tpu.memref_slice %arg7[%dma_start3A_252, %dma_start3A_253] : memref<1664x16xf32, #tpu.memory_space<vmem>> -> memref<128x16xf32, #tpu.memory_space<vmem>>
      %dma_start3A_255 = arith.constant 0 : i32
      %dma_start3A_256 = tpu.memref_slice %arg6[%add3A_251, %dma_start3A_255] : memref<104x128xi32, #tpu.memory_space<vmem>> -> memref<1x128xi32, #tpu.memory_space<vmem>>
      %dma_start3A_257 = tpu.memref_squeeze %dma_start3A_256 : memref<1x128xi32, #tpu.memory_space<vmem>> -> memref<128xi32, #tpu.memory_space<vmem>>
      %dma_start3A_258 = arith.constant 0 : i32
      %dma_start3A_259 = arith.constant 0 : i32
      %dma_start3A_260 = tpu.memref_slice %arg4[%dma_start3A_258, %dma_start3A_259] : memref<1000000x16xf32, #tpu.memory_space<hbm>> -> memref<1000000x16xf32, #tpu.memory_space<hbm>>
      tpu.enqueue_indirect_dma source(%dma_start3A_260 : memref<1000000x16xf32, #tpu.memory_space<hbm>>) target(%dma_start3A_254 : memref<128x16xf32, #tpu.memory_space<vmem>>) offsets(%dma_start3A_257 : memref<128xi32, #tpu.memory_space<vmem>>) semaphore(%arg10 : memref<!tpu.dma_semaphore, #tpu.memory_space<semaphore_mem>>)
      %mul3A_261 = arith.constant 13 : i32
      %mul3A_262 = arith.muli %scan3A_8, %mul3A_261 : i32
      %add3A_263 = arith.constant 10 : i32
      %add3A_264 = arith.addi %mul3A_262, %add3A_263 : i32
      %dma_start3A_265 = arith.constant 1280 : i32
      %dma_start3A_266 = tpu.memref_slice %arg8[%dma_start3A_265] : memref<1696xf32, #tpu.memory_space<vmem>> -> memref<128xf32, #tpu.memory_space<vmem>>
      %dma_start3A_267 = arith.constant 0 : i32
      %dma_start3A_268 = tpu.memref_slice %arg6[%add3A_264, %dma_start3A_267] : memref<104x128xi32, #tpu.memory_space<vmem>> -> memref<1x128xi32, #tpu.memory_space<vmem>>
      %dma_start3A_269 = tpu.memref_squeeze %dma_start3A_268 : memref<1x128xi32, #tpu.memory_space<vmem>> -> memref<128xi32, #tpu.memory_space<vmem>>
      %dma_start3A_270 = arith.constant 0 : i32
      %dma_start3A_271 = tpu.memref_slice %arg3[%dma_start3A_270] : memref<1000000xf32, #tpu.memory_space<hbm>> -> memref<1000000xf32, #tpu.memory_space<hbm>>
      tpu.enqueue_indirect_dma source(%dma_start3A_271 : memref<1000000xf32, #tpu.memory_space<hbm>>) target(%dma_start3A_266 : memref<128xf32, #tpu.memory_space<vmem>>) offsets(%dma_start3A_269 : memref<128xi32, #tpu.memory_space<vmem>>) semaphore(%arg11 : memref<!tpu.dma_semaphore, #tpu.memory_space<semaphore_mem>>)
      %mul3A_272 = arith.constant 13 : i32
      %mul3A_273 = arith.muli %scan3A_8, %mul3A_272 : i32
      %add3A_274 = arith.constant 11 : i32
      %add3A_275 = arith.addi %mul3A_273, %add3A_274 : i32
      %dma_start3A_276 = arith.constant 1408 : i32
      %dma_start3A_277 = arith.constant 0 : i32
      %dma_start3A_278 = tpu.memref_slice %arg7[%dma_start3A_276, %dma_start3A_277] : memref<1664x16xf32, #tpu.memory_space<vmem>> -> memref<128x16xf32, #tpu.memory_space<vmem>>
      %dma_start3A_279 = arith.constant 0 : i32
      %dma_start3A_280 = tpu.memref_slice %arg6[%add3A_275, %dma_start3A_279] : memref<104x128xi32, #tpu.memory_space<vmem>> -> memref<1x128xi32, #tpu.memory_space<vmem>>
      %dma_start3A_281 = tpu.memref_squeeze %dma_start3A_280 : memref<1x128xi32, #tpu.memory_space<vmem>> -> memref<128xi32, #tpu.memory_space<vmem>>
      %dma_start3A_282 = arith.constant 0 : i32
      %dma_start3A_283 = arith.constant 0 : i32
      %dma_start3A_284 = tpu.memref_slice %arg4[%dma_start3A_282, %dma_start3A_283] : memref<1000000x16xf32, #tpu.memory_space<hbm>> -> memref<1000000x16xf32, #tpu.memory_space<hbm>>
      tpu.enqueue_indirect_dma source(%dma_start3A_284 : memref<1000000x16xf32, #tpu.memory_space<hbm>>) target(%dma_start3A_278 : memref<128x16xf32, #tpu.memory_space<vmem>>) offsets(%dma_start3A_281 : memref<128xi32, #tpu.memory_space<vmem>>) semaphore(%arg10 : memref<!tpu.dma_semaphore, #tpu.memory_space<semaphore_mem>>)
      %mul3A_285 = arith.constant 13 : i32
      %mul3A_286 = arith.muli %scan3A_8, %mul3A_285 : i32
      %add3A_287 = arith.constant 11 : i32
      %add3A_288 = arith.addi %mul3A_286, %add3A_287 : i32
      %dma_start3A_289 = arith.constant 1408 : i32
      %dma_start3A_290 = tpu.memref_slice %arg8[%dma_start3A_289] : memref<1696xf32, #tpu.memory_space<vmem>> -> memref<128xf32, #tpu.memory_space<vmem>>
      %dma_start3A_291 = arith.constant 0 : i32
      %dma_start3A_292 = tpu.memref_slice %arg6[%add3A_288, %dma_start3A_291] : memref<104x128xi32, #tpu.memory_space<vmem>> -> memref<1x128xi32, #tpu.memory_space<vmem>>
      %dma_start3A_293 = tpu.memref_squeeze %dma_start3A_292 : memref<1x128xi32, #tpu.memory_space<vmem>> -> memref<128xi32, #tpu.memory_space<vmem>>
      %dma_start3A_294 = arith.constant 0 : i32
      %dma_start3A_295 = tpu.memref_slice %arg3[%dma_start3A_294] : memref<1000000xf32, #tpu.memory_space<hbm>> -> memref<1000000xf32, #tpu.memory_space<hbm>>
      tpu.enqueue_indirect_dma source(%dma_start3A_295 : memref<1000000xf32, #tpu.memory_space<hbm>>) target(%dma_start3A_290 : memref<128xf32, #tpu.memory_space<vmem>>) offsets(%dma_start3A_293 : memref<128xi32, #tpu.memory_space<vmem>>) semaphore(%arg11 : memref<!tpu.dma_semaphore, #tpu.memory_space<semaphore_mem>>)
      %mul3A_296 = arith.constant 13 : i32
      %mul3A_297 = arith.muli %scan3A_8, %mul3A_296 : i32
      %add3A_298 = arith.constant 12 : i32
      %add3A_299 = arith.addi %mul3A_297, %add3A_298 : i32
      %dma_start3A_300 = arith.constant 1536 : i32
      %dma_start3A_301 = arith.constant 0 : i32
      %dma_start3A_302 = tpu.memref_slice %arg7[%dma_start3A_300, %dma_start3A_301] : memref<1664x16xf32, #tpu.memory_space<vmem>> -> memref<128x16xf32, #tpu.memory_space<vmem>>
      %dma_start3A_303 = arith.constant 0 : i32
      %dma_start3A_304 = tpu.memref_slice %arg6[%add3A_299, %dma_start3A_303] : memref<104x128xi32, #tpu.memory_space<vmem>> -> memref<1x128xi32, #tpu.memory_space<vmem>>
      %dma_start3A_305 = tpu.memref_squeeze %dma_start3A_304 : memref<1x128xi32, #tpu.memory_space<vmem>> -> memref<128xi32, #tpu.memory_space<vmem>>
      %dma_start3A_306 = arith.constant 0 : i32
      %dma_start3A_307 = arith.constant 0 : i32
      %dma_start3A_308 = tpu.memref_slice %arg4[%dma_start3A_306, %dma_start3A_307] : memref<1000000x16xf32, #tpu.memory_space<hbm>> -> memref<1000000x16xf32, #tpu.memory_space<hbm>>
      tpu.enqueue_indirect_dma source(%dma_start3A_308 : memref<1000000x16xf32, #tpu.memory_space<hbm>>) target(%dma_start3A_302 : memref<128x16xf32, #tpu.memory_space<vmem>>) offsets(%dma_start3A_305 : memref<128xi32, #tpu.memory_space<vmem>>) semaphore(%arg10 : memref<!tpu.dma_semaphore, #tpu.memory_space<semaphore_mem>>)
      %mul3A_309 = arith.constant 13 : i32
      %mul3A_310 = arith.muli %scan3A_8, %mul3A_309 : i32
      %add3A_311 = arith.constant 12 : i32
      %add3A_312 = arith.addi %mul3A_310, %add3A_311 : i32
      %dma_start3A_313 = arith.constant 1536 : i32
      %dma_start3A_314 = tpu.memref_slice %arg8[%dma_start3A_313] : memref<1696xf32, #tpu.memory_space<vmem>> -> memref<128xf32, #tpu.memory_space<vmem>>
      %dma_start3A_315 = arith.constant 0 : i32
      %dma_start3A_316 = tpu.memref_slice %arg6[%add3A_312, %dma_start3A_315] : memref<104x128xi32, #tpu.memory_space<vmem>> -> memref<1x128xi32, #tpu.memory_space<vmem>>
      %dma_start3A_317 = tpu.memref_squeeze %dma_start3A_316 : memref<1x128xi32, #tpu.memory_space<vmem>> -> memref<128xi32, #tpu.memory_space<vmem>>
      %dma_start3A_318 = arith.constant 0 : i32
      %dma_start3A_319 = tpu.memref_slice %arg3[%dma_start3A_318] : memref<1000000xf32, #tpu.memory_space<hbm>> -> memref<1000000xf32, #tpu.memory_space<hbm>>
      tpu.enqueue_indirect_dma source(%dma_start3A_319 : memref<1000000xf32, #tpu.memory_space<hbm>>) target(%dma_start3A_314 : memref<128xf32, #tpu.memory_space<vmem>>) offsets(%dma_start3A_317 : memref<128xi32, #tpu.memory_space<vmem>>) semaphore(%arg11 : memref<!tpu.dma_semaphore, #tpu.memory_space<semaphore_mem>>)
      %dma_wait3A = arith.constant 0 : i32
      %dma_wait3A_320 = arith.constant 0 : i32
      %dma_wait3A_321 = tpu.memref_slice %arg7[%dma_wait3A, %dma_wait3A_320] : memref<1664x16xf32, #tpu.memory_space<vmem>> -> memref<128x16xf32, #tpu.memory_space<vmem>>
      %dma_wait3A_322 = arith.constant 0 : i32
      %dma_wait3A_323 = tpu.memref_slice %arg6[%add3A_12, %dma_wait3A_322] : memref<104x128xi32, #tpu.memory_space<vmem>> -> memref<1x128xi32, #tpu.memory_space<vmem>>
      %dma_wait3A_324 = tpu.memref_squeeze %dma_wait3A_323 : memref<1x128xi32, #tpu.memory_space<vmem>> -> memref<128xi32, #tpu.memory_space<vmem>>
      %dma_wait3A_325 = arith.constant 0 : i32
      %dma_wait3A_326 = arith.constant 0 : i32
      %dma_wait3A_327 = tpu.memref_slice %arg4[%dma_wait3A_325, %dma_wait3A_326] : memref<1000000x16xf32, #tpu.memory_space<hbm>> -> memref<1000000x16xf32, #tpu.memory_space<hbm>>
      tpu.wait_indirect_dma semaphore(%arg10 : memref<!tpu.dma_semaphore, #tpu.memory_space<semaphore_mem>>) src(%dma_wait3A_327 : memref<1000000x16xf32, #tpu.memory_space<hbm>>) dst(%dma_wait3A_321 : memref<128x16xf32, #tpu.memory_space<vmem>>)
      %dma_wait3A_328 = arith.constant 0 : i32
      %dma_wait3A_329 = tpu.memref_slice %arg8[%dma_wait3A_328] : memref<1696xf32, #tpu.memory_space<vmem>> -> memref<128xf32, #tpu.memory_space<vmem>>
      %dma_wait3A_330 = arith.constant 0 : i32
      %dma_wait3A_331 = tpu.memref_slice %arg6[%add3A_24, %dma_wait3A_330] : memref<104x128xi32, #tpu.memory_space<vmem>> -> memref<1x128xi32, #tpu.memory_space<vmem>>
      %dma_wait3A_332 = tpu.memref_squeeze %dma_wait3A_331 : memref<1x128xi32, #tpu.memory_space<vmem>> -> memref<128xi32, #tpu.memory_space<vmem>>
      %dma_wait3A_333 = arith.constant 0 : i32
      %dma_wait3A_334 = tpu.memref_slice %arg3[%dma_wait3A_333] : memref<1000000xf32, #tpu.memory_space<hbm>> -> memref<1000000xf32, #tpu.memory_space<hbm>>
      tpu.wait_indirect_dma semaphore(%arg11 : memref<!tpu.dma_semaphore, #tpu.memory_space<semaphore_mem>>) src(%dma_wait3A_334 : memref<1000000xf32, #tpu.memory_space<hbm>>) dst(%dma_wait3A_329 : memref<128xf32, #tpu.memory_space<vmem>>)
      %dma_wait3A_335 = arith.constant 128 : i32
      %dma_wait3A_336 = arith.constant 0 : i32
      %dma_wait3A_337 = tpu.memref_slice %arg7[%dma_wait3A_335, %dma_wait3A_336] : memref<1664x16xf32, #tpu.memory_space<vmem>> -> memref<128x16xf32, #tpu.memory_space<vmem>>
      %dma_wait3A_338 = arith.constant 0 : i32
      %dma_wait3A_339 = tpu.memref_slice %arg6[%add3A_35, %dma_wait3A_338] : memref<104x128xi32, #tpu.memory_space<vmem>> -> memref<1x128xi32, #tpu.memory_space<vmem>>
      %dma_wait3A_340 = tpu.memref_squeeze %dma_wait3A_339 : memref<1x128xi32, #tpu.memory_space<vmem>> -> memref<128xi32, #tpu.memory_space<vmem>>
      %dma_wait3A_341 = arith.constant 0 : i32
      %dma_wait3A_342 = arith.constant 0 : i32
      %dma_wait3A_343 = tpu.memref_slice %arg4[%dma_wait3A_341, %dma_wait3A_342] : memref<1000000x16xf32, #tpu.memory_space<hbm>> -> memref<1000000x16xf32, #tpu.memory_space<hbm>>
      tpu.wait_indirect_dma semaphore(%arg10 : memref<!tpu.dma_semaphore, #tpu.memory_space<semaphore_mem>>) src(%dma_wait3A_343 : memref<1000000x16xf32, #tpu.memory_space<hbm>>) dst(%dma_wait3A_337 : memref<128x16xf32, #tpu.memory_space<vmem>>)
      %dma_wait3A_344 = arith.constant 128 : i32
      %dma_wait3A_345 = tpu.memref_slice %arg8[%dma_wait3A_344] : memref<1696xf32, #tpu.memory_space<vmem>> -> memref<128xf32, #tpu.memory_space<vmem>>
      %dma_wait3A_346 = arith.constant 0 : i32
      %dma_wait3A_347 = tpu.memref_slice %arg6[%add3A_48, %dma_wait3A_346] : memref<104x128xi32, #tpu.memory_space<vmem>> -> memref<1x128xi32, #tpu.memory_space<vmem>>
      %dma_wait3A_348 = tpu.memref_squeeze %dma_wait3A_347 : memref<1x128xi32, #tpu.memory_space<vmem>> -> memref<128xi32, #tpu.memory_space<vmem>>
      %dma_wait3A_349 = arith.constant 0 : i32
      %dma_wait3A_350 = tpu.memref_slice %arg3[%dma_wait3A_349] : memref<1000000xf32, #tpu.memory_space<hbm>> -> memref<1000000xf32, #tpu.memory_space<hbm>>
      tpu.wait_indirect_dma semaphore(%arg11 : memref<!tpu.dma_semaphore, #tpu.memory_space<semaphore_mem>>) src(%dma_wait3A_350 : memref<1000000xf32, #tpu.memory_space<hbm>>) dst(%dma_wait3A_345 : memref<128xf32, #tpu.memory_space<vmem>>)
      %dma_wait3A_351 = arith.constant 256 : i32
      %dma_wait3A_352 = arith.constant 0 : i32
      %dma_wait3A_353 = tpu.memref_slice %arg7[%dma_wait3A_351, %dma_wait3A_352] : memref<1664x16xf32, #tpu.memory_space<vmem>> -> memref<128x16xf32, #tpu.memory_space<vmem>>
      %dma_wait3A_354 = arith.constant 0 : i32
      %dma_wait3A_355 = tpu.memref_slice %arg6[%add3A_59, %dma_wait3A_354] : memref<104x128xi32, #tpu.memory_space<vmem>> -> memref<1x128xi32, #tpu.memory_space<vmem>>
      %dma_wait3A_356 = tpu.memref_squeeze %dma_wait3A_355 : memref<1x128xi32, #tpu.memory_space<vmem>> -> memref<128xi32, #tpu.memory_space<vmem>>
      %dma_wait3A_357 = arith.constant 0 : i32
      %dma_wait3A_358 = arith.constant 0 : i32
      %dma_wait3A_359 = tpu.memref_slice %arg4[%dma_wait3A_357, %dma_wait3A_358] : memref<1000000x16xf32, #tpu.memory_space<hbm>> -> memref<1000000x16xf32, #tpu.memory_space<hbm>>
      tpu.wait_indirect_dma semaphore(%arg10 : memref<!tpu.dma_semaphore, #tpu.memory_space<semaphore_mem>>) src(%dma_wait3A_359 : memref<1000000x16xf32, #tpu.memory_space<hbm>>) dst(%dma_wait3A_353 : memref<128x16xf32, #tpu.memory_space<vmem>>)
      %dma_wait3A_360 = arith.constant 256 : i32
      %dma_wait3A_361 = tpu.memref_slice %arg8[%dma_wait3A_360] : memref<1696xf32, #tpu.memory_space<vmem>> -> memref<128xf32, #tpu.memory_space<vmem>>
      %dma_wait3A_362 = arith.constant 0 : i32
      %dma_wait3A_363 = tpu.memref_slice %arg6[%add3A_72, %dma_wait3A_362] : memref<104x128xi32, #tpu.memory_space<vmem>> -> memref<1x128xi32, #tpu.memory_space<vmem>>
      %dma_wait3A_364 = tpu.memref_squeeze %dma_wait3A_363 : memref<1x128xi32, #tpu.memory_space<vmem>> -> memref<128xi32, #tpu.memory_space<vmem>>
      %dma_wait3A_365 = arith.constant 0 : i32
      %dma_wait3A_366 = tpu.memref_slice %arg3[%dma_wait3A_365] : memref<1000000xf32, #tpu.memory_space<hbm>> -> memref<1000000xf32, #tpu.memory_space<hbm>>
      tpu.wait_indirect_dma semaphore(%arg11 : memref<!tpu.dma_semaphore, #tpu.memory_space<semaphore_mem>>) src(%dma_wait3A_366 : memref<1000000xf32, #tpu.memory_space<hbm>>) dst(%dma_wait3A_361 : memref<128xf32, #tpu.memory_space<vmem>>)
      %dma_wait3A_367 = arith.constant 384 : i32
      %dma_wait3A_368 = arith.constant 0 : i32
      %dma_wait3A_369 = tpu.memref_slice %arg7[%dma_wait3A_367, %dma_wait3A_368] : memref<1664x16xf32, #tpu.memory_space<vmem>> -> memref<128x16xf32, #tpu.memory_space<vmem>>
      %dma_wait3A_370 = arith.constant 0 : i32
      %dma_wait3A_371 = tpu.memref_slice %arg6[%add3A_83, %dma_wait3A_370] : memref<104x128xi32, #tpu.memory_space<vmem>> -> memref<1x128xi32, #tpu.memory_space<vmem>>
      %dma_wait3A_372 = tpu.memref_squeeze %dma_wait3A_371 : memref<1x128xi32, #tpu.memory_space<vmem>> -> memref<128xi32, #tpu.memory_space<vmem>>
      %dma_wait3A_373 = arith.constant 0 : i32
      %dma_wait3A_374 = arith.constant 0 : i32
      %dma_wait3A_375 = tpu.memref_slice %arg4[%dma_wait3A_373, %dma_wait3A_374] : memref<1000000x16xf32, #tpu.memory_space<hbm>> -> memref<1000000x16xf32, #tpu.memory_space<hbm>>
      tpu.wait_indirect_dma semaphore(%arg10 : memref<!tpu.dma_semaphore, #tpu.memory_space<semaphore_mem>>) src(%dma_wait3A_375 : memref<1000000x16xf32, #tpu.memory_space<hbm>>) dst(%dma_wait3A_369 : memref<128x16xf32, #tpu.memory_space<vmem>>)
      %dma_wait3A_376 = arith.constant 384 : i32
      %dma_wait3A_377 = tpu.memref_slice %arg8[%dma_wait3A_376] : memref<1696xf32, #tpu.memory_space<vmem>> -> memref<128xf32, #tpu.memory_space<vmem>>
      %dma_wait3A_378 = arith.constant 0 : i32
      %dma_wait3A_379 = tpu.memref_slice %arg6[%add3A_96, %dma_wait3A_378] : memref<104x128xi32, #tpu.memory_space<vmem>> -> memref<1x128xi32, #tpu.memory_space<vmem>>
      %dma_wait3A_380 = tpu.memref_squeeze %dma_wait3A_379 : memref<1x128xi32, #tpu.memory_space<vmem>> -> memref<128xi32, #tpu.memory_space<vmem>>
      %dma_wait3A_381 = arith.constant 0 : i32
      %dma_wait3A_382 = tpu.memref_slice %arg3[%dma_wait3A_381] : memref<1000000xf32, #tpu.memory_space<hbm>> -> memref<1000000xf32, #tpu.memory_space<hbm>>
      tpu.wait_indirect_dma semaphore(%arg11 : memref<!tpu.dma_semaphore, #tpu.memory_space<semaphore_mem>>) src(%dma_wait3A_382 : memref<1000000xf32, #tpu.memory_space<hbm>>) dst(%dma_wait3A_377 : memref<128xf32, #tpu.memory_space<vmem>>)
      %dma_wait3A_383 = arith.constant 512 : i32
      %dma_wait3A_384 = arith.constant 0 : i32
      %dma_wait3A_385 = tpu.memref_slice %arg7[%dma_wait3A_383, %dma_wait3A_384] : memref<1664x16xf32, #tpu.memory_space<vmem>> -> memref<128x16xf32, #tpu.memory_space<vmem>>
      %dma_wait3A_386 = arith.constant 0 : i32
      %dma_wait3A_387 = tpu.memref_slice %arg6[%add3A_107, %dma_wait3A_386] : memref<104x128xi32, #tpu.memory_space<vmem>> -> memref<1x128xi32, #tpu.memory_space<vmem>>
      %dma_wait3A_388 = tpu.memref_squeeze %dma_wait3A_387 : memref<1x128xi32, #tpu.memory_space<vmem>> -> memref<128xi32, #tpu.memory_space<vmem>>
      %dma_wait3A_389 = arith.constant 0 : i32
      %dma_wait3A_390 = arith.constant 0 : i32
      %dma_wait3A_391 = tpu.memref_slice %arg4[%dma_wait3A_389, %dma_wait3A_390] : memref<1000000x16xf32, #tpu.memory_space<hbm>> -> memref<1000000x16xf32, #tpu.memory_space<hbm>>
      tpu.wait_indirect_dma semaphore(%arg10 : memref<!tpu.dma_semaphore, #tpu.memory_space<semaphore_mem>>) src(%dma_wait3A_391 : memref<1000000x16xf32, #tpu.memory_space<hbm>>) dst(%dma_wait3A_385 : memref<128x16xf32, #tpu.memory_space<vmem>>)
      %dma_wait3A_392 = arith.constant 512 : i32
      %dma_wait3A_393 = tpu.memref_slice %arg8[%dma_wait3A_392] : memref<1696xf32, #tpu.memory_space<vmem>> -> memref<128xf32, #tpu.memory_space<vmem>>
      %dma_wait3A_394 = arith.constant 0 : i32
      %dma_wait3A_395 = tpu.memref_slice %arg6[%add3A_120, %dma_wait3A_394] : memref<104x128xi32, #tpu.memory_space<vmem>> -> memref<1x128xi32, #tpu.memory_space<vmem>>
      %dma_wait3A_396 = tpu.memref_squeeze %dma_wait3A_395 : memref<1x128xi32, #tpu.memory_space<vmem>> -> memref<128xi32, #tpu.memory_space<vmem>>
      %dma_wait3A_397 = arith.constant 0 : i32
      %dma_wait3A_398 = tpu.memref_slice %arg3[%dma_wait3A_397] : memref<1000000xf32, #tpu.memory_space<hbm>> -> memref<1000000xf32, #tpu.memory_space<hbm>>
      tpu.wait_indirect_dma semaphore(%arg11 : memref<!tpu.dma_semaphore, #tpu.memory_space<semaphore_mem>>) src(%dma_wait3A_398 : memref<1000000xf32, #tpu.memory_space<hbm>>) dst(%dma_wait3A_393 : memref<128xf32, #tpu.memory_space<vmem>>)
      %dma_wait3A_399 = arith.constant 640 : i32
      %dma_wait3A_400 = arith.constant 0 : i32
      %dma_wait3A_401 = tpu.memref_slice %arg7[%dma_wait3A_399, %dma_wait3A_400] : memref<1664x16xf32, #tpu.memory_space<vmem>> -> memref<128x16xf32, #tpu.memory_space<vmem>>
      %dma_wait3A_402 = arith.constant 0 : i32
      %dma_wait3A_403 = tpu.memref_slice %arg6[%add3A_131, %dma_wait3A_402] : memref<104x128xi32, #tpu.memory_space<vmem>> -> memref<1x128xi32, #tpu.memory_space<vmem>>
      %dma_wait3A_404 = tpu.memref_squeeze %dma_wait3A_403 : memref<1x128xi32, #tpu.memory_space<vmem>> -> memref<128xi32, #tpu.memory_space<vmem>>
      %dma_wait3A_405 = arith.constant 0 : i32
      %dma_wait3A_406 = arith.constant 0 : i32
      %dma_wait3A_407 = tpu.memref_slice %arg4[%dma_wait3A_405, %dma_wait3A_406] : memref<1000000x16xf32, #tpu.memory_space<hbm>> -> memref<1000000x16xf32, #tpu.memory_space<hbm>>
      tpu.wait_indirect_dma semaphore(%arg10 : memref<!tpu.dma_semaphore, #tpu.memory_space<semaphore_mem>>) src(%dma_wait3A_407 : memref<1000000x16xf32, #tpu.memory_space<hbm>>) dst(%dma_wait3A_401 : memref<128x16xf32, #tpu.memory_space<vmem>>)
      %dma_wait3A_408 = arith.constant 640 : i32
      %dma_wait3A_409 = tpu.memref_slice %arg8[%dma_wait3A_408] : memref<1696xf32, #tpu.memory_space<vmem>> -> memref<128xf32, #tpu.memory_space<vmem>>
      %dma_wait3A_410 = arith.constant 0 : i32
      %dma_wait3A_411 = tpu.memref_slice %arg6[%add3A_144, %dma_wait3A_410] : memref<104x128xi32, #tpu.memory_space<vmem>> -> memref<1x128xi32, #tpu.memory_space<vmem>>
      %dma_wait3A_412 = tpu.memref_squeeze %dma_wait3A_411 : memref<1x128xi32, #tpu.memory_space<vmem>> -> memref<128xi32, #tpu.memory_space<vmem>>
      %dma_wait3A_413 = arith.constant 0 : i32
      %dma_wait3A_414 = tpu.memref_slice %arg3[%dma_wait3A_413] : memref<1000000xf32, #tpu.memory_space<hbm>> -> memref<1000000xf32, #tpu.memory_space<hbm>>
      tpu.wait_indirect_dma semaphore(%arg11 : memref<!tpu.dma_semaphore, #tpu.memory_space<semaphore_mem>>) src(%dma_wait3A_414 : memref<1000000xf32, #tpu.memory_space<hbm>>) dst(%dma_wait3A_409 : memref<128xf32, #tpu.memory_space<vmem>>)
      %dma_wait3A_415 = arith.constant 768 : i32
      %dma_wait3A_416 = arith.constant 0 : i32
      %dma_wait3A_417 = tpu.memref_slice %arg7[%dma_wait3A_415, %dma_wait3A_416] : memref<1664x16xf32, #tpu.memory_space<vmem>> -> memref<128x16xf32, #tpu.memory_space<vmem>>
      %dma_wait3A_418 = arith.constant 0 : i32
      %dma_wait3A_419 = tpu.memref_slice %arg6[%add3A_155, %dma_wait3A_418] : memref<104x128xi32, #tpu.memory_space<vmem>> -> memref<1x128xi32, #tpu.memory_space<vmem>>
      %dma_wait3A_420 = tpu.memref_squeeze %dma_wait3A_419 : memref<1x128xi32, #tpu.memory_space<vmem>> -> memref<128xi32, #tpu.memory_space<vmem>>
      %dma_wait3A_421 = arith.constant 0 : i32
      %dma_wait3A_422 = arith.constant 0 : i32
      %dma_wait3A_423 = tpu.memref_slice %arg4[%dma_wait3A_421, %dma_wait3A_422] : memref<1000000x16xf32, #tpu.memory_space<hbm>> -> memref<1000000x16xf32, #tpu.memory_space<hbm>>
      tpu.wait_indirect_dma semaphore(%arg10 : memref<!tpu.dma_semaphore, #tpu.memory_space<semaphore_mem>>) src(%dma_wait3A_423 : memref<1000000x16xf32, #tpu.memory_space<hbm>>) dst(%dma_wait3A_417 : memref<128x16xf32, #tpu.memory_space<vmem>>)
      %dma_wait3A_424 = arith.constant 768 : i32
      %dma_wait3A_425 = tpu.memref_slice %arg8[%dma_wait3A_424] : memref<1696xf32, #tpu.memory_space<vmem>> -> memref<128xf32, #tpu.memory_space<vmem>>
      %dma_wait3A_426 = arith.constant 0 : i32
      %dma_wait3A_427 = tpu.memref_slice %arg6[%add3A_168, %dma_wait3A_426] : memref<104x128xi32, #tpu.memory_space<vmem>> -> memref<1x128xi32, #tpu.memory_space<vmem>>
      %dma_wait3A_428 = tpu.memref_squeeze %dma_wait3A_427 : memref<1x128xi32, #tpu.memory_space<vmem>> -> memref<128xi32, #tpu.memory_space<vmem>>
      %dma_wait3A_429 = arith.constant 0 : i32
      %dma_wait3A_430 = tpu.memref_slice %arg3[%dma_wait3A_429] : memref<1000000xf32, #tpu.memory_space<hbm>> -> memref<1000000xf32, #tpu.memory_space<hbm>>
      tpu.wait_indirect_dma semaphore(%arg11 : memref<!tpu.dma_semaphore, #tpu.memory_space<semaphore_mem>>) src(%dma_wait3A_430 : memref<1000000xf32, #tpu.memory_space<hbm>>) dst(%dma_wait3A_425 : memref<128xf32, #tpu.memory_space<vmem>>)
      %dma_wait3A_431 = arith.constant 896 : i32
      %dma_wait3A_432 = arith.constant 0 : i32
      %dma_wait3A_433 = tpu.memref_slice %arg7[%dma_wait3A_431, %dma_wait3A_432] : memref<1664x16xf32, #tpu.memory_space<vmem>> -> memref<128x16xf32, #tpu.memory_space<vmem>>
      %dma_wait3A_434 = arith.constant 0 : i32
      %dma_wait3A_435 = tpu.memref_slice %arg6[%add3A_179, %dma_wait3A_434] : memref<104x128xi32, #tpu.memory_space<vmem>> -> memref<1x128xi32, #tpu.memory_space<vmem>>
      %dma_wait3A_436 = tpu.memref_squeeze %dma_wait3A_435 : memref<1x128xi32, #tpu.memory_space<vmem>> -> memref<128xi32, #tpu.memory_space<vmem>>
      %dma_wait3A_437 = arith.constant 0 : i32
      %dma_wait3A_438 = arith.constant 0 : i32
      %dma_wait3A_439 = tpu.memref_slice %arg4[%dma_wait3A_437, %dma_wait3A_438] : memref<1000000x16xf32, #tpu.memory_space<hbm>> -> memref<1000000x16xf32, #tpu.memory_space<hbm>>
      tpu.wait_indirect_dma semaphore(%arg10 : memref<!tpu.dma_semaphore, #tpu.memory_space<semaphore_mem>>) src(%dma_wait3A_439 : memref<1000000x16xf32, #tpu.memory_space<hbm>>) dst(%dma_wait3A_433 : memref<128x16xf32, #tpu.memory_space<vmem>>)
      %dma_wait3A_440 = arith.constant 896 : i32
      %dma_wait3A_441 = tpu.memref_slice %arg8[%dma_wait3A_440] : memref<1696xf32, #tpu.memory_space<vmem>> -> memref<128xf32, #tpu.memory_space<vmem>>
      %dma_wait3A_442 = arith.constant 0 : i32
      %dma_wait3A_443 = tpu.memref_slice %arg6[%add3A_192, %dma_wait3A_442] : memref<104x128xi32, #tpu.memory_space<vmem>> -> memref<1x128xi32, #tpu.memory_space<vmem>>
      %dma_wait3A_444 = tpu.memref_squeeze %dma_wait3A_443 : memref<1x128xi32, #tpu.memory_space<vmem>> -> memref<128xi32, #tpu.memory_space<vmem>>
      %dma_wait3A_445 = arith.constant 0 : i32
      %dma_wait3A_446 = tpu.memref_slice %arg3[%dma_wait3A_445] : memref<1000000xf32, #tpu.memory_space<hbm>> -> memref<1000000xf32, #tpu.memory_space<hbm>>
      tpu.wait_indirect_dma semaphore(%arg11 : memref<!tpu.dma_semaphore, #tpu.memory_space<semaphore_mem>>) src(%dma_wait3A_446 : memref<1000000xf32, #tpu.memory_space<hbm>>) dst(%dma_wait3A_441 : memref<128xf32, #tpu.memory_space<vmem>>)
      %dma_wait3A_447 = arith.constant 1024 : i32
      %dma_wait3A_448 = arith.constant 0 : i32
      %dma_wait3A_449 = tpu.memref_slice %arg7[%dma_wait3A_447, %dma_wait3A_448] : memref<1664x16xf32, #tpu.memory_space<vmem>> -> memref<128x16xf32, #tpu.memory_space<vmem>>
      %dma_wait3A_450 = arith.constant 0 : i32
      %dma_wait3A_451 = tpu.memref_slice %arg6[%add3A_203, %dma_wait3A_450] : memref<104x128xi32, #tpu.memory_space<vmem>> -> memref<1x128xi32, #tpu.memory_space<vmem>>
      %dma_wait3A_452 = tpu.memref_squeeze %dma_wait3A_451 : memref<1x128xi32, #tpu.memory_space<vmem>> -> memref<128xi32, #tpu.memory_space<vmem>>
      %dma_wait3A_453 = arith.constant 0 : i32
      %dma_wait3A_454 = arith.constant 0 : i32
      %dma_wait3A_455 = tpu.memref_slice %arg4[%dma_wait3A_453, %dma_wait3A_454] : memref<1000000x16xf32, #tpu.memory_space<hbm>> -> memref<1000000x16xf32, #tpu.memory_space<hbm>>
      tpu.wait_indirect_dma semaphore(%arg10 : memref<!tpu.dma_semaphore, #tpu.memory_space<semaphore_mem>>) src(%dma_wait3A_455 : memref<1000000x16xf32, #tpu.memory_space<hbm>>) dst(%dma_wait3A_449 : memref<128x16xf32, #tpu.memory_space<vmem>>)
      %dma_wait3A_456 = arith.constant 1024 : i32
      %dma_wait3A_457 = tpu.memref_slice %arg8[%dma_wait3A_456] : memref<1696xf32, #tpu.memory_space<vmem>> -> memref<128xf32, #tpu.memory_space<vmem>>
      %dma_wait3A_458 = arith.constant 0 : i32
      %dma_wait3A_459 = tpu.memref_slice %arg6[%add3A_216, %dma_wait3A_458] : memref<104x128xi32, #tpu.memory_space<vmem>> -> memref<1x128xi32, #tpu.memory_space<vmem>>
      %dma_wait3A_460 = tpu.memref_squeeze %dma_wait3A_459 : memref<1x128xi32, #tpu.memory_space<vmem>> -> memref<128xi32, #tpu.memory_space<vmem>>
      %dma_wait3A_461 = arith.constant 0 : i32
      %dma_wait3A_462 = tpu.memref_slice %arg3[%dma_wait3A_461] : memref<1000000xf32, #tpu.memory_space<hbm>> -> memref<1000000xf32, #tpu.memory_space<hbm>>
      tpu.wait_indirect_dma semaphore(%arg11 : memref<!tpu.dma_semaphore, #tpu.memory_space<semaphore_mem>>) src(%dma_wait3A_462 : memref<1000000xf32, #tpu.memory_space<hbm>>) dst(%dma_wait3A_457 : memref<128xf32, #tpu.memory_space<vmem>>)
      %dma_wait3A_463 = arith.constant 1152 : i32
      %dma_wait3A_464 = arith.constant 0 : i32
      %dma_wait3A_465 = tpu.memref_slice %arg7[%dma_wait3A_463, %dma_wait3A_464] : memref<1664x16xf32, #tpu.memory_space<vmem>> -> memref<128x16xf32, #tpu.memory_space<vmem>>
      %dma_wait3A_466 = arith.constant 0 : i32
      %dma_wait3A_467 = tpu.memref_slice %arg6[%add3A_227, %dma_wait3A_466] : memref<104x128xi32, #tpu.memory_space<vmem>> -> memref<1x128xi32, #tpu.memory_space<vmem>>
      %dma_wait3A_468 = tpu.memref_squeeze %dma_wait3A_467 : memref<1x128xi32, #tpu.memory_space<vmem>> -> memref<128xi32, #tpu.memory_space<vmem>>
      %dma_wait3A_469 = arith.constant 0 : i32
      %dma_wait3A_470 = arith.constant 0 : i32
      %dma_wait3A_471 = tpu.memref_slice %arg4[%dma_wait3A_469, %dma_wait3A_470] : memref<1000000x16xf32, #tpu.memory_space<hbm>> -> memref<1000000x16xf32, #tpu.memory_space<hbm>>
      tpu.wait_indirect_dma semaphore(%arg10 : memref<!tpu.dma_semaphore, #tpu.memory_space<semaphore_mem>>) src(%dma_wait3A_471 : memref<1000000x16xf32, #tpu.memory_space<hbm>>) dst(%dma_wait3A_465 : memref<128x16xf32, #tpu.memory_space<vmem>>)
      %dma_wait3A_472 = arith.constant 1152 : i32
      %dma_wait3A_473 = tpu.memref_slice %arg8[%dma_wait3A_472] : memref<1696xf32, #tpu.memory_space<vmem>> -> memref<128xf32, #tpu.memory_space<vmem>>
      %dma_wait3A_474 = arith.constant 0 : i32
      %dma_wait3A_475 = tpu.memref_slice %arg6[%add3A_240, %dma_wait3A_474] : memref<104x128xi32, #tpu.memory_space<vmem>> -> memref<1x128xi32, #tpu.memory_space<vmem>>
      %dma_wait3A_476 = tpu.memref_squeeze %dma_wait3A_475 : memref<1x128xi32, #tpu.memory_space<vmem>> -> memref<128xi32, #tpu.memory_space<vmem>>
      %dma_wait3A_477 = arith.constant 0 : i32
      %dma_wait3A_478 = tpu.memref_slice %arg3[%dma_wait3A_477] : memref<1000000xf32, #tpu.memory_space<hbm>> -> memref<1000000xf32, #tpu.memory_space<hbm>>
      tpu.wait_indirect_dma semaphore(%arg11 : memref<!tpu.dma_semaphore, #tpu.memory_space<semaphore_mem>>) src(%dma_wait3A_478 : memref<1000000xf32, #tpu.memory_space<hbm>>) dst(%dma_wait3A_473 : memref<128xf32, #tpu.memory_space<vmem>>)
      %dma_wait3A_479 = arith.constant 1280 : i32
      %dma_wait3A_480 = arith.constant 0 : i32
      %dma_wait3A_481 = tpu.memref_slice %arg7[%dma_wait3A_479, %dma_wait3A_480] : memref<1664x16xf32, #tpu.memory_space<vmem>> -> memref<128x16xf32, #tpu.memory_space<vmem>>
      %dma_wait3A_482 = arith.constant 0 : i32
      %dma_wait3A_483 = tpu.memref_slice %arg6[%add3A_251, %dma_wait3A_482] : memref<104x128xi32, #tpu.memory_space<vmem>> -> memref<1x128xi32, #tpu.memory_space<vmem>>
      %dma_wait3A_484 = tpu.memref_squeeze %dma_wait3A_483 : memref<1x128xi32, #tpu.memory_space<vmem>> -> memref<128xi32, #tpu.memory_space<vmem>>
      %dma_wait3A_485 = arith.constant 0 : i32
      %dma_wait3A_486 = arith.constant 0 : i32
      %dma_wait3A_487 = tpu.memref_slice %arg4[%dma_wait3A_485, %dma_wait3A_486] : memref<1000000x16xf32, #tpu.memory_space<hbm>> -> memref<1000000x16xf32, #tpu.memory_space<hbm>>
      tpu.wait_indirect_dma semaphore(%arg10 : memref<!tpu.dma_semaphore, #tpu.memory_space<semaphore_mem>>) src(%dma_wait3A_487 : memref<1000000x16xf32, #tpu.memory_space<hbm>>) dst(%dma_wait3A_481 : memref<128x16xf32, #tpu.memory_space<vmem>>)
      %dma_wait3A_488 = arith.constant 1280 : i32
      %dma_wait3A_489 = tpu.memref_slice %arg8[%dma_wait3A_488] : memref<1696xf32, #tpu.memory_space<vmem>> -> memref<128xf32, #tpu.memory_space<vmem>>
      %dma_wait3A_490 = arith.constant 0 : i32
      %dma_wait3A_491 = tpu.memref_slice %arg6[%add3A_264, %dma_wait3A_490] : memref<104x128xi32, #tpu.memory_space<vmem>> -> memref<1x128xi32, #tpu.memory_space<vmem>>
      %dma_wait3A_492 = tpu.memref_squeeze %dma_wait3A_491 : memref<1x128xi32, #tpu.memory_space<vmem>> -> memref<128xi32, #tpu.memory_space<vmem>>
      %dma_wait3A_493 = arith.constant 0 : i32
      %dma_wait3A_494 = tpu.memref_slice %arg3[%dma_wait3A_493] : memref<1000000xf32, #tpu.memory_space<hbm>> -> memref<1000000xf32, #tpu.memory_space<hbm>>
      tpu.wait_indirect_dma semaphore(%arg11 : memref<!tpu.dma_semaphore, #tpu.memory_space<semaphore_mem>>) src(%dma_wait3A_494 : memref<1000000xf32, #tpu.memory_space<hbm>>) dst(%dma_wait3A_489 : memref<128xf32, #tpu.memory_space<vmem>>)
      %dma_wait3A_495 = arith.constant 1408 : i32
      %dma_wait3A_496 = arith.constant 0 : i32
      %dma_wait3A_497 = tpu.memref_slice %arg7[%dma_wait3A_495, %dma_wait3A_496] : memref<1664x16xf32, #tpu.memory_space<vmem>> -> memref<128x16xf32, #tpu.memory_space<vmem>>
      %dma_wait3A_498 = arith.constant 0 : i32
      %dma_wait3A_499 = tpu.memref_slice %arg6[%add3A_275, %dma_wait3A_498] : memref<104x128xi32, #tpu.memory_space<vmem>> -> memref<1x128xi32, #tpu.memory_space<vmem>>
      %dma_wait3A_500 = tpu.memref_squeeze %dma_wait3A_499 : memref<1x128xi32, #tpu.memory_space<vmem>> -> memref<128xi32, #tpu.memory_space<vmem>>
      %dma_wait3A_501 = arith.constant 0 : i32
      %dma_wait3A_502 = arith.constant 0 : i32
      %dma_wait3A_503 = tpu.memref_slice %arg4[%dma_wait3A_501, %dma_wait3A_502] : memref<1000000x16xf32, #tpu.memory_space<hbm>> -> memref<1000000x16xf32, #tpu.memory_space<hbm>>
      tpu.wait_indirect_dma semaphore(%arg10 : memref<!tpu.dma_semaphore, #tpu.memory_space<semaphore_mem>>) src(%dma_wait3A_503 : memref<1000000x16xf32, #tpu.memory_space<hbm>>) dst(%dma_wait3A_497 : memref<128x16xf32, #tpu.memory_space<vmem>>)
      %dma_wait3A_504 = arith.constant 1408 : i32
      %dma_wait3A_505 = tpu.memref_slice %arg8[%dma_wait3A_504] : memref<1696xf32, #tpu.memory_space<vmem>> -> memref<128xf32, #tpu.memory_space<vmem>>
      %dma_wait3A_506 = arith.constant 0 : i32
      %dma_wait3A_507 = tpu.memref_slice %arg6[%add3A_288, %dma_wait3A_506] : memref<104x128xi32, #tpu.memory_space<vmem>> -> memref<1x128xi32, #tpu.memory_space<vmem>>
      %dma_wait3A_508 = tpu.memref_squeeze %dma_wait3A_507 : memref<1x128xi32, #tpu.memory_space<vmem>> -> memref<128xi32, #tpu.memory_space<vmem>>
      %dma_wait3A_509 = arith.constant 0 : i32
      %dma_wait3A_510 = tpu.memref_slice %arg3[%dma_wait3A_509] : memref<1000000xf32, #tpu.memory_space<hbm>> -> memref<1000000xf32, #tpu.memory_space<hbm>>
      tpu.wait_indirect_dma semaphore(%arg11 : memref<!tpu.dma_semaphore, #tpu.memory_space<semaphore_mem>>) src(%dma_wait3A_510 : memref<1000000xf32, #tpu.memory_space<hbm>>) dst(%dma_wait3A_505 : memref<128xf32, #tpu.memory_space<vmem>>)
      %dma_wait3A_511 = arith.constant 1536 : i32
      %dma_wait3A_512 = arith.constant 0 : i32
      %dma_wait3A_513 = tpu.memref_slice %arg7[%dma_wait3A_511, %dma_wait3A_512] : memref<1664x16xf32, #tpu.memory_space<vmem>> -> memref<128x16xf32, #tpu.memory_space<vmem>>
      %dma_wait3A_514 = arith.constant 0 : i32
      %dma_wait3A_515 = tpu.memref_slice %arg6[%add3A_299, %dma_wait3A_514] : memref<104x128xi32, #tpu.memory_space<vmem>> -> memref<1x128xi32, #tpu.memory_space<vmem>>
      %dma_wait3A_516 = tpu.memref_squeeze %dma_wait3A_515 : memref<1x128xi32, #tpu.memory_space<vmem>> -> memref<128xi32, #tpu.memory_space<vmem>>
      %dma_wait3A_517 = arith.constant 0 : i32
      %dma_wait3A_518 = arith.constant 0 : i32
      %dma_wait3A_519 = tpu.memref_slice %arg4[%dma_wait3A_517, %dma_wait3A_518] : memref<1000000x16xf32, #tpu.memory_space<hbm>> -> memref<1000000x16xf32, #tpu.memory_space<hbm>>
      tpu.wait_indirect_dma semaphore(%arg10 : memref<!tpu.dma_semaphore, #tpu.memory_space<semaphore_mem>>) src(%dma_wait3A_519 : memref<1000000x16xf32, #tpu.memory_space<hbm>>) dst(%dma_wait3A_513 : memref<128x16xf32, #tpu.memory_space<vmem>>)
      %dma_wait3A_520 = arith.constant 1536 : i32
      %dma_wait3A_521 = tpu.memref_slice %arg8[%dma_wait3A_520] : memref<1696xf32, #tpu.memory_space<vmem>> -> memref<128xf32, #tpu.memory_space<vmem>>
      %dma_wait3A_522 = arith.constant 0 : i32
      %dma_wait3A_523 = tpu.memref_slice %arg6[%add3A_312, %dma_wait3A_522] : memref<104x128xi32, #tpu.memory_space<vmem>> -> memref<1x128xi32, #tpu.memory_space<vmem>>
      %dma_wait3A_524 = tpu.memref_squeeze %dma_wait3A_523 : memref<1x128xi32, #tpu.memory_space<vmem>> -> memref<128xi32, #tpu.memory_space<vmem>>
      %dma_wait3A_525 = arith.constant 0 : i32
      %dma_wait3A_526 = tpu.memref_slice %arg3[%dma_wait3A_525] : memref<1000000xf32, #tpu.memory_space<hbm>> -> memref<1000000xf32, #tpu.memory_space<hbm>>
      tpu.wait_indirect_dma semaphore(%arg11 : memref<!tpu.dma_semaphore, #tpu.memory_space<semaphore_mem>>) src(%dma_wait3A_526 : memref<1000000xf32, #tpu.memory_space<hbm>>) dst(%dma_wait3A_521 : memref<128xf32, #tpu.memory_space<vmem>>)
      %scan3A_527 = arith.constant 0 : i32
      %scan3A_528 = arith.constant 0 : i32
      %scan3A_529 = arith.constant 4 : i32
      %scan3A_530 = arith.addi %scan3A_528, %scan3A_529 : i32
      %scan3A_531 = arith.constant 1 : i32
      scf.for %scan3A_538 = %scan3A_528 to %scan3A_530 step %scan3A_531  : i32 {
        %mul3A_539 = arith.constant 16 : i32
        %mul3A_540 = arith.muli %scan3A_538, %mul3A_539 : i32
        %add3A_541 = arith.constant 0 : i32
        %add3A_542 = arith.addi %mul3A_540, %add3A_541 : i32
        %mul3A_543 = arith.constant 26 : i32
        %mul3A_544 = arith.muli %add3A_542, %mul3A_543 : i32
        %broadcast_in_dim3A = arith.constant 0.000000e+00 : f32
        %broadcast_in_dim3A_545 = vector.broadcast %broadcast_in_dim3A : f32 to vector<16xf32>
        %broadcast_in_dim3A_546 = arith.constant 0.000000e+00 : f32
        %broadcast_in_dim3A_547 = vector.broadcast %broadcast_in_dim3A_546 : f32 to vector<16xf32>
        %add3A_548 = arith.constant 0 : i32
        %add3A_549 = arith.addi %mul3A_544, %add3A_548 : i32
        %get3A = arith.index_cast %add3A_549 : i32 to index
        %get3A_550 = arith.constant 0 : index
        %get3A_551 = tpu.vector_load %arg7[%get3A, %get3A_550] {strides = array<i32>} : memref<1664x16xf32, #tpu.memory_space<vmem>>, vector<1x16xf32>,
        %get3A_552 = vector.shape_cast %get3A_551 : vector<1x16xf32> to vector<16xf32>
        %add3A_553 = arith.addf %broadcast_in_dim3A_545, %get3A_552 : vector<16xf32>
        %mul3A_554 = arith.mulf %get3A_552, %get3A_552 : vector<16xf32>
        %add3A_555 = arith.addf %broadcast_in_dim3A_547, %mul3A_554 : vector<16xf32>
        %add3A_556 = arith.constant 1 : i32
        %add3A_557 = arith.addi %mul3A_544, %add3A_556 : i32
        %get3A_558 = arith.index_cast %add3A_557 : i32 to index
        %get3A_559 = arith.constant 0 : index
        %get3A_560 = tpu.vector_load %arg7[%get3A_558, %get3A_559] {strides = array<i32>} : memref<1664x16xf32, #tpu.memory_space<vmem>>, vector<1x16xf32>,
        %get3A_561 = vector.shape_cast %get3A_560 : vector<1x16xf32> to vector<16xf32>
        %add3A_562 = arith.addf %add3A_553, %get3A_561 : vector<16xf32>
        %mul3A_563 = arith.mulf %get3A_561, %get3A_561 : vector<16xf32>
        %add3A_564 = arith.addf %add3A_555, %mul3A_563 : vector<16xf32>
        %add3A_565 = arith.constant 2 : i32
        %add3A_566 = arith.addi %mul3A_544, %add3A_565 : i32
        %get3A_567 = arith.index_cast %add3A_566 : i32 to index
        %get3A_568 = arith.constant 0 : index
        %get3A_569 = tpu.vector_load %arg7[%get3A_567, %get3A_568] {strides = array<i32>} : memref<1664x16xf32, #tpu.memory_space<vmem>>, vector<1x16xf32>,
        %get3A_570 = vector.shape_cast %get3A_569 : vector<1x16xf32> to vector<16xf32>
        %add3A_571 = arith.addf %add3A_562, %get3A_570 : vector<16xf32>
        %mul3A_572 = arith.mulf %get3A_570, %get3A_570 : vector<16xf32>
        %add3A_573 = arith.addf %add3A_564, %mul3A_572 : vector<16xf32>
        %add3A_574 = arith.constant 3 : i32
        %add3A_575 = arith.addi %mul3A_544, %add3A_574 : i32
        %get3A_576 = arith.index_cast %add3A_575 : i32 to index
        %get3A_577 = arith.constant 0 : index
        %get3A_578 = tpu.vector_load %arg7[%get3A_576, %get3A_577] {strides = array<i32>} : memref<1664x16xf32, #tpu.memory_space<vmem>>, vector<1x16xf32>,
        %get3A_579 = vector.shape_cast %get3A_578 : vector<1x16xf32> to vector<16xf32>
        %add3A_580 = arith.addf %add3A_571, %get3A_579 : vector<16xf32>
        %mul3A_581 = arith.mulf %get3A_579, %get3A_579 : vector<16xf32>
        %add3A_582 = arith.addf %add3A_573, %mul3A_581 : vector<16xf32>
        %add3A_583 = arith.constant 4 : i32
        %add3A_584 = arith.addi %mul3A_544, %add3A_583 : i32
        %get3A_585 = arith.index_cast %add3A_584 : i32 to index
        %get3A_586 = arith.constant 0 : index
        %get3A_587 = tpu.vector_load %arg7[%get3A_585, %get3A_586] {strides = array<i32>} : memref<1664x16xf32, #tpu.memory_space<vmem>>, vector<1x16xf32>,
        %get3A_588 = vector.shape_cast %get3A_587 : vector<1x16xf32> to vector<16xf32>
        %add3A_589 = arith.addf %add3A_580, %get3A_588 : vector<16xf32>
        %mul3A_590 = arith.mulf %get3A_588, %get3A_588 : vector<16xf32>
        %add3A_591 = arith.addf %add3A_582, %mul3A_590 : vector<16xf32>
        %add3A_592 = arith.constant 5 : i32
        %add3A_593 = arith.addi %mul3A_544, %add3A_592 : i32
        %get3A_594 = arith.index_cast %add3A_593 : i32 to index
        %get3A_595 = arith.constant 0 : index
        %get3A_596 = tpu.vector_load %arg7[%get3A_594, %get3A_595] {strides = array<i32>} : memref<1664x16xf32, #tpu.memory_space<vmem>>, vector<1x16xf32>,
        %get3A_597 = vector.shape_cast %get3A_596 : vector<1x16xf32> to vector<16xf32>
        %add3A_598 = arith.addf %add3A_589, %get3A_597 : vector<16xf32>
        %mul3A_599 = arith.mulf %get3A_597, %get3A_597 : vector<16xf32>
        %add3A_600 = arith.addf %add3A_591, %mul3A_599 : vector<16xf32>
        %add3A_601 = arith.constant 6 : i32
        %add3A_602 = arith.addi %mul3A_544, %add3A_601 : i32
        %get3A_603 = arith.index_cast %add3A_602 : i32 to index
        %get3A_604 = arith.constant 0 : index
        %get3A_605 = tpu.vector_load %arg7[%get3A_603, %get3A_604] {strides = array<i32>} : memref<1664x16xf32, #tpu.memory_space<vmem>>, vector<1x16xf32>,
        %get3A_606 = vector.shape_cast %get3A_605 : vector<1x16xf32> to vector<16xf32>
        %add3A_607 = arith.addf %add3A_598, %get3A_606 : vector<16xf32>
        %mul3A_608 = arith.mulf %get3A_606, %get3A_606 : vector<16xf32>
        %add3A_609 = arith.addf %add3A_600, %mul3A_608 : vector<16xf32>
        %add3A_610 = arith.constant 7 : i32
        %add3A_611 = arith.addi %mul3A_544, %add3A_610 : i32
        %get3A_612 = arith.index_cast %add3A_611 : i32 to index
        %get3A_613 = arith.constant 0 : index
        %get3A_614 = tpu.vector_load %arg7[%get3A_612, %get3A_613] {strides = array<i32>} : memref<1664x16xf32, #tpu.memory_space<vmem>>, vector<1x16xf32>,
        %get3A_615 = vector.shape_cast %get3A_614 : vector<1x16xf32> to vector<16xf32>
        %add3A_616 = arith.addf %add3A_607, %get3A_615 : vector<16xf32>
        %mul3A_617 = arith.mulf %get3A_615, %get3A_615 : vector<16xf32>
        %add3A_618 = arith.addf %add3A_609, %mul3A_617 : vector<16xf32>
        %add3A_619 = arith.constant 8 : i32
        %add3A_620 = arith.addi %mul3A_544, %add3A_619 : i32
        %get3A_621 = arith.index_cast %add3A_620 : i32 to index
        %get3A_622 = arith.constant 0 : index
        %get3A_623 = tpu.vector_load %arg7[%get3A_621, %get3A_622] {strides = array<i32>} : memref<1664x16xf32, #tpu.memory_space<vmem>>, vector<1x16xf32>,
        %get3A_624 = vector.shape_cast %get3A_623 : vector<1x16xf32> to vector<16xf32>
        %add3A_625 = arith.addf %add3A_616, %get3A_624 : vector<16xf32>
        %mul3A_626 = arith.mulf %get3A_624, %get3A_624 : vector<16xf32>
        %add3A_627 = arith.addf %add3A_618, %mul3A_626 : vector<16xf32>
        %add3A_628 = arith.constant 9 : i32
        %add3A_629 = arith.addi %mul3A_544, %add3A_628 : i32
        %get3A_630 = arith.index_cast %add3A_629 : i32 to index
        %get3A_631 = arith.constant 0 : index
        %get3A_632 = tpu.vector_load %arg7[%get3A_630, %get3A_631] {strides = array<i32>} : memref<1664x16xf32, #tpu.memory_space<vmem>>, vector<1x16xf32>,
        %get3A_633 = vector.shape_cast %get3A_632 : vector<1x16xf32> to vector<16xf32>
        %add3A_634 = arith.addf %add3A_625, %get3A_633 : vector<16xf32>
        %mul3A_635 = arith.mulf %get3A_633, %get3A_633 : vector<16xf32>
        %add3A_636 = arith.addf %add3A_627, %mul3A_635 : vector<16xf32>
        %add3A_637 = arith.constant 10 : i32
        %add3A_638 = arith.addi %mul3A_544, %add3A_637 : i32
        %get3A_639 = arith.index_cast %add3A_638 : i32 to index
        %get3A_640 = arith.constant 0 : index
        %get3A_641 = tpu.vector_load %arg7[%get3A_639, %get3A_640] {strides = array<i32>} : memref<1664x16xf32, #tpu.memory_space<vmem>>, vector<1x16xf32>,
        %get3A_642 = vector.shape_cast %get3A_641 : vector<1x16xf32> to vector<16xf32>
        %add3A_643 = arith.addf %add3A_634, %get3A_642 : vector<16xf32>
        %mul3A_644 = arith.mulf %get3A_642, %get3A_642 : vector<16xf32>
        %add3A_645 = arith.addf %add3A_636, %mul3A_644 : vector<16xf32>
        %add3A_646 = arith.constant 11 : i32
        %add3A_647 = arith.addi %mul3A_544, %add3A_646 : i32
        %get3A_648 = arith.index_cast %add3A_647 : i32 to index
        %get3A_649 = arith.constant 0 : index
        %get3A_650 = tpu.vector_load %arg7[%get3A_648, %get3A_649] {strides = array<i32>} : memref<1664x16xf32, #tpu.memory_space<vmem>>, vector<1x16xf32>,
        %get3A_651 = vector.shape_cast %get3A_650 : vector<1x16xf32> to vector<16xf32>
        %add3A_652 = arith.addf %add3A_643, %get3A_651 : vector<16xf32>
        %mul3A_653 = arith.mulf %get3A_651, %get3A_651 : vector<16xf32>
        %add3A_654 = arith.addf %add3A_645, %mul3A_653 : vector<16xf32>
        %add3A_655 = arith.constant 12 : i32
        %add3A_656 = arith.addi %mul3A_544, %add3A_655 : i32
        %get3A_657 = arith.index_cast %add3A_656 : i32 to index
        %get3A_658 = arith.constant 0 : index
        %get3A_659 = tpu.vector_load %arg7[%get3A_657, %get3A_658] {strides = array<i32>} : memref<1664x16xf32, #tpu.memory_space<vmem>>, vector<1x16xf32>,
        %get3A_660 = vector.shape_cast %get3A_659 : vector<1x16xf32> to vector<16xf32>
        %add3A_661 = arith.addf %add3A_652, %get3A_660 : vector<16xf32>
        %mul3A_662 = arith.mulf %get3A_660, %get3A_660 : vector<16xf32>
        %add3A_663 = arith.addf %add3A_654, %mul3A_662 : vector<16xf32>
        %add3A_664 = arith.constant 13 : i32
        %add3A_665 = arith.addi %mul3A_544, %add3A_664 : i32
        %get3A_666 = arith.index_cast %add3A_665 : i32 to index
        %get3A_667 = arith.constant 0 : index
        %get3A_668 = tpu.vector_load %arg7[%get3A_666, %get3A_667] {strides = array<i32>} : memref<1664x16xf32, #tpu.memory_space<vmem>>, vector<1x16xf32>,
        %get3A_669 = vector.shape_cast %get3A_668 : vector<1x16xf32> to vector<16xf32>
        %add3A_670 = arith.addf %add3A_661, %get3A_669 : vector<16xf32>
        %mul3A_671 = arith.mulf %get3A_669, %get3A_669 : vector<16xf32>
        %add3A_672 = arith.addf %add3A_663, %mul3A_671 : vector<16xf32>
        %add3A_673 = arith.constant 14 : i32
        %add3A_674 = arith.addi %mul3A_544, %add3A_673 : i32
        %get3A_675 = arith.index_cast %add3A_674 : i32 to index
        %get3A_676 = arith.constant 0 : index
        %get3A_677 = tpu.vector_load %arg7[%get3A_675, %get3A_676] {strides = array<i32>} : memref<1664x16xf32, #tpu.memory_space<vmem>>, vector<1x16xf32>,
        %get3A_678 = vector.shape_cast %get3A_677 : vector<1x16xf32> to vector<16xf32>
        %add3A_679 = arith.addf %add3A_670, %get3A_678 : vector<16xf32>
        %mul3A_680 = arith.mulf %get3A_678, %get3A_678 : vector<16xf32>
        %add3A_681 = arith.addf %add3A_672, %mul3A_680 : vector<16xf32>
        %add3A_682 = arith.constant 15 : i32
        %add3A_683 = arith.addi %mul3A_544, %add3A_682 : i32
        %get3A_684 = arith.index_cast %add3A_683 : i32 to index
        %get3A_685 = arith.constant 0 : index
        %get3A_686 = tpu.vector_load %arg7[%get3A_684, %get3A_685] {strides = array<i32>} : memref<1664x16xf32, #tpu.memory_space<vmem>>, vector<1x16xf32>,
        %get3A_687 = vector.shape_cast %get3A_686 : vector<1x16xf32> to vector<16xf32>
        %add3A_688 = arith.addf %add3A_679, %get3A_687 : vector<16xf32>
        %mul3A_689 = arith.mulf %get3A_687, %get3A_687 : vector<16xf32>
        %add3A_690 = arith.addf %add3A_681, %mul3A_689 : vector<16xf32>
        %add3A_691 = arith.constant 16 : i32
        %add3A_692 = arith.addi %mul3A_544, %add3A_691 : i32
        %get3A_693 = arith.index_cast %add3A_692 : i32 to index
        %get3A_694 = arith.constant 0 : index
        %get3A_695 = tpu.vector_load %arg7[%get3A_693, %get3A_694] {strides = array<i32>} : memref<1664x16xf32, #tpu.memory_space<vmem>>, vector<1x16xf32>,
        %get3A_696 = vector.shape_cast %get3A_695 : vector<1x16xf32> to vector<16xf32>
        %add3A_697 = arith.addf %add3A_688, %get3A_696 : vector<16xf32>
        %mul3A_698 = arith.mulf %get3A_696, %get3A_696 : vector<16xf32>
        %add3A_699 = arith.addf %add3A_690, %mul3A_698 : vector<16xf32>
        %add3A_700 = arith.constant 17 : i32
        %add3A_701 = arith.addi %mul3A_544, %add3A_700 : i32
        %get3A_702 = arith.index_cast %add3A_701 : i32 to index
        %get3A_703 = arith.constant 0 : index
        %get3A_704 = tpu.vector_load %arg7[%get3A_702, %get3A_703] {strides = array<i32>} : memref<1664x16xf32, #tpu.memory_space<vmem>>, vector<1x16xf32>,
        %get3A_705 = vector.shape_cast %get3A_704 : vector<1x16xf32> to vector<16xf32>
        %add3A_706 = arith.addf %add3A_697, %get3A_705 : vector<16xf32>
        %mul3A_707 = arith.mulf %get3A_705, %get3A_705 : vector<16xf32>
        %add3A_708 = arith.addf %add3A_699, %mul3A_707 : vector<16xf32>
        %add3A_709 = arith.constant 18 : i32
        %add3A_710 = arith.addi %mul3A_544, %add3A_709 : i32
        %get3A_711 = arith.index_cast %add3A_710 : i32 to index
        %get3A_712 = arith.constant 0 : index
        %get3A_713 = tpu.vector_load %arg7[%get3A_711, %get3A_712] {strides = array<i32>} : memref<1664x16xf32, #tpu.memory_space<vmem>>, vector<1x16xf32>,
        %get3A_714 = vector.shape_cast %get3A_713 : vector<1x16xf32> to vector<16xf32>
        %add3A_715 = arith.addf %add3A_706, %get3A_714 : vector<16xf32>
        %mul3A_716 = arith.mulf %get3A_714, %get3A_714 : vector<16xf32>
        %add3A_717 = arith.addf %add3A_708, %mul3A_716 : vector<16xf32>
        %add3A_718 = arith.constant 19 : i32
        %add3A_719 = arith.addi %mul3A_544, %add3A_718 : i32
        %get3A_720 = arith.index_cast %add3A_719 : i32 to index
        %get3A_721 = arith.constant 0 : index
        %get3A_722 = tpu.vector_load %arg7[%get3A_720, %get3A_721] {strides = array<i32>} : memref<1664x16xf32, #tpu.memory_space<vmem>>, vector<1x16xf32>,
        %get3A_723 = vector.shape_cast %get3A_722 : vector<1x16xf32> to vector<16xf32>
        %add3A_724 = arith.addf %add3A_715, %get3A_723 : vector<16xf32>
        %mul3A_725 = arith.mulf %get3A_723, %get3A_723 : vector<16xf32>
        %add3A_726 = arith.addf %add3A_717, %mul3A_725 : vector<16xf32>
        %add3A_727 = arith.constant 20 : i32
        %add3A_728 = arith.addi %mul3A_544, %add3A_727 : i32
        %get3A_729 = arith.index_cast %add3A_728 : i32 to index
        %get3A_730 = arith.constant 0 : index
        %get3A_731 = tpu.vector_load %arg7[%get3A_729, %get3A_730] {strides = array<i32>} : memref<1664x16xf32, #tpu.memory_space<vmem>>, vector<1x16xf32>,
        %get3A_732 = vector.shape_cast %get3A_731 : vector<1x16xf32> to vector<16xf32>
        %add3A_733 = arith.addf %add3A_724, %get3A_732 : vector<16xf32>
        %mul3A_734 = arith.mulf %get3A_732, %get3A_732 : vector<16xf32>
        %add3A_735 = arith.addf %add3A_726, %mul3A_734 : vector<16xf32>
        %add3A_736 = arith.constant 21 : i32
        %add3A_737 = arith.addi %mul3A_544, %add3A_736 : i32
        %get3A_738 = arith.index_cast %add3A_737 : i32 to index
        %get3A_739 = arith.constant 0 : index
        %get3A_740 = tpu.vector_load %arg7[%get3A_738, %get3A_739] {strides = array<i32>} : memref<1664x16xf32, #tpu.memory_space<vmem>>, vector<1x16xf32>,
        %get3A_741 = vector.shape_cast %get3A_740 : vector<1x16xf32> to vector<16xf32>
        %add3A_742 = arith.addf %add3A_733, %get3A_741 : vector<16xf32>
        %mul3A_743 = arith.mulf %get3A_741, %get3A_741 : vector<16xf32>
        %add3A_744 = arith.addf %add3A_735, %mul3A_743 : vector<16xf32>
        %add3A_745 = arith.constant 22 : i32
        %add3A_746 = arith.addi %mul3A_544, %add3A_745 : i32
        %get3A_747 = arith.index_cast %add3A_746 : i32 to index
        %get3A_748 = arith.constant 0 : index
        %get3A_749 = tpu.vector_load %arg7[%get3A_747, %get3A_748] {strides = array<i32>} : memref<1664x16xf32, #tpu.memory_space<vmem>>, vector<1x16xf32>,
        %get3A_750 = vector.shape_cast %get3A_749 : vector<1x16xf32> to vector<16xf32>
        %add3A_751 = arith.addf %add3A_742, %get3A_750 : vector<16xf32>
        %mul3A_752 = arith.mulf %get3A_750, %get3A_750 : vector<16xf32>
        %add3A_753 = arith.addf %add3A_744, %mul3A_752 : vector<16xf32>
        %add3A_754 = arith.constant 23 : i32
        %add3A_755 = arith.addi %mul3A_544, %add3A_754 : i32
        %get3A_756 = arith.index_cast %add3A_755 : i32 to index
        %get3A_757 = arith.constant 0 : index
        %get3A_758 = tpu.vector_load %arg7[%get3A_756, %get3A_757] {strides = array<i32>} : memref<1664x16xf32, #tpu.memory_space<vmem>>, vector<1x16xf32>,
        %get3A_759 = vector.shape_cast %get3A_758 : vector<1x16xf32> to vector<16xf32>
        %add3A_760 = arith.addf %add3A_751, %get3A_759 : vector<16xf32>
        %mul3A_761 = arith.mulf %get3A_759, %get3A_759 : vector<16xf32>
        %add3A_762 = arith.addf %add3A_753, %mul3A_761 : vector<16xf32>
        %add3A_763 = arith.constant 24 : i32
        %add3A_764 = arith.addi %mul3A_544, %add3A_763 : i32
        %get3A_765 = arith.index_cast %add3A_764 : i32 to index
        %get3A_766 = arith.constant 0 : index
        %get3A_767 = tpu.vector_load %arg7[%get3A_765, %get3A_766] {strides = array<i32>} : memref<1664x16xf32, #tpu.memory_space<vmem>>, vector<1x16xf32>,
        %get3A_768 = vector.shape_cast %get3A_767 : vector<1x16xf32> to vector<16xf32>
        %add3A_769 = arith.addf %add3A_760, %get3A_768 : vector<16xf32>
        %mul3A_770 = arith.mulf %get3A_768, %get3A_768 : vector<16xf32>
        %add3A_771 = arith.addf %add3A_762, %mul3A_770 : vector<16xf32>
        %add3A_772 = arith.constant 25 : i32
        %add3A_773 = arith.addi %mul3A_544, %add3A_772 : i32
        %get3A_774 = arith.index_cast %add3A_773 : i32 to index
        %get3A_775 = arith.constant 0 : index
        %get3A_776 = tpu.vector_load %arg7[%get3A_774, %get3A_775] {strides = array<i32>} : memref<1664x16xf32, #tpu.memory_space<vmem>>, vector<1x16xf32>,
        %get3A_777 = vector.shape_cast %get3A_776 : vector<1x16xf32> to vector<16xf32>
        %add3A_778 = arith.addf %add3A_769, %get3A_777 : vector<16xf32>
        %mul3A_779 = arith.mulf %get3A_777, %get3A_777 : vector<16xf32>
        %add3A_780 = arith.addf %add3A_771, %mul3A_779 : vector<16xf32>
        %get3A_781 = arith.index_cast %mul3A_544 : i32 to index
        %get3A_782 = tpu.vector_load %arg8[%get3A_781] {strides = array<i32>} : memref<1696xf32, #tpu.memory_space<vmem>>, vector<16xf32>,
        %get3A_783 = vector.shape_cast %get3A_782 : vector<16xf32> to vector<16xf32>
        %add3A_784 = arith.constant 16 : i32
        %add3A_785 = arith.addi %mul3A_544, %add3A_784 : i32
        %get3A_786 = arith.index_cast %add3A_785 : i32 to index
        %get3A_787 = tpu.vector_load %arg8[%get3A_786] {strides = array<i32>} : memref<1696xf32, #tpu.memory_space<vmem>>, vector<16xf32>,
        %get3A_788 = vector.shape_cast %get3A_787 : vector<16xf32> to vector<16xf32>
        %lt3A = arith.constant 10 : i32
        %lt3A_789 = vector.broadcast %lt3A : i32 to vector<16xi32>
        %lt3A_790 = arith.cmpi slt, %iota3A, %lt3A_789 : vector<16xi32>
        %jit3A = arith.constant 0.000000e+00 : f32
        %broadcast_in_dim3A_791 = vector.broadcast %jit3A : f32 to vector<16xf32>
        %select_n3A = arith.select %lt3A_790, %get3A_788, %broadcast_in_dim3A_791 : vector<16xi1>, vector<16xf32>
        %mul3A_792 = arith.mulf %add3A_778, %add3A_778 : vector<16xf32>
        %sub3A = arith.subf %mul3A_792, %add3A_780 : vector<16xf32>
        %mul3A_793 = arith.constant 5.000000e-01 : f32
        %mul3A_794 = vector.broadcast %mul3A_793 : f32 to vector<16xf32>
        %mul3A_795 = arith.mulf %mul3A_794, %sub3A : vector<16xf32>
        %add3A_796 = arith.addf %mul3A_795, %get3A_783 : vector<16xf32>
        %add3A_797 = arith.addf %add3A_796, %select_n3A : vector<16xf32>
        %mul3A_798 = arith.constant 16 : i32
        %mul3A_799 = arith.muli %scan3A_538, %mul3A_798 : i32
        %add3A_800 = arith.constant 1 : i32
        %add3A_801 = arith.addi %mul3A_799, %add3A_800 : i32
        %mul3A_802 = arith.constant 26 : i32
        %mul3A_803 = arith.muli %add3A_801, %mul3A_802 : i32
        %broadcast_in_dim3A_804 = arith.constant 0.000000e+00 : f32
        %broadcast_in_dim3A_805 = vector.broadcast %broadcast_in_dim3A_804 : f32 to vector<16xf32>
        %broadcast_in_dim3A_806 = arith.constant 0.000000e+00 : f32
        %broadcast_in_dim3A_807 = vector.broadcast %broadcast_in_dim3A_806 : f32 to vector<16xf32>
        %add3A_808 = arith.constant 0 : i32
        %add3A_809 = arith.addi %mul3A_803, %add3A_808 : i32
        %get3A_810 = arith.index_cast %add3A_809 : i32 to index
        %get3A_811 = arith.constant 0 : index
        %get3A_812 = tpu.vector_load %arg7[%get3A_810, %get3A_811] {strides = array<i32>} : memref<1664x16xf32, #tpu.memory_space<vmem>>, vector<1x16xf32>,
        %get3A_813 = vector.shape_cast %get3A_812 : vector<1x16xf32> to vector<16xf32>
        %add3A_814 = arith.addf %broadcast_in_dim3A_805, %get3A_813 : vector<16xf32>
        %mul3A_815 = arith.mulf %get3A_813, %get3A_813 : vector<16xf32>
        %add3A_816 = arith.addf %broadcast_in_dim3A_807, %mul3A_815 : vector<16xf32>
        %add3A_817 = arith.constant 1 : i32
        %add3A_818 = arith.addi %mul3A_803, %add3A_817 : i32
        %get3A_819 = arith.index_cast %add3A_818 : i32 to index
        %get3A_820 = arith.constant 0 : index
        %get3A_821 = tpu.vector_load %arg7[%get3A_819, %get3A_820] {strides = array<i32>} : memref<1664x16xf32, #tpu.memory_space<vmem>>, vector<1x16xf32>,
        %get3A_822 = vector.shape_cast %get3A_821 : vector<1x16xf32> to vector<16xf32>
        %add3A_823 = arith.addf %add3A_814, %get3A_822 : vector<16xf32>
        %mul3A_824 = arith.mulf %get3A_822, %get3A_822 : vector<16xf32>
        %add3A_825 = arith.addf %add3A_816, %mul3A_824 : vector<16xf32>
        %add3A_826 = arith.constant 2 : i32
        %add3A_827 = arith.addi %mul3A_803, %add3A_826 : i32
        %get3A_828 = arith.index_cast %add3A_827 : i32 to index
        %get3A_829 = arith.constant 0 : index
        %get3A_830 = tpu.vector_load %arg7[%get3A_828, %get3A_829] {strides = array<i32>} : memref<1664x16xf32, #tpu.memory_space<vmem>>, vector<1x16xf32>,
        %get3A_831 = vector.shape_cast %get3A_830 : vector<1x16xf32> to vector<16xf32>
        %add3A_832 = arith.addf %add3A_823, %get3A_831 : vector<16xf32>
        %mul3A_833 = arith.mulf %get3A_831, %get3A_831 : vector<16xf32>
        %add3A_834 = arith.addf %add3A_825, %mul3A_833 : vector<16xf32>
        %add3A_835 = arith.constant 3 : i32
        %add3A_836 = arith.addi %mul3A_803, %add3A_835 : i32
        %get3A_837 = arith.index_cast %add3A_836 : i32 to index
        %get3A_838 = arith.constant 0 : index
        %get3A_839 = tpu.vector_load %arg7[%get3A_837, %get3A_838] {strides = array<i32>} : memref<1664x16xf32, #tpu.memory_space<vmem>>, vector<1x16xf32>,
        %get3A_840 = vector.shape_cast %get3A_839 : vector<1x16xf32> to vector<16xf32>
        %add3A_841 = arith.addf %add3A_832, %get3A_840 : vector<16xf32>
        %mul3A_842 = arith.mulf %get3A_840, %get3A_840 : vector<16xf32>
        %add3A_843 = arith.addf %add3A_834, %mul3A_842 : vector<16xf32>
        %add3A_844 = arith.constant 4 : i32
        %add3A_845 = arith.addi %mul3A_803, %add3A_844 : i32
        %get3A_846 = arith.index_cast %add3A_845 : i32 to index
        %get3A_847 = arith.constant 0 : index
        %get3A_848 = tpu.vector_load %arg7[%get3A_846, %get3A_847] {strides = array<i32>} : memref<1664x16xf32, #tpu.memory_space<vmem>>, vector<1x16xf32>,
        %get3A_849 = vector.shape_cast %get3A_848 : vector<1x16xf32> to vector<16xf32>
        %add3A_850 = arith.addf %add3A_841, %get3A_849 : vector<16xf32>
        %mul3A_851 = arith.mulf %get3A_849, %get3A_849 : vector<16xf32>
        %add3A_852 = arith.addf %add3A_843, %mul3A_851 : vector<16xf32>
        %add3A_853 = arith.constant 5 : i32
        %add3A_854 = arith.addi %mul3A_803, %add3A_853 : i32
        %get3A_855 = arith.index_cast %add3A_854 : i32 to index
        %get3A_856 = arith.constant 0 : index
        %get3A_857 = tpu.vector_load %arg7[%get3A_855, %get3A_856] {strides = array<i32>} : memref<1664x16xf32, #tpu.memory_space<vmem>>, vector<1x16xf32>,
        %get3A_858 = vector.shape_cast %get3A_857 : vector<1x16xf32> to vector<16xf32>
        %add3A_859 = arith.addf %add3A_850, %get3A_858 : vector<16xf32>
        %mul3A_860 = arith.mulf %get3A_858, %get3A_858 : vector<16xf32>
        %add3A_861 = arith.addf %add3A_852, %mul3A_860 : vector<16xf32>
        %add3A_862 = arith.constant 6 : i32
        %add3A_863 = arith.addi %mul3A_803, %add3A_862 : i32
        %get3A_864 = arith.index_cast %add3A_863 : i32 to index
        %get3A_865 = arith.constant 0 : index
        %get3A_866 = tpu.vector_load %arg7[%get3A_864, %get3A_865] {strides = array<i32>} : memref<1664x16xf32, #tpu.memory_space<vmem>>, vector<1x16xf32>,
        %get3A_867 = vector.shape_cast %get3A_866 : vector<1x16xf32> to vector<16xf32>
        %add3A_868 = arith.addf %add3A_859, %get3A_867 : vector<16xf32>
        %mul3A_869 = arith.mulf %get3A_867, %get3A_867 : vector<16xf32>
        %add3A_870 = arith.addf %add3A_861, %mul3A_869 : vector<16xf32>
        %add3A_871 = arith.constant 7 : i32
        %add3A_872 = arith.addi %mul3A_803, %add3A_871 : i32
        %get3A_873 = arith.index_cast %add3A_872 : i32 to index
        %get3A_874 = arith.constant 0 : index
        %get3A_875 = tpu.vector_load %arg7[%get3A_873, %get3A_874] {strides = array<i32>} : memref<1664x16xf32, #tpu.memory_space<vmem>>, vector<1x16xf32>,
        %get3A_876 = vector.shape_cast %get3A_875 : vector<1x16xf32> to vector<16xf32>
        %add3A_877 = arith.addf %add3A_868, %get3A_876 : vector<16xf32>
        %mul3A_878 = arith.mulf %get3A_876, %get3A_876 : vector<16xf32>
        %add3A_879 = arith.addf %add3A_870, %mul3A_878 : vector<16xf32>
        %add3A_880 = arith.constant 8 : i32
        %add3A_881 = arith.addi %mul3A_803, %add3A_880 : i32
        %get3A_882 = arith.index_cast %add3A_881 : i32 to index
        %get3A_883 = arith.constant 0 : index
        %get3A_884 = tpu.vector_load %arg7[%get3A_882, %get3A_883] {strides = array<i32>} : memref<1664x16xf32, #tpu.memory_space<vmem>>, vector<1x16xf32>,
        %get3A_885 = vector.shape_cast %get3A_884 : vector<1x16xf32> to vector<16xf32>
        %add3A_886 = arith.addf %add3A_877, %get3A_885 : vector<16xf32>
        %mul3A_887 = arith.mulf %get3A_885, %get3A_885 : vector<16xf32>
        %add3A_888 = arith.addf %add3A_879, %mul3A_887 : vector<16xf32>
        %add3A_889 = arith.constant 9 : i32
        %add3A_890 = arith.addi %mul3A_803, %add3A_889 : i32
        %get3A_891 = arith.index_cast %add3A_890 : i32 to index
        %get3A_892 = arith.constant 0 : index
        %get3A_893 = tpu.vector_load %arg7[%get3A_891, %get3A_892] {strides = array<i32>} : memref<1664x16xf32, #tpu.memory_space<vmem>>, vector<1x16xf32>,
        %get3A_894 = vector.shape_cast %get3A_893 : vector<1x16xf32> to vector<16xf32>
        %add3A_895 = arith.addf %add3A_886, %get3A_894 : vector<16xf32>
        %mul3A_896 = arith.mulf %get3A_894, %get3A_894 : vector<16xf32>
        %add3A_897 = arith.addf %add3A_888, %mul3A_896 : vector<16xf32>
        %add3A_898 = arith.constant 10 : i32
        %add3A_899 = arith.addi %mul3A_803, %add3A_898 : i32
        %get3A_900 = arith.index_cast %add3A_899 : i32 to index
        %get3A_901 = arith.constant 0 : index
        %get3A_902 = tpu.vector_load %arg7[%get3A_900, %get3A_901] {strides = array<i32>} : memref<1664x16xf32, #tpu.memory_space<vmem>>, vector<1x16xf32>,
        %get3A_903 = vector.shape_cast %get3A_902 : vector<1x16xf32> to vector<16xf32>
        %add3A_904 = arith.addf %add3A_895, %get3A_903 : vector<16xf32>
        %mul3A_905 = arith.mulf %get3A_903, %get3A_903 : vector<16xf32>
        %add3A_906 = arith.addf %add3A_897, %mul3A_905 : vector<16xf32>
        %add3A_907 = arith.constant 11 : i32
        %add3A_908 = arith.addi %mul3A_803, %add3A_907 : i32
        %get3A_909 = arith.index_cast %add3A_908 : i32 to index
        %get3A_910 = arith.constant 0 : index
        %get3A_911 = tpu.vector_load %arg7[%get3A_909, %get3A_910] {strides = array<i32>} : memref<1664x16xf32, #tpu.memory_space<vmem>>, vector<1x16xf32>,
        %get3A_912 = vector.shape_cast %get3A_911 : vector<1x16xf32> to vector<16xf32>
        %add3A_913 = arith.addf %add3A_904, %get3A_912 : vector<16xf32>
        %mul3A_914 = arith.mulf %get3A_912, %get3A_912 : vector<16xf32>
        %add3A_915 = arith.addf %add3A_906, %mul3A_914 : vector<16xf32>
        %add3A_916 = arith.constant 12 : i32
        %add3A_917 = arith.addi %mul3A_803, %add3A_916 : i32
        %get3A_918 = arith.index_cast %add3A_917 : i32 to index
        %get3A_919 = arith.constant 0 : index
        %get3A_920 = tpu.vector_load %arg7[%get3A_918, %get3A_919] {strides = array<i32>} : memref<1664x16xf32, #tpu.memory_space<vmem>>, vector<1x16xf32>,
        %get3A_921 = vector.shape_cast %get3A_920 : vector<1x16xf32> to vector<16xf32>
        %add3A_922 = arith.addf %add3A_913, %get3A_921 : vector<16xf32>
        %mul3A_923 = arith.mulf %get3A_921, %get3A_921 : vector<16xf32>
        %add3A_924 = arith.addf %add3A_915, %mul3A_923 : vector<16xf32>
        %add3A_925 = arith.constant 13 : i32
        %add3A_926 = arith.addi %mul3A_803, %add3A_925 : i32
        %get3A_927 = arith.index_cast %add3A_926 : i32 to index
        %get3A_928 = arith.constant 0 : index
        %get3A_929 = tpu.vector_load %arg7[%get3A_927, %get3A_928] {strides = array<i32>} : memref<1664x16xf32, #tpu.memory_space<vmem>>, vector<1x16xf32>,
        %get3A_930 = vector.shape_cast %get3A_929 : vector<1x16xf32> to vector<16xf32>
        %add3A_931 = arith.addf %add3A_922, %get3A_930 : vector<16xf32>
        %mul3A_932 = arith.mulf %get3A_930, %get3A_930 : vector<16xf32>
        %add3A_933 = arith.addf %add3A_924, %mul3A_932 : vector<16xf32>
        %add3A_934 = arith.constant 14 : i32
        %add3A_935 = arith.addi %mul3A_803, %add3A_934 : i32
        %get3A_936 = arith.index_cast %add3A_935 : i32 to index
        %get3A_937 = arith.constant 0 : index
        %get3A_938 = tpu.vector_load %arg7[%get3A_936, %get3A_937] {strides = array<i32>} : memref<1664x16xf32, #tpu.memory_space<vmem>>, vector<1x16xf32>,
        %get3A_939 = vector.shape_cast %get3A_938 : vector<1x16xf32> to vector<16xf32>
        %add3A_940 = arith.addf %add3A_931, %get3A_939 : vector<16xf32>
        %mul3A_941 = arith.mulf %get3A_939, %get3A_939 : vector<16xf32>
        %add3A_942 = arith.addf %add3A_933, %mul3A_941 : vector<16xf32>
        %add3A_943 = arith.constant 15 : i32
        %add3A_944 = arith.addi %mul3A_803, %add3A_943 : i32
        %get3A_945 = arith.index_cast %add3A_944 : i32 to index
        %get3A_946 = arith.constant 0 : index
        %get3A_947 = tpu.vector_load %arg7[%get3A_945, %get3A_946] {strides = array<i32>} : memref<1664x16xf32, #tpu.memory_space<vmem>>, vector<1x16xf32>,
        %get3A_948 = vector.shape_cast %get3A_947 : vector<1x16xf32> to vector<16xf32>
        %add3A_949 = arith.addf %add3A_940, %get3A_948 : vector<16xf32>
        %mul3A_950 = arith.mulf %get3A_948, %get3A_948 : vector<16xf32>
        %add3A_951 = arith.addf %add3A_942, %mul3A_950 : vector<16xf32>
        %add3A_952 = arith.constant 16 : i32
        %add3A_953 = arith.addi %mul3A_803, %add3A_952 : i32
        %get3A_954 = arith.index_cast %add3A_953 : i32 to index
        %get3A_955 = arith.constant 0 : index
        %get3A_956 = tpu.vector_load %arg7[%get3A_954, %get3A_955] {strides = array<i32>} : memref<1664x16xf32, #tpu.memory_space<vmem>>, vector<1x16xf32>,
        %get3A_957 = vector.shape_cast %get3A_956 : vector<1x16xf32> to vector<16xf32>
        %add3A_958 = arith.addf %add3A_949, %get3A_957 : vector<16xf32>
        %mul3A_959 = arith.mulf %get3A_957, %get3A_957 : vector<16xf32>
        %add3A_960 = arith.addf %add3A_951, %mul3A_959 : vector<16xf32>
        %add3A_961 = arith.constant 17 : i32
        %add3A_962 = arith.addi %mul3A_803, %add3A_961 : i32
        %get3A_963 = arith.index_cast %add3A_962 : i32 to index
        %get3A_964 = arith.constant 0 : index
        %get3A_965 = tpu.vector_load %arg7[%get3A_963, %get3A_964] {strides = array<i32>} : memref<1664x16xf32, #tpu.memory_space<vmem>>, vector<1x16xf32>,
        %get3A_966 = vector.shape_cast %get3A_965 : vector<1x16xf32> to vector<16xf32>
        %add3A_967 = arith.addf %add3A_958, %get3A_966 : vector<16xf32>
        %mul3A_968 = arith.mulf %get3A_966, %get3A_966 : vector<16xf32>
        %add3A_969 = arith.addf %add3A_960, %mul3A_968 : vector<16xf32>
        %add3A_970 = arith.constant 18 : i32
        %add3A_971 = arith.addi %mul3A_803, %add3A_970 : i32
        %get3A_972 = arith.index_cast %add3A_971 : i32 to index
        %get3A_973 = arith.constant 0 : index
        %get3A_974 = tpu.vector_load %arg7[%get3A_972, %get3A_973] {strides = array<i32>} : memref<1664x16xf32, #tpu.memory_space<vmem>>, vector<1x16xf32>,
        %get3A_975 = vector.shape_cast %get3A_974 : vector<1x16xf32> to vector<16xf32>
        %add3A_976 = arith.addf %add3A_967, %get3A_975 : vector<16xf32>
        %mul3A_977 = arith.mulf %get3A_975, %get3A_975 : vector<16xf32>
        %add3A_978 = arith.addf %add3A_969, %mul3A_977 : vector<16xf32>
        %add3A_979 = arith.constant 19 : i32
        %add3A_980 = arith.addi %mul3A_803, %add3A_979 : i32
        %get3A_981 = arith.index_cast %add3A_980 : i32 to index
        %get3A_982 = arith.constant 0 : index
        %get3A_983 = tpu.vector_load %arg7[%get3A_981, %get3A_982] {strides = array<i32>} : memref<1664x16xf32, #tpu.memory_space<vmem>>, vector<1x16xf32>,
        %get3A_984 = vector.shape_cast %get3A_983 : vector<1x16xf32> to vector<16xf32>
        %add3A_985 = arith.addf %add3A_976, %get3A_984 : vector<16xf32>
        %mul3A_986 = arith.mulf %get3A_984, %get3A_984 : vector<16xf32>
        %add3A_987 = arith.addf %add3A_978, %mul3A_986 : vector<16xf32>
        %add3A_988 = arith.constant 20 : i32
        %add3A_989 = arith.addi %mul3A_803, %add3A_988 : i32
        %get3A_990 = arith.index_cast %add3A_989 : i32 to index
        %get3A_991 = arith.constant 0 : index
        %get3A_992 = tpu.vector_load %arg7[%get3A_990, %get3A_991] {strides = array<i32>} : memref<1664x16xf32, #tpu.memory_space<vmem>>, vector<1x16xf32>,
        %get3A_993 = vector.shape_cast %get3A_992 : vector<1x16xf32> to vector<16xf32>
        %add3A_994 = arith.addf %add3A_985, %get3A_993 : vector<16xf32>
        %mul3A_995 = arith.mulf %get3A_993, %get3A_993 : vector<16xf32>
        %add3A_996 = arith.addf %add3A_987, %mul3A_995 : vector<16xf32>
        %add3A_997 = arith.constant 21 : i32
        %add3A_998 = arith.addi %mul3A_803, %add3A_997 : i32
        %get3A_999 = arith.index_cast %add3A_998 : i32 to index
        %get3A_1000 = arith.constant 0 : index
        %get3A_1001 = tpu.vector_load %arg7[%get3A_999, %get3A_1000] {strides = array<i32>} : memref<1664x16xf32, #tpu.memory_space<vmem>>, vector<1x16xf32>,
        %get3A_1002 = vector.shape_cast %get3A_1001 : vector<1x16xf32> to vector<16xf32>
        %add3A_1003 = arith.addf %add3A_994, %get3A_1002 : vector<16xf32>
        %mul3A_1004 = arith.mulf %get3A_1002, %get3A_1002 : vector<16xf32>
        %add3A_1005 = arith.addf %add3A_996, %mul3A_1004 : vector<16xf32>
        %add3A_1006 = arith.constant 22 : i32
        %add3A_1007 = arith.addi %mul3A_803, %add3A_1006 : i32
        %get3A_1008 = arith.index_cast %add3A_1007 : i32 to index
        %get3A_1009 = arith.constant 0 : index
        %get3A_1010 = tpu.vector_load %arg7[%get3A_1008, %get3A_1009] {strides = array<i32>} : memref<1664x16xf32, #tpu.memory_space<vmem>>, vector<1x16xf32>,
        %get3A_1011 = vector.shape_cast %get3A_1010 : vector<1x16xf32> to vector<16xf32>
        %add3A_1012 = arith.addf %add3A_1003, %get3A_1011 : vector<16xf32>
        %mul3A_1013 = arith.mulf %get3A_1011, %get3A_1011 : vector<16xf32>
        %add3A_1014 = arith.addf %add3A_1005, %mul3A_1013 : vector<16xf32>
        %add3A_1015 = arith.constant 23 : i32
        %add3A_1016 = arith.addi %mul3A_803, %add3A_1015 : i32
        %get3A_1017 = arith.index_cast %add3A_1016 : i32 to index
        %get3A_1018 = arith.constant 0 : index
        %get3A_1019 = tpu.vector_load %arg7[%get3A_1017, %get3A_1018] {strides = array<i32>} : memref<1664x16xf32, #tpu.memory_space<vmem>>, vector<1x16xf32>,
        %get3A_1020 = vector.shape_cast %get3A_1019 : vector<1x16xf32> to vector<16xf32>
        %add3A_1021 = arith.addf %add3A_1012, %get3A_1020 : vector<16xf32>
        %mul3A_1022 = arith.mulf %get3A_1020, %get3A_1020 : vector<16xf32>
        %add3A_1023 = arith.addf %add3A_1014, %mul3A_1022 : vector<16xf32>
        %add3A_1024 = arith.constant 24 : i32
        %add3A_1025 = arith.addi %mul3A_803, %add3A_1024 : i32
        %get3A_1026 = arith.index_cast %add3A_1025 : i32 to index
        %get3A_1027 = arith.constant 0 : index
        %get3A_1028 = tpu.vector_load %arg7[%get3A_1026, %get3A_1027] {strides = array<i32>} : memref<1664x16xf32, #tpu.memory_space<vmem>>, vector<1x16xf32>,
        %get3A_1029 = vector.shape_cast %get3A_1028 : vector<1x16xf32> to vector<16xf32>
        %add3A_1030 = arith.addf %add3A_1021, %get3A_1029 : vector<16xf32>
        %mul3A_1031 = arith.mulf %get3A_1029, %get3A_1029 : vector<16xf32>
        %add3A_1032 = arith.addf %add3A_1023, %mul3A_1031 : vector<16xf32>
        %add3A_1033 = arith.constant 25 : i32
        %add3A_1034 = arith.addi %mul3A_803, %add3A_1033 : i32
        %get3A_1035 = arith.index_cast %add3A_1034 : i32 to index
        %get3A_1036 = arith.constant 0 : index
        %get3A_1037 = tpu.vector_load %arg7[%get3A_1035, %get3A_1036] {strides = array<i32>} : memref<1664x16xf32, #tpu.memory_space<vmem>>, vector<1x16xf32>,
        %get3A_1038 = vector.shape_cast %get3A_1037 : vector<1x16xf32> to vector<16xf32>
        %add3A_1039 = arith.addf %add3A_1030, %get3A_1038 : vector<16xf32>
        %mul3A_1040 = arith.mulf %get3A_1038, %get3A_1038 : vector<16xf32>
        %add3A_1041 = arith.addf %add3A_1032, %mul3A_1040 : vector<16xf32>
        %get3A_1042 = arith.index_cast %mul3A_803 : i32 to index
        %get3A_1043 = tpu.vector_load %arg8[%get3A_1042] {strides = array<i32>} : memref<1696xf32, #tpu.memory_space<vmem>>, vector<16xf32>,
        %get3A_1044 = vector.shape_cast %get3A_1043 : vector<16xf32> to vector<16xf32>
        %add3A_1045 = arith.constant 16 : i32
        %add3A_1046 = arith.addi %mul3A_803, %add3A_1045 : i32
        %get3A_1047 = arith.index_cast %add3A_1046 : i32 to index
        %get3A_1048 = tpu.vector_load %arg8[%get3A_1047] {strides = array<i32>} : memref<1696xf32, #tpu.memory_space<vmem>>, vector<16xf32>,
        %get3A_1049 = vector.shape_cast %get3A_1048 : vector<16xf32> to vector<16xf32>
        %lt3A_1050 = arith.constant 10 : i32
        %lt3A_1051 = vector.broadcast %lt3A_1050 : i32 to vector<16xi32>
        %lt3A_1052 = arith.cmpi slt, %iota3A, %lt3A_1051 : vector<16xi32>
        %jit3A_1053 = arith.constant 0.000000e+00 : f32
        %broadcast_in_dim3A_1054 = vector.broadcast %jit3A_1053 : f32 to vector<16xf32>
        %select_n3A_1055 = arith.select %lt3A_1052, %get3A_1049, %broadcast_in_dim3A_1054 : vector<16xi1>, vector<16xf32>
        %mul3A_1056 = arith.mulf %add3A_1039, %add3A_1039 : vector<16xf32>
        %sub3A_1057 = arith.subf %mul3A_1056, %add3A_1041 : vector<16xf32>
        %mul3A_1058 = arith.constant 5.000000e-01 : f32
        %mul3A_1059 = vector.broadcast %mul3A_1058 : f32 to vector<16xf32>
        %mul3A_1060 = arith.mulf %mul3A_1059, %sub3A_1057 : vector<16xf32>
        %add3A_1061 = arith.addf %mul3A_1060, %get3A_1044 : vector<16xf32>
        %add3A_1062 = arith.addf %add3A_1061, %select_n3A_1055 : vector<16xf32>
        %mul3A_1063 = arith.constant 16 : i32
        %mul3A_1064 = arith.muli %scan3A_538, %mul3A_1063 : i32
        %add3A_1065 = arith.constant 2 : i32
        %add3A_1066 = arith.addi %mul3A_1064, %add3A_1065 : i32
        %mul3A_1067 = arith.constant 26 : i32
        %mul3A_1068 = arith.muli %add3A_1066, %mul3A_1067 : i32
        %broadcast_in_dim3A_1069 = arith.constant 0.000000e+00 : f32
        %broadcast_in_dim3A_1070 = vector.broadcast %broadcast_in_dim3A_1069 : f32 to vector<16xf32>
        %broadcast_in_dim3A_1071 = arith.constant 0.000000e+00 : f32
        %broadcast_in_dim3A_1072 = vector.broadcast %broadcast_in_dim3A_1071 : f32 to vector<16xf32>
        %add3A_1073 = arith.constant 0 : i32
        %add3A_1074 = arith.addi %mul3A_1068, %add3A_1073 : i32
        %get3A_1075 = arith.index_cast %add3A_1074 : i32 to index
        %get3A_1076 = arith.constant 0 : index
        %get3A_1077 = tpu.vector_load %arg7[%get3A_1075, %get3A_1076] {strides = array<i32>} : memref<1664x16xf32, #tpu.memory_space<vmem>>, vector<1x16xf32>,
        %get3A_1078 = vector.shape_cast %get3A_1077 : vector<1x16xf32> to vector<16xf32>
        %add3A_1079 = arith.addf %broadcast_in_dim3A_1070, %get3A_1078 : vector<16xf32>
        %mul3A_1080 = arith.mulf %get3A_1078, %get3A_1078 : vector<16xf32>
        %add3A_1081 = arith.addf %broadcast_in_dim3A_1072, %mul3A_1080 : vector<16xf32>
        %add3A_1082 = arith.constant 1 : i32
        %add3A_1083 = arith.addi %mul3A_1068, %add3A_1082 : i32
        %get3A_1084 = arith.index_cast %add3A_1083 : i32 to index
        %get3A_1085 = arith.constant 0 : index
        %get3A_1086 = tpu.vector_load %arg7[%get3A_1084, %get3A_1085] {strides = array<i32>} : memref<1664x16xf32, #tpu.memory_space<vmem>>, vector<1x16xf32>,
        %get3A_1087 = vector.shape_cast %get3A_1086 : vector<1x16xf32> to vector<16xf32>
        %add3A_1088 = arith.addf %add3A_1079, %get3A_1087 : vector<16xf32>
        %mul3A_1089 = arith.mulf %get3A_1087, %get3A_1087 : vector<16xf32>
        %add3A_1090 = arith.addf %add3A_1081, %mul3A_1089 : vector<16xf32>
        %add3A_1091 = arith.constant 2 : i32
        %add3A_1092 = arith.addi %mul3A_1068, %add3A_1091 : i32
        %get3A_1093 = arith.index_cast %add3A_1092 : i32 to index
        %get3A_1094 = arith.constant 0 : index
        %get3A_1095 = tpu.vector_load %arg7[%get3A_1093, %get3A_1094] {strides = array<i32>} : memref<1664x16xf32, #tpu.memory_space<vmem>>, vector<1x16xf32>,
        %get3A_1096 = vector.shape_cast %get3A_1095 : vector<1x16xf32> to vector<16xf32>
        %add3A_1097 = arith.addf %add3A_1088, %get3A_1096 : vector<16xf32>
        %mul3A_1098 = arith.mulf %get3A_1096, %get3A_1096 : vector<16xf32>
        %add3A_1099 = arith.addf %add3A_1090, %mul3A_1098 : vector<16xf32>
        %add3A_1100 = arith.constant 3 : i32
        %add3A_1101 = arith.addi %mul3A_1068, %add3A_1100 : i32
        %get3A_1102 = arith.index_cast %add3A_1101 : i32 to index
        %get3A_1103 = arith.constant 0 : index
        %get3A_1104 = tpu.vector_load %arg7[%get3A_1102, %get3A_1103] {strides = array<i32>} : memref<1664x16xf32, #tpu.memory_space<vmem>>, vector<1x16xf32>,
        %get3A_1105 = vector.shape_cast %get3A_1104 : vector<1x16xf32> to vector<16xf32>
        %add3A_1106 = arith.addf %add3A_1097, %get3A_1105 : vector<16xf32>
        %mul3A_1107 = arith.mulf %get3A_1105, %get3A_1105 : vector<16xf32>
        %add3A_1108 = arith.addf %add3A_1099, %mul3A_1107 : vector<16xf32>
        %add3A_1109 = arith.constant 4 : i32
        %add3A_1110 = arith.addi %mul3A_1068, %add3A_1109 : i32
        %get3A_1111 = arith.index_cast %add3A_1110 : i32 to index
        %get3A_1112 = arith.constant 0 : index
        %get3A_1113 = tpu.vector_load %arg7[%get3A_1111, %get3A_1112] {strides = array<i32>} : memref<1664x16xf32, #tpu.memory_space<vmem>>, vector<1x16xf32>,
        %get3A_1114 = vector.shape_cast %get3A_1113 : vector<1x16xf32> to vector<16xf32>
        %add3A_1115 = arith.addf %add3A_1106, %get3A_1114 : vector<16xf32>
        %mul3A_1116 = arith.mulf %get3A_1114, %get3A_1114 : vector<16xf32>
        %add3A_1117 = arith.addf %add3A_1108, %mul3A_1116 : vector<16xf32>
        %add3A_1118 = arith.constant 5 : i32
        %add3A_1119 = arith.addi %mul3A_1068, %add3A_1118 : i32
        %get3A_1120 = arith.index_cast %add3A_1119 : i32 to index
        %get3A_1121 = arith.constant 0 : index
        %get3A_1122 = tpu.vector_load %arg7[%get3A_1120, %get3A_1121] {strides = array<i32>} : memref<1664x16xf32, #tpu.memory_space<vmem>>, vector<1x16xf32>,
        %get3A_1123 = vector.shape_cast %get3A_1122 : vector<1x16xf32> to vector<16xf32>
        %add3A_1124 = arith.addf %add3A_1115, %get3A_1123 : vector<16xf32>
        %mul3A_1125 = arith.mulf %get3A_1123, %get3A_1123 : vector<16xf32>
        %add3A_1126 = arith.addf %add3A_1117, %mul3A_1125 : vector<16xf32>
        %add3A_1127 = arith.constant 6 : i32
        %add3A_1128 = arith.addi %mul3A_1068, %add3A_1127 : i32
        %get3A_1129 = arith.index_cast %add3A_1128 : i32 to index
        %get3A_1130 = arith.constant 0 : index
        %get3A_1131 = tpu.vector_load %arg7[%get3A_1129, %get3A_1130] {strides = array<i32>} : memref<1664x16xf32, #tpu.memory_space<vmem>>, vector<1x16xf32>,
        %get3A_1132 = vector.shape_cast %get3A_1131 : vector<1x16xf32> to vector<16xf32>
        %add3A_1133 = arith.addf %add3A_1124, %get3A_1132 : vector<16xf32>
        %mul3A_1134 = arith.mulf %get3A_1132, %get3A_1132 : vector<16xf32>
        %add3A_1135 = arith.addf %add3A_1126, %mul3A_1134 : vector<16xf32>
        %add3A_1136 = arith.constant 7 : i32
        %add3A_1137 = arith.addi %mul3A_1068, %add3A_1136 : i32
        %get3A_1138 = arith.index_cast %add3A_1137 : i32 to index
        %get3A_1139 = arith.constant 0 : index
        %get3A_1140 = tpu.vector_load %arg7[%get3A_1138, %get3A_1139] {strides = array<i32>} : memref<1664x16xf32, #tpu.memory_space<vmem>>, vector<1x16xf32>,
        %get3A_1141 = vector.shape_cast %get3A_1140 : vector<1x16xf32> to vector<16xf32>
        %add3A_1142 = arith.addf %add3A_1133, %get3A_1141 : vector<16xf32>
        %mul3A_1143 = arith.mulf %get3A_1141, %get3A_1141 : vector<16xf32>
        %add3A_1144 = arith.addf %add3A_1135, %mul3A_1143 : vector<16xf32>
        %add3A_1145 = arith.constant 8 : i32
        %add3A_1146 = arith.addi %mul3A_1068, %add3A_1145 : i32
        %get3A_1147 = arith.index_cast %add3A_1146 : i32 to index
        %get3A_1148 = arith.constant 0 : index
        %get3A_1149 = tpu.vector_load %arg7[%get3A_1147, %get3A_1148] {strides = array<i32>} : memref<1664x16xf32, #tpu.memory_space<vmem>>, vector<1x16xf32>,
        %get3A_1150 = vector.shape_cast %get3A_1149 : vector<1x16xf32> to vector<16xf32>
        %add3A_1151 = arith.addf %add3A_1142, %get3A_1150 : vector<16xf32>
        %mul3A_1152 = arith.mulf %get3A_1150, %get3A_1150 : vector<16xf32>
        %add3A_1153 = arith.addf %add3A_1144, %mul3A_1152 : vector<16xf32>
        %add3A_1154 = arith.constant 9 : i32
        %add3A_1155 = arith.addi %mul3A_1068, %add3A_1154 : i32
        %get3A_1156 = arith.index_cast %add3A_1155 : i32 to index
        %get3A_1157 = arith.constant 0 : index
        %get3A_1158 = tpu.vector_load %arg7[%get3A_1156, %get3A_1157] {strides = array<i32>} : memref<1664x16xf32, #tpu.memory_space<vmem>>, vector<1x16xf32>,
        %get3A_1159 = vector.shape_cast %get3A_1158 : vector<1x16xf32> to vector<16xf32>
        %add3A_1160 = arith.addf %add3A_1151, %get3A_1159 : vector<16xf32>
        %mul3A_1161 = arith.mulf %get3A_1159, %get3A_1159 : vector<16xf32>
        %add3A_1162 = arith.addf %add3A_1153, %mul3A_1161 : vector<16xf32>
        %add3A_1163 = arith.constant 10 : i32
        %add3A_1164 = arith.addi %mul3A_1068, %add3A_1163 : i32
        %get3A_1165 = arith.index_cast %add3A_1164 : i32 to index
        %get3A_1166 = arith.constant 0 : index
        %get3A_1167 = tpu.vector_load %arg7[%get3A_1165, %get3A_1166] {strides = array<i32>} : memref<1664x16xf32, #tpu.memory_space<vmem>>, vector<1x16xf32>,
        %get3A_1168 = vector.shape_cast %get3A_1167 : vector<1x16xf32> to vector<16xf32>
        %add3A_1169 = arith.addf %add3A_1160, %get3A_1168 : vector<16xf32>
        %mul3A_1170 = arith.mulf %get3A_1168, %get3A_1168 : vector<16xf32>
        %add3A_1171 = arith.addf %add3A_1162, %mul3A_1170 : vector<16xf32>
        %add3A_1172 = arith.constant 11 : i32
        %add3A_1173 = arith.addi %mul3A_1068, %add3A_1172 : i32
        %get3A_1174 = arith.index_cast %add3A_1173 : i32 to index
        %get3A_1175 = arith.constant 0 : index
        %get3A_1176 = tpu.vector_load %arg7[%get3A_1174, %get3A_1175] {strides = array<i32>} : memref<1664x16xf32, #tpu.memory_space<vmem>>, vector<1x16xf32>,
        %get3A_1177 = vector.shape_cast %get3A_1176 : vector<1x16xf32> to vector<16xf32>
        %add3A_1178 = arith.addf %add3A_1169, %get3A_1177 : vector<16xf32>
        %mul3A_1179 = arith.mulf %get3A_1177, %get3A_1177 : vector<16xf32>
        %add3A_1180 = arith.addf %add3A_1171, %mul3A_1179 : vector<16xf32>
        %add3A_1181 = arith.constant 12 : i32
        %add3A_1182 = arith.addi %mul3A_1068, %add3A_1181 : i32
        %get3A_1183 = arith.index_cast %add3A_1182 : i32 to index
        %get3A_1184 = arith.constant 0 : index
        %get3A_1185 = tpu.vector_load %arg7[%get3A_1183, %get3A_1184] {strides = array<i32>} : memref<1664x16xf32, #tpu.memory_space<vmem>>, vector<1x16xf32>,
        %get3A_1186 = vector.shape_cast %get3A_1185 : vector<1x16xf32> to vector<16xf32>
        %add3A_1187 = arith.addf %add3A_1178, %get3A_1186 : vector<16xf32>
        %mul3A_1188 = arith.mulf %get3A_1186, %get3A_1186 : vector<16xf32>
        %add3A_1189 = arith.addf %add3A_1180, %mul3A_1188 : vector<16xf32>
        %add3A_1190 = arith.constant 13 : i32
        %add3A_1191 = arith.addi %mul3A_1068, %add3A_1190 : i32
        %get3A_1192 = arith.index_cast %add3A_1191 : i32 to index
        %get3A_1193 = arith.constant 0 : index
        %get3A_1194 = tpu.vector_load %arg7[%get3A_1192, %get3A_1193] {strides = array<i32>} : memref<1664x16xf32, #tpu.memory_space<vmem>>, vector<1x16xf32>,
        %get3A_1195 = vector.shape_cast %get3A_1194 : vector<1x16xf32> to vector<16xf32>
        %add3A_1196 = arith.addf %add3A_1187, %get3A_1195 : vector<16xf32>
        %mul3A_1197 = arith.mulf %get3A_1195, %get3A_1195 : vector<16xf32>
        %add3A_1198 = arith.addf %add3A_1189, %mul3A_1197 : vector<16xf32>
        %add3A_1199 = arith.constant 14 : i32
        %add3A_1200 = arith.addi %mul3A_1068, %add3A_1199 : i32
        %get3A_1201 = arith.index_cast %add3A_1200 : i32 to index
        %get3A_1202 = arith.constant 0 : index
        %get3A_1203 = tpu.vector_load %arg7[%get3A_1201, %get3A_1202] {strides = array<i32>} : memref<1664x16xf32, #tpu.memory_space<vmem>>, vector<1x16xf32>,
        %get3A_1204 = vector.shape_cast %get3A_1203 : vector<1x16xf32> to vector<16xf32>
        %add3A_1205 = arith.addf %add3A_1196, %get3A_1204 : vector<16xf32>
        %mul3A_1206 = arith.mulf %get3A_1204, %get3A_1204 : vector<16xf32>
        %add3A_1207 = arith.addf %add3A_1198, %mul3A_1206 : vector<16xf32>
        %add3A_1208 = arith.constant 15 : i32
        %add3A_1209 = arith.addi %mul3A_1068, %add3A_1208 : i32
        %get3A_1210 = arith.index_cast %add3A_1209 : i32 to index
        %get3A_1211 = arith.constant 0 : index
        %get3A_1212 = tpu.vector_load %arg7[%get3A_1210, %get3A_1211] {strides = array<i32>} : memref<1664x16xf32, #tpu.memory_space<vmem>>, vector<1x16xf32>,
        %get3A_1213 = vector.shape_cast %get3A_1212 : vector<1x16xf32> to vector<16xf32>
        %add3A_1214 = arith.addf %add3A_1205, %get3A_1213 : vector<16xf32>
        %mul3A_1215 = arith.mulf %get3A_1213, %get3A_1213 : vector<16xf32>
        %add3A_1216 = arith.addf %add3A_1207, %mul3A_1215 : vector<16xf32>
        %add3A_1217 = arith.constant 16 : i32
        %add3A_1218 = arith.addi %mul3A_1068, %add3A_1217 : i32
        %get3A_1219 = arith.index_cast %add3A_1218 : i32 to index
        %get3A_1220 = arith.constant 0 : index
        %get3A_1221 = tpu.vector_load %arg7[%get3A_1219, %get3A_1220] {strides = array<i32>} : memref<1664x16xf32, #tpu.memory_space<vmem>>, vector<1x16xf32>,
        %get3A_1222 = vector.shape_cast %get3A_1221 : vector<1x16xf32> to vector<16xf32>
        %add3A_1223 = arith.addf %add3A_1214, %get3A_1222 : vector<16xf32>
        %mul3A_1224 = arith.mulf %get3A_1222, %get3A_1222 : vector<16xf32>
        %add3A_1225 = arith.addf %add3A_1216, %mul3A_1224 : vector<16xf32>
        %add3A_1226 = arith.constant 17 : i32
        %add3A_1227 = arith.addi %mul3A_1068, %add3A_1226 : i32
        %get3A_1228 = arith.index_cast %add3A_1227 : i32 to index
        %get3A_1229 = arith.constant 0 : index
        %get3A_1230 = tpu.vector_load %arg7[%get3A_1228, %get3A_1229] {strides = array<i32>} : memref<1664x16xf32, #tpu.memory_space<vmem>>, vector<1x16xf32>,
        %get3A_1231 = vector.shape_cast %get3A_1230 : vector<1x16xf32> to vector<16xf32>
        %add3A_1232 = arith.addf %add3A_1223, %get3A_1231 : vector<16xf32>
        %mul3A_1233 = arith.mulf %get3A_1231, %get3A_1231 : vector<16xf32>
        %add3A_1234 = arith.addf %add3A_1225, %mul3A_1233 : vector<16xf32>
        %add3A_1235 = arith.constant 18 : i32
        %add3A_1236 = arith.addi %mul3A_1068, %add3A_1235 : i32
        %get3A_1237 = arith.index_cast %add3A_1236 : i32 to index
        %get3A_1238 = arith.constant 0 : index
        %get3A_1239 = tpu.vector_load %arg7[%get3A_1237, %get3A_1238] {strides = array<i32>} : memref<1664x16xf32, #tpu.memory_space<vmem>>, vector<1x16xf32>,
        %get3A_1240 = vector.shape_cast %get3A_1239 : vector<1x16xf32> to vector<16xf32>
        %add3A_1241 = arith.addf %add3A_1232, %get3A_1240 : vector<16xf32>
        %mul3A_1242 = arith.mulf %get3A_1240, %get3A_1240 : vector<16xf32>
        %add3A_1243 = arith.addf %add3A_1234, %mul3A_1242 : vector<16xf32>
        %add3A_1244 = arith.constant 19 : i32
        %add3A_1245 = arith.addi %mul3A_1068, %add3A_1244 : i32
        %get3A_1246 = arith.index_cast %add3A_1245 : i32 to index
        %get3A_1247 = arith.constant 0 : index
        %get3A_1248 = tpu.vector_load %arg7[%get3A_1246, %get3A_1247] {strides = array<i32>} : memref<1664x16xf32, #tpu.memory_space<vmem>>, vector<1x16xf32>,
        %get3A_1249 = vector.shape_cast %get3A_1248 : vector<1x16xf32> to vector<16xf32>
        %add3A_1250 = arith.addf %add3A_1241, %get3A_1249 : vector<16xf32>
        %mul3A_1251 = arith.mulf %get3A_1249, %get3A_1249 : vector<16xf32>
        %add3A_1252 = arith.addf %add3A_1243, %mul3A_1251 : vector<16xf32>
        %add3A_1253 = arith.constant 20 : i32
        %add3A_1254 = arith.addi %mul3A_1068, %add3A_1253 : i32
        %get3A_1255 = arith.index_cast %add3A_1254 : i32 to index
        %get3A_1256 = arith.constant 0 : index
        %get3A_1257 = tpu.vector_load %arg7[%get3A_1255, %get3A_1256] {strides = array<i32>} : memref<1664x16xf32, #tpu.memory_space<vmem>>, vector<1x16xf32>,
        %get3A_1258 = vector.shape_cast %get3A_1257 : vector<1x16xf32> to vector<16xf32>
        %add3A_1259 = arith.addf %add3A_1250, %get3A_1258 : vector<16xf32>
        %mul3A_1260 = arith.mulf %get3A_1258, %get3A_1258 : vector<16xf32>
        %add3A_1261 = arith.addf %add3A_1252, %mul3A_1260 : vector<16xf32>
        %add3A_1262 = arith.constant 21 : i32
        %add3A_1263 = arith.addi %mul3A_1068, %add3A_1262 : i32
        %get3A_1264 = arith.index_cast %add3A_1263 : i32 to index
        %get3A_1265 = arith.constant 0 : index
        %get3A_1266 = tpu.vector_load %arg7[%get3A_1264, %get3A_1265] {strides = array<i32>} : memref<1664x16xf32, #tpu.memory_space<vmem>>, vector<1x16xf32>,
        %get3A_1267 = vector.shape_cast %get3A_1266 : vector<1x16xf32> to vector<16xf32>
        %add3A_1268 = arith.addf %add3A_1259, %get3A_1267 : vector<16xf32>
        %mul3A_1269 = arith.mulf %get3A_1267, %get3A_1267 : vector<16xf32>
        %add3A_1270 = arith.addf %add3A_1261, %mul3A_1269 : vector<16xf32>
        %add3A_1271 = arith.constant 22 : i32
        %add3A_1272 = arith.addi %mul3A_1068, %add3A_1271 : i32
        %get3A_1273 = arith.index_cast %add3A_1272 : i32 to index
        %get3A_1274 = arith.constant 0 : index
        %get3A_1275 = tpu.vector_load %arg7[%get3A_1273, %get3A_1274] {strides = array<i32>} : memref<1664x16xf32, #tpu.memory_space<vmem>>, vector<1x16xf32>,
        %get3A_1276 = vector.shape_cast %get3A_1275 : vector<1x16xf32> to vector<16xf32>
        %add3A_1277 = arith.addf %add3A_1268, %get3A_1276 : vector<16xf32>
        %mul3A_1278 = arith.mulf %get3A_1276, %get3A_1276 : vector<16xf32>
        %add3A_1279 = arith.addf %add3A_1270, %mul3A_1278 : vector<16xf32>
        %add3A_1280 = arith.constant 23 : i32
        %add3A_1281 = arith.addi %mul3A_1068, %add3A_1280 : i32
        %get3A_1282 = arith.index_cast %add3A_1281 : i32 to index
        %get3A_1283 = arith.constant 0 : index
        %get3A_1284 = tpu.vector_load %arg7[%get3A_1282, %get3A_1283] {strides = array<i32>} : memref<1664x16xf32, #tpu.memory_space<vmem>>, vector<1x16xf32>,
        %get3A_1285 = vector.shape_cast %get3A_1284 : vector<1x16xf32> to vector<16xf32>
        %add3A_1286 = arith.addf %add3A_1277, %get3A_1285 : vector<16xf32>
        %mul3A_1287 = arith.mulf %get3A_1285, %get3A_1285 : vector<16xf32>
        %add3A_1288 = arith.addf %add3A_1279, %mul3A_1287 : vector<16xf32>
        %add3A_1289 = arith.constant 24 : i32
        %add3A_1290 = arith.addi %mul3A_1068, %add3A_1289 : i32
        %get3A_1291 = arith.index_cast %add3A_1290 : i32 to index
        %get3A_1292 = arith.constant 0 : index
        %get3A_1293 = tpu.vector_load %arg7[%get3A_1291, %get3A_1292] {strides = array<i32>} : memref<1664x16xf32, #tpu.memory_space<vmem>>, vector<1x16xf32>,
        %get3A_1294 = vector.shape_cast %get3A_1293 : vector<1x16xf32> to vector<16xf32>
        %add3A_1295 = arith.addf %add3A_1286, %get3A_1294 : vector<16xf32>
        %mul3A_1296 = arith.mulf %get3A_1294, %get3A_1294 : vector<16xf32>
        %add3A_1297 = arith.addf %add3A_1288, %mul3A_1296 : vector<16xf32>
        %add3A_1298 = arith.constant 25 : i32
        %add3A_1299 = arith.addi %mul3A_1068, %add3A_1298 : i32
        %get3A_1300 = arith.index_cast %add3A_1299 : i32 to index
        %get3A_1301 = arith.constant 0 : index
        %get3A_1302 = tpu.vector_load %arg7[%get3A_1300, %get3A_1301] {strides = array<i32>} : memref<1664x16xf32, #tpu.memory_space<vmem>>, vector<1x16xf32>,
        %get3A_1303 = vector.shape_cast %get3A_1302 : vector<1x16xf32> to vector<16xf32>
        %add3A_1304 = arith.addf %add3A_1295, %get3A_1303 : vector<16xf32>
        %mul3A_1305 = arith.mulf %get3A_1303, %get3A_1303 : vector<16xf32>
        %add3A_1306 = arith.addf %add3A_1297, %mul3A_1305 : vector<16xf32>
        %get3A_1307 = arith.index_cast %mul3A_1068 : i32 to index
        %get3A_1308 = tpu.vector_load %arg8[%get3A_1307] {strides = array<i32>} : memref<1696xf32, #tpu.memory_space<vmem>>, vector<16xf32>,
        %get3A_1309 = vector.shape_cast %get3A_1308 : vector<16xf32> to vector<16xf32>
        %add3A_1310 = arith.constant 16 : i32
        %add3A_1311 = arith.addi %mul3A_1068, %add3A_1310 : i32
        %get3A_1312 = arith.index_cast %add3A_1311 : i32 to index
        %get3A_1313 = tpu.vector_load %arg8[%get3A_1312] {strides = array<i32>} : memref<1696xf32, #tpu.memory_space<vmem>>, vector<16xf32>,
        %get3A_1314 = vector.shape_cast %get3A_1313 : vector<16xf32> to vector<16xf32>
        %lt3A_1315 = arith.constant 10 : i32
        %lt3A_1316 = vector.broadcast %lt3A_1315 : i32 to vector<16xi32>
        %lt3A_1317 = arith.cmpi slt, %iota3A, %lt3A_1316 : vector<16xi32>
        %jit3A_1318 = arith.constant 0.000000e+00 : f32
        %broadcast_in_dim3A_1319 = vector.broadcast %jit3A_1318 : f32 to vector<16xf32>
        %select_n3A_1320 = arith.select %lt3A_1317, %get3A_1314, %broadcast_in_dim3A_1319 : vector<16xi1>, vector<16xf32>
        %mul3A_1321 = arith.mulf %add3A_1304, %add3A_1304 : vector<16xf32>
        %sub3A_1322 = arith.subf %mul3A_1321, %add3A_1306 : vector<16xf32>
        %mul3A_1323 = arith.constant 5.000000e-01 : f32
        %mul3A_1324 = vector.broadcast %mul3A_1323 : f32 to vector<16xf32>
        %mul3A_1325 = arith.mulf %mul3A_1324, %sub3A_1322 : vector<16xf32>
        %add3A_1326 = arith.addf %mul3A_1325, %get3A_1309 : vector<16xf32>
        %add3A_1327 = arith.addf %add3A_1326, %select_n3A_1320 : vector<16xf32>
        %mul3A_1328 = arith.constant 16 : i32
        %mul3A_1329 = arith.muli %scan3A_538, %mul3A_1328 : i32
        %add3A_1330 = arith.constant 3 : i32
        %add3A_1331 = arith.addi %mul3A_1329, %add3A_1330 : i32
        %mul3A_1332 = arith.constant 26 : i32
        %mul3A_1333 = arith.muli %add3A_1331, %mul3A_1332 : i32
        %broadcast_in_dim3A_1334 = arith.constant 0.000000e+00 : f32
        %broadcast_in_dim3A_1335 = vector.broadcast %broadcast_in_dim3A_1334 : f32 to vector<16xf32>
        %broadcast_in_dim3A_1336 = arith.constant 0.000000e+00 : f32
        %broadcast_in_dim3A_1337 = vector.broadcast %broadcast_in_dim3A_1336 : f32 to vector<16xf32>
        %add3A_1338 = arith.constant 0 : i32
        %add3A_1339 = arith.addi %mul3A_1333, %add3A_1338 : i32
        %get3A_1340 = arith.index_cast %add3A_1339 : i32 to index
        %get3A_1341 = arith.constant 0 : index
        %get3A_1342 = tpu.vector_load %arg7[%get3A_1340, %get3A_1341] {strides = array<i32>} : memref<1664x16xf32, #tpu.memory_space<vmem>>, vector<1x16xf32>,
        %get3A_1343 = vector.shape_cast %get3A_1342 : vector<1x16xf32> to vector<16xf32>
        %add3A_1344 = arith.addf %broadcast_in_dim3A_1335, %get3A_1343 : vector<16xf32>
        %mul3A_1345 = arith.mulf %get3A_1343, %get3A_1343 : vector<16xf32>
        %add3A_1346 = arith.addf %broadcast_in_dim3A_1337, %mul3A_1345 : vector<16xf32>
        %add3A_1347 = arith.constant 1 : i32
        %add3A_1348 = arith.addi %mul3A_1333, %add3A_1347 : i32
        %get3A_1349 = arith.index_cast %add3A_1348 : i32 to index
        %get3A_1350 = arith.constant 0 : index
        %get3A_1351 = tpu.vector_load %arg7[%get3A_1349, %get3A_1350] {strides = array<i32>} : memref<1664x16xf32, #tpu.memory_space<vmem>>, vector<1x16xf32>,
        %get3A_1352 = vector.shape_cast %get3A_1351 : vector<1x16xf32> to vector<16xf32>
        %add3A_1353 = arith.addf %add3A_1344, %get3A_1352 : vector<16xf32>
        %mul3A_1354 = arith.mulf %get3A_1352, %get3A_1352 : vector<16xf32>
        %add3A_1355 = arith.addf %add3A_1346, %mul3A_1354 : vector<16xf32>
        %add3A_1356 = arith.constant 2 : i32
        %add3A_1357 = arith.addi %mul3A_1333, %add3A_1356 : i32
        %get3A_1358 = arith.index_cast %add3A_1357 : i32 to index
        %get3A_1359 = arith.constant 0 : index
        %get3A_1360 = tpu.vector_load %arg7[%get3A_1358, %get3A_1359] {strides = array<i32>} : memref<1664x16xf32, #tpu.memory_space<vmem>>, vector<1x16xf32>,
        %get3A_1361 = vector.shape_cast %get3A_1360 : vector<1x16xf32> to vector<16xf32>
        %add3A_1362 = arith.addf %add3A_1353, %get3A_1361 : vector<16xf32>
        %mul3A_1363 = arith.mulf %get3A_1361, %get3A_1361 : vector<16xf32>
        %add3A_1364 = arith.addf %add3A_1355, %mul3A_1363 : vector<16xf32>
        %add3A_1365 = arith.constant 3 : i32
        %add3A_1366 = arith.addi %mul3A_1333, %add3A_1365 : i32
        %get3A_1367 = arith.index_cast %add3A_1366 : i32 to index
        %get3A_1368 = arith.constant 0 : index
        %get3A_1369 = tpu.vector_load %arg7[%get3A_1367, %get3A_1368] {strides = array<i32>} : memref<1664x16xf32, #tpu.memory_space<vmem>>, vector<1x16xf32>,
        %get3A_1370 = vector.shape_cast %get3A_1369 : vector<1x16xf32> to vector<16xf32>
        %add3A_1371 = arith.addf %add3A_1362, %get3A_1370 : vector<16xf32>
        %mul3A_1372 = arith.mulf %get3A_1370, %get3A_1370 : vector<16xf32>
        %add3A_1373 = arith.addf %add3A_1364, %mul3A_1372 : vector<16xf32>
        %add3A_1374 = arith.constant 4 : i32
        %add3A_1375 = arith.addi %mul3A_1333, %add3A_1374 : i32
        %get3A_1376 = arith.index_cast %add3A_1375 : i32 to index
        %get3A_1377 = arith.constant 0 : index
        %get3A_1378 = tpu.vector_load %arg7[%get3A_1376, %get3A_1377] {strides = array<i32>} : memref<1664x16xf32, #tpu.memory_space<vmem>>, vector<1x16xf32>,
        %get3A_1379 = vector.shape_cast %get3A_1378 : vector<1x16xf32> to vector<16xf32>
        %add3A_1380 = arith.addf %add3A_1371, %get3A_1379 : vector<16xf32>
        %mul3A_1381 = arith.mulf %get3A_1379, %get3A_1379 : vector<16xf32>
        %add3A_1382 = arith.addf %add3A_1373, %mul3A_1381 : vector<16xf32>
        %add3A_1383 = arith.constant 5 : i32
        %add3A_1384 = arith.addi %mul3A_1333, %add3A_1383 : i32
        %get3A_1385 = arith.index_cast %add3A_1384 : i32 to index
        %get3A_1386 = arith.constant 0 : index
        %get3A_1387 = tpu.vector_load %arg7[%get3A_1385, %get3A_1386] {strides = array<i32>} : memref<1664x16xf32, #tpu.memory_space<vmem>>, vector<1x16xf32>,
        %get3A_1388 = vector.shape_cast %get3A_1387 : vector<1x16xf32> to vector<16xf32>
        %add3A_1389 = arith.addf %add3A_1380, %get3A_1388 : vector<16xf32>
        %mul3A_1390 = arith.mulf %get3A_1388, %get3A_1388 : vector<16xf32>
        %add3A_1391 = arith.addf %add3A_1382, %mul3A_1390 : vector<16xf32>
        %add3A_1392 = arith.constant 6 : i32
        %add3A_1393 = arith.addi %mul3A_1333, %add3A_1392 : i32
        %get3A_1394 = arith.index_cast %add3A_1393 : i32 to index
        %get3A_1395 = arith.constant 0 : index
        %get3A_1396 = tpu.vector_load %arg7[%get3A_1394, %get3A_1395] {strides = array<i32>} : memref<1664x16xf32, #tpu.memory_space<vmem>>, vector<1x16xf32>,
        %get3A_1397 = vector.shape_cast %get3A_1396 : vector<1x16xf32> to vector<16xf32>
        %add3A_1398 = arith.addf %add3A_1389, %get3A_1397 : vector<16xf32>
        %mul3A_1399 = arith.mulf %get3A_1397, %get3A_1397 : vector<16xf32>
        %add3A_1400 = arith.addf %add3A_1391, %mul3A_1399 : vector<16xf32>
        %add3A_1401 = arith.constant 7 : i32
        %add3A_1402 = arith.addi %mul3A_1333, %add3A_1401 : i32
        %get3A_1403 = arith.index_cast %add3A_1402 : i32 to index
        %get3A_1404 = arith.constant 0 : index
        %get3A_1405 = tpu.vector_load %arg7[%get3A_1403, %get3A_1404] {strides = array<i32>} : memref<1664x16xf32, #tpu.memory_space<vmem>>, vector<1x16xf32>,
        %get3A_1406 = vector.shape_cast %get3A_1405 : vector<1x16xf32> to vector<16xf32>
        %add3A_1407 = arith.addf %add3A_1398, %get3A_1406 : vector<16xf32>
        %mul3A_1408 = arith.mulf %get3A_1406, %get3A_1406 : vector<16xf32>
        %add3A_1409 = arith.addf %add3A_1400, %mul3A_1408 : vector<16xf32>
        %add3A_1410 = arith.constant 8 : i32
        %add3A_1411 = arith.addi %mul3A_1333, %add3A_1410 : i32
        %get3A_1412 = arith.index_cast %add3A_1411 : i32 to index
        %get3A_1413 = arith.constant 0 : index
        %get3A_1414 = tpu.vector_load %arg7[%get3A_1412, %get3A_1413] {strides = array<i32>} : memref<1664x16xf32, #tpu.memory_space<vmem>>, vector<1x16xf32>,
        %get3A_1415 = vector.shape_cast %get3A_1414 : vector<1x16xf32> to vector<16xf32>
        %add3A_1416 = arith.addf %add3A_1407, %get3A_1415 : vector<16xf32>
        %mul3A_1417 = arith.mulf %get3A_1415, %get3A_1415 : vector<16xf32>
        %add3A_1418 = arith.addf %add3A_1409, %mul3A_1417 : vector<16xf32>
        %add3A_1419 = arith.constant 9 : i32
        %add3A_1420 = arith.addi %mul3A_1333, %add3A_1419 : i32
        %get3A_1421 = arith.index_cast %add3A_1420 : i32 to index
        %get3A_1422 = arith.constant 0 : index
        %get3A_1423 = tpu.vector_load %arg7[%get3A_1421, %get3A_1422] {strides = array<i32>} : memref<1664x16xf32, #tpu.memory_space<vmem>>, vector<1x16xf32>,
        %get3A_1424 = vector.shape_cast %get3A_1423 : vector<1x16xf32> to vector<16xf32>
        %add3A_1425 = arith.addf %add3A_1416, %get3A_1424 : vector<16xf32>
        %mul3A_1426 = arith.mulf %get3A_1424, %get3A_1424 : vector<16xf32>
        %add3A_1427 = arith.addf %add3A_1418, %mul3A_1426 : vector<16xf32>
        %add3A_1428 = arith.constant 10 : i32
        %add3A_1429 = arith.addi %mul3A_1333, %add3A_1428 : i32
        %get3A_1430 = arith.index_cast %add3A_1429 : i32 to index
        %get3A_1431 = arith.constant 0 : index
        %get3A_1432 = tpu.vector_load %arg7[%get3A_1430, %get3A_1431] {strides = array<i32>} : memref<1664x16xf32, #tpu.memory_space<vmem>>, vector<1x16xf32>,
        %get3A_1433 = vector.shape_cast %get3A_1432 : vector<1x16xf32> to vector<16xf32>
        %add3A_1434 = arith.addf %add3A_1425, %get3A_1433 : vector<16xf32>
        %mul3A_1435 = arith.mulf %get3A_1433, %get3A_1433 : vector<16xf32>
        %add3A_1436 = arith.addf %add3A_1427, %mul3A_1435 : vector<16xf32>
        %add3A_1437 = arith.constant 11 : i32
        %add3A_1438 = arith.addi %mul3A_1333, %add3A_1437 : i32
        %get3A_1439 = arith.index_cast %add3A_1438 : i32 to index
        %get3A_1440 = arith.constant 0 : index
        %get3A_1441 = tpu.vector_load %arg7[%get3A_1439, %get3A_1440] {strides = array<i32>} : memref<1664x16xf32, #tpu.memory_space<vmem>>, vector<1x16xf32>,
        %get3A_1442 = vector.shape_cast %get3A_1441 : vector<1x16xf32> to vector<16xf32>
        %add3A_1443 = arith.addf %add3A_1434, %get3A_1442 : vector<16xf32>
        %mul3A_1444 = arith.mulf %get3A_1442, %get3A_1442 : vector<16xf32>
        %add3A_1445 = arith.addf %add3A_1436, %mul3A_1444 : vector<16xf32>
        %add3A_1446 = arith.constant 12 : i32
        %add3A_1447 = arith.addi %mul3A_1333, %add3A_1446 : i32
        %get3A_1448 = arith.index_cast %add3A_1447 : i32 to index
        %get3A_1449 = arith.constant 0 : index
        %get3A_1450 = tpu.vector_load %arg7[%get3A_1448, %get3A_1449] {strides = array<i32>} : memref<1664x16xf32, #tpu.memory_space<vmem>>, vector<1x16xf32>,
        %get3A_1451 = vector.shape_cast %get3A_1450 : vector<1x16xf32> to vector<16xf32>
        %add3A_1452 = arith.addf %add3A_1443, %get3A_1451 : vector<16xf32>
        %mul3A_1453 = arith.mulf %get3A_1451, %get3A_1451 : vector<16xf32>
        %add3A_1454 = arith.addf %add3A_1445, %mul3A_1453 : vector<16xf32>
        %add3A_1455 = arith.constant 13 : i32
        %add3A_1456 = arith.addi %mul3A_1333, %add3A_1455 : i32
        %get3A_1457 = arith.index_cast %add3A_1456 : i32 to index
        %get3A_1458 = arith.constant 0 : index
        %get3A_1459 = tpu.vector_load %arg7[%get3A_1457, %get3A_1458] {strides = array<i32>} : memref<1664x16xf32, #tpu.memory_space<vmem>>, vector<1x16xf32>,
        %get3A_1460 = vector.shape_cast %get3A_1459 : vector<1x16xf32> to vector<16xf32>
        %add3A_1461 = arith.addf %add3A_1452, %get3A_1460 : vector<16xf32>
        %mul3A_1462 = arith.mulf %get3A_1460, %get3A_1460 : vector<16xf32>
        %add3A_1463 = arith.addf %add3A_1454, %mul3A_1462 : vector<16xf32>
        %add3A_1464 = arith.constant 14 : i32
        %add3A_1465 = arith.addi %mul3A_1333, %add3A_1464 : i32
        %get3A_1466 = arith.index_cast %add3A_1465 : i32 to index
        %get3A_1467 = arith.constant 0 : index
        %get3A_1468 = tpu.vector_load %arg7[%get3A_1466, %get3A_1467] {strides = array<i32>} : memref<1664x16xf32, #tpu.memory_space<vmem>>, vector<1x16xf32>,
        %get3A_1469 = vector.shape_cast %get3A_1468 : vector<1x16xf32> to vector<16xf32>
        %add3A_1470 = arith.addf %add3A_1461, %get3A_1469 : vector<16xf32>
        %mul3A_1471 = arith.mulf %get3A_1469, %get3A_1469 : vector<16xf32>
        %add3A_1472 = arith.addf %add3A_1463, %mul3A_1471 : vector<16xf32>
        %add3A_1473 = arith.constant 15 : i32
        %add3A_1474 = arith.addi %mul3A_1333, %add3A_1473 : i32
        %get3A_1475 = arith.index_cast %add3A_1474 : i32 to index
        %get3A_1476 = arith.constant 0 : index
        %get3A_1477 = tpu.vector_load %arg7[%get3A_1475, %get3A_1476] {strides = array<i32>} : memref<1664x16xf32, #tpu.memory_space<vmem>>, vector<1x16xf32>,
        %get3A_1478 = vector.shape_cast %get3A_1477 : vector<1x16xf32> to vector<16xf32>
        %add3A_1479 = arith.addf %add3A_1470, %get3A_1478 : vector<16xf32>
        %mul3A_1480 = arith.mulf %get3A_1478, %get3A_1478 : vector<16xf32>
        %add3A_1481 = arith.addf %add3A_1472, %mul3A_1480 : vector<16xf32>
        %add3A_1482 = arith.constant 16 : i32
        %add3A_1483 = arith.addi %mul3A_1333, %add3A_1482 : i32
        %get3A_1484 = arith.index_cast %add3A_1483 : i32 to index
        %get3A_1485 = arith.constant 0 : index
        %get3A_1486 = tpu.vector_load %arg7[%get3A_1484, %get3A_1485] {strides = array<i32>} : memref<1664x16xf32, #tpu.memory_space<vmem>>, vector<1x16xf32>,
        %get3A_1487 = vector.shape_cast %get3A_1486 : vector<1x16xf32> to vector<16xf32>
        %add3A_1488 = arith.addf %add3A_1479, %get3A_1487 : vector<16xf32>
        %mul3A_1489 = arith.mulf %get3A_1487, %get3A_1487 : vector<16xf32>
        %add3A_1490 = arith.addf %add3A_1481, %mul3A_1489 : vector<16xf32>
        %add3A_1491 = arith.constant 17 : i32
        %add3A_1492 = arith.addi %mul3A_1333, %add3A_1491 : i32
        %get3A_1493 = arith.index_cast %add3A_1492 : i32 to index
        %get3A_1494 = arith.constant 0 : index
        %get3A_1495 = tpu.vector_load %arg7[%get3A_1493, %get3A_1494] {strides = array<i32>} : memref<1664x16xf32, #tpu.memory_space<vmem>>, vector<1x16xf32>,
        %get3A_1496 = vector.shape_cast %get3A_1495 : vector<1x16xf32> to vector<16xf32>
        %add3A_1497 = arith.addf %add3A_1488, %get3A_1496 : vector<16xf32>
        %mul3A_1498 = arith.mulf %get3A_1496, %get3A_1496 : vector<16xf32>
        %add3A_1499 = arith.addf %add3A_1490, %mul3A_1498 : vector<16xf32>
        %add3A_1500 = arith.constant 18 : i32
        %add3A_1501 = arith.addi %mul3A_1333, %add3A_1500 : i32
        %get3A_1502 = arith.index_cast %add3A_1501 : i32 to index
        %get3A_1503 = arith.constant 0 : index
        %get3A_1504 = tpu.vector_load %arg7[%get3A_1502, %get3A_1503] {strides = array<i32>} : memref<1664x16xf32, #tpu.memory_space<vmem>>, vector<1x16xf32>,
        %get3A_1505 = vector.shape_cast %get3A_1504 : vector<1x16xf32> to vector<16xf32>
        %add3A_1506 = arith.addf %add3A_1497, %get3A_1505 : vector<16xf32>
        %mul3A_1507 = arith.mulf %get3A_1505, %get3A_1505 : vector<16xf32>
        %add3A_1508 = arith.addf %add3A_1499, %mul3A_1507 : vector<16xf32>
        %add3A_1509 = arith.constant 19 : i32
        %add3A_1510 = arith.addi %mul3A_1333, %add3A_1509 : i32
        %get3A_1511 = arith.index_cast %add3A_1510 : i32 to index
        %get3A_1512 = arith.constant 0 : index
        %get3A_1513 = tpu.vector_load %arg7[%get3A_1511, %get3A_1512] {strides = array<i32>} : memref<1664x16xf32, #tpu.memory_space<vmem>>, vector<1x16xf32>,
        %get3A_1514 = vector.shape_cast %get3A_1513 : vector<1x16xf32> to vector<16xf32>
        %add3A_1515 = arith.addf %add3A_1506, %get3A_1514 : vector<16xf32>
        %mul3A_1516 = arith.mulf %get3A_1514, %get3A_1514 : vector<16xf32>
        %add3A_1517 = arith.addf %add3A_1508, %mul3A_1516 : vector<16xf32>
        %add3A_1518 = arith.constant 20 : i32
        %add3A_1519 = arith.addi %mul3A_1333, %add3A_1518 : i32
        %get3A_1520 = arith.index_cast %add3A_1519 : i32 to index
        %get3A_1521 = arith.constant 0 : index
        %get3A_1522 = tpu.vector_load %arg7[%get3A_1520, %get3A_1521] {strides = array<i32>} : memref<1664x16xf32, #tpu.memory_space<vmem>>, vector<1x16xf32>,
        %get3A_1523 = vector.shape_cast %get3A_1522 : vector<1x16xf32> to vector<16xf32>
        %add3A_1524 = arith.addf %add3A_1515, %get3A_1523 : vector<16xf32>
        %mul3A_1525 = arith.mulf %get3A_1523, %get3A_1523 : vector<16xf32>
        %add3A_1526 = arith.addf %add3A_1517, %mul3A_1525 : vector<16xf32>
        %add3A_1527 = arith.constant 21 : i32
        %add3A_1528 = arith.addi %mul3A_1333, %add3A_1527 : i32
        %get3A_1529 = arith.index_cast %add3A_1528 : i32 to index
        %get3A_1530 = arith.constant 0 : index
        %get3A_1531 = tpu.vector_load %arg7[%get3A_1529, %get3A_1530] {strides = array<i32>} : memref<1664x16xf32, #tpu.memory_space<vmem>>, vector<1x16xf32>,
        %get3A_1532 = vector.shape_cast %get3A_1531 : vector<1x16xf32> to vector<16xf32>
        %add3A_1533 = arith.addf %add3A_1524, %get3A_1532 : vector<16xf32>
        %mul3A_1534 = arith.mulf %get3A_1532, %get3A_1532 : vector<16xf32>
        %add3A_1535 = arith.addf %add3A_1526, %mul3A_1534 : vector<16xf32>
        %add3A_1536 = arith.constant 22 : i32
        %add3A_1537 = arith.addi %mul3A_1333, %add3A_1536 : i32
        %get3A_1538 = arith.index_cast %add3A_1537 : i32 to index
        %get3A_1539 = arith.constant 0 : index
        %get3A_1540 = tpu.vector_load %arg7[%get3A_1538, %get3A_1539] {strides = array<i32>} : memref<1664x16xf32, #tpu.memory_space<vmem>>, vector<1x16xf32>,
        %get3A_1541 = vector.shape_cast %get3A_1540 : vector<1x16xf32> to vector<16xf32>
        %add3A_1542 = arith.addf %add3A_1533, %get3A_1541 : vector<16xf32>
        %mul3A_1543 = arith.mulf %get3A_1541, %get3A_1541 : vector<16xf32>
        %add3A_1544 = arith.addf %add3A_1535, %mul3A_1543 : vector<16xf32>
        %add3A_1545 = arith.constant 23 : i32
        %add3A_1546 = arith.addi %mul3A_1333, %add3A_1545 : i32
        %get3A_1547 = arith.index_cast %add3A_1546 : i32 to index
        %get3A_1548 = arith.constant 0 : index
        %get3A_1549 = tpu.vector_load %arg7[%get3A_1547, %get3A_1548] {strides = array<i32>} : memref<1664x16xf32, #tpu.memory_space<vmem>>, vector<1x16xf32>,
        %get3A_1550 = vector.shape_cast %get3A_1549 : vector<1x16xf32> to vector<16xf32>
        %add3A_1551 = arith.addf %add3A_1542, %get3A_1550 : vector<16xf32>
        %mul3A_1552 = arith.mulf %get3A_1550, %get3A_1550 : vector<16xf32>
        %add3A_1553 = arith.addf %add3A_1544, %mul3A_1552 : vector<16xf32>
        %add3A_1554 = arith.constant 24 : i32
        %add3A_1555 = arith.addi %mul3A_1333, %add3A_1554 : i32
        %get3A_1556 = arith.index_cast %add3A_1555 : i32 to index
        %get3A_1557 = arith.constant 0 : index
        %get3A_1558 = tpu.vector_load %arg7[%get3A_1556, %get3A_1557] {strides = array<i32>} : memref<1664x16xf32, #tpu.memory_space<vmem>>, vector<1x16xf32>,
        %get3A_1559 = vector.shape_cast %get3A_1558 : vector<1x16xf32> to vector<16xf32>
        %add3A_1560 = arith.addf %add3A_1551, %get3A_1559 : vector<16xf32>
        %mul3A_1561 = arith.mulf %get3A_1559, %get3A_1559 : vector<16xf32>
        %add3A_1562 = arith.addf %add3A_1553, %mul3A_1561 : vector<16xf32>
        %add3A_1563 = arith.constant 25 : i32
        %add3A_1564 = arith.addi %mul3A_1333, %add3A_1563 : i32
        %get3A_1565 = arith.index_cast %add3A_1564 : i32 to index
        %get3A_1566 = arith.constant 0 : index
        %get3A_1567 = tpu.vector_load %arg7[%get3A_1565, %get3A_1566] {strides = array<i32>} : memref<1664x16xf32, #tpu.memory_space<vmem>>, vector<1x16xf32>,
        %get3A_1568 = vector.shape_cast %get3A_1567 : vector<1x16xf32> to vector<16xf32>
        %add3A_1569 = arith.addf %add3A_1560, %get3A_1568 : vector<16xf32>
        %mul3A_1570 = arith.mulf %get3A_1568, %get3A_1568 : vector<16xf32>
        %add3A_1571 = arith.addf %add3A_1562, %mul3A_1570 : vector<16xf32>
        %get3A_1572 = arith.index_cast %mul3A_1333 : i32 to index
        %get3A_1573 = tpu.vector_load %arg8[%get3A_1572] {strides = array<i32>} : memref<1696xf32, #tpu.memory_space<vmem>>, vector<16xf32>,
        %get3A_1574 = vector.shape_cast %get3A_1573 : vector<16xf32> to vector<16xf32>
        %add3A_1575 = arith.constant 16 : i32
        %add3A_1576 = arith.addi %mul3A_1333, %add3A_1575 : i32
        %get3A_1577 = arith.index_cast %add3A_1576 : i32 to index
        %get3A_1578 = tpu.vector_load %arg8[%get3A_1577] {strides = array<i32>} : memref<1696xf32, #tpu.memory_space<vmem>>, vector<16xf32>,
        %get3A_1579 = vector.shape_cast %get3A_1578 : vector<16xf32> to vector<16xf32>
        %lt3A_1580 = arith.constant 10 : i32
        %lt3A_1581 = vector.broadcast %lt3A_1580 : i32 to vector<16xi32>
        %lt3A_1582 = arith.cmpi slt, %iota3A, %lt3A_1581 : vector<16xi32>
        %jit3A_1583 = arith.constant 0.000000e+00 : f32
        %broadcast_in_dim3A_1584 = vector.broadcast %jit3A_1583 : f32 to vector<16xf32>
        %select_n3A_1585 = arith.select %lt3A_1582, %get3A_1579, %broadcast_in_dim3A_1584 : vector<16xi1>, vector<16xf32>
        %mul3A_1586 = arith.mulf %add3A_1569, %add3A_1569 : vector<16xf32>
        %sub3A_1587 = arith.subf %mul3A_1586, %add3A_1571 : vector<16xf32>
        %mul3A_1588 = arith.constant 5.000000e-01 : f32
        %mul3A_1589 = vector.broadcast %mul3A_1588 : f32 to vector<16xf32>
        %mul3A_1590 = arith.mulf %mul3A_1589, %sub3A_1587 : vector<16xf32>
        %add3A_1591 = arith.addf %mul3A_1590, %get3A_1574 : vector<16xf32>
        %add3A_1592 = arith.addf %add3A_1591, %select_n3A_1585 : vector<16xf32>
        %mul3A_1593 = arith.constant 16 : i32
        %mul3A_1594 = arith.muli %scan3A_538, %mul3A_1593 : i32
        %add3A_1595 = arith.constant 4 : i32
        %add3A_1596 = arith.addi %mul3A_1594, %add3A_1595 : i32
        %mul3A_1597 = arith.constant 26 : i32
        %mul3A_1598 = arith.muli %add3A_1596, %mul3A_1597 : i32
        %broadcast_in_dim3A_1599 = arith.constant 0.000000e+00 : f32
        %broadcast_in_dim3A_1600 = vector.broadcast %broadcast_in_dim3A_1599 : f32 to vector<16xf32>
        %broadcast_in_dim3A_1601 = arith.constant 0.000000e+00 : f32
        %broadcast_in_dim3A_1602 = vector.broadcast %broadcast_in_dim3A_1601 : f32 to vector<16xf32>
        %add3A_1603 = arith.constant 0 : i32
        %add3A_1604 = arith.addi %mul3A_1598, %add3A_1603 : i32
        %get3A_1605 = arith.index_cast %add3A_1604 : i32 to index
        %get3A_1606 = arith.constant 0 : index
        %get3A_1607 = tpu.vector_load %arg7[%get3A_1605, %get3A_1606] {strides = array<i32>} : memref<1664x16xf32, #tpu.memory_space<vmem>>, vector<1x16xf32>,
        %get3A_1608 = vector.shape_cast %get3A_1607 : vector<1x16xf32> to vector<16xf32>
        %add3A_1609 = arith.addf %broadcast_in_dim3A_1600, %get3A_1608 : vector<16xf32>
        %mul3A_1610 = arith.mulf %get3A_1608, %get3A_1608 : vector<16xf32>
        %add3A_1611 = arith.addf %broadcast_in_dim3A_1602, %mul3A_1610 : vector<16xf32>
        %add3A_1612 = arith.constant 1 : i32
        %add3A_1613 = arith.addi %mul3A_1598, %add3A_1612 : i32
        %get3A_1614 = arith.index_cast %add3A_1613 : i32 to index
        %get3A_1615 = arith.constant 0 : index
        %get3A_1616 = tpu.vector_load %arg7[%get3A_1614, %get3A_1615] {strides = array<i32>} : memref<1664x16xf32, #tpu.memory_space<vmem>>, vector<1x16xf32>,
        %get3A_1617 = vector.shape_cast %get3A_1616 : vector<1x16xf32> to vector<16xf32>
        %add3A_1618 = arith.addf %add3A_1609, %get3A_1617 : vector<16xf32>
        %mul3A_1619 = arith.mulf %get3A_1617, %get3A_1617 : vector<16xf32>
        %add3A_1620 = arith.addf %add3A_1611, %mul3A_1619 : vector<16xf32>
        %add3A_1621 = arith.constant 2 : i32
        %add3A_1622 = arith.addi %mul3A_1598, %add3A_1621 : i32
        %get3A_1623 = arith.index_cast %add3A_1622 : i32 to index
        %get3A_1624 = arith.constant 0 : index
        %get3A_1625 = tpu.vector_load %arg7[%get3A_1623, %get3A_1624] {strides = array<i32>} : memref<1664x16xf32, #tpu.memory_space<vmem>>, vector<1x16xf32>,
        %get3A_1626 = vector.shape_cast %get3A_1625 : vector<1x16xf32> to vector<16xf32>
        %add3A_1627 = arith.addf %add3A_1618, %get3A_1626 : vector<16xf32>
        %mul3A_1628 = arith.mulf %get3A_1626, %get3A_1626 : vector<16xf32>
        %add3A_1629 = arith.addf %add3A_1620, %mul3A_1628 : vector<16xf32>
        %add3A_1630 = arith.constant 3 : i32
        %add3A_1631 = arith.addi %mul3A_1598, %add3A_1630 : i32
        %get3A_1632 = arith.index_cast %add3A_1631 : i32 to index
        %get3A_1633 = arith.constant 0 : index
        %get3A_1634 = tpu.vector_load %arg7[%get3A_1632, %get3A_1633] {strides = array<i32>} : memref<1664x16xf32, #tpu.memory_space<vmem>>, vector<1x16xf32>,
        %get3A_1635 = vector.shape_cast %get3A_1634 : vector<1x16xf32> to vector<16xf32>
        %add3A_1636 = arith.addf %add3A_1627, %get3A_1635 : vector<16xf32>
        %mul3A_1637 = arith.mulf %get3A_1635, %get3A_1635 : vector<16xf32>
        %add3A_1638 = arith.addf %add3A_1629, %mul3A_1637 : vector<16xf32>
        %add3A_1639 = arith.constant 4 : i32
        %add3A_1640 = arith.addi %mul3A_1598, %add3A_1639 : i32
        %get3A_1641 = arith.index_cast %add3A_1640 : i32 to index
        %get3A_1642 = arith.constant 0 : index
        %get3A_1643 = tpu.vector_load %arg7[%get3A_1641, %get3A_1642] {strides = array<i32>} : memref<1664x16xf32, #tpu.memory_space<vmem>>, vector<1x16xf32>,
        %get3A_1644 = vector.shape_cast %get3A_1643 : vector<1x16xf32> to vector<16xf32>
        %add3A_1645 = arith.addf %add3A_1636, %get3A_1644 : vector<16xf32>
        %mul3A_1646 = arith.mulf %get3A_1644, %get3A_1644 : vector<16xf32>
        %add3A_1647 = arith.addf %add3A_1638, %mul3A_1646 : vector<16xf32>
        %add3A_1648 = arith.constant 5 : i32
        %add3A_1649 = arith.addi %mul3A_1598, %add3A_1648 : i32
        %get3A_1650 = arith.index_cast %add3A_1649 : i32 to index
        %get3A_1651 = arith.constant 0 : index
        %get3A_1652 = tpu.vector_load %arg7[%get3A_1650, %get3A_1651] {strides = array<i32>} : memref<1664x16xf32, #tpu.memory_space<vmem>>, vector<1x16xf32>,
        %get3A_1653 = vector.shape_cast %get3A_1652 : vector<1x16xf32> to vector<16xf32>
        %add3A_1654 = arith.addf %add3A_1645, %get3A_1653 : vector<16xf32>
        %mul3A_1655 = arith.mulf %get3A_1653, %get3A_1653 : vector<16xf32>
        %add3A_1656 = arith.addf %add3A_1647, %mul3A_1655 : vector<16xf32>
        %add3A_1657 = arith.constant 6 : i32
        %add3A_1658 = arith.addi %mul3A_1598, %add3A_1657 : i32
        %get3A_1659 = arith.index_cast %add3A_1658 : i32 to index
        %get3A_1660 = arith.constant 0 : index
        %get3A_1661 = tpu.vector_load %arg7[%get3A_1659, %get3A_1660] {strides = array<i32>} : memref<1664x16xf32, #tpu.memory_space<vmem>>, vector<1x16xf32>,
        %get3A_1662 = vector.shape_cast %get3A_1661 : vector<1x16xf32> to vector<16xf32>
        %add3A_1663 = arith.addf %add3A_1654, %get3A_1662 : vector<16xf32>
        %mul3A_1664 = arith.mulf %get3A_1662, %get3A_1662 : vector<16xf32>
        %add3A_1665 = arith.addf %add3A_1656, %mul3A_1664 : vector<16xf32>
        %add3A_1666 = arith.constant 7 : i32
        %add3A_1667 = arith.addi %mul3A_1598, %add3A_1666 : i32
        %get3A_1668 = arith.index_cast %add3A_1667 : i32 to index
        %get3A_1669 = arith.constant 0 : index
        %get3A_1670 = tpu.vector_load %arg7[%get3A_1668, %get3A_1669] {strides = array<i32>} : memref<1664x16xf32, #tpu.memory_space<vmem>>, vector<1x16xf32>,
        %get3A_1671 = vector.shape_cast %get3A_1670 : vector<1x16xf32> to vector<16xf32>
        %add3A_1672 = arith.addf %add3A_1663, %get3A_1671 : vector<16xf32>
        %mul3A_1673 = arith.mulf %get3A_1671, %get3A_1671 : vector<16xf32>
        %add3A_1674 = arith.addf %add3A_1665, %mul3A_1673 : vector<16xf32>
        %add3A_1675 = arith.constant 8 : i32
        %add3A_1676 = arith.addi %mul3A_1598, %add3A_1675 : i32
        %get3A_1677 = arith.index_cast %add3A_1676 : i32 to index
        %get3A_1678 = arith.constant 0 : index
        %get3A_1679 = tpu.vector_load %arg7[%get3A_1677, %get3A_1678] {strides = array<i32>} : memref<1664x16xf32, #tpu.memory_space<vmem>>, vector<1x16xf32>,
        %get3A_1680 = vector.shape_cast %get3A_1679 : vector<1x16xf32> to vector<16xf32>
        %add3A_1681 = arith.addf %add3A_1672, %get3A_1680 : vector<16xf32>
        %mul3A_1682 = arith.mulf %get3A_1680, %get3A_1680 : vector<16xf32>
        %add3A_1683 = arith.addf %add3A_1674, %mul3A_1682 : vector<16xf32>
        %add3A_1684 = arith.constant 9 : i32
        %add3A_1685 = arith.addi %mul3A_1598, %add3A_1684 : i32
        %get3A_1686 = arith.index_cast %add3A_1685 : i32 to index
        %get3A_1687 = arith.constant 0 : index
        %get3A_1688 = tpu.vector_load %arg7[%get3A_1686, %get3A_1687] {strides = array<i32>} : memref<1664x16xf32, #tpu.memory_space<vmem>>, vector<1x16xf32>,
        %get3A_1689 = vector.shape_cast %get3A_1688 : vector<1x16xf32> to vector<16xf32>
        %add3A_1690 = arith.addf %add3A_1681, %get3A_1689 : vector<16xf32>
        %mul3A_1691 = arith.mulf %get3A_1689, %get3A_1689 : vector<16xf32>
        %add3A_1692 = arith.addf %add3A_1683, %mul3A_1691 : vector<16xf32>
        %add3A_1693 = arith.constant 10 : i32
        %add3A_1694 = arith.addi %mul3A_1598, %add3A_1693 : i32
        %get3A_1695 = arith.index_cast %add3A_1694 : i32 to index
        %get3A_1696 = arith.constant 0 : index
        %get3A_1697 = tpu.vector_load %arg7[%get3A_1695, %get3A_1696] {strides = array<i32>} : memref<1664x16xf32, #tpu.memory_space<vmem>>, vector<1x16xf32>,
        %get3A_1698 = vector.shape_cast %get3A_1697 : vector<1x16xf32> to vector<16xf32>
        %add3A_1699 = arith.addf %add3A_1690, %get3A_1698 : vector<16xf32>
        %mul3A_1700 = arith.mulf %get3A_1698, %get3A_1698 : vector<16xf32>
        %add3A_1701 = arith.addf %add3A_1692, %mul3A_1700 : vector<16xf32>
        %add3A_1702 = arith.constant 11 : i32
        %add3A_1703 = arith.addi %mul3A_1598, %add3A_1702 : i32
        %get3A_1704 = arith.index_cast %add3A_1703 : i32 to index
        %get3A_1705 = arith.constant 0 : index
        %get3A_1706 = tpu.vector_load %arg7[%get3A_1704, %get3A_1705] {strides = array<i32>} : memref<1664x16xf32, #tpu.memory_space<vmem>>, vector<1x16xf32>,
        %get3A_1707 = vector.shape_cast %get3A_1706 : vector<1x16xf32> to vector<16xf32>
        %add3A_1708 = arith.addf %add3A_1699, %get3A_1707 : vector<16xf32>
        %mul3A_1709 = arith.mulf %get3A_1707, %get3A_1707 : vector<16xf32>
        %add3A_1710 = arith.addf %add3A_1701, %mul3A_1709 : vector<16xf32>
        %add3A_1711 = arith.constant 12 : i32
        %add3A_1712 = arith.addi %mul3A_1598, %add3A_1711 : i32
        %get3A_1713 = arith.index_cast %add3A_1712 : i32 to index
        %get3A_1714 = arith.constant 0 : index
        %get3A_1715 = tpu.vector_load %arg7[%get3A_1713, %get3A_1714] {strides = array<i32>} : memref<1664x16xf32, #tpu.memory_space<vmem>>, vector<1x16xf32>,
        %get3A_1716 = vector.shape_cast %get3A_1715 : vector<1x16xf32> to vector<16xf32>
        %add3A_1717 = arith.addf %add3A_1708, %get3A_1716 : vector<16xf32>
        %mul3A_1718 = arith.mulf %get3A_1716, %get3A_1716 : vector<16xf32>
        %add3A_1719 = arith.addf %add3A_1710, %mul3A_1718 : vector<16xf32>
        %add3A_1720 = arith.constant 13 : i32
        %add3A_1721 = arith.addi %mul3A_1598, %add3A_1720 : i32
        %get3A_1722 = arith.index_cast %add3A_1721 : i32 to index
        %get3A_1723 = arith.constant 0 : index
        %get3A_1724 = tpu.vector_load %arg7[%get3A_1722, %get3A_1723] {strides = array<i32>} : memref<1664x16xf32, #tpu.memory_space<vmem>>, vector<1x16xf32>,
        %get3A_1725 = vector.shape_cast %get3A_1724 : vector<1x16xf32> to vector<16xf32>
        %add3A_1726 = arith.addf %add3A_1717, %get3A_1725 : vector<16xf32>
        %mul3A_1727 = arith.mulf %get3A_1725, %get3A_1725 : vector<16xf32>
        %add3A_1728 = arith.addf %add3A_1719, %mul3A_1727 : vector<16xf32>
        %add3A_1729 = arith.constant 14 : i32
        %add3A_1730 = arith.addi %mul3A_1598, %add3A_1729 : i32
        %get3A_1731 = arith.index_cast %add3A_1730 : i32 to index
        %get3A_1732 = arith.constant 0 : index
        %get3A_1733 = tpu.vector_load %arg7[%get3A_1731, %get3A_1732] {strides = array<i32>} : memref<1664x16xf32, #tpu.memory_space<vmem>>, vector<1x16xf32>,
        %get3A_1734 = vector.shape_cast %get3A_1733 : vector<1x16xf32> to vector<16xf32>
        %add3A_1735 = arith.addf %add3A_1726, %get3A_1734 : vector<16xf32>
        %mul3A_1736 = arith.mulf %get3A_1734, %get3A_1734 : vector<16xf32>
        %add3A_1737 = arith.addf %add3A_1728, %mul3A_1736 : vector<16xf32>
        %add3A_1738 = arith.constant 15 : i32
        %add3A_1739 = arith.addi %mul3A_1598, %add3A_1738 : i32
        %get3A_1740 = arith.index_cast %add3A_1739 : i32 to index
        %get3A_1741 = arith.constant 0 : index
        %get3A_1742 = tpu.vector_load %arg7[%get3A_1740, %get3A_1741] {strides = array<i32>} : memref<1664x16xf32, #tpu.memory_space<vmem>>, vector<1x16xf32>,
        %get3A_1743 = vector.shape_cast %get3A_1742 : vector<1x16xf32> to vector<16xf32>
        %add3A_1744 = arith.addf %add3A_1735, %get3A_1743 : vector<16xf32>
        %mul3A_1745 = arith.mulf %get3A_1743, %get3A_1743 : vector<16xf32>
        %add3A_1746 = arith.addf %add3A_1737, %mul3A_1745 : vector<16xf32>
        %add3A_1747 = arith.constant 16 : i32
        %add3A_1748 = arith.addi %mul3A_1598, %add3A_1747 : i32
        %get3A_1749 = arith.index_cast %add3A_1748 : i32 to index
        %get3A_1750 = arith.constant 0 : index
        %get3A_1751 = tpu.vector_load %arg7[%get3A_1749, %get3A_1750] {strides = array<i32>} : memref<1664x16xf32, #tpu.memory_space<vmem>>, vector<1x16xf32>,
        %get3A_1752 = vector.shape_cast %get3A_1751 : vector<1x16xf32> to vector<16xf32>
        %add3A_1753 = arith.addf %add3A_1744, %get3A_1752 : vector<16xf32>
        %mul3A_1754 = arith.mulf %get3A_1752, %get3A_1752 : vector<16xf32>
        %add3A_1755 = arith.addf %add3A_1746, %mul3A_1754 : vector<16xf32>
        %add3A_1756 = arith.constant 17 : i32
        %add3A_1757 = arith.addi %mul3A_1598, %add3A_1756 : i32
        %get3A_1758 = arith.index_cast %add3A_1757 : i32 to index
        %get3A_1759 = arith.constant 0 : index
        %get3A_1760 = tpu.vector_load %arg7[%get3A_1758, %get3A_1759] {strides = array<i32>} : memref<1664x16xf32, #tpu.memory_space<vmem>>, vector<1x16xf32>,
        %get3A_1761 = vector.shape_cast %get3A_1760 : vector<1x16xf32> to vector<16xf32>
        %add3A_1762 = arith.addf %add3A_1753, %get3A_1761 : vector<16xf32>
        %mul3A_1763 = arith.mulf %get3A_1761, %get3A_1761 : vector<16xf32>
        %add3A_1764 = arith.addf %add3A_1755, %mul3A_1763 : vector<16xf32>
        %add3A_1765 = arith.constant 18 : i32
        %add3A_1766 = arith.addi %mul3A_1598, %add3A_1765 : i32
        %get3A_1767 = arith.index_cast %add3A_1766 : i32 to index
        %get3A_1768 = arith.constant 0 : index
        %get3A_1769 = tpu.vector_load %arg7[%get3A_1767, %get3A_1768] {strides = array<i32>} : memref<1664x16xf32, #tpu.memory_space<vmem>>, vector<1x16xf32>,
        %get3A_1770 = vector.shape_cast %get3A_1769 : vector<1x16xf32> to vector<16xf32>
        %add3A_1771 = arith.addf %add3A_1762, %get3A_1770 : vector<16xf32>
        %mul3A_1772 = arith.mulf %get3A_1770, %get3A_1770 : vector<16xf32>
        %add3A_1773 = arith.addf %add3A_1764, %mul3A_1772 : vector<16xf32>
        %add3A_1774 = arith.constant 19 : i32
        %add3A_1775 = arith.addi %mul3A_1598, %add3A_1774 : i32
        %get3A_1776 = arith.index_cast %add3A_1775 : i32 to index
        %get3A_1777 = arith.constant 0 : index
        %get3A_1778 = tpu.vector_load %arg7[%get3A_1776, %get3A_1777] {strides = array<i32>} : memref<1664x16xf32, #tpu.memory_space<vmem>>, vector<1x16xf32>,
        %get3A_1779 = vector.shape_cast %get3A_1778 : vector<1x16xf32> to vector<16xf32>
        %add3A_1780 = arith.addf %add3A_1771, %get3A_1779 : vector<16xf32>
        %mul3A_1781 = arith.mulf %get3A_1779, %get3A_1779 : vector<16xf32>
        %add3A_1782 = arith.addf %add3A_1773, %mul3A_1781 : vector<16xf32>
        %add3A_1783 = arith.constant 20 : i32
        %add3A_1784 = arith.addi %mul3A_1598, %add3A_1783 : i32
        %get3A_1785 = arith.index_cast %add3A_1784 : i32 to index
        %get3A_1786 = arith.constant 0 : index
        %get3A_1787 = tpu.vector_load %arg7[%get3A_1785, %get3A_1786] {strides = array<i32>} : memref<1664x16xf32, #tpu.memory_space<vmem>>, vector<1x16xf32>,
        %get3A_1788 = vector.shape_cast %get3A_1787 : vector<1x16xf32> to vector<16xf32>
        %add3A_1789 = arith.addf %add3A_1780, %get3A_1788 : vector<16xf32>
        %mul3A_1790 = arith.mulf %get3A_1788, %get3A_1788 : vector<16xf32>
        %add3A_1791 = arith.addf %add3A_1782, %mul3A_1790 : vector<16xf32>
        %add3A_1792 = arith.constant 21 : i32
        %add3A_1793 = arith.addi %mul3A_1598, %add3A_1792 : i32
        %get3A_1794 = arith.index_cast %add3A_1793 : i32 to index
        %get3A_1795 = arith.constant 0 : index
        %get3A_1796 = tpu.vector_load %arg7[%get3A_1794, %get3A_1795] {strides = array<i32>} : memref<1664x16xf32, #tpu.memory_space<vmem>>, vector<1x16xf32>,
        %get3A_1797 = vector.shape_cast %get3A_1796 : vector<1x16xf32> to vector<16xf32>
        %add3A_1798 = arith.addf %add3A_1789, %get3A_1797 : vector<16xf32>
        %mul3A_1799 = arith.mulf %get3A_1797, %get3A_1797 : vector<16xf32>
        %add3A_1800 = arith.addf %add3A_1791, %mul3A_1799 : vector<16xf32>
        %add3A_1801 = arith.constant 22 : i32
        %add3A_1802 = arith.addi %mul3A_1598, %add3A_1801 : i32
        %get3A_1803 = arith.index_cast %add3A_1802 : i32 to index
        %get3A_1804 = arith.constant 0 : index
        %get3A_1805 = tpu.vector_load %arg7[%get3A_1803, %get3A_1804] {strides = array<i32>} : memref<1664x16xf32, #tpu.memory_space<vmem>>, vector<1x16xf32>,
        %get3A_1806 = vector.shape_cast %get3A_1805 : vector<1x16xf32> to vector<16xf32>
        %add3A_1807 = arith.addf %add3A_1798, %get3A_1806 : vector<16xf32>
        %mul3A_1808 = arith.mulf %get3A_1806, %get3A_1806 : vector<16xf32>
        %add3A_1809 = arith.addf %add3A_1800, %mul3A_1808 : vector<16xf32>
        %add3A_1810 = arith.constant 23 : i32
        %add3A_1811 = arith.addi %mul3A_1598, %add3A_1810 : i32
        %get3A_1812 = arith.index_cast %add3A_1811 : i32 to index
        %get3A_1813 = arith.constant 0 : index
        %get3A_1814 = tpu.vector_load %arg7[%get3A_1812, %get3A_1813] {strides = array<i32>} : memref<1664x16xf32, #tpu.memory_space<vmem>>, vector<1x16xf32>,
        %get3A_1815 = vector.shape_cast %get3A_1814 : vector<1x16xf32> to vector<16xf32>
        %add3A_1816 = arith.addf %add3A_1807, %get3A_1815 : vector<16xf32>
        %mul3A_1817 = arith.mulf %get3A_1815, %get3A_1815 : vector<16xf32>
        %add3A_1818 = arith.addf %add3A_1809, %mul3A_1817 : vector<16xf32>
        %add3A_1819 = arith.constant 24 : i32
        %add3A_1820 = arith.addi %mul3A_1598, %add3A_1819 : i32
        %get3A_1821 = arith.index_cast %add3A_1820 : i32 to index
        %get3A_1822 = arith.constant 0 : index
        %get3A_1823 = tpu.vector_load %arg7[%get3A_1821, %get3A_1822] {strides = array<i32>} : memref<1664x16xf32, #tpu.memory_space<vmem>>, vector<1x16xf32>,
        %get3A_1824 = vector.shape_cast %get3A_1823 : vector<1x16xf32> to vector<16xf32>
        %add3A_1825 = arith.addf %add3A_1816, %get3A_1824 : vector<16xf32>
        %mul3A_1826 = arith.mulf %get3A_1824, %get3A_1824 : vector<16xf32>
        %add3A_1827 = arith.addf %add3A_1818, %mul3A_1826 : vector<16xf32>
        %add3A_1828 = arith.constant 25 : i32
        %add3A_1829 = arith.addi %mul3A_1598, %add3A_1828 : i32
        %get3A_1830 = arith.index_cast %add3A_1829 : i32 to index
        %get3A_1831 = arith.constant 0 : index
        %get3A_1832 = tpu.vector_load %arg7[%get3A_1830, %get3A_1831] {strides = array<i32>} : memref<1664x16xf32, #tpu.memory_space<vmem>>, vector<1x16xf32>,
        %get3A_1833 = vector.shape_cast %get3A_1832 : vector<1x16xf32> to vector<16xf32>
        %add3A_1834 = arith.addf %add3A_1825, %get3A_1833 : vector<16xf32>
        %mul3A_1835 = arith.mulf %get3A_1833, %get3A_1833 : vector<16xf32>
        %add3A_1836 = arith.addf %add3A_1827, %mul3A_1835 : vector<16xf32>
        %get3A_1837 = arith.index_cast %mul3A_1598 : i32 to index
        %get3A_1838 = tpu.vector_load %arg8[%get3A_1837] {strides = array<i32>} : memref<1696xf32, #tpu.memory_space<vmem>>, vector<16xf32>,
        %get3A_1839 = vector.shape_cast %get3A_1838 : vector<16xf32> to vector<16xf32>
        %add3A_1840 = arith.constant 16 : i32
        %add3A_1841 = arith.addi %mul3A_1598, %add3A_1840 : i32
        %get3A_1842 = arith.index_cast %add3A_1841 : i32 to index
        %get3A_1843 = tpu.vector_load %arg8[%get3A_1842] {strides = array<i32>} : memref<1696xf32, #tpu.memory_space<vmem>>, vector<16xf32>,
        %get3A_1844 = vector.shape_cast %get3A_1843 : vector<16xf32> to vector<16xf32>
        %lt3A_1845 = arith.constant 10 : i32
        %lt3A_1846 = vector.broadcast %lt3A_1845 : i32 to vector<16xi32>
        %lt3A_1847 = arith.cmpi slt, %iota3A, %lt3A_1846 : vector<16xi32>
        %jit3A_1848 = arith.constant 0.000000e+00 : f32
        %broadcast_in_dim3A_1849 = vector.broadcast %jit3A_1848 : f32 to vector<16xf32>
        %select_n3A_1850 = arith.select %lt3A_1847, %get3A_1844, %broadcast_in_dim3A_1849 : vector<16xi1>, vector<16xf32>
        %mul3A_1851 = arith.mulf %add3A_1834, %add3A_1834 : vector<16xf32>
        %sub3A_1852 = arith.subf %mul3A_1851, %add3A_1836 : vector<16xf32>
        %mul3A_1853 = arith.constant 5.000000e-01 : f32
        %mul3A_1854 = vector.broadcast %mul3A_1853 : f32 to vector<16xf32>
        %mul3A_1855 = arith.mulf %mul3A_1854, %sub3A_1852 : vector<16xf32>
        %add3A_1856 = arith.addf %mul3A_1855, %get3A_1839 : vector<16xf32>
        %add3A_1857 = arith.addf %add3A_1856, %select_n3A_1850 : vector<16xf32>
        %mul3A_1858 = arith.constant 16 : i32
        %mul3A_1859 = arith.muli %scan3A_538, %mul3A_1858 : i32
        %add3A_1860 = arith.constant 5 : i32
        %add3A_1861 = arith.addi %mul3A_1859, %add3A_1860 : i32
        %mul3A_1862 = arith.constant 26 : i32
        %mul3A_1863 = arith.muli %add3A_1861, %mul3A_1862 : i32
        %broadcast_in_dim3A_1864 = arith.constant 0.000000e+00 : f32
        %broadcast_in_dim3A_1865 = vector.broadcast %broadcast_in_dim3A_1864 : f32 to vector<16xf32>
        %broadcast_in_dim3A_1866 = arith.constant 0.000000e+00 : f32
        %broadcast_in_dim3A_1867 = vector.broadcast %broadcast_in_dim3A_1866 : f32 to vector<16xf32>
        %add3A_1868 = arith.constant 0 : i32
        %add3A_1869 = arith.addi %mul3A_1863, %add3A_1868 : i32
        %get3A_1870 = arith.index_cast %add3A_1869 : i32 to index
        %get3A_1871 = arith.constant 0 : index
        %get3A_1872 = tpu.vector_load %arg7[%get3A_1870, %get3A_1871] {strides = array<i32>} : memref<1664x16xf32, #tpu.memory_space<vmem>>, vector<1x16xf32>,
        %get3A_1873 = vector.shape_cast %get3A_1872 : vector<1x16xf32> to vector<16xf32>
        %add3A_1874 = arith.addf %broadcast_in_dim3A_1865, %get3A_1873 : vector<16xf32>
        %mul3A_1875 = arith.mulf %get3A_1873, %get3A_1873 : vector<16xf32>
        %add3A_1876 = arith.addf %broadcast_in_dim3A_1867, %mul3A_1875 : vector<16xf32>
        %add3A_1877 = arith.constant 1 : i32
        %add3A_1878 = arith.addi %mul3A_1863, %add3A_1877 : i32
        %get3A_1879 = arith.index_cast %add3A_1878 : i32 to index
        %get3A_1880 = arith.constant 0 : index
        %get3A_1881 = tpu.vector_load %arg7[%get3A_1879, %get3A_1880] {strides = array<i32>} : memref<1664x16xf32, #tpu.memory_space<vmem>>, vector<1x16xf32>,
        %get3A_1882 = vector.shape_cast %get3A_1881 : vector<1x16xf32> to vector<16xf32>
        %add3A_1883 = arith.addf %add3A_1874, %get3A_1882 : vector<16xf32>
        %mul3A_1884 = arith.mulf %get3A_1882, %get3A_1882 : vector<16xf32>
        %add3A_1885 = arith.addf %add3A_1876, %mul3A_1884 : vector<16xf32>
        %add3A_1886 = arith.constant 2 : i32
        %add3A_1887 = arith.addi %mul3A_1863, %add3A_1886 : i32
        %get3A_1888 = arith.index_cast %add3A_1887 : i32 to index
        %get3A_1889 = arith.constant 0 : index
        %get3A_1890 = tpu.vector_load %arg7[%get3A_1888, %get3A_1889] {strides = array<i32>} : memref<1664x16xf32, #tpu.memory_space<vmem>>, vector<1x16xf32>,
        %get3A_1891 = vector.shape_cast %get3A_1890 : vector<1x16xf32> to vector<16xf32>
        %add3A_1892 = arith.addf %add3A_1883, %get3A_1891 : vector<16xf32>
        %mul3A_1893 = arith.mulf %get3A_1891, %get3A_1891 : vector<16xf32>
        %add3A_1894 = arith.addf %add3A_1885, %mul3A_1893 : vector<16xf32>
        %add3A_1895 = arith.constant 3 : i32
        %add3A_1896 = arith.addi %mul3A_1863, %add3A_1895 : i32
        %get3A_1897 = arith.index_cast %add3A_1896 : i32 to index
        %get3A_1898 = arith.constant 0 : index
        %get3A_1899 = tpu.vector_load %arg7[%get3A_1897, %get3A_1898] {strides = array<i32>} : memref<1664x16xf32, #tpu.memory_space<vmem>>, vector<1x16xf32>,
        %get3A_1900 = vector.shape_cast %get3A_1899 : vector<1x16xf32> to vector<16xf32>
        %add3A_1901 = arith.addf %add3A_1892, %get3A_1900 : vector<16xf32>
        %mul3A_1902 = arith.mulf %get3A_1900, %get3A_1900 : vector<16xf32>
        %add3A_1903 = arith.addf %add3A_1894, %mul3A_1902 : vector<16xf32>
        %add3A_1904 = arith.constant 4 : i32
        %add3A_1905 = arith.addi %mul3A_1863, %add3A_1904 : i32
        %get3A_1906 = arith.index_cast %add3A_1905 : i32 to index
        %get3A_1907 = arith.constant 0 : index
        %get3A_1908 = tpu.vector_load %arg7[%get3A_1906, %get3A_1907] {strides = array<i32>} : memref<1664x16xf32, #tpu.memory_space<vmem>>, vector<1x16xf32>,
        %get3A_1909 = vector.shape_cast %get3A_1908 : vector<1x16xf32> to vector<16xf32>
        %add3A_1910 = arith.addf %add3A_1901, %get3A_1909 : vector<16xf32>
        %mul3A_1911 = arith.mulf %get3A_1909, %get3A_1909 : vector<16xf32>
        %add3A_1912 = arith.addf %add3A_1903, %mul3A_1911 : vector<16xf32>
        %add3A_1913 = arith.constant 5 : i32
        %add3A_1914 = arith.addi %mul3A_1863, %add3A_1913 : i32
        %get3A_1915 = arith.index_cast %add3A_1914 : i32 to index
        %get3A_1916 = arith.constant 0 : index
        %get3A_1917 = tpu.vector_load %arg7[%get3A_1915, %get3A_1916] {strides = array<i32>} : memref<1664x16xf32, #tpu.memory_space<vmem>>, vector<1x16xf32>,
        %get3A_1918 = vector.shape_cast %get3A_1917 : vector<1x16xf32> to vector<16xf32>
        %add3A_1919 = arith.addf %add3A_1910, %get3A_1918 : vector<16xf32>
        %mul3A_1920 = arith.mulf %get3A_1918, %get3A_1918 : vector<16xf32>
        %add3A_1921 = arith.addf %add3A_1912, %mul3A_1920 : vector<16xf32>
        %add3A_1922 = arith.constant 6 : i32
        %add3A_1923 = arith.addi %mul3A_1863, %add3A_1922 : i32
        %get3A_1924 = arith.index_cast %add3A_1923 : i32 to index
        %get3A_1925 = arith.constant 0 : index
        %get3A_1926 = tpu.vector_load %arg7[%get3A_1924, %get3A_1925] {strides = array<i32>} : memref<1664x16xf32, #tpu.memory_space<vmem>>, vector<1x16xf32>,
        %get3A_1927 = vector.shape_cast %get3A_1926 : vector<1x16xf32> to vector<16xf32>
        %add3A_1928 = arith.addf %add3A_1919, %get3A_1927 : vector<16xf32>
        %mul3A_1929 = arith.mulf %get3A_1927, %get3A_1927 : vector<16xf32>
        %add3A_1930 = arith.addf %add3A_1921, %mul3A_1929 : vector<16xf32>
        %add3A_1931 = arith.constant 7 : i32
        %add3A_1932 = arith.addi %mul3A_1863, %add3A_1931 : i32
        %get3A_1933 = arith.index_cast %add3A_1932 : i32 to index
        %get3A_1934 = arith.constant 0 : index
        %get3A_1935 = tpu.vector_load %arg7[%get3A_1933, %get3A_1934] {strides = array<i32>} : memref<1664x16xf32, #tpu.memory_space<vmem>>, vector<1x16xf32>,
        %get3A_1936 = vector.shape_cast %get3A_1935 : vector<1x16xf32> to vector<16xf32>
        %add3A_1937 = arith.addf %add3A_1928, %get3A_1936 : vector<16xf32>
        %mul3A_1938 = arith.mulf %get3A_1936, %get3A_1936 : vector<16xf32>
        %add3A_1939 = arith.addf %add3A_1930, %mul3A_1938 : vector<16xf32>
        %add3A_1940 = arith.constant 8 : i32
        %add3A_1941 = arith.addi %mul3A_1863, %add3A_1940 : i32
        %get3A_1942 = arith.index_cast %add3A_1941 : i32 to index
        %get3A_1943 = arith.constant 0 : index
        %get3A_1944 = tpu.vector_load %arg7[%get3A_1942, %get3A_1943] {strides = array<i32>} : memref<1664x16xf32, #tpu.memory_space<vmem>>, vector<1x16xf32>,
        %get3A_1945 = vector.shape_cast %get3A_1944 : vector<1x16xf32> to vector<16xf32>
        %add3A_1946 = arith.addf %add3A_1937, %get3A_1945 : vector<16xf32>
        %mul3A_1947 = arith.mulf %get3A_1945, %get3A_1945 : vector<16xf32>
        %add3A_1948 = arith.addf %add3A_1939, %mul3A_1947 : vector<16xf32>
        %add3A_1949 = arith.constant 9 : i32
        %add3A_1950 = arith.addi %mul3A_1863, %add3A_1949 : i32
        %get3A_1951 = arith.index_cast %add3A_1950 : i32 to index
        %get3A_1952 = arith.constant 0 : index
        %get3A_1953 = tpu.vector_load %arg7[%get3A_1951, %get3A_1952] {strides = array<i32>} : memref<1664x16xf32, #tpu.memory_space<vmem>>, vector<1x16xf32>,
        %get3A_1954 = vector.shape_cast %get3A_1953 : vector<1x16xf32> to vector<16xf32>
        %add3A_1955 = arith.addf %add3A_1946, %get3A_1954 : vector<16xf32>
        %mul3A_1956 = arith.mulf %get3A_1954, %get3A_1954 : vector<16xf32>
        %add3A_1957 = arith.addf %add3A_1948, %mul3A_1956 : vector<16xf32>
        %add3A_1958 = arith.constant 10 : i32
        %add3A_1959 = arith.addi %mul3A_1863, %add3A_1958 : i32
        %get3A_1960 = arith.index_cast %add3A_1959 : i32 to index
        %get3A_1961 = arith.constant 0 : index
        %get3A_1962 = tpu.vector_load %arg7[%get3A_1960, %get3A_1961] {strides = array<i32>} : memref<1664x16xf32, #tpu.memory_space<vmem>>, vector<1x16xf32>,
        %get3A_1963 = vector.shape_cast %get3A_1962 : vector<1x16xf32> to vector<16xf32>
        %add3A_1964 = arith.addf %add3A_1955, %get3A_1963 : vector<16xf32>
        %mul3A_1965 = arith.mulf %get3A_1963, %get3A_1963 : vector<16xf32>
        %add3A_1966 = arith.addf %add3A_1957, %mul3A_1965 : vector<16xf32>
        %add3A_1967 = arith.constant 11 : i32
        %add3A_1968 = arith.addi %mul3A_1863, %add3A_1967 : i32
        %get3A_1969 = arith.index_cast %add3A_1968 : i32 to index
        %get3A_1970 = arith.constant 0 : index
        %get3A_1971 = tpu.vector_load %arg7[%get3A_1969, %get3A_1970] {strides = array<i32>} : memref<1664x16xf32, #tpu.memory_space<vmem>>, vector<1x16xf32>,
        %get3A_1972 = vector.shape_cast %get3A_1971 : vector<1x16xf32> to vector<16xf32>
        %add3A_1973 = arith.addf %add3A_1964, %get3A_1972 : vector<16xf32>
        %mul3A_1974 = arith.mulf %get3A_1972, %get3A_1972 : vector<16xf32>
        %add3A_1975 = arith.addf %add3A_1966, %mul3A_1974 : vector<16xf32>
        %add3A_1976 = arith.constant 12 : i32
        %add3A_1977 = arith.addi %mul3A_1863, %add3A_1976 : i32
        %get3A_1978 = arith.index_cast %add3A_1977 : i32 to index
        %get3A_1979 = arith.constant 0 : index
        %get3A_1980 = tpu.vector_load %arg7[%get3A_1978, %get3A_1979] {strides = array<i32>} : memref<1664x16xf32, #tpu.memory_space<vmem>>, vector<1x16xf32>,
        %get3A_1981 = vector.shape_cast %get3A_1980 : vector<1x16xf32> to vector<16xf32>
        %add3A_1982 = arith.addf %add3A_1973, %get3A_1981 : vector<16xf32>
        %mul3A_1983 = arith.mulf %get3A_1981, %get3A_1981 : vector<16xf32>
        %add3A_1984 = arith.addf %add3A_1975, %mul3A_1983 : vector<16xf32>
        %add3A_1985 = arith.constant 13 : i32
        %add3A_1986 = arith.addi %mul3A_1863, %add3A_1985 : i32
        %get3A_1987 = arith.index_cast %add3A_1986 : i32 to index
        %get3A_1988 = arith.constant 0 : index
        %get3A_1989 = tpu.vector_load %arg7[%get3A_1987, %get3A_1988] {strides = array<i32>} : memref<1664x16xf32, #tpu.memory_space<vmem>>, vector<1x16xf32>,
        %get3A_1990 = vector.shape_cast %get3A_1989 : vector<1x16xf32> to vector<16xf32>
        %add3A_1991 = arith.addf %add3A_1982, %get3A_1990 : vector<16xf32>
        %mul3A_1992 = arith.mulf %get3A_1990, %get3A_1990 : vector<16xf32>
        %add3A_1993 = arith.addf %add3A_1984, %mul3A_1992 : vector<16xf32>
        %add3A_1994 = arith.constant 14 : i32
        %add3A_1995 = arith.addi %mul3A_1863, %add3A_1994 : i32
        %get3A_1996 = arith.index_cast %add3A_1995 : i32 to index
        %get3A_1997 = arith.constant 0 : index
        %get3A_1998 = tpu.vector_load %arg7[%get3A_1996, %get3A_1997] {strides = array<i32>} : memref<1664x16xf32, #tpu.memory_space<vmem>>, vector<1x16xf32>,
        %get3A_1999 = vector.shape_cast %get3A_1998 : vector<1x16xf32> to vector<16xf32>
        %add3A_2000 = arith.addf %add3A_1991, %get3A_1999 : vector<16xf32>
        %mul3A_2001 = arith.mulf %get3A_1999, %get3A_1999 : vector<16xf32>
        %add3A_2002 = arith.addf %add3A_1993, %mul3A_2001 : vector<16xf32>
        %add3A_2003 = arith.constant 15 : i32
        %add3A_2004 = arith.addi %mul3A_1863, %add3A_2003 : i32
        %get3A_2005 = arith.index_cast %add3A_2004 : i32 to index
        %get3A_2006 = arith.constant 0 : index
        %get3A_2007 = tpu.vector_load %arg7[%get3A_2005, %get3A_2006] {strides = array<i32>} : memref<1664x16xf32, #tpu.memory_space<vmem>>, vector<1x16xf32>,
        %get3A_2008 = vector.shape_cast %get3A_2007 : vector<1x16xf32> to vector<16xf32>
        %add3A_2009 = arith.addf %add3A_2000, %get3A_2008 : vector<16xf32>
        %mul3A_2010 = arith.mulf %get3A_2008, %get3A_2008 : vector<16xf32>
        %add3A_2011 = arith.addf %add3A_2002, %mul3A_2010 : vector<16xf32>
        %add3A_2012 = arith.constant 16 : i32
        %add3A_2013 = arith.addi %mul3A_1863, %add3A_2012 : i32
        %get3A_2014 = arith.index_cast %add3A_2013 : i32 to index
        %get3A_2015 = arith.constant 0 : index
        %get3A_2016 = tpu.vector_load %arg7[%get3A_2014, %get3A_2015] {strides = array<i32>} : memref<1664x16xf32, #tpu.memory_space<vmem>>, vector<1x16xf32>,
        %get3A_2017 = vector.shape_cast %get3A_2016 : vector<1x16xf32> to vector<16xf32>
        %add3A_2018 = arith.addf %add3A_2009, %get3A_2017 : vector<16xf32>
        %mul3A_2019 = arith.mulf %get3A_2017, %get3A_2017 : vector<16xf32>
        %add3A_2020 = arith.addf %add3A_2011, %mul3A_2019 : vector<16xf32>
        %add3A_2021 = arith.constant 17 : i32
        %add3A_2022 = arith.addi %mul3A_1863, %add3A_2021 : i32
        %get3A_2023 = arith.index_cast %add3A_2022 : i32 to index
        %get3A_2024 = arith.constant 0 : index
        %get3A_2025 = tpu.vector_load %arg7[%get3A_2023, %get3A_2024] {strides = array<i32>} : memref<1664x16xf32, #tpu.memory_space<vmem>>, vector<1x16xf32>,
        %get3A_2026 = vector.shape_cast %get3A_2025 : vector<1x16xf32> to vector<16xf32>
        %add3A_2027 = arith.addf %add3A_2018, %get3A_2026 : vector<16xf32>
        %mul3A_2028 = arith.mulf %get3A_2026, %get3A_2026 : vector<16xf32>
        %add3A_2029 = arith.addf %add3A_2020, %mul3A_2028 : vector<16xf32>
        %add3A_2030 = arith.constant 18 : i32
        %add3A_2031 = arith.addi %mul3A_1863, %add3A_2030 : i32
        %get3A_2032 = arith.index_cast %add3A_2031 : i32 to index
        %get3A_2033 = arith.constant 0 : index
        %get3A_2034 = tpu.vector_load %arg7[%get3A_2032, %get3A_2033] {strides = array<i32>} : memref<1664x16xf32, #tpu.memory_space<vmem>>, vector<1x16xf32>,
        %get3A_2035 = vector.shape_cast %get3A_2034 : vector<1x16xf32> to vector<16xf32>
        %add3A_2036 = arith.addf %add3A_2027, %get3A_2035 : vector<16xf32>
        %mul3A_2037 = arith.mulf %get3A_2035, %get3A_2035 : vector<16xf32>
        %add3A_2038 = arith.addf %add3A_2029, %mul3A_2037 : vector<16xf32>
        %add3A_2039 = arith.constant 19 : i32
        %add3A_2040 = arith.addi %mul3A_1863, %add3A_2039 : i32
        %get3A_2041 = arith.index_cast %add3A_2040 : i32 to index
        %get3A_2042 = arith.constant 0 : index
        %get3A_2043 = tpu.vector_load %arg7[%get3A_2041, %get3A_2042] {strides = array<i32>} : memref<1664x16xf32, #tpu.memory_space<vmem>>, vector<1x16xf32>,
        %get3A_2044 = vector.shape_cast %get3A_2043 : vector<1x16xf32> to vector<16xf32>
        %add3A_2045 = arith.addf %add3A_2036, %get3A_2044 : vector<16xf32>
        %mul3A_2046 = arith.mulf %get3A_2044, %get3A_2044 : vector<16xf32>
        %add3A_2047 = arith.addf %add3A_2038, %mul3A_2046 : vector<16xf32>
        %add3A_2048 = arith.constant 20 : i32
        %add3A_2049 = arith.addi %mul3A_1863, %add3A_2048 : i32
        %get3A_2050 = arith.index_cast %add3A_2049 : i32 to index
        %get3A_2051 = arith.constant 0 : index
        %get3A_2052 = tpu.vector_load %arg7[%get3A_2050, %get3A_2051] {strides = array<i32>} : memref<1664x16xf32, #tpu.memory_space<vmem>>, vector<1x16xf32>,
        %get3A_2053 = vector.shape_cast %get3A_2052 : vector<1x16xf32> to vector<16xf32>
        %add3A_2054 = arith.addf %add3A_2045, %get3A_2053 : vector<16xf32>
        %mul3A_2055 = arith.mulf %get3A_2053, %get3A_2053 : vector<16xf32>
        %add3A_2056 = arith.addf %add3A_2047, %mul3A_2055 : vector<16xf32>
        %add3A_2057 = arith.constant 21 : i32
        %add3A_2058 = arith.addi %mul3A_1863, %add3A_2057 : i32
        %get3A_2059 = arith.index_cast %add3A_2058 : i32 to index
        %get3A_2060 = arith.constant 0 : index
        %get3A_2061 = tpu.vector_load %arg7[%get3A_2059, %get3A_2060] {strides = array<i32>} : memref<1664x16xf32, #tpu.memory_space<vmem>>, vector<1x16xf32>,
        %get3A_2062 = vector.shape_cast %get3A_2061 : vector<1x16xf32> to vector<16xf32>
        %add3A_2063 = arith.addf %add3A_2054, %get3A_2062 : vector<16xf32>
        %mul3A_2064 = arith.mulf %get3A_2062, %get3A_2062 : vector<16xf32>
        %add3A_2065 = arith.addf %add3A_2056, %mul3A_2064 : vector<16xf32>
        %add3A_2066 = arith.constant 22 : i32
        %add3A_2067 = arith.addi %mul3A_1863, %add3A_2066 : i32
        %get3A_2068 = arith.index_cast %add3A_2067 : i32 to index
        %get3A_2069 = arith.constant 0 : index
        %get3A_2070 = tpu.vector_load %arg7[%get3A_2068, %get3A_2069] {strides = array<i32>} : memref<1664x16xf32, #tpu.memory_space<vmem>>, vector<1x16xf32>,
        %get3A_2071 = vector.shape_cast %get3A_2070 : vector<1x16xf32> to vector<16xf32>
        %add3A_2072 = arith.addf %add3A_2063, %get3A_2071 : vector<16xf32>
        %mul3A_2073 = arith.mulf %get3A_2071, %get3A_2071 : vector<16xf32>
        %add3A_2074 = arith.addf %add3A_2065, %mul3A_2073 : vector<16xf32>
        %add3A_2075 = arith.constant 23 : i32
        %add3A_2076 = arith.addi %mul3A_1863, %add3A_2075 : i32
        %get3A_2077 = arith.index_cast %add3A_2076 : i32 to index
        %get3A_2078 = arith.constant 0 : index
        %get3A_2079 = tpu.vector_load %arg7[%get3A_2077, %get3A_2078] {strides = array<i32>} : memref<1664x16xf32, #tpu.memory_space<vmem>>, vector<1x16xf32>,
        %get3A_2080 = vector.shape_cast %get3A_2079 : vector<1x16xf32> to vector<16xf32>
        %add3A_2081 = arith.addf %add3A_2072, %get3A_2080 : vector<16xf32>
        %mul3A_2082 = arith.mulf %get3A_2080, %get3A_2080 : vector<16xf32>
        %add3A_2083 = arith.addf %add3A_2074, %mul3A_2082 : vector<16xf32>
        %add3A_2084 = arith.constant 24 : i32
        %add3A_2085 = arith.addi %mul3A_1863, %add3A_2084 : i32
        %get3A_2086 = arith.index_cast %add3A_2085 : i32 to index
        %get3A_2087 = arith.constant 0 : index
        %get3A_2088 = tpu.vector_load %arg7[%get3A_2086, %get3A_2087] {strides = array<i32>} : memref<1664x16xf32, #tpu.memory_space<vmem>>, vector<1x16xf32>,
        %get3A_2089 = vector.shape_cast %get3A_2088 : vector<1x16xf32> to vector<16xf32>
        %add3A_2090 = arith.addf %add3A_2081, %get3A_2089 : vector<16xf32>
        %mul3A_2091 = arith.mulf %get3A_2089, %get3A_2089 : vector<16xf32>
        %add3A_2092 = arith.addf %add3A_2083, %mul3A_2091 : vector<16xf32>
        %add3A_2093 = arith.constant 25 : i32
        %add3A_2094 = arith.addi %mul3A_1863, %add3A_2093 : i32
        %get3A_2095 = arith.index_cast %add3A_2094 : i32 to index
        %get3A_2096 = arith.constant 0 : index
        %get3A_2097 = tpu.vector_load %arg7[%get3A_2095, %get3A_2096] {strides = array<i32>} : memref<1664x16xf32, #tpu.memory_space<vmem>>, vector<1x16xf32>,
        %get3A_2098 = vector.shape_cast %get3A_2097 : vector<1x16xf32> to vector<16xf32>
        %add3A_2099 = arith.addf %add3A_2090, %get3A_2098 : vector<16xf32>
        %mul3A_2100 = arith.mulf %get3A_2098, %get3A_2098 : vector<16xf32>
        %add3A_2101 = arith.addf %add3A_2092, %mul3A_2100 : vector<16xf32>
        %get3A_2102 = arith.index_cast %mul3A_1863 : i32 to index
        %get3A_2103 = tpu.vector_load %arg8[%get3A_2102] {strides = array<i32>} : memref<1696xf32, #tpu.memory_space<vmem>>, vector<16xf32>,
        %get3A_2104 = vector.shape_cast %get3A_2103 : vector<16xf32> to vector<16xf32>
        %add3A_2105 = arith.constant 16 : i32
        %add3A_2106 = arith.addi %mul3A_1863, %add3A_2105 : i32
        %get3A_2107 = arith.index_cast %add3A_2106 : i32 to index
        %get3A_2108 = tpu.vector_load %arg8[%get3A_2107] {strides = array<i32>} : memref<1696xf32, #tpu.memory_space<vmem>>, vector<16xf32>,
        %get3A_2109 = vector.shape_cast %get3A_2108 : vector<16xf32> to vector<16xf32>
        %lt3A_2110 = arith.constant 10 : i32
        %lt3A_2111 = vector.broadcast %lt3A_2110 : i32 to vector<16xi32>
        %lt3A_2112 = arith.cmpi slt, %iota3A, %lt3A_2111 : vector<16xi32>
        %jit3A_2113 = arith.constant 0.000000e+00 : f32
        %broadcast_in_dim3A_2114 = vector.broadcast %jit3A_2113 : f32 to vector<16xf32>
        %select_n3A_2115 = arith.select %lt3A_2112, %get3A_2109, %broadcast_in_dim3A_2114 : vector<16xi1>, vector<16xf32>
        %mul3A_2116 = arith.mulf %add3A_2099, %add3A_2099 : vector<16xf32>
        %sub3A_2117 = arith.subf %mul3A_2116, %add3A_2101 : vector<16xf32>
        %mul3A_2118 = arith.constant 5.000000e-01 : f32
        %mul3A_2119 = vector.broadcast %mul3A_2118 : f32 to vector<16xf32>
        %mul3A_2120 = arith.mulf %mul3A_2119, %sub3A_2117 : vector<16xf32>
        %add3A_2121 = arith.addf %mul3A_2120, %get3A_2104 : vector<16xf32>
        %add3A_2122 = arith.addf %add3A_2121, %select_n3A_2115 : vector<16xf32>
        %mul3A_2123 = arith.constant 16 : i32
        %mul3A_2124 = arith.muli %scan3A_538, %mul3A_2123 : i32
        %add3A_2125 = arith.constant 6 : i32
        %add3A_2126 = arith.addi %mul3A_2124, %add3A_2125 : i32
        %mul3A_2127 = arith.constant 26 : i32
        %mul3A_2128 = arith.muli %add3A_2126, %mul3A_2127 : i32
        %broadcast_in_dim3A_2129 = arith.constant 0.000000e+00 : f32
        %broadcast_in_dim3A_2130 = vector.broadcast %broadcast_in_dim3A_2129 : f32 to vector<16xf32>
        %broadcast_in_dim3A_2131 = arith.constant 0.000000e+00 : f32
        %broadcast_in_dim3A_2132 = vector.broadcast %broadcast_in_dim3A_2131 : f32 to vector<16xf32>
        %add3A_2133 = arith.constant 0 : i32
        %add3A_2134 = arith.addi %mul3A_2128, %add3A_2133 : i32
        %get3A_2135 = arith.index_cast %add3A_2134 : i32 to index
        %get3A_2136 = arith.constant 0 : index
        %get3A_2137 = tpu.vector_load %arg7[%get3A_2135, %get3A_2136] {strides = array<i32>} : memref<1664x16xf32, #tpu.memory_space<vmem>>, vector<1x16xf32>,
        %get3A_2138 = vector.shape_cast %get3A_2137 : vector<1x16xf32> to vector<16xf32>
        %add3A_2139 = arith.addf %broadcast_in_dim3A_2130, %get3A_2138 : vector<16xf32>
        %mul3A_2140 = arith.mulf %get3A_2138, %get3A_2138 : vector<16xf32>
        %add3A_2141 = arith.addf %broadcast_in_dim3A_2132, %mul3A_2140 : vector<16xf32>
        %add3A_2142 = arith.constant 1 : i32
        %add3A_2143 = arith.addi %mul3A_2128, %add3A_2142 : i32
        %get3A_2144 = arith.index_cast %add3A_2143 : i32 to index
        %get3A_2145 = arith.constant 0 : index
        %get3A_2146 = tpu.vector_load %arg7[%get3A_2144, %get3A_2145] {strides = array<i32>} : memref<1664x16xf32, #tpu.memory_space<vmem>>, vector<1x16xf32>,
        %get3A_2147 = vector.shape_cast %get3A_2146 : vector<1x16xf32> to vector<16xf32>
        %add3A_2148 = arith.addf %add3A_2139, %get3A_2147 : vector<16xf32>
        %mul3A_2149 = arith.mulf %get3A_2147, %get3A_2147 : vector<16xf32>
        %add3A_2150 = arith.addf %add3A_2141, %mul3A_2149 : vector<16xf32>
        %add3A_2151 = arith.constant 2 : i32
        %add3A_2152 = arith.addi %mul3A_2128, %add3A_2151 : i32
        %get3A_2153 = arith.index_cast %add3A_2152 : i32 to index
        %get3A_2154 = arith.constant 0 : index
        %get3A_2155 = tpu.vector_load %arg7[%get3A_2153, %get3A_2154] {strides = array<i32>} : memref<1664x16xf32, #tpu.memory_space<vmem>>, vector<1x16xf32>,
        %get3A_2156 = vector.shape_cast %get3A_2155 : vector<1x16xf32> to vector<16xf32>
        %add3A_2157 = arith.addf %add3A_2148, %get3A_2156 : vector<16xf32>
        %mul3A_2158 = arith.mulf %get3A_2156, %get3A_2156 : vector<16xf32>
        %add3A_2159 = arith.addf %add3A_2150, %mul3A_2158 : vector<16xf32>
        %add3A_2160 = arith.constant 3 : i32
        %add3A_2161 = arith.addi %mul3A_2128, %add3A_2160 : i32
        %get3A_2162 = arith.index_cast %add3A_2161 : i32 to index
        %get3A_2163 = arith.constant 0 : index
        %get3A_2164 = tpu.vector_load %arg7[%get3A_2162, %get3A_2163] {strides = array<i32>} : memref<1664x16xf32, #tpu.memory_space<vmem>>, vector<1x16xf32>,
        %get3A_2165 = vector.shape_cast %get3A_2164 : vector<1x16xf32> to vector<16xf32>
        %add3A_2166 = arith.addf %add3A_2157, %get3A_2165 : vector<16xf32>
        %mul3A_2167 = arith.mulf %get3A_2165, %get3A_2165 : vector<16xf32>
        %add3A_2168 = arith.addf %add3A_2159, %mul3A_2167 : vector<16xf32>
        %add3A_2169 = arith.constant 4 : i32
        %add3A_2170 = arith.addi %mul3A_2128, %add3A_2169 : i32
        %get3A_2171 = arith.index_cast %add3A_2170 : i32 to index
        %get3A_2172 = arith.constant 0 : index
        %get3A_2173 = tpu.vector_load %arg7[%get3A_2171, %get3A_2172] {strides = array<i32>} : memref<1664x16xf32, #tpu.memory_space<vmem>>, vector<1x16xf32>,
        %get3A_2174 = vector.shape_cast %get3A_2173 : vector<1x16xf32> to vector<16xf32>
        %add3A_2175 = arith.addf %add3A_2166, %get3A_2174 : vector<16xf32>
        %mul3A_2176 = arith.mulf %get3A_2174, %get3A_2174 : vector<16xf32>
        %add3A_2177 = arith.addf %add3A_2168, %mul3A_2176 : vector<16xf32>
        %add3A_2178 = arith.constant 5 : i32
        %add3A_2179 = arith.addi %mul3A_2128, %add3A_2178 : i32
        %get3A_2180 = arith.index_cast %add3A_2179 : i32 to index
        %get3A_2181 = arith.constant 0 : index
        %get3A_2182 = tpu.vector_load %arg7[%get3A_2180, %get3A_2181] {strides = array<i32>} : memref<1664x16xf32, #tpu.memory_space<vmem>>, vector<1x16xf32>,
        %get3A_2183 = vector.shape_cast %get3A_2182 : vector<1x16xf32> to vector<16xf32>
        %add3A_2184 = arith.addf %add3A_2175, %get3A_2183 : vector<16xf32>
        %mul3A_2185 = arith.mulf %get3A_2183, %get3A_2183 : vector<16xf32>
        %add3A_2186 = arith.addf %add3A_2177, %mul3A_2185 : vector<16xf32>
        %add3A_2187 = arith.constant 6 : i32
        %add3A_2188 = arith.addi %mul3A_2128, %add3A_2187 : i32
        %get3A_2189 = arith.index_cast %add3A_2188 : i32 to index
        %get3A_2190 = arith.constant 0 : index
        %get3A_2191 = tpu.vector_load %arg7[%get3A_2189, %get3A_2190] {strides = array<i32>} : memref<1664x16xf32, #tpu.memory_space<vmem>>, vector<1x16xf32>,
        %get3A_2192 = vector.shape_cast %get3A_2191 : vector<1x16xf32> to vector<16xf32>
        %add3A_2193 = arith.addf %add3A_2184, %get3A_2192 : vector<16xf32>
        %mul3A_2194 = arith.mulf %get3A_2192, %get3A_2192 : vector<16xf32>
        %add3A_2195 = arith.addf %add3A_2186, %mul3A_2194 : vector<16xf32>
        %add3A_2196 = arith.constant 7 : i32
        %add3A_2197 = arith.addi %mul3A_2128, %add3A_2196 : i32
        %get3A_2198 = arith.index_cast %add3A_2197 : i32 to index
        %get3A_2199 = arith.constant 0 : index
        %get3A_2200 = tpu.vector_load %arg7[%get3A_2198, %get3A_2199] {strides = array<i32>} : memref<1664x16xf32, #tpu.memory_space<vmem>>, vector<1x16xf32>,
        %get3A_2201 = vector.shape_cast %get3A_2200 : vector<1x16xf32> to vector<16xf32>
        %add3A_2202 = arith.addf %add3A_2193, %get3A_2201 : vector<16xf32>
        %mul3A_2203 = arith.mulf %get3A_2201, %get3A_2201 : vector<16xf32>
        %add3A_2204 = arith.addf %add3A_2195, %mul3A_2203 : vector<16xf32>
        %add3A_2205 = arith.constant 8 : i32
        %add3A_2206 = arith.addi %mul3A_2128, %add3A_2205 : i32
        %get3A_2207 = arith.index_cast %add3A_2206 : i32 to index
        %get3A_2208 = arith.constant 0 : index
        %get3A_2209 = tpu.vector_load %arg7[%get3A_2207, %get3A_2208] {strides = array<i32>} : memref<1664x16xf32, #tpu.memory_space<vmem>>, vector<1x16xf32>,
        %get3A_2210 = vector.shape_cast %get3A_2209 : vector<1x16xf32> to vector<16xf32>
        %add3A_2211 = arith.addf %add3A_2202, %get3A_2210 : vector<16xf32>
        %mul3A_2212 = arith.mulf %get3A_2210, %get3A_2210 : vector<16xf32>
        %add3A_2213 = arith.addf %add3A_2204, %mul3A_2212 : vector<16xf32>
        %add3A_2214 = arith.constant 9 : i32
        %add3A_2215 = arith.addi %mul3A_2128, %add3A_2214 : i32
        %get3A_2216 = arith.index_cast %add3A_2215 : i32 to index
        %get3A_2217 = arith.constant 0 : index
        %get3A_2218 = tpu.vector_load %arg7[%get3A_2216, %get3A_2217] {strides = array<i32>} : memref<1664x16xf32, #tpu.memory_space<vmem>>, vector<1x16xf32>,
        %get3A_2219 = vector.shape_cast %get3A_2218 : vector<1x16xf32> to vector<16xf32>
        %add3A_2220 = arith.addf %add3A_2211, %get3A_2219 : vector<16xf32>
        %mul3A_2221 = arith.mulf %get3A_2219, %get3A_2219 : vector<16xf32>
        %add3A_2222 = arith.addf %add3A_2213, %mul3A_2221 : vector<16xf32>
        %add3A_2223 = arith.constant 10 : i32
        %add3A_2224 = arith.addi %mul3A_2128, %add3A_2223 : i32
        %get3A_2225 = arith.index_cast %add3A_2224 : i32 to index
        %get3A_2226 = arith.constant 0 : index
        %get3A_2227 = tpu.vector_load %arg7[%get3A_2225, %get3A_2226] {strides = array<i32>} : memref<1664x16xf32, #tpu.memory_space<vmem>>, vector<1x16xf32>,
        %get3A_2228 = vector.shape_cast %get3A_2227 : vector<1x16xf32> to vector<16xf32>
        %add3A_2229 = arith.addf %add3A_2220, %get3A_2228 : vector<16xf32>
        %mul3A_2230 = arith.mulf %get3A_2228, %get3A_2228 : vector<16xf32>
        %add3A_2231 = arith.addf %add3A_2222, %mul3A_2230 : vector<16xf32>
        %add3A_2232 = arith.constant 11 : i32
        %add3A_2233 = arith.addi %mul3A_2128, %add3A_2232 : i32
        %get3A_2234 = arith.index_cast %add3A_2233 : i32 to index
        %get3A_2235 = arith.constant 0 : index
        %get3A_2236 = tpu.vector_load %arg7[%get3A_2234, %get3A_2235] {strides = array<i32>} : memref<1664x16xf32, #tpu.memory_space<vmem>>, vector<1x16xf32>,
        %get3A_2237 = vector.shape_cast %get3A_2236 : vector<1x16xf32> to vector<16xf32>
        %add3A_2238 = arith.addf %add3A_2229, %get3A_2237 : vector<16xf32>
        %mul3A_2239 = arith.mulf %get3A_2237, %get3A_2237 : vector<16xf32>
        %add3A_2240 = arith.addf %add3A_2231, %mul3A_2239 : vector<16xf32>
        %add3A_2241 = arith.constant 12 : i32
        %add3A_2242 = arith.addi %mul3A_2128, %add3A_2241 : i32
        %get3A_2243 = arith.index_cast %add3A_2242 : i32 to index
        %get3A_2244 = arith.constant 0 : index
        %get3A_2245 = tpu.vector_load %arg7[%get3A_2243, %get3A_2244] {strides = array<i32>} : memref<1664x16xf32, #tpu.memory_space<vmem>>, vector<1x16xf32>,
        %get3A_2246 = vector.shape_cast %get3A_2245 : vector<1x16xf32> to vector<16xf32>
        %add3A_2247 = arith.addf %add3A_2238, %get3A_2246 : vector<16xf32>
        %mul3A_2248 = arith.mulf %get3A_2246, %get3A_2246 : vector<16xf32>
        %add3A_2249 = arith.addf %add3A_2240, %mul3A_2248 : vector<16xf32>
        %add3A_2250 = arith.constant 13 : i32
        %add3A_2251 = arith.addi %mul3A_2128, %add3A_2250 : i32
        %get3A_2252 = arith.index_cast %add3A_2251 : i32 to index
        %get3A_2253 = arith.constant 0 : index
        %get3A_2254 = tpu.vector_load %arg7[%get3A_2252, %get3A_2253] {strides = array<i32>} : memref<1664x16xf32, #tpu.memory_space<vmem>>, vector<1x16xf32>,
        %get3A_2255 = vector.shape_cast %get3A_2254 : vector<1x16xf32> to vector<16xf32>
        %add3A_2256 = arith.addf %add3A_2247, %get3A_2255 : vector<16xf32>
        %mul3A_2257 = arith.mulf %get3A_2255, %get3A_2255 : vector<16xf32>
        %add3A_2258 = arith.addf %add3A_2249, %mul3A_2257 : vector<16xf32>
        %add3A_2259 = arith.constant 14 : i32
        %add3A_2260 = arith.addi %mul3A_2128, %add3A_2259 : i32
        %get3A_2261 = arith.index_cast %add3A_2260 : i32 to index
        %get3A_2262 = arith.constant 0 : index
        %get3A_2263 = tpu.vector_load %arg7[%get3A_2261, %get3A_2262] {strides = array<i32>} : memref<1664x16xf32, #tpu.memory_space<vmem>>, vector<1x16xf32>,
        %get3A_2264 = vector.shape_cast %get3A_2263 : vector<1x16xf32> to vector<16xf32>
        %add3A_2265 = arith.addf %add3A_2256, %get3A_2264 : vector<16xf32>
        %mul3A_2266 = arith.mulf %get3A_2264, %get3A_2264 : vector<16xf32>
        %add3A_2267 = arith.addf %add3A_2258, %mul3A_2266 : vector<16xf32>
        %add3A_2268 = arith.constant 15 : i32
        %add3A_2269 = arith.addi %mul3A_2128, %add3A_2268 : i32
        %get3A_2270 = arith.index_cast %add3A_2269 : i32 to index
        %get3A_2271 = arith.constant 0 : index
        %get3A_2272 = tpu.vector_load %arg7[%get3A_2270, %get3A_2271] {strides = array<i32>} : memref<1664x16xf32, #tpu.memory_space<vmem>>, vector<1x16xf32>,
        %get3A_2273 = vector.shape_cast %get3A_2272 : vector<1x16xf32> to vector<16xf32>
        %add3A_2274 = arith.addf %add3A_2265, %get3A_2273 : vector<16xf32>
        %mul3A_2275 = arith.mulf %get3A_2273, %get3A_2273 : vector<16xf32>
        %add3A_2276 = arith.addf %add3A_2267, %mul3A_2275 : vector<16xf32>
        %add3A_2277 = arith.constant 16 : i32
        %add3A_2278 = arith.addi %mul3A_2128, %add3A_2277 : i32
        %get3A_2279 = arith.index_cast %add3A_2278 : i32 to index
        %get3A_2280 = arith.constant 0 : index
        %get3A_2281 = tpu.vector_load %arg7[%get3A_2279, %get3A_2280] {strides = array<i32>} : memref<1664x16xf32, #tpu.memory_space<vmem>>, vector<1x16xf32>,
        %get3A_2282 = vector.shape_cast %get3A_2281 : vector<1x16xf32> to vector<16xf32>
        %add3A_2283 = arith.addf %add3A_2274, %get3A_2282 : vector<16xf32>
        %mul3A_2284 = arith.mulf %get3A_2282, %get3A_2282 : vector<16xf32>
        %add3A_2285 = arith.addf %add3A_2276, %mul3A_2284 : vector<16xf32>
        %add3A_2286 = arith.constant 17 : i32
        %add3A_2287 = arith.addi %mul3A_2128, %add3A_2286 : i32
        %get3A_2288 = arith.index_cast %add3A_2287 : i32 to index
        %get3A_2289 = arith.constant 0 : index
        %get3A_2290 = tpu.vector_load %arg7[%get3A_2288, %get3A_2289] {strides = array<i32>} : memref<1664x16xf32, #tpu.memory_space<vmem>>, vector<1x16xf32>,
        %get3A_2291 = vector.shape_cast %get3A_2290 : vector<1x16xf32> to vector<16xf32>
        %add3A_2292 = arith.addf %add3A_2283, %get3A_2291 : vector<16xf32>
        %mul3A_2293 = arith.mulf %get3A_2291, %get3A_2291 : vector<16xf32>
        %add3A_2294 = arith.addf %add3A_2285, %mul3A_2293 : vector<16xf32>
        %add3A_2295 = arith.constant 18 : i32
        %add3A_2296 = arith.addi %mul3A_2128, %add3A_2295 : i32
        %get3A_2297 = arith.index_cast %add3A_2296 : i32 to index
        %get3A_2298 = arith.constant 0 : index
        %get3A_2299 = tpu.vector_load %arg7[%get3A_2297, %get3A_2298] {strides = array<i32>} : memref<1664x16xf32, #tpu.memory_space<vmem>>, vector<1x16xf32>,
        %get3A_2300 = vector.shape_cast %get3A_2299 : vector<1x16xf32> to vector<16xf32>
        %add3A_2301 = arith.addf %add3A_2292, %get3A_2300 : vector<16xf32>
        %mul3A_2302 = arith.mulf %get3A_2300, %get3A_2300 : vector<16xf32>
        %add3A_2303 = arith.addf %add3A_2294, %mul3A_2302 : vector<16xf32>
        %add3A_2304 = arith.constant 19 : i32
        %add3A_2305 = arith.addi %mul3A_2128, %add3A_2304 : i32
        %get3A_2306 = arith.index_cast %add3A_2305 : i32 to index
        %get3A_2307 = arith.constant 0 : index
        %get3A_2308 = tpu.vector_load %arg7[%get3A_2306, %get3A_2307] {strides = array<i32>} : memref<1664x16xf32, #tpu.memory_space<vmem>>, vector<1x16xf32>,
        %get3A_2309 = vector.shape_cast %get3A_2308 : vector<1x16xf32> to vector<16xf32>
        %add3A_2310 = arith.addf %add3A_2301, %get3A_2309 : vector<16xf32>
        %mul3A_2311 = arith.mulf %get3A_2309, %get3A_2309 : vector<16xf32>
        %add3A_2312 = arith.addf %add3A_2303, %mul3A_2311 : vector<16xf32>
        %add3A_2313 = arith.constant 20 : i32
        %add3A_2314 = arith.addi %mul3A_2128, %add3A_2313 : i32
        %get3A_2315 = arith.index_cast %add3A_2314 : i32 to index
        %get3A_2316 = arith.constant 0 : index
        %get3A_2317 = tpu.vector_load %arg7[%get3A_2315, %get3A_2316] {strides = array<i32>} : memref<1664x16xf32, #tpu.memory_space<vmem>>, vector<1x16xf32>,
        %get3A_2318 = vector.shape_cast %get3A_2317 : vector<1x16xf32> to vector<16xf32>
        %add3A_2319 = arith.addf %add3A_2310, %get3A_2318 : vector<16xf32>
        %mul3A_2320 = arith.mulf %get3A_2318, %get3A_2318 : vector<16xf32>
        %add3A_2321 = arith.addf %add3A_2312, %mul3A_2320 : vector<16xf32>
        %add3A_2322 = arith.constant 21 : i32
        %add3A_2323 = arith.addi %mul3A_2128, %add3A_2322 : i32
        %get3A_2324 = arith.index_cast %add3A_2323 : i32 to index
        %get3A_2325 = arith.constant 0 : index
        %get3A_2326 = tpu.vector_load %arg7[%get3A_2324, %get3A_2325] {strides = array<i32>} : memref<1664x16xf32, #tpu.memory_space<vmem>>, vector<1x16xf32>,
        %get3A_2327 = vector.shape_cast %get3A_2326 : vector<1x16xf32> to vector<16xf32>
        %add3A_2328 = arith.addf %add3A_2319, %get3A_2327 : vector<16xf32>
        %mul3A_2329 = arith.mulf %get3A_2327, %get3A_2327 : vector<16xf32>
        %add3A_2330 = arith.addf %add3A_2321, %mul3A_2329 : vector<16xf32>
        %add3A_2331 = arith.constant 22 : i32
        %add3A_2332 = arith.addi %mul3A_2128, %add3A_2331 : i32
        %get3A_2333 = arith.index_cast %add3A_2332 : i32 to index
        %get3A_2334 = arith.constant 0 : index
        %get3A_2335 = tpu.vector_load %arg7[%get3A_2333, %get3A_2334] {strides = array<i32>} : memref<1664x16xf32, #tpu.memory_space<vmem>>, vector<1x16xf32>,
        %get3A_2336 = vector.shape_cast %get3A_2335 : vector<1x16xf32> to vector<16xf32>
        %add3A_2337 = arith.addf %add3A_2328, %get3A_2336 : vector<16xf32>
        %mul3A_2338 = arith.mulf %get3A_2336, %get3A_2336 : vector<16xf32>
        %add3A_2339 = arith.addf %add3A_2330, %mul3A_2338 : vector<16xf32>
        %add3A_2340 = arith.constant 23 : i32
        %add3A_2341 = arith.addi %mul3A_2128, %add3A_2340 : i32
        %get3A_2342 = arith.index_cast %add3A_2341 : i32 to index
        %get3A_2343 = arith.constant 0 : index
        %get3A_2344 = tpu.vector_load %arg7[%get3A_2342, %get3A_2343] {strides = array<i32>} : memref<1664x16xf32, #tpu.memory_space<vmem>>, vector<1x16xf32>,
        %get3A_2345 = vector.shape_cast %get3A_2344 : vector<1x16xf32> to vector<16xf32>
        %add3A_2346 = arith.addf %add3A_2337, %get3A_2345 : vector<16xf32>
        %mul3A_2347 = arith.mulf %get3A_2345, %get3A_2345 : vector<16xf32>
        %add3A_2348 = arith.addf %add3A_2339, %mul3A_2347 : vector<16xf32>
        %add3A_2349 = arith.constant 24 : i32
        %add3A_2350 = arith.addi %mul3A_2128, %add3A_2349 : i32
        %get3A_2351 = arith.index_cast %add3A_2350 : i32 to index
        %get3A_2352 = arith.constant 0 : index
        %get3A_2353 = tpu.vector_load %arg7[%get3A_2351, %get3A_2352] {strides = array<i32>} : memref<1664x16xf32, #tpu.memory_space<vmem>>, vector<1x16xf32>,
        %get3A_2354 = vector.shape_cast %get3A_2353 : vector<1x16xf32> to vector<16xf32>
        %add3A_2355 = arith.addf %add3A_2346, %get3A_2354 : vector<16xf32>
        %mul3A_2356 = arith.mulf %get3A_2354, %get3A_2354 : vector<16xf32>
        %add3A_2357 = arith.addf %add3A_2348, %mul3A_2356 : vector<16xf32>
        %add3A_2358 = arith.constant 25 : i32
        %add3A_2359 = arith.addi %mul3A_2128, %add3A_2358 : i32
        %get3A_2360 = arith.index_cast %add3A_2359 : i32 to index
        %get3A_2361 = arith.constant 0 : index
        %get3A_2362 = tpu.vector_load %arg7[%get3A_2360, %get3A_2361] {strides = array<i32>} : memref<1664x16xf32, #tpu.memory_space<vmem>>, vector<1x16xf32>,
        %get3A_2363 = vector.shape_cast %get3A_2362 : vector<1x16xf32> to vector<16xf32>
        %add3A_2364 = arith.addf %add3A_2355, %get3A_2363 : vector<16xf32>
        %mul3A_2365 = arith.mulf %get3A_2363, %get3A_2363 : vector<16xf32>
        %add3A_2366 = arith.addf %add3A_2357, %mul3A_2365 : vector<16xf32>
        %get3A_2367 = arith.index_cast %mul3A_2128 : i32 to index
        %get3A_2368 = tpu.vector_load %arg8[%get3A_2367] {strides = array<i32>} : memref<1696xf32, #tpu.memory_space<vmem>>, vector<16xf32>,
        %get3A_2369 = vector.shape_cast %get3A_2368 : vector<16xf32> to vector<16xf32>
        %add3A_2370 = arith.constant 16 : i32
        %add3A_2371 = arith.addi %mul3A_2128, %add3A_2370 : i32
        %get3A_2372 = arith.index_cast %add3A_2371 : i32 to index
        %get3A_2373 = tpu.vector_load %arg8[%get3A_2372] {strides = array<i32>} : memref<1696xf32, #tpu.memory_space<vmem>>, vector<16xf32>,
        %get3A_2374 = vector.shape_cast %get3A_2373 : vector<16xf32> to vector<16xf32>
        %lt3A_2375 = arith.constant 10 : i32
        %lt3A_2376 = vector.broadcast %lt3A_2375 : i32 to vector<16xi32>
        %lt3A_2377 = arith.cmpi slt, %iota3A, %lt3A_2376 : vector<16xi32>
        %jit3A_2378 = arith.constant 0.000000e+00 : f32
        %broadcast_in_dim3A_2379 = vector.broadcast %jit3A_2378 : f32 to vector<16xf32>
        %select_n3A_2380 = arith.select %lt3A_2377, %get3A_2374, %broadcast_in_dim3A_2379 : vector<16xi1>, vector<16xf32>
        %mul3A_2381 = arith.mulf %add3A_2364, %add3A_2364 : vector<16xf32>
        %sub3A_2382 = arith.subf %mul3A_2381, %add3A_2366 : vector<16xf32>
        %mul3A_2383 = arith.constant 5.000000e-01 : f32
        %mul3A_2384 = vector.broadcast %mul3A_2383 : f32 to vector<16xf32>
        %mul3A_2385 = arith.mulf %mul3A_2384, %sub3A_2382 : vector<16xf32>
        %add3A_2386 = arith.addf %mul3A_2385, %get3A_2369 : vector<16xf32>
        %add3A_2387 = arith.addf %add3A_2386, %select_n3A_2380 : vector<16xf32>
        %mul3A_2388 = arith.constant 16 : i32
        %mul3A_2389 = arith.muli %scan3A_538, %mul3A_2388 : i32
        %add3A_2390 = arith.constant 7 : i32
        %add3A_2391 = arith.addi %mul3A_2389, %add3A_2390 : i32
        %mul3A_2392 = arith.constant 26 : i32
        %mul3A_2393 = arith.muli %add3A_2391, %mul3A_2392 : i32
        %broadcast_in_dim3A_2394 = arith.constant 0.000000e+00 : f32
        %broadcast_in_dim3A_2395 = vector.broadcast %broadcast_in_dim3A_2394 : f32 to vector<16xf32>
        %broadcast_in_dim3A_2396 = arith.constant 0.000000e+00 : f32
        %broadcast_in_dim3A_2397 = vector.broadcast %broadcast_in_dim3A_2396 : f32 to vector<16xf32>
        %add3A_2398 = arith.constant 0 : i32
        %add3A_2399 = arith.addi %mul3A_2393, %add3A_2398 : i32
        %get3A_2400 = arith.index_cast %add3A_2399 : i32 to index
        %get3A_2401 = arith.constant 0 : index
        %get3A_2402 = tpu.vector_load %arg7[%get3A_2400, %get3A_2401] {strides = array<i32>} : memref<1664x16xf32, #tpu.memory_space<vmem>>, vector<1x16xf32>,
        %get3A_2403 = vector.shape_cast %get3A_2402 : vector<1x16xf32> to vector<16xf32>
        %add3A_2404 = arith.addf %broadcast_in_dim3A_2395, %get3A_2403 : vector<16xf32>
        %mul3A_2405 = arith.mulf %get3A_2403, %get3A_2403 : vector<16xf32>
        %add3A_2406 = arith.addf %broadcast_in_dim3A_2397, %mul3A_2405 : vector<16xf32>
        %add3A_2407 = arith.constant 1 : i32
        %add3A_2408 = arith.addi %mul3A_2393, %add3A_2407 : i32
        %get3A_2409 = arith.index_cast %add3A_2408 : i32 to index
        %get3A_2410 = arith.constant 0 : index
        %get3A_2411 = tpu.vector_load %arg7[%get3A_2409, %get3A_2410] {strides = array<i32>} : memref<1664x16xf32, #tpu.memory_space<vmem>>, vector<1x16xf32>,
        %get3A_2412 = vector.shape_cast %get3A_2411 : vector<1x16xf32> to vector<16xf32>
        %add3A_2413 = arith.addf %add3A_2404, %get3A_2412 : vector<16xf32>
        %mul3A_2414 = arith.mulf %get3A_2412, %get3A_2412 : vector<16xf32>
        %add3A_2415 = arith.addf %add3A_2406, %mul3A_2414 : vector<16xf32>
        %add3A_2416 = arith.constant 2 : i32
        %add3A_2417 = arith.addi %mul3A_2393, %add3A_2416 : i32
        %get3A_2418 = arith.index_cast %add3A_2417 : i32 to index
        %get3A_2419 = arith.constant 0 : index
        %get3A_2420 = tpu.vector_load %arg7[%get3A_2418, %get3A_2419] {strides = array<i32>} : memref<1664x16xf32, #tpu.memory_space<vmem>>, vector<1x16xf32>,
        %get3A_2421 = vector.shape_cast %get3A_2420 : vector<1x16xf32> to vector<16xf32>
        %add3A_2422 = arith.addf %add3A_2413, %get3A_2421 : vector<16xf32>
        %mul3A_2423 = arith.mulf %get3A_2421, %get3A_2421 : vector<16xf32>
        %add3A_2424 = arith.addf %add3A_2415, %mul3A_2423 : vector<16xf32>
        %add3A_2425 = arith.constant 3 : i32
        %add3A_2426 = arith.addi %mul3A_2393, %add3A_2425 : i32
        %get3A_2427 = arith.index_cast %add3A_2426 : i32 to index
        %get3A_2428 = arith.constant 0 : index
        %get3A_2429 = tpu.vector_load %arg7[%get3A_2427, %get3A_2428] {strides = array<i32>} : memref<1664x16xf32, #tpu.memory_space<vmem>>, vector<1x16xf32>,
        %get3A_2430 = vector.shape_cast %get3A_2429 : vector<1x16xf32> to vector<16xf32>
        %add3A_2431 = arith.addf %add3A_2422, %get3A_2430 : vector<16xf32>
        %mul3A_2432 = arith.mulf %get3A_2430, %get3A_2430 : vector<16xf32>
        %add3A_2433 = arith.addf %add3A_2424, %mul3A_2432 : vector<16xf32>
        %add3A_2434 = arith.constant 4 : i32
        %add3A_2435 = arith.addi %mul3A_2393, %add3A_2434 : i32
        %get3A_2436 = arith.index_cast %add3A_2435 : i32 to index
        %get3A_2437 = arith.constant 0 : index
        %get3A_2438 = tpu.vector_load %arg7[%get3A_2436, %get3A_2437] {strides = array<i32>} : memref<1664x16xf32, #tpu.memory_space<vmem>>, vector<1x16xf32>,
        %get3A_2439 = vector.shape_cast %get3A_2438 : vector<1x16xf32> to vector<16xf32>
        %add3A_2440 = arith.addf %add3A_2431, %get3A_2439 : vector<16xf32>
        %mul3A_2441 = arith.mulf %get3A_2439, %get3A_2439 : vector<16xf32>
        %add3A_2442 = arith.addf %add3A_2433, %mul3A_2441 : vector<16xf32>
        %add3A_2443 = arith.constant 5 : i32
        %add3A_2444 = arith.addi %mul3A_2393, %add3A_2443 : i32
        %get3A_2445 = arith.index_cast %add3A_2444 : i32 to index
        %get3A_2446 = arith.constant 0 : index
        %get3A_2447 = tpu.vector_load %arg7[%get3A_2445, %get3A_2446] {strides = array<i32>} : memref<1664x16xf32, #tpu.memory_space<vmem>>, vector<1x16xf32>,
        %get3A_2448 = vector.shape_cast %get3A_2447 : vector<1x16xf32> to vector<16xf32>
        %add3A_2449 = arith.addf %add3A_2440, %get3A_2448 : vector<16xf32>
        %mul3A_2450 = arith.mulf %get3A_2448, %get3A_2448 : vector<16xf32>
        %add3A_2451 = arith.addf %add3A_2442, %mul3A_2450 : vector<16xf32>
        %add3A_2452 = arith.constant 6 : i32
        %add3A_2453 = arith.addi %mul3A_2393, %add3A_2452 : i32
        %get3A_2454 = arith.index_cast %add3A_2453 : i32 to index
        %get3A_2455 = arith.constant 0 : index
        %get3A_2456 = tpu.vector_load %arg7[%get3A_2454, %get3A_2455] {strides = array<i32>} : memref<1664x16xf32, #tpu.memory_space<vmem>>, vector<1x16xf32>,
        %get3A_2457 = vector.shape_cast %get3A_2456 : vector<1x16xf32> to vector<16xf32>
        %add3A_2458 = arith.addf %add3A_2449, %get3A_2457 : vector<16xf32>
        %mul3A_2459 = arith.mulf %get3A_2457, %get3A_2457 : vector<16xf32>
        %add3A_2460 = arith.addf %add3A_2451, %mul3A_2459 : vector<16xf32>
        %add3A_2461 = arith.constant 7 : i32
        %add3A_2462 = arith.addi %mul3A_2393, %add3A_2461 : i32
        %get3A_2463 = arith.index_cast %add3A_2462 : i32 to index
        %get3A_2464 = arith.constant 0 : index
        %get3A_2465 = tpu.vector_load %arg7[%get3A_2463, %get3A_2464] {strides = array<i32>} : memref<1664x16xf32, #tpu.memory_space<vmem>>, vector<1x16xf32>,
        %get3A_2466 = vector.shape_cast %get3A_2465 : vector<1x16xf32> to vector<16xf32>
        %add3A_2467 = arith.addf %add3A_2458, %get3A_2466 : vector<16xf32>
        %mul3A_2468 = arith.mulf %get3A_2466, %get3A_2466 : vector<16xf32>
        %add3A_2469 = arith.addf %add3A_2460, %mul3A_2468 : vector<16xf32>
        %add3A_2470 = arith.constant 8 : i32
        %add3A_2471 = arith.addi %mul3A_2393, %add3A_2470 : i32
        %get3A_2472 = arith.index_cast %add3A_2471 : i32 to index
        %get3A_2473 = arith.constant 0 : index
        %get3A_2474 = tpu.vector_load %arg7[%get3A_2472, %get3A_2473] {strides = array<i32>} : memref<1664x16xf32, #tpu.memory_space<vmem>>, vector<1x16xf32>,
        %get3A_2475 = vector.shape_cast %get3A_2474 : vector<1x16xf32> to vector<16xf32>
        %add3A_2476 = arith.addf %add3A_2467, %get3A_2475 : vector<16xf32>
        %mul3A_2477 = arith.mulf %get3A_2475, %get3A_2475 : vector<16xf32>
        %add3A_2478 = arith.addf %add3A_2469, %mul3A_2477 : vector<16xf32>
        %add3A_2479 = arith.constant 9 : i32
        %add3A_2480 = arith.addi %mul3A_2393, %add3A_2479 : i32
        %get3A_2481 = arith.index_cast %add3A_2480 : i32 to index
        %get3A_2482 = arith.constant 0 : index
        %get3A_2483 = tpu.vector_load %arg7[%get3A_2481, %get3A_2482] {strides = array<i32>} : memref<1664x16xf32, #tpu.memory_space<vmem>>, vector<1x16xf32>,
        %get3A_2484 = vector.shape_cast %get3A_2483 : vector<1x16xf32> to vector<16xf32>
        %add3A_2485 = arith.addf %add3A_2476, %get3A_2484 : vector<16xf32>
        %mul3A_2486 = arith.mulf %get3A_2484, %get3A_2484 : vector<16xf32>
        %add3A_2487 = arith.addf %add3A_2478, %mul3A_2486 : vector<16xf32>
        %add3A_2488 = arith.constant 10 : i32
        %add3A_2489 = arith.addi %mul3A_2393, %add3A_2488 : i32
        %get3A_2490 = arith.index_cast %add3A_2489 : i32 to index
        %get3A_2491 = arith.constant 0 : index
        %get3A_2492 = tpu.vector_load %arg7[%get3A_2490, %get3A_2491] {strides = array<i32>} : memref<1664x16xf32, #tpu.memory_space<vmem>>, vector<1x16xf32>,
        %get3A_2493 = vector.shape_cast %get3A_2492 : vector<1x16xf32> to vector<16xf32>
        %add3A_2494 = arith.addf %add3A_2485, %get3A_2493 : vector<16xf32>
        %mul3A_2495 = arith.mulf %get3A_2493, %get3A_2493 : vector<16xf32>
        %add3A_2496 = arith.addf %add3A_2487, %mul3A_2495 : vector<16xf32>
        %add3A_2497 = arith.constant 11 : i32
        %add3A_2498 = arith.addi %mul3A_2393, %add3A_2497 : i32
        %get3A_2499 = arith.index_cast %add3A_2498 : i32 to index
        %get3A_2500 = arith.constant 0 : index
        %get3A_2501 = tpu.vector_load %arg7[%get3A_2499, %get3A_2500] {strides = array<i32>} : memref<1664x16xf32, #tpu.memory_space<vmem>>, vector<1x16xf32>,
        %get3A_2502 = vector.shape_cast %get3A_2501 : vector<1x16xf32> to vector<16xf32>
        %add3A_2503 = arith.addf %add3A_2494, %get3A_2502 : vector<16xf32>
        %mul3A_2504 = arith.mulf %get3A_2502, %get3A_2502 : vector<16xf32>
        %add3A_2505 = arith.addf %add3A_2496, %mul3A_2504 : vector<16xf32>
        %add3A_2506 = arith.constant 12 : i32
        %add3A_2507 = arith.addi %mul3A_2393, %add3A_2506 : i32
        %get3A_2508 = arith.index_cast %add3A_2507 : i32 to index
        %get3A_2509 = arith.constant 0 : index
        %get3A_2510 = tpu.vector_load %arg7[%get3A_2508, %get3A_2509] {strides = array<i32>} : memref<1664x16xf32, #tpu.memory_space<vmem>>, vector<1x16xf32>,
        %get3A_2511 = vector.shape_cast %get3A_2510 : vector<1x16xf32> to vector<16xf32>
        %add3A_2512 = arith.addf %add3A_2503, %get3A_2511 : vector<16xf32>
        %mul3A_2513 = arith.mulf %get3A_2511, %get3A_2511 : vector<16xf32>
        %add3A_2514 = arith.addf %add3A_2505, %mul3A_2513 : vector<16xf32>
        %add3A_2515 = arith.constant 13 : i32
        %add3A_2516 = arith.addi %mul3A_2393, %add3A_2515 : i32
        %get3A_2517 = arith.index_cast %add3A_2516 : i32 to index
        %get3A_2518 = arith.constant 0 : index
        %get3A_2519 = tpu.vector_load %arg7[%get3A_2517, %get3A_2518] {strides = array<i32>} : memref<1664x16xf32, #tpu.memory_space<vmem>>, vector<1x16xf32>,
        %get3A_2520 = vector.shape_cast %get3A_2519 : vector<1x16xf32> to vector<16xf32>
        %add3A_2521 = arith.addf %add3A_2512, %get3A_2520 : vector<16xf32>
        %mul3A_2522 = arith.mulf %get3A_2520, %get3A_2520 : vector<16xf32>
        %add3A_2523 = arith.addf %add3A_2514, %mul3A_2522 : vector<16xf32>
        %add3A_2524 = arith.constant 14 : i32
        %add3A_2525 = arith.addi %mul3A_2393, %add3A_2524 : i32
        %get3A_2526 = arith.index_cast %add3A_2525 : i32 to index
        %get3A_2527 = arith.constant 0 : index
        %get3A_2528 = tpu.vector_load %arg7[%get3A_2526, %get3A_2527] {strides = array<i32>} : memref<1664x16xf32, #tpu.memory_space<vmem>>, vector<1x16xf32>,
        %get3A_2529 = vector.shape_cast %get3A_2528 : vector<1x16xf32> to vector<16xf32>
        %add3A_2530 = arith.addf %add3A_2521, %get3A_2529 : vector<16xf32>
        %mul3A_2531 = arith.mulf %get3A_2529, %get3A_2529 : vector<16xf32>
        %add3A_2532 = arith.addf %add3A_2523, %mul3A_2531 : vector<16xf32>
        %add3A_2533 = arith.constant 15 : i32
        %add3A_2534 = arith.addi %mul3A_2393, %add3A_2533 : i32
        %get3A_2535 = arith.index_cast %add3A_2534 : i32 to index
        %get3A_2536 = arith.constant 0 : index
        %get3A_2537 = tpu.vector_load %arg7[%get3A_2535, %get3A_2536] {strides = array<i32>} : memref<1664x16xf32, #tpu.memory_space<vmem>>, vector<1x16xf32>,
        %get3A_2538 = vector.shape_cast %get3A_2537 : vector<1x16xf32> to vector<16xf32>
        %add3A_2539 = arith.addf %add3A_2530, %get3A_2538 : vector<16xf32>
        %mul3A_2540 = arith.mulf %get3A_2538, %get3A_2538 : vector<16xf32>
        %add3A_2541 = arith.addf %add3A_2532, %mul3A_2540 : vector<16xf32>
        %add3A_2542 = arith.constant 16 : i32
        %add3A_2543 = arith.addi %mul3A_2393, %add3A_2542 : i32
        %get3A_2544 = arith.index_cast %add3A_2543 : i32 to index
        %get3A_2545 = arith.constant 0 : index
        %get3A_2546 = tpu.vector_load %arg7[%get3A_2544, %get3A_2545] {strides = array<i32>} : memref<1664x16xf32, #tpu.memory_space<vmem>>, vector<1x16xf32>,
        %get3A_2547 = vector.shape_cast %get3A_2546 : vector<1x16xf32> to vector<16xf32>
        %add3A_2548 = arith.addf %add3A_2539, %get3A_2547 : vector<16xf32>
        %mul3A_2549 = arith.mulf %get3A_2547, %get3A_2547 : vector<16xf32>
        %add3A_2550 = arith.addf %add3A_2541, %mul3A_2549 : vector<16xf32>
        %add3A_2551 = arith.constant 17 : i32
        %add3A_2552 = arith.addi %mul3A_2393, %add3A_2551 : i32
        %get3A_2553 = arith.index_cast %add3A_2552 : i32 to index
        %get3A_2554 = arith.constant 0 : index
        %get3A_2555 = tpu.vector_load %arg7[%get3A_2553, %get3A_2554] {strides = array<i32>} : memref<1664x16xf32, #tpu.memory_space<vmem>>, vector<1x16xf32>,
        %get3A_2556 = vector.shape_cast %get3A_2555 : vector<1x16xf32> to vector<16xf32>
        %add3A_2557 = arith.addf %add3A_2548, %get3A_2556 : vector<16xf32>
        %mul3A_2558 = arith.mulf %get3A_2556, %get3A_2556 : vector<16xf32>
        %add3A_2559 = arith.addf %add3A_2550, %mul3A_2558 : vector<16xf32>
        %add3A_2560 = arith.constant 18 : i32
        %add3A_2561 = arith.addi %mul3A_2393, %add3A_2560 : i32
        %get3A_2562 = arith.index_cast %add3A_2561 : i32 to index
        %get3A_2563 = arith.constant 0 : index
        %get3A_2564 = tpu.vector_load %arg7[%get3A_2562, %get3A_2563] {strides = array<i32>} : memref<1664x16xf32, #tpu.memory_space<vmem>>, vector<1x16xf32>,
        %get3A_2565 = vector.shape_cast %get3A_2564 : vector<1x16xf32> to vector<16xf32>
        %add3A_2566 = arith.addf %add3A_2557, %get3A_2565 : vector<16xf32>
        %mul3A_2567 = arith.mulf %get3A_2565, %get3A_2565 : vector<16xf32>
        %add3A_2568 = arith.addf %add3A_2559, %mul3A_2567 : vector<16xf32>
        %add3A_2569 = arith.constant 19 : i32
        %add3A_2570 = arith.addi %mul3A_2393, %add3A_2569 : i32
        %get3A_2571 = arith.index_cast %add3A_2570 : i32 to index
        %get3A_2572 = arith.constant 0 : index
        %get3A_2573 = tpu.vector_load %arg7[%get3A_2571, %get3A_2572] {strides = array<i32>} : memref<1664x16xf32, #tpu.memory_space<vmem>>, vector<1x16xf32>,
        %get3A_2574 = vector.shape_cast %get3A_2573 : vector<1x16xf32> to vector<16xf32>
        %add3A_2575 = arith.addf %add3A_2566, %get3A_2574 : vector<16xf32>
        %mul3A_2576 = arith.mulf %get3A_2574, %get3A_2574 : vector<16xf32>
        %add3A_2577 = arith.addf %add3A_2568, %mul3A_2576 : vector<16xf32>
        %add3A_2578 = arith.constant 20 : i32
        %add3A_2579 = arith.addi %mul3A_2393, %add3A_2578 : i32
        %get3A_2580 = arith.index_cast %add3A_2579 : i32 to index
        %get3A_2581 = arith.constant 0 : index
        %get3A_2582 = tpu.vector_load %arg7[%get3A_2580, %get3A_2581] {strides = array<i32>} : memref<1664x16xf32, #tpu.memory_space<vmem>>, vector<1x16xf32>,
        %get3A_2583 = vector.shape_cast %get3A_2582 : vector<1x16xf32> to vector<16xf32>
        %add3A_2584 = arith.addf %add3A_2575, %get3A_2583 : vector<16xf32>
        %mul3A_2585 = arith.mulf %get3A_2583, %get3A_2583 : vector<16xf32>
        %add3A_2586 = arith.addf %add3A_2577, %mul3A_2585 : vector<16xf32>
        %add3A_2587 = arith.constant 21 : i32
        %add3A_2588 = arith.addi %mul3A_2393, %add3A_2587 : i32
        %get3A_2589 = arith.index_cast %add3A_2588 : i32 to index
        %get3A_2590 = arith.constant 0 : index
        %get3A_2591 = tpu.vector_load %arg7[%get3A_2589, %get3A_2590] {strides = array<i32>} : memref<1664x16xf32, #tpu.memory_space<vmem>>, vector<1x16xf32>,
        %get3A_2592 = vector.shape_cast %get3A_2591 : vector<1x16xf32> to vector<16xf32>
        %add3A_2593 = arith.addf %add3A_2584, %get3A_2592 : vector<16xf32>
        %mul3A_2594 = arith.mulf %get3A_2592, %get3A_2592 : vector<16xf32>
        %add3A_2595 = arith.addf %add3A_2586, %mul3A_2594 : vector<16xf32>
        %add3A_2596 = arith.constant 22 : i32
        %add3A_2597 = arith.addi %mul3A_2393, %add3A_2596 : i32
        %get3A_2598 = arith.index_cast %add3A_2597 : i32 to index
        %get3A_2599 = arith.constant 0 : index
        %get3A_2600 = tpu.vector_load %arg7[%get3A_2598, %get3A_2599] {strides = array<i32>} : memref<1664x16xf32, #tpu.memory_space<vmem>>, vector<1x16xf32>,
        %get3A_2601 = vector.shape_cast %get3A_2600 : vector<1x16xf32> to vector<16xf32>
        %add3A_2602 = arith.addf %add3A_2593, %get3A_2601 : vector<16xf32>
        %mul3A_2603 = arith.mulf %get3A_2601, %get3A_2601 : vector<16xf32>
        %add3A_2604 = arith.addf %add3A_2595, %mul3A_2603 : vector<16xf32>
        %add3A_2605 = arith.constant 23 : i32
        %add3A_2606 = arith.addi %mul3A_2393, %add3A_2605 : i32
        %get3A_2607 = arith.index_cast %add3A_2606 : i32 to index
        %get3A_2608 = arith.constant 0 : index
        %get3A_2609 = tpu.vector_load %arg7[%get3A_2607, %get3A_2608] {strides = array<i32>} : memref<1664x16xf32, #tpu.memory_space<vmem>>, vector<1x16xf32>,
        %get3A_2610 = vector.shape_cast %get3A_2609 : vector<1x16xf32> to vector<16xf32>
        %add3A_2611 = arith.addf %add3A_2602, %get3A_2610 : vector<16xf32>
        %mul3A_2612 = arith.mulf %get3A_2610, %get3A_2610 : vector<16xf32>
        %add3A_2613 = arith.addf %add3A_2604, %mul3A_2612 : vector<16xf32>
        %add3A_2614 = arith.constant 24 : i32
        %add3A_2615 = arith.addi %mul3A_2393, %add3A_2614 : i32
        %get3A_2616 = arith.index_cast %add3A_2615 : i32 to index
        %get3A_2617 = arith.constant 0 : index
        %get3A_2618 = tpu.vector_load %arg7[%get3A_2616, %get3A_2617] {strides = array<i32>} : memref<1664x16xf32, #tpu.memory_space<vmem>>, vector<1x16xf32>,
        %get3A_2619 = vector.shape_cast %get3A_2618 : vector<1x16xf32> to vector<16xf32>
        %add3A_2620 = arith.addf %add3A_2611, %get3A_2619 : vector<16xf32>
        %mul3A_2621 = arith.mulf %get3A_2619, %get3A_2619 : vector<16xf32>
        %add3A_2622 = arith.addf %add3A_2613, %mul3A_2621 : vector<16xf32>
        %add3A_2623 = arith.constant 25 : i32
        %add3A_2624 = arith.addi %mul3A_2393, %add3A_2623 : i32
        %get3A_2625 = arith.index_cast %add3A_2624 : i32 to index
        %get3A_2626 = arith.constant 0 : index
        %get3A_2627 = tpu.vector_load %arg7[%get3A_2625, %get3A_2626] {strides = array<i32>} : memref<1664x16xf32, #tpu.memory_space<vmem>>, vector<1x16xf32>,
        %get3A_2628 = vector.shape_cast %get3A_2627 : vector<1x16xf32> to vector<16xf32>
        %add3A_2629 = arith.addf %add3A_2620, %get3A_2628 : vector<16xf32>
        %mul3A_2630 = arith.mulf %get3A_2628, %get3A_2628 : vector<16xf32>
        %add3A_2631 = arith.addf %add3A_2622, %mul3A_2630 : vector<16xf32>
        %get3A_2632 = arith.index_cast %mul3A_2393 : i32 to index
        %get3A_2633 = tpu.vector_load %arg8[%get3A_2632] {strides = array<i32>} : memref<1696xf32, #tpu.memory_space<vmem>>, vector<16xf32>,
        %get3A_2634 = vector.shape_cast %get3A_2633 : vector<16xf32> to vector<16xf32>
        %add3A_2635 = arith.constant 16 : i32
        %add3A_2636 = arith.addi %mul3A_2393, %add3A_2635 : i32
        %get3A_2637 = arith.index_cast %add3A_2636 : i32 to index
        %get3A_2638 = tpu.vector_load %arg8[%get3A_2637] {strides = array<i32>} : memref<1696xf32, #tpu.memory_space<vmem>>, vector<16xf32>,
        %get3A_2639 = vector.shape_cast %get3A_2638 : vector<16xf32> to vector<16xf32>
        %lt3A_2640 = arith.constant 10 : i32
        %lt3A_2641 = vector.broadcast %lt3A_2640 : i32 to vector<16xi32>
        %lt3A_2642 = arith.cmpi slt, %iota3A, %lt3A_2641 : vector<16xi32>
        %jit3A_2643 = arith.constant 0.000000e+00 : f32
        %broadcast_in_dim3A_2644 = vector.broadcast %jit3A_2643 : f32 to vector<16xf32>
        %select_n3A_2645 = arith.select %lt3A_2642, %get3A_2639, %broadcast_in_dim3A_2644 : vector<16xi1>, vector<16xf32>
        %mul3A_2646 = arith.mulf %add3A_2629, %add3A_2629 : vector<16xf32>
        %sub3A_2647 = arith.subf %mul3A_2646, %add3A_2631 : vector<16xf32>
        %mul3A_2648 = arith.constant 5.000000e-01 : f32
        %mul3A_2649 = vector.broadcast %mul3A_2648 : f32 to vector<16xf32>
        %mul3A_2650 = arith.mulf %mul3A_2649, %sub3A_2647 : vector<16xf32>
        %add3A_2651 = arith.addf %mul3A_2650, %get3A_2634 : vector<16xf32>
        %add3A_2652 = arith.addf %add3A_2651, %select_n3A_2645 : vector<16xf32>
        %mul3A_2653 = arith.constant 16 : i32
        %mul3A_2654 = arith.muli %scan3A_538, %mul3A_2653 : i32
        %add3A_2655 = arith.constant 8 : i32
        %add3A_2656 = arith.addi %mul3A_2654, %add3A_2655 : i32
        %mul3A_2657 = arith.constant 26 : i32
        %mul3A_2658 = arith.muli %add3A_2656, %mul3A_2657 : i32
        %broadcast_in_dim3A_2659 = arith.constant 0.000000e+00 : f32
        %broadcast_in_dim3A_2660 = vector.broadcast %broadcast_in_dim3A_2659 : f32 to vector<16xf32>
        %broadcast_in_dim3A_2661 = arith.constant 0.000000e+00 : f32
        %broadcast_in_dim3A_2662 = vector.broadcast %broadcast_in_dim3A_2661 : f32 to vector<16xf32>
        %add3A_2663 = arith.constant 0 : i32
        %add3A_2664 = arith.addi %mul3A_2658, %add3A_2663 : i32
        %get3A_2665 = arith.index_cast %add3A_2664 : i32 to index
        %get3A_2666 = arith.constant 0 : index
        %get3A_2667 = tpu.vector_load %arg7[%get3A_2665, %get3A_2666] {strides = array<i32>} : memref<1664x16xf32, #tpu.memory_space<vmem>>, vector<1x16xf32>,
        %get3A_2668 = vector.shape_cast %get3A_2667 : vector<1x16xf32> to vector<16xf32>
        %add3A_2669 = arith.addf %broadcast_in_dim3A_2660, %get3A_2668 : vector<16xf32>
        %mul3A_2670 = arith.mulf %get3A_2668, %get3A_2668 : vector<16xf32>
        %add3A_2671 = arith.addf %broadcast_in_dim3A_2662, %mul3A_2670 : vector<16xf32>
        %add3A_2672 = arith.constant 1 : i32
        %add3A_2673 = arith.addi %mul3A_2658, %add3A_2672 : i32
        %get3A_2674 = arith.index_cast %add3A_2673 : i32 to index
        %get3A_2675 = arith.constant 0 : index
        %get3A_2676 = tpu.vector_load %arg7[%get3A_2674, %get3A_2675] {strides = array<i32>} : memref<1664x16xf32, #tpu.memory_space<vmem>>, vector<1x16xf32>,
        %get3A_2677 = vector.shape_cast %get3A_2676 : vector<1x16xf32> to vector<16xf32>
        %add3A_2678 = arith.addf %add3A_2669, %get3A_2677 : vector<16xf32>
        %mul3A_2679 = arith.mulf %get3A_2677, %get3A_2677 : vector<16xf32>
        %add3A_2680 = arith.addf %add3A_2671, %mul3A_2679 : vector<16xf32>
        %add3A_2681 = arith.constant 2 : i32
        %add3A_2682 = arith.addi %mul3A_2658, %add3A_2681 : i32
        %get3A_2683 = arith.index_cast %add3A_2682 : i32 to index
        %get3A_2684 = arith.constant 0 : index
        %get3A_2685 = tpu.vector_load %arg7[%get3A_2683, %get3A_2684] {strides = array<i32>} : memref<1664x16xf32, #tpu.memory_space<vmem>>, vector<1x16xf32>,
        %get3A_2686 = vector.shape_cast %get3A_2685 : vector<1x16xf32> to vector<16xf32>
        %add3A_2687 = arith.addf %add3A_2678, %get3A_2686 : vector<16xf32>
        %mul3A_2688 = arith.mulf %get3A_2686, %get3A_2686 : vector<16xf32>
        %add3A_2689 = arith.addf %add3A_2680, %mul3A_2688 : vector<16xf32>
        %add3A_2690 = arith.constant 3 : i32
        %add3A_2691 = arith.addi %mul3A_2658, %add3A_2690 : i32
        %get3A_2692 = arith.index_cast %add3A_2691 : i32 to index
        %get3A_2693 = arith.constant 0 : index
        %get3A_2694 = tpu.vector_load %arg7[%get3A_2692, %get3A_2693] {strides = array<i32>} : memref<1664x16xf32, #tpu.memory_space<vmem>>, vector<1x16xf32>,
        %get3A_2695 = vector.shape_cast %get3A_2694 : vector<1x16xf32> to vector<16xf32>
        %add3A_2696 = arith.addf %add3A_2687, %get3A_2695 : vector<16xf32>
        %mul3A_2697 = arith.mulf %get3A_2695, %get3A_2695 : vector<16xf32>
        %add3A_2698 = arith.addf %add3A_2689, %mul3A_2697 : vector<16xf32>
        %add3A_2699 = arith.constant 4 : i32
        %add3A_2700 = arith.addi %mul3A_2658, %add3A_2699 : i32
        %get3A_2701 = arith.index_cast %add3A_2700 : i32 to index
        %get3A_2702 = arith.constant 0 : index
        %get3A_2703 = tpu.vector_load %arg7[%get3A_2701, %get3A_2702] {strides = array<i32>} : memref<1664x16xf32, #tpu.memory_space<vmem>>, vector<1x16xf32>,
        %get3A_2704 = vector.shape_cast %get3A_2703 : vector<1x16xf32> to vector<16xf32>
        %add3A_2705 = arith.addf %add3A_2696, %get3A_2704 : vector<16xf32>
        %mul3A_2706 = arith.mulf %get3A_2704, %get3A_2704 : vector<16xf32>
        %add3A_2707 = arith.addf %add3A_2698, %mul3A_2706 : vector<16xf32>
        %add3A_2708 = arith.constant 5 : i32
        %add3A_2709 = arith.addi %mul3A_2658, %add3A_2708 : i32
        %get3A_2710 = arith.index_cast %add3A_2709 : i32 to index
        %get3A_2711 = arith.constant 0 : index
        %get3A_2712 = tpu.vector_load %arg7[%get3A_2710, %get3A_2711] {strides = array<i32>} : memref<1664x16xf32, #tpu.memory_space<vmem>>, vector<1x16xf32>,
        %get3A_2713 = vector.shape_cast %get3A_2712 : vector<1x16xf32> to vector<16xf32>
        %add3A_2714 = arith.addf %add3A_2705, %get3A_2713 : vector<16xf32>
        %mul3A_2715 = arith.mulf %get3A_2713, %get3A_2713 : vector<16xf32>
        %add3A_2716 = arith.addf %add3A_2707, %mul3A_2715 : vector<16xf32>
        %add3A_2717 = arith.constant 6 : i32
        %add3A_2718 = arith.addi %mul3A_2658, %add3A_2717 : i32
        %get3A_2719 = arith.index_cast %add3A_2718 : i32 to index
        %get3A_2720 = arith.constant 0 : index
        %get3A_2721 = tpu.vector_load %arg7[%get3A_2719, %get3A_2720] {strides = array<i32>} : memref<1664x16xf32, #tpu.memory_space<vmem>>, vector<1x16xf32>,
        %get3A_2722 = vector.shape_cast %get3A_2721 : vector<1x16xf32> to vector<16xf32>
        %add3A_2723 = arith.addf %add3A_2714, %get3A_2722 : vector<16xf32>
        %mul3A_2724 = arith.mulf %get3A_2722, %get3A_2722 : vector<16xf32>
        %add3A_2725 = arith.addf %add3A_2716, %mul3A_2724 : vector<16xf32>
        %add3A_2726 = arith.constant 7 : i32
        %add3A_2727 = arith.addi %mul3A_2658, %add3A_2726 : i32
        %get3A_2728 = arith.index_cast %add3A_2727 : i32 to index
        %get3A_2729 = arith.constant 0 : index
        %get3A_2730 = tpu.vector_load %arg7[%get3A_2728, %get3A_2729] {strides = array<i32>} : memref<1664x16xf32, #tpu.memory_space<vmem>>, vector<1x16xf32>,
        %get3A_2731 = vector.shape_cast %get3A_2730 : vector<1x16xf32> to vector<16xf32>
        %add3A_2732 = arith.addf %add3A_2723, %get3A_2731 : vector<16xf32>
        %mul3A_2733 = arith.mulf %get3A_2731, %get3A_2731 : vector<16xf32>
        %add3A_2734 = arith.addf %add3A_2725, %mul3A_2733 : vector<16xf32>
        %add3A_2735 = arith.constant 8 : i32
        %add3A_2736 = arith.addi %mul3A_2658, %add3A_2735 : i32
        %get3A_2737 = arith.index_cast %add3A_2736 : i32 to index
        %get3A_2738 = arith.constant 0 : index
        %get3A_2739 = tpu.vector_load %arg7[%get3A_2737, %get3A_2738] {strides = array<i32>} : memref<1664x16xf32, #tpu.memory_space<vmem>>, vector<1x16xf32>,
        %get3A_2740 = vector.shape_cast %get3A_2739 : vector<1x16xf32> to vector<16xf32>
        %add3A_2741 = arith.addf %add3A_2732, %get3A_2740 : vector<16xf32>
        %mul3A_2742 = arith.mulf %get3A_2740, %get3A_2740 : vector<16xf32>
        %add3A_2743 = arith.addf %add3A_2734, %mul3A_2742 : vector<16xf32>
        %add3A_2744 = arith.constant 9 : i32
        %add3A_2745 = arith.addi %mul3A_2658, %add3A_2744 : i32
        %get3A_2746 = arith.index_cast %add3A_2745 : i32 to index
        %get3A_2747 = arith.constant 0 : index
        %get3A_2748 = tpu.vector_load %arg7[%get3A_2746, %get3A_2747] {strides = array<i32>} : memref<1664x16xf32, #tpu.memory_space<vmem>>, vector<1x16xf32>,
        %get3A_2749 = vector.shape_cast %get3A_2748 : vector<1x16xf32> to vector<16xf32>
        %add3A_2750 = arith.addf %add3A_2741, %get3A_2749 : vector<16xf32>
        %mul3A_2751 = arith.mulf %get3A_2749, %get3A_2749 : vector<16xf32>
        %add3A_2752 = arith.addf %add3A_2743, %mul3A_2751 : vector<16xf32>
        %add3A_2753 = arith.constant 10 : i32
        %add3A_2754 = arith.addi %mul3A_2658, %add3A_2753 : i32
        %get3A_2755 = arith.index_cast %add3A_2754 : i32 to index
        %get3A_2756 = arith.constant 0 : index
        %get3A_2757 = tpu.vector_load %arg7[%get3A_2755, %get3A_2756] {strides = array<i32>} : memref<1664x16xf32, #tpu.memory_space<vmem>>, vector<1x16xf32>,
        %get3A_2758 = vector.shape_cast %get3A_2757 : vector<1x16xf32> to vector<16xf32>
        %add3A_2759 = arith.addf %add3A_2750, %get3A_2758 : vector<16xf32>
        %mul3A_2760 = arith.mulf %get3A_2758, %get3A_2758 : vector<16xf32>
        %add3A_2761 = arith.addf %add3A_2752, %mul3A_2760 : vector<16xf32>
        %add3A_2762 = arith.constant 11 : i32
        %add3A_2763 = arith.addi %mul3A_2658, %add3A_2762 : i32
        %get3A_2764 = arith.index_cast %add3A_2763 : i32 to index
        %get3A_2765 = arith.constant 0 : index
        %get3A_2766 = tpu.vector_load %arg7[%get3A_2764, %get3A_2765] {strides = array<i32>} : memref<1664x16xf32, #tpu.memory_space<vmem>>, vector<1x16xf32>,
        %get3A_2767 = vector.shape_cast %get3A_2766 : vector<1x16xf32> to vector<16xf32>
        %add3A_2768 = arith.addf %add3A_2759, %get3A_2767 : vector<16xf32>
        %mul3A_2769 = arith.mulf %get3A_2767, %get3A_2767 : vector<16xf32>
        %add3A_2770 = arith.addf %add3A_2761, %mul3A_2769 : vector<16xf32>
        %add3A_2771 = arith.constant 12 : i32
        %add3A_2772 = arith.addi %mul3A_2658, %add3A_2771 : i32
        %get3A_2773 = arith.index_cast %add3A_2772 : i32 to index
        %get3A_2774 = arith.constant 0 : index
        %get3A_2775 = tpu.vector_load %arg7[%get3A_2773, %get3A_2774] {strides = array<i32>} : memref<1664x16xf32, #tpu.memory_space<vmem>>, vector<1x16xf32>,
        %get3A_2776 = vector.shape_cast %get3A_2775 : vector<1x16xf32> to vector<16xf32>
        %add3A_2777 = arith.addf %add3A_2768, %get3A_2776 : vector<16xf32>
        %mul3A_2778 = arith.mulf %get3A_2776, %get3A_2776 : vector<16xf32>
        %add3A_2779 = arith.addf %add3A_2770, %mul3A_2778 : vector<16xf32>
        %add3A_2780 = arith.constant 13 : i32
        %add3A_2781 = arith.addi %mul3A_2658, %add3A_2780 : i32
        %get3A_2782 = arith.index_cast %add3A_2781 : i32 to index
        %get3A_2783 = arith.constant 0 : index
        %get3A_2784 = tpu.vector_load %arg7[%get3A_2782, %get3A_2783] {strides = array<i32>} : memref<1664x16xf32, #tpu.memory_space<vmem>>, vector<1x16xf32>,
        %get3A_2785 = vector.shape_cast %get3A_2784 : vector<1x16xf32> to vector<16xf32>
        %add3A_2786 = arith.addf %add3A_2777, %get3A_2785 : vector<16xf32>
        %mul3A_2787 = arith.mulf %get3A_2785, %get3A_2785 : vector<16xf32>
        %add3A_2788 = arith.addf %add3A_2779, %mul3A_2787 : vector<16xf32>
        %add3A_2789 = arith.constant 14 : i32
        %add3A_2790 = arith.addi %mul3A_2658, %add3A_2789 : i32
        %get3A_2791 = arith.index_cast %add3A_2790 : i32 to index
        %get3A_2792 = arith.constant 0 : index
        %get3A_2793 = tpu.vector_load %arg7[%get3A_2791, %get3A_2792] {strides = array<i32>} : memref<1664x16xf32, #tpu.memory_space<vmem>>, vector<1x16xf32>,
        %get3A_2794 = vector.shape_cast %get3A_2793 : vector<1x16xf32> to vector<16xf32>
        %add3A_2795 = arith.addf %add3A_2786, %get3A_2794 : vector<16xf32>
        %mul3A_2796 = arith.mulf %get3A_2794, %get3A_2794 : vector<16xf32>
        %add3A_2797 = arith.addf %add3A_2788, %mul3A_2796 : vector<16xf32>
        %add3A_2798 = arith.constant 15 : i32
        %add3A_2799 = arith.addi %mul3A_2658, %add3A_2798 : i32
        %get3A_2800 = arith.index_cast %add3A_2799 : i32 to index
        %get3A_2801 = arith.constant 0 : index
        %get3A_2802 = tpu.vector_load %arg7[%get3A_2800, %get3A_2801] {strides = array<i32>} : memref<1664x16xf32, #tpu.memory_space<vmem>>, vector<1x16xf32>,
        %get3A_2803 = vector.shape_cast %get3A_2802 : vector<1x16xf32> to vector<16xf32>
        %add3A_2804 = arith.addf %add3A_2795, %get3A_2803 : vector<16xf32>
        %mul3A_2805 = arith.mulf %get3A_2803, %get3A_2803 : vector<16xf32>
        %add3A_2806 = arith.addf %add3A_2797, %mul3A_2805 : vector<16xf32>
        %add3A_2807 = arith.constant 16 : i32
        %add3A_2808 = arith.addi %mul3A_2658, %add3A_2807 : i32
        %get3A_2809 = arith.index_cast %add3A_2808 : i32 to index
        %get3A_2810 = arith.constant 0 : index
        %get3A_2811 = tpu.vector_load %arg7[%get3A_2809, %get3A_2810] {strides = array<i32>} : memref<1664x16xf32, #tpu.memory_space<vmem>>, vector<1x16xf32>,
        %get3A_2812 = vector.shape_cast %get3A_2811 : vector<1x16xf32> to vector<16xf32>
        %add3A_2813 = arith.addf %add3A_2804, %get3A_2812 : vector<16xf32>
        %mul3A_2814 = arith.mulf %get3A_2812, %get3A_2812 : vector<16xf32>
        %add3A_2815 = arith.addf %add3A_2806, %mul3A_2814 : vector<16xf32>
        %add3A_2816 = arith.constant 17 : i32
        %add3A_2817 = arith.addi %mul3A_2658, %add3A_2816 : i32
        %get3A_2818 = arith.index_cast %add3A_2817 : i32 to index
        %get3A_2819 = arith.constant 0 : index
        %get3A_2820 = tpu.vector_load %arg7[%get3A_2818, %get3A_2819] {strides = array<i32>} : memref<1664x16xf32, #tpu.memory_space<vmem>>, vector<1x16xf32>,
        %get3A_2821 = vector.shape_cast %get3A_2820 : vector<1x16xf32> to vector<16xf32>
        %add3A_2822 = arith.addf %add3A_2813, %get3A_2821 : vector<16xf32>
        %mul3A_2823 = arith.mulf %get3A_2821, %get3A_2821 : vector<16xf32>
        %add3A_2824 = arith.addf %add3A_2815, %mul3A_2823 : vector<16xf32>
        %add3A_2825 = arith.constant 18 : i32
        %add3A_2826 = arith.addi %mul3A_2658, %add3A_2825 : i32
        %get3A_2827 = arith.index_cast %add3A_2826 : i32 to index
        %get3A_2828 = arith.constant 0 : index
        %get3A_2829 = tpu.vector_load %arg7[%get3A_2827, %get3A_2828] {strides = array<i32>} : memref<1664x16xf32, #tpu.memory_space<vmem>>, vector<1x16xf32>,
        %get3A_2830 = vector.shape_cast %get3A_2829 : vector<1x16xf32> to vector<16xf32>
        %add3A_2831 = arith.addf %add3A_2822, %get3A_2830 : vector<16xf32>
        %mul3A_2832 = arith.mulf %get3A_2830, %get3A_2830 : vector<16xf32>
        %add3A_2833 = arith.addf %add3A_2824, %mul3A_2832 : vector<16xf32>
        %add3A_2834 = arith.constant 19 : i32
        %add3A_2835 = arith.addi %mul3A_2658, %add3A_2834 : i32
        %get3A_2836 = arith.index_cast %add3A_2835 : i32 to index
        %get3A_2837 = arith.constant 0 : index
        %get3A_2838 = tpu.vector_load %arg7[%get3A_2836, %get3A_2837] {strides = array<i32>} : memref<1664x16xf32, #tpu.memory_space<vmem>>, vector<1x16xf32>,
        %get3A_2839 = vector.shape_cast %get3A_2838 : vector<1x16xf32> to vector<16xf32>
        %add3A_2840 = arith.addf %add3A_2831, %get3A_2839 : vector<16xf32>
        %mul3A_2841 = arith.mulf %get3A_2839, %get3A_2839 : vector<16xf32>
        %add3A_2842 = arith.addf %add3A_2833, %mul3A_2841 : vector<16xf32>
        %add3A_2843 = arith.constant 20 : i32
        %add3A_2844 = arith.addi %mul3A_2658, %add3A_2843 : i32
        %get3A_2845 = arith.index_cast %add3A_2844 : i32 to index
        %get3A_2846 = arith.constant 0 : index
        %get3A_2847 = tpu.vector_load %arg7[%get3A_2845, %get3A_2846] {strides = array<i32>} : memref<1664x16xf32, #tpu.memory_space<vmem>>, vector<1x16xf32>,
        %get3A_2848 = vector.shape_cast %get3A_2847 : vector<1x16xf32> to vector<16xf32>
        %add3A_2849 = arith.addf %add3A_2840, %get3A_2848 : vector<16xf32>
        %mul3A_2850 = arith.mulf %get3A_2848, %get3A_2848 : vector<16xf32>
        %add3A_2851 = arith.addf %add3A_2842, %mul3A_2850 : vector<16xf32>
        %add3A_2852 = arith.constant 21 : i32
        %add3A_2853 = arith.addi %mul3A_2658, %add3A_2852 : i32
        %get3A_2854 = arith.index_cast %add3A_2853 : i32 to index
        %get3A_2855 = arith.constant 0 : index
        %get3A_2856 = tpu.vector_load %arg7[%get3A_2854, %get3A_2855] {strides = array<i32>} : memref<1664x16xf32, #tpu.memory_space<vmem>>, vector<1x16xf32>,
        %get3A_2857 = vector.shape_cast %get3A_2856 : vector<1x16xf32> to vector<16xf32>
        %add3A_2858 = arith.addf %add3A_2849, %get3A_2857 : vector<16xf32>
        %mul3A_2859 = arith.mulf %get3A_2857, %get3A_2857 : vector<16xf32>
        %add3A_2860 = arith.addf %add3A_2851, %mul3A_2859 : vector<16xf32>
        %add3A_2861 = arith.constant 22 : i32
        %add3A_2862 = arith.addi %mul3A_2658, %add3A_2861 : i32
        %get3A_2863 = arith.index_cast %add3A_2862 : i32 to index
        %get3A_2864 = arith.constant 0 : index
        %get3A_2865 = tpu.vector_load %arg7[%get3A_2863, %get3A_2864] {strides = array<i32>} : memref<1664x16xf32, #tpu.memory_space<vmem>>, vector<1x16xf32>,
        %get3A_2866 = vector.shape_cast %get3A_2865 : vector<1x16xf32> to vector<16xf32>
        %add3A_2867 = arith.addf %add3A_2858, %get3A_2866 : vector<16xf32>
        %mul3A_2868 = arith.mulf %get3A_2866, %get3A_2866 : vector<16xf32>
        %add3A_2869 = arith.addf %add3A_2860, %mul3A_2868 : vector<16xf32>
        %add3A_2870 = arith.constant 23 : i32
        %add3A_2871 = arith.addi %mul3A_2658, %add3A_2870 : i32
        %get3A_2872 = arith.index_cast %add3A_2871 : i32 to index
        %get3A_2873 = arith.constant 0 : index
        %get3A_2874 = tpu.vector_load %arg7[%get3A_2872, %get3A_2873] {strides = array<i32>} : memref<1664x16xf32, #tpu.memory_space<vmem>>, vector<1x16xf32>,
        %get3A_2875 = vector.shape_cast %get3A_2874 : vector<1x16xf32> to vector<16xf32>
        %add3A_2876 = arith.addf %add3A_2867, %get3A_2875 : vector<16xf32>
        %mul3A_2877 = arith.mulf %get3A_2875, %get3A_2875 : vector<16xf32>
        %add3A_2878 = arith.addf %add3A_2869, %mul3A_2877 : vector<16xf32>
        %add3A_2879 = arith.constant 24 : i32
        %add3A_2880 = arith.addi %mul3A_2658, %add3A_2879 : i32
        %get3A_2881 = arith.index_cast %add3A_2880 : i32 to index
        %get3A_2882 = arith.constant 0 : index
        %get3A_2883 = tpu.vector_load %arg7[%get3A_2881, %get3A_2882] {strides = array<i32>} : memref<1664x16xf32, #tpu.memory_space<vmem>>, vector<1x16xf32>,
        %get3A_2884 = vector.shape_cast %get3A_2883 : vector<1x16xf32> to vector<16xf32>
        %add3A_2885 = arith.addf %add3A_2876, %get3A_2884 : vector<16xf32>
        %mul3A_2886 = arith.mulf %get3A_2884, %get3A_2884 : vector<16xf32>
        %add3A_2887 = arith.addf %add3A_2878, %mul3A_2886 : vector<16xf32>
        %add3A_2888 = arith.constant 25 : i32
        %add3A_2889 = arith.addi %mul3A_2658, %add3A_2888 : i32
        %get3A_2890 = arith.index_cast %add3A_2889 : i32 to index
        %get3A_2891 = arith.constant 0 : index
        %get3A_2892 = tpu.vector_load %arg7[%get3A_2890, %get3A_2891] {strides = array<i32>} : memref<1664x16xf32, #tpu.memory_space<vmem>>, vector<1x16xf32>,
        %get3A_2893 = vector.shape_cast %get3A_2892 : vector<1x16xf32> to vector<16xf32>
        %add3A_2894 = arith.addf %add3A_2885, %get3A_2893 : vector<16xf32>
        %mul3A_2895 = arith.mulf %get3A_2893, %get3A_2893 : vector<16xf32>
        %add3A_2896 = arith.addf %add3A_2887, %mul3A_2895 : vector<16xf32>
        %get3A_2897 = arith.index_cast %mul3A_2658 : i32 to index
        %get3A_2898 = tpu.vector_load %arg8[%get3A_2897] {strides = array<i32>} : memref<1696xf32, #tpu.memory_space<vmem>>, vector<16xf32>,
        %get3A_2899 = vector.shape_cast %get3A_2898 : vector<16xf32> to vector<16xf32>
        %add3A_2900 = arith.constant 16 : i32
        %add3A_2901 = arith.addi %mul3A_2658, %add3A_2900 : i32
        %get3A_2902 = arith.index_cast %add3A_2901 : i32 to index
        %get3A_2903 = tpu.vector_load %arg8[%get3A_2902] {strides = array<i32>} : memref<1696xf32, #tpu.memory_space<vmem>>, vector<16xf32>,
        %get3A_2904 = vector.shape_cast %get3A_2903 : vector<16xf32> to vector<16xf32>
        %lt3A_2905 = arith.constant 10 : i32
        %lt3A_2906 = vector.broadcast %lt3A_2905 : i32 to vector<16xi32>
        %lt3A_2907 = arith.cmpi slt, %iota3A, %lt3A_2906 : vector<16xi32>
        %jit3A_2908 = arith.constant 0.000000e+00 : f32
        %broadcast_in_dim3A_2909 = vector.broadcast %jit3A_2908 : f32 to vector<16xf32>
        %select_n3A_2910 = arith.select %lt3A_2907, %get3A_2904, %broadcast_in_dim3A_2909 : vector<16xi1>, vector<16xf32>
        %mul3A_2911 = arith.mulf %add3A_2894, %add3A_2894 : vector<16xf32>
        %sub3A_2912 = arith.subf %mul3A_2911, %add3A_2896 : vector<16xf32>
        %mul3A_2913 = arith.constant 5.000000e-01 : f32
        %mul3A_2914 = vector.broadcast %mul3A_2913 : f32 to vector<16xf32>
        %mul3A_2915 = arith.mulf %mul3A_2914, %sub3A_2912 : vector<16xf32>
        %add3A_2916 = arith.addf %mul3A_2915, %get3A_2899 : vector<16xf32>
        %add3A_2917 = arith.addf %add3A_2916, %select_n3A_2910 : vector<16xf32>
        %mul3A_2918 = arith.constant 16 : i32
        %mul3A_2919 = arith.muli %scan3A_538, %mul3A_2918 : i32
        %add3A_2920 = arith.constant 9 : i32
        %add3A_2921 = arith.addi %mul3A_2919, %add3A_2920 : i32
        %mul3A_2922 = arith.constant 26 : i32
        %mul3A_2923 = arith.muli %add3A_2921, %mul3A_2922 : i32
        %broadcast_in_dim3A_2924 = arith.constant 0.000000e+00 : f32
        %broadcast_in_dim3A_2925 = vector.broadcast %broadcast_in_dim3A_2924 : f32 to vector<16xf32>
        %broadcast_in_dim3A_2926 = arith.constant 0.000000e+00 : f32
        %broadcast_in_dim3A_2927 = vector.broadcast %broadcast_in_dim3A_2926 : f32 to vector<16xf32>
        %add3A_2928 = arith.constant 0 : i32
        %add3A_2929 = arith.addi %mul3A_2923, %add3A_2928 : i32
        %get3A_2930 = arith.index_cast %add3A_2929 : i32 to index
        %get3A_2931 = arith.constant 0 : index
        %get3A_2932 = tpu.vector_load %arg7[%get3A_2930, %get3A_2931] {strides = array<i32>} : memref<1664x16xf32, #tpu.memory_space<vmem>>, vector<1x16xf32>,
        %get3A_2933 = vector.shape_cast %get3A_2932 : vector<1x16xf32> to vector<16xf32>
        %add3A_2934 = arith.addf %broadcast_in_dim3A_2925, %get3A_2933 : vector<16xf32>
        %mul3A_2935 = arith.mulf %get3A_2933, %get3A_2933 : vector<16xf32>
        %add3A_2936 = arith.addf %broadcast_in_dim3A_2927, %mul3A_2935 : vector<16xf32>
        %add3A_2937 = arith.constant 1 : i32
        %add3A_2938 = arith.addi %mul3A_2923, %add3A_2937 : i32
        %get3A_2939 = arith.index_cast %add3A_2938 : i32 to index
        %get3A_2940 = arith.constant 0 : index
        %get3A_2941 = tpu.vector_load %arg7[%get3A_2939, %get3A_2940] {strides = array<i32>} : memref<1664x16xf32, #tpu.memory_space<vmem>>, vector<1x16xf32>,
        %get3A_2942 = vector.shape_cast %get3A_2941 : vector<1x16xf32> to vector<16xf32>
        %add3A_2943 = arith.addf %add3A_2934, %get3A_2942 : vector<16xf32>
        %mul3A_2944 = arith.mulf %get3A_2942, %get3A_2942 : vector<16xf32>
        %add3A_2945 = arith.addf %add3A_2936, %mul3A_2944 : vector<16xf32>
        %add3A_2946 = arith.constant 2 : i32
        %add3A_2947 = arith.addi %mul3A_2923, %add3A_2946 : i32
        %get3A_2948 = arith.index_cast %add3A_2947 : i32 to index
        %get3A_2949 = arith.constant 0 : index
        %get3A_2950 = tpu.vector_load %arg7[%get3A_2948, %get3A_2949] {strides = array<i32>} : memref<1664x16xf32, #tpu.memory_space<vmem>>, vector<1x16xf32>,
        %get3A_2951 = vector.shape_cast %get3A_2950 : vector<1x16xf32> to vector<16xf32>
        %add3A_2952 = arith.addf %add3A_2943, %get3A_2951 : vector<16xf32>
        %mul3A_2953 = arith.mulf %get3A_2951, %get3A_2951 : vector<16xf32>
        %add3A_2954 = arith.addf %add3A_2945, %mul3A_2953 : vector<16xf32>
        %add3A_2955 = arith.constant 3 : i32
        %add3A_2956 = arith.addi %mul3A_2923, %add3A_2955 : i32
        %get3A_2957 = arith.index_cast %add3A_2956 : i32 to index
        %get3A_2958 = arith.constant 0 : index
        %get3A_2959 = tpu.vector_load %arg7[%get3A_2957, %get3A_2958] {strides = array<i32>} : memref<1664x16xf32, #tpu.memory_space<vmem>>, vector<1x16xf32>,
        %get3A_2960 = vector.shape_cast %get3A_2959 : vector<1x16xf32> to vector<16xf32>
        %add3A_2961 = arith.addf %add3A_2952, %get3A_2960 : vector<16xf32>
        %mul3A_2962 = arith.mulf %get3A_2960, %get3A_2960 : vector<16xf32>
        %add3A_2963 = arith.addf %add3A_2954, %mul3A_2962 : vector<16xf32>
        %add3A_2964 = arith.constant 4 : i32
        %add3A_2965 = arith.addi %mul3A_2923, %add3A_2964 : i32
        %get3A_2966 = arith.index_cast %add3A_2965 : i32 to index
        %get3A_2967 = arith.constant 0 : index
        %get3A_2968 = tpu.vector_load %arg7[%get3A_2966, %get3A_2967] {strides = array<i32>} : memref<1664x16xf32, #tpu.memory_space<vmem>>, vector<1x16xf32>,
        %get3A_2969 = vector.shape_cast %get3A_2968 : vector<1x16xf32> to vector<16xf32>
        %add3A_2970 = arith.addf %add3A_2961, %get3A_2969 : vector<16xf32>
        %mul3A_2971 = arith.mulf %get3A_2969, %get3A_2969 : vector<16xf32>
        %add3A_2972 = arith.addf %add3A_2963, %mul3A_2971 : vector<16xf32>
        %add3A_2973 = arith.constant 5 : i32
        %add3A_2974 = arith.addi %mul3A_2923, %add3A_2973 : i32
        %get3A_2975 = arith.index_cast %add3A_2974 : i32 to index
        %get3A_2976 = arith.constant 0 : index
        %get3A_2977 = tpu.vector_load %arg7[%get3A_2975, %get3A_2976] {strides = array<i32>} : memref<1664x16xf32, #tpu.memory_space<vmem>>, vector<1x16xf32>,
        %get3A_2978 = vector.shape_cast %get3A_2977 : vector<1x16xf32> to vector<16xf32>
        %add3A_2979 = arith.addf %add3A_2970, %get3A_2978 : vector<16xf32>
        %mul3A_2980 = arith.mulf %get3A_2978, %get3A_2978 : vector<16xf32>
        %add3A_2981 = arith.addf %add3A_2972, %mul3A_2980 : vector<16xf32>
        %add3A_2982 = arith.constant 6 : i32
        %add3A_2983 = arith.addi %mul3A_2923, %add3A_2982 : i32
        %get3A_2984 = arith.index_cast %add3A_2983 : i32 to index
        %get3A_2985 = arith.constant 0 : index
        %get3A_2986 = tpu.vector_load %arg7[%get3A_2984, %get3A_2985] {strides = array<i32>} : memref<1664x16xf32, #tpu.memory_space<vmem>>, vector<1x16xf32>,
        %get3A_2987 = vector.shape_cast %get3A_2986 : vector<1x16xf32> to vector<16xf32>
        %add3A_2988 = arith.addf %add3A_2979, %get3A_2987 : vector<16xf32>
        %mul3A_2989 = arith.mulf %get3A_2987, %get3A_2987 : vector<16xf32>
        %add3A_2990 = arith.addf %add3A_2981, %mul3A_2989 : vector<16xf32>
        %add3A_2991 = arith.constant 7 : i32
        %add3A_2992 = arith.addi %mul3A_2923, %add3A_2991 : i32
        %get3A_2993 = arith.index_cast %add3A_2992 : i32 to index
        %get3A_2994 = arith.constant 0 : index
        %get3A_2995 = tpu.vector_load %arg7[%get3A_2993, %get3A_2994] {strides = array<i32>} : memref<1664x16xf32, #tpu.memory_space<vmem>>, vector<1x16xf32>,
        %get3A_2996 = vector.shape_cast %get3A_2995 : vector<1x16xf32> to vector<16xf32>
        %add3A_2997 = arith.addf %add3A_2988, %get3A_2996 : vector<16xf32>
        %mul3A_2998 = arith.mulf %get3A_2996, %get3A_2996 : vector<16xf32>
        %add3A_2999 = arith.addf %add3A_2990, %mul3A_2998 : vector<16xf32>
        %add3A_3000 = arith.constant 8 : i32
        %add3A_3001 = arith.addi %mul3A_2923, %add3A_3000 : i32
        %get3A_3002 = arith.index_cast %add3A_3001 : i32 to index
        %get3A_3003 = arith.constant 0 : index
        %get3A_3004 = tpu.vector_load %arg7[%get3A_3002, %get3A_3003] {strides = array<i32>} : memref<1664x16xf32, #tpu.memory_space<vmem>>, vector<1x16xf32>,
        %get3A_3005 = vector.shape_cast %get3A_3004 : vector<1x16xf32> to vector<16xf32>
        %add3A_3006 = arith.addf %add3A_2997, %get3A_3005 : vector<16xf32>
        %mul3A_3007 = arith.mulf %get3A_3005, %get3A_3005 : vector<16xf32>
        %add3A_3008 = arith.addf %add3A_2999, %mul3A_3007 : vector<16xf32>
        %add3A_3009 = arith.constant 9 : i32
        %add3A_3010 = arith.addi %mul3A_2923, %add3A_3009 : i32
        %get3A_3011 = arith.index_cast %add3A_3010 : i32 to index
        %get3A_3012 = arith.constant 0 : index
        %get3A_3013 = tpu.vector_load %arg7[%get3A_3011, %get3A_3012] {strides = array<i32>} : memref<1664x16xf32, #tpu.memory_space<vmem>>, vector<1x16xf32>,
        %get3A_3014 = vector.shape_cast %get3A_3013 : vector<1x16xf32> to vector<16xf32>
        %add3A_3015 = arith.addf %add3A_3006, %get3A_3014 : vector<16xf32>
        %mul3A_3016 = arith.mulf %get3A_3014, %get3A_3014 : vector<16xf32>
        %add3A_3017 = arith.addf %add3A_3008, %mul3A_3016 : vector<16xf32>
        %add3A_3018 = arith.constant 10 : i32
        %add3A_3019 = arith.addi %mul3A_2923, %add3A_3018 : i32
        %get3A_3020 = arith.index_cast %add3A_3019 : i32 to index
        %get3A_3021 = arith.constant 0 : index
        %get3A_3022 = tpu.vector_load %arg7[%get3A_3020, %get3A_3021] {strides = array<i32>} : memref<1664x16xf32, #tpu.memory_space<vmem>>, vector<1x16xf32>,
        %get3A_3023 = vector.shape_cast %get3A_3022 : vector<1x16xf32> to vector<16xf32>
        %add3A_3024 = arith.addf %add3A_3015, %get3A_3023 : vector<16xf32>
        %mul3A_3025 = arith.mulf %get3A_3023, %get3A_3023 : vector<16xf32>
        %add3A_3026 = arith.addf %add3A_3017, %mul3A_3025 : vector<16xf32>
        %add3A_3027 = arith.constant 11 : i32
        %add3A_3028 = arith.addi %mul3A_2923, %add3A_3027 : i32
        %get3A_3029 = arith.index_cast %add3A_3028 : i32 to index
        %get3A_3030 = arith.constant 0 : index
        %get3A_3031 = tpu.vector_load %arg7[%get3A_3029, %get3A_3030] {strides = array<i32>} : memref<1664x16xf32, #tpu.memory_space<vmem>>, vector<1x16xf32>,
        %get3A_3032 = vector.shape_cast %get3A_3031 : vector<1x16xf32> to vector<16xf32>
        %add3A_3033 = arith.addf %add3A_3024, %get3A_3032 : vector<16xf32>
        %mul3A_3034 = arith.mulf %get3A_3032, %get3A_3032 : vector<16xf32>
        %add3A_3035 = arith.addf %add3A_3026, %mul3A_3034 : vector<16xf32>
        %add3A_3036 = arith.constant 12 : i32
        %add3A_3037 = arith.addi %mul3A_2923, %add3A_3036 : i32
        %get3A_3038 = arith.index_cast %add3A_3037 : i32 to index
        %get3A_3039 = arith.constant 0 : index
        %get3A_3040 = tpu.vector_load %arg7[%get3A_3038, %get3A_3039] {strides = array<i32>} : memref<1664x16xf32, #tpu.memory_space<vmem>>, vector<1x16xf32>,
        %get3A_3041 = vector.shape_cast %get3A_3040 : vector<1x16xf32> to vector<16xf32>
        %add3A_3042 = arith.addf %add3A_3033, %get3A_3041 : vector<16xf32>
        %mul3A_3043 = arith.mulf %get3A_3041, %get3A_3041 : vector<16xf32>
        %add3A_3044 = arith.addf %add3A_3035, %mul3A_3043 : vector<16xf32>
        %add3A_3045 = arith.constant 13 : i32
        %add3A_3046 = arith.addi %mul3A_2923, %add3A_3045 : i32
        %get3A_3047 = arith.index_cast %add3A_3046 : i32 to index
        %get3A_3048 = arith.constant 0 : index
        %get3A_3049 = tpu.vector_load %arg7[%get3A_3047, %get3A_3048] {strides = array<i32>} : memref<1664x16xf32, #tpu.memory_space<vmem>>, vector<1x16xf32>,
        %get3A_3050 = vector.shape_cast %get3A_3049 : vector<1x16xf32> to vector<16xf32>
        %add3A_3051 = arith.addf %add3A_3042, %get3A_3050 : vector<16xf32>
        %mul3A_3052 = arith.mulf %get3A_3050, %get3A_3050 : vector<16xf32>
        %add3A_3053 = arith.addf %add3A_3044, %mul3A_3052 : vector<16xf32>
        %add3A_3054 = arith.constant 14 : i32
        %add3A_3055 = arith.addi %mul3A_2923, %add3A_3054 : i32
        %get3A_3056 = arith.index_cast %add3A_3055 : i32 to index
        %get3A_3057 = arith.constant 0 : index
        %get3A_3058 = tpu.vector_load %arg7[%get3A_3056, %get3A_3057] {strides = array<i32>} : memref<1664x16xf32, #tpu.memory_space<vmem>>, vector<1x16xf32>,
        %get3A_3059 = vector.shape_cast %get3A_3058 : vector<1x16xf32> to vector<16xf32>
        %add3A_3060 = arith.addf %add3A_3051, %get3A_3059 : vector<16xf32>
        %mul3A_3061 = arith.mulf %get3A_3059, %get3A_3059 : vector<16xf32>
        %add3A_3062 = arith.addf %add3A_3053, %mul3A_3061 : vector<16xf32>
        %add3A_3063 = arith.constant 15 : i32
        %add3A_3064 = arith.addi %mul3A_2923, %add3A_3063 : i32
        %get3A_3065 = arith.index_cast %add3A_3064 : i32 to index
        %get3A_3066 = arith.constant 0 : index
        %get3A_3067 = tpu.vector_load %arg7[%get3A_3065, %get3A_3066] {strides = array<i32>} : memref<1664x16xf32, #tpu.memory_space<vmem>>, vector<1x16xf32>,
        %get3A_3068 = vector.shape_cast %get3A_3067 : vector<1x16xf32> to vector<16xf32>
        %add3A_3069 = arith.addf %add3A_3060, %get3A_3068 : vector<16xf32>
        %mul3A_3070 = arith.mulf %get3A_3068, %get3A_3068 : vector<16xf32>
        %add3A_3071 = arith.addf %add3A_3062, %mul3A_3070 : vector<16xf32>
        %add3A_3072 = arith.constant 16 : i32
        %add3A_3073 = arith.addi %mul3A_2923, %add3A_3072 : i32
        %get3A_3074 = arith.index_cast %add3A_3073 : i32 to index
        %get3A_3075 = arith.constant 0 : index
        %get3A_3076 = tpu.vector_load %arg7[%get3A_3074, %get3A_3075] {strides = array<i32>} : memref<1664x16xf32, #tpu.memory_space<vmem>>, vector<1x16xf32>,
        %get3A_3077 = vector.shape_cast %get3A_3076 : vector<1x16xf32> to vector<16xf32>
        %add3A_3078 = arith.addf %add3A_3069, %get3A_3077 : vector<16xf32>
        %mul3A_3079 = arith.mulf %get3A_3077, %get3A_3077 : vector<16xf32>
        %add3A_3080 = arith.addf %add3A_3071, %mul3A_3079 : vector<16xf32>
        %add3A_3081 = arith.constant 17 : i32
        %add3A_3082 = arith.addi %mul3A_2923, %add3A_3081 : i32
        %get3A_3083 = arith.index_cast %add3A_3082 : i32 to index
        %get3A_3084 = arith.constant 0 : index
        %get3A_3085 = tpu.vector_load %arg7[%get3A_3083, %get3A_3084] {strides = array<i32>} : memref<1664x16xf32, #tpu.memory_space<vmem>>, vector<1x16xf32>,
        %get3A_3086 = vector.shape_cast %get3A_3085 : vector<1x16xf32> to vector<16xf32>
        %add3A_3087 = arith.addf %add3A_3078, %get3A_3086 : vector<16xf32>
        %mul3A_3088 = arith.mulf %get3A_3086, %get3A_3086 : vector<16xf32>
        %add3A_3089 = arith.addf %add3A_3080, %mul3A_3088 : vector<16xf32>
        %add3A_3090 = arith.constant 18 : i32
        %add3A_3091 = arith.addi %mul3A_2923, %add3A_3090 : i32
        %get3A_3092 = arith.index_cast %add3A_3091 : i32 to index
        %get3A_3093 = arith.constant 0 : index
        %get3A_3094 = tpu.vector_load %arg7[%get3A_3092, %get3A_3093] {strides = array<i32>} : memref<1664x16xf32, #tpu.memory_space<vmem>>, vector<1x16xf32>,
        %get3A_3095 = vector.shape_cast %get3A_3094 : vector<1x16xf32> to vector<16xf32>
        %add3A_3096 = arith.addf %add3A_3087, %get3A_3095 : vector<16xf32>
        %mul3A_3097 = arith.mulf %get3A_3095, %get3A_3095 : vector<16xf32>
        %add3A_3098 = arith.addf %add3A_3089, %mul3A_3097 : vector<16xf32>
        %add3A_3099 = arith.constant 19 : i32
        %add3A_3100 = arith.addi %mul3A_2923, %add3A_3099 : i32
        %get3A_3101 = arith.index_cast %add3A_3100 : i32 to index
        %get3A_3102 = arith.constant 0 : index
        %get3A_3103 = tpu.vector_load %arg7[%get3A_3101, %get3A_3102] {strides = array<i32>} : memref<1664x16xf32, #tpu.memory_space<vmem>>, vector<1x16xf32>,
        %get3A_3104 = vector.shape_cast %get3A_3103 : vector<1x16xf32> to vector<16xf32>
        %add3A_3105 = arith.addf %add3A_3096, %get3A_3104 : vector<16xf32>
        %mul3A_3106 = arith.mulf %get3A_3104, %get3A_3104 : vector<16xf32>
        %add3A_3107 = arith.addf %add3A_3098, %mul3A_3106 : vector<16xf32>
        %add3A_3108 = arith.constant 20 : i32
        %add3A_3109 = arith.addi %mul3A_2923, %add3A_3108 : i32
        %get3A_3110 = arith.index_cast %add3A_3109 : i32 to index
        %get3A_3111 = arith.constant 0 : index
        %get3A_3112 = tpu.vector_load %arg7[%get3A_3110, %get3A_3111] {strides = array<i32>} : memref<1664x16xf32, #tpu.memory_space<vmem>>, vector<1x16xf32>,
        %get3A_3113 = vector.shape_cast %get3A_3112 : vector<1x16xf32> to vector<16xf32>
        %add3A_3114 = arith.addf %add3A_3105, %get3A_3113 : vector<16xf32>
        %mul3A_3115 = arith.mulf %get3A_3113, %get3A_3113 : vector<16xf32>
        %add3A_3116 = arith.addf %add3A_3107, %mul3A_3115 : vector<16xf32>
        %add3A_3117 = arith.constant 21 : i32
        %add3A_3118 = arith.addi %mul3A_2923, %add3A_3117 : i32
        %get3A_3119 = arith.index_cast %add3A_3118 : i32 to index
        %get3A_3120 = arith.constant 0 : index
        %get3A_3121 = tpu.vector_load %arg7[%get3A_3119, %get3A_3120] {strides = array<i32>} : memref<1664x16xf32, #tpu.memory_space<vmem>>, vector<1x16xf32>,
        %get3A_3122 = vector.shape_cast %get3A_3121 : vector<1x16xf32> to vector<16xf32>
        %add3A_3123 = arith.addf %add3A_3114, %get3A_3122 : vector<16xf32>
        %mul3A_3124 = arith.mulf %get3A_3122, %get3A_3122 : vector<16xf32>
        %add3A_3125 = arith.addf %add3A_3116, %mul3A_3124 : vector<16xf32>
        %add3A_3126 = arith.constant 22 : i32
        %add3A_3127 = arith.addi %mul3A_2923, %add3A_3126 : i32
        %get3A_3128 = arith.index_cast %add3A_3127 : i32 to index
        %get3A_3129 = arith.constant 0 : index
        %get3A_3130 = tpu.vector_load %arg7[%get3A_3128, %get3A_3129] {strides = array<i32>} : memref<1664x16xf32, #tpu.memory_space<vmem>>, vector<1x16xf32>,
        %get3A_3131 = vector.shape_cast %get3A_3130 : vector<1x16xf32> to vector<16xf32>
        %add3A_3132 = arith.addf %add3A_3123, %get3A_3131 : vector<16xf32>
        %mul3A_3133 = arith.mulf %get3A_3131, %get3A_3131 : vector<16xf32>
        %add3A_3134 = arith.addf %add3A_3125, %mul3A_3133 : vector<16xf32>
        %add3A_3135 = arith.constant 23 : i32
        %add3A_3136 = arith.addi %mul3A_2923, %add3A_3135 : i32
        %get3A_3137 = arith.index_cast %add3A_3136 : i32 to index
        %get3A_3138 = arith.constant 0 : index
        %get3A_3139 = tpu.vector_load %arg7[%get3A_3137, %get3A_3138] {strides = array<i32>} : memref<1664x16xf32, #tpu.memory_space<vmem>>, vector<1x16xf32>,
        %get3A_3140 = vector.shape_cast %get3A_3139 : vector<1x16xf32> to vector<16xf32>
        %add3A_3141 = arith.addf %add3A_3132, %get3A_3140 : vector<16xf32>
        %mul3A_3142 = arith.mulf %get3A_3140, %get3A_3140 : vector<16xf32>
        %add3A_3143 = arith.addf %add3A_3134, %mul3A_3142 : vector<16xf32>
        %add3A_3144 = arith.constant 24 : i32
        %add3A_3145 = arith.addi %mul3A_2923, %add3A_3144 : i32
        %get3A_3146 = arith.index_cast %add3A_3145 : i32 to index
        %get3A_3147 = arith.constant 0 : index
        %get3A_3148 = tpu.vector_load %arg7[%get3A_3146, %get3A_3147] {strides = array<i32>} : memref<1664x16xf32, #tpu.memory_space<vmem>>, vector<1x16xf32>,
        %get3A_3149 = vector.shape_cast %get3A_3148 : vector<1x16xf32> to vector<16xf32>
        %add3A_3150 = arith.addf %add3A_3141, %get3A_3149 : vector<16xf32>
        %mul3A_3151 = arith.mulf %get3A_3149, %get3A_3149 : vector<16xf32>
        %add3A_3152 = arith.addf %add3A_3143, %mul3A_3151 : vector<16xf32>
        %add3A_3153 = arith.constant 25 : i32
        %add3A_3154 = arith.addi %mul3A_2923, %add3A_3153 : i32
        %get3A_3155 = arith.index_cast %add3A_3154 : i32 to index
        %get3A_3156 = arith.constant 0 : index
        %get3A_3157 = tpu.vector_load %arg7[%get3A_3155, %get3A_3156] {strides = array<i32>} : memref<1664x16xf32, #tpu.memory_space<vmem>>, vector<1x16xf32>,
        %get3A_3158 = vector.shape_cast %get3A_3157 : vector<1x16xf32> to vector<16xf32>
        %add3A_3159 = arith.addf %add3A_3150, %get3A_3158 : vector<16xf32>
        %mul3A_3160 = arith.mulf %get3A_3158, %get3A_3158 : vector<16xf32>
        %add3A_3161 = arith.addf %add3A_3152, %mul3A_3160 : vector<16xf32>
        %get3A_3162 = arith.index_cast %mul3A_2923 : i32 to index
        %get3A_3163 = tpu.vector_load %arg8[%get3A_3162] {strides = array<i32>} : memref<1696xf32, #tpu.memory_space<vmem>>, vector<16xf32>,
        %get3A_3164 = vector.shape_cast %get3A_3163 : vector<16xf32> to vector<16xf32>
        %add3A_3165 = arith.constant 16 : i32
        %add3A_3166 = arith.addi %mul3A_2923, %add3A_3165 : i32
        %get3A_3167 = arith.index_cast %add3A_3166 : i32 to index
        %get3A_3168 = tpu.vector_load %arg8[%get3A_3167] {strides = array<i32>} : memref<1696xf32, #tpu.memory_space<vmem>>, vector<16xf32>,
        %get3A_3169 = vector.shape_cast %get3A_3168 : vector<16xf32> to vector<16xf32>
        %lt3A_3170 = arith.constant 10 : i32
        %lt3A_3171 = vector.broadcast %lt3A_3170 : i32 to vector<16xi32>
        %lt3A_3172 = arith.cmpi slt, %iota3A, %lt3A_3171 : vector<16xi32>
        %jit3A_3173 = arith.constant 0.000000e+00 : f32
        %broadcast_in_dim3A_3174 = vector.broadcast %jit3A_3173 : f32 to vector<16xf32>
        %select_n3A_3175 = arith.select %lt3A_3172, %get3A_3169, %broadcast_in_dim3A_3174 : vector<16xi1>, vector<16xf32>
        %mul3A_3176 = arith.mulf %add3A_3159, %add3A_3159 : vector<16xf32>
        %sub3A_3177 = arith.subf %mul3A_3176, %add3A_3161 : vector<16xf32>
        %mul3A_3178 = arith.constant 5.000000e-01 : f32
        %mul3A_3179 = vector.broadcast %mul3A_3178 : f32 to vector<16xf32>
        %mul3A_3180 = arith.mulf %mul3A_3179, %sub3A_3177 : vector<16xf32>
        %add3A_3181 = arith.addf %mul3A_3180, %get3A_3164 : vector<16xf32>
        %add3A_3182 = arith.addf %add3A_3181, %select_n3A_3175 : vector<16xf32>
        %mul3A_3183 = arith.constant 16 : i32
        %mul3A_3184 = arith.muli %scan3A_538, %mul3A_3183 : i32
        %add3A_3185 = arith.constant 10 : i32
        %add3A_3186 = arith.addi %mul3A_3184, %add3A_3185 : i32
        %mul3A_3187 = arith.constant 26 : i32
        %mul3A_3188 = arith.muli %add3A_3186, %mul3A_3187 : i32
        %broadcast_in_dim3A_3189 = arith.constant 0.000000e+00 : f32
        %broadcast_in_dim3A_3190 = vector.broadcast %broadcast_in_dim3A_3189 : f32 to vector<16xf32>
        %broadcast_in_dim3A_3191 = arith.constant 0.000000e+00 : f32
        %broadcast_in_dim3A_3192 = vector.broadcast %broadcast_in_dim3A_3191 : f32 to vector<16xf32>
        %add3A_3193 = arith.constant 0 : i32
        %add3A_3194 = arith.addi %mul3A_3188, %add3A_3193 : i32
        %get3A_3195 = arith.index_cast %add3A_3194 : i32 to index
        %get3A_3196 = arith.constant 0 : index
        %get3A_3197 = tpu.vector_load %arg7[%get3A_3195, %get3A_3196] {strides = array<i32>} : memref<1664x16xf32, #tpu.memory_space<vmem>>, vector<1x16xf32>,
        %get3A_3198 = vector.shape_cast %get3A_3197 : vector<1x16xf32> to vector<16xf32>
        %add3A_3199 = arith.addf %broadcast_in_dim3A_3190, %get3A_3198 : vector<16xf32>
        %mul3A_3200 = arith.mulf %get3A_3198, %get3A_3198 : vector<16xf32>
        %add3A_3201 = arith.addf %broadcast_in_dim3A_3192, %mul3A_3200 : vector<16xf32>
        %add3A_3202 = arith.constant 1 : i32
        %add3A_3203 = arith.addi %mul3A_3188, %add3A_3202 : i32
        %get3A_3204 = arith.index_cast %add3A_3203 : i32 to index
        %get3A_3205 = arith.constant 0 : index
        %get3A_3206 = tpu.vector_load %arg7[%get3A_3204, %get3A_3205] {strides = array<i32>} : memref<1664x16xf32, #tpu.memory_space<vmem>>, vector<1x16xf32>,
        %get3A_3207 = vector.shape_cast %get3A_3206 : vector<1x16xf32> to vector<16xf32>
        %add3A_3208 = arith.addf %add3A_3199, %get3A_3207 : vector<16xf32>
        %mul3A_3209 = arith.mulf %get3A_3207, %get3A_3207 : vector<16xf32>
        %add3A_3210 = arith.addf %add3A_3201, %mul3A_3209 : vector<16xf32>
        %add3A_3211 = arith.constant 2 : i32
        %add3A_3212 = arith.addi %mul3A_3188, %add3A_3211 : i32
        %get3A_3213 = arith.index_cast %add3A_3212 : i32 to index
        %get3A_3214 = arith.constant 0 : index
        %get3A_3215 = tpu.vector_load %arg7[%get3A_3213, %get3A_3214] {strides = array<i32>} : memref<1664x16xf32, #tpu.memory_space<vmem>>, vector<1x16xf32>,
        %get3A_3216 = vector.shape_cast %get3A_3215 : vector<1x16xf32> to vector<16xf32>
        %add3A_3217 = arith.addf %add3A_3208, %get3A_3216 : vector<16xf32>
        %mul3A_3218 = arith.mulf %get3A_3216, %get3A_3216 : vector<16xf32>
        %add3A_3219 = arith.addf %add3A_3210, %mul3A_3218 : vector<16xf32>
        %add3A_3220 = arith.constant 3 : i32
        %add3A_3221 = arith.addi %mul3A_3188, %add3A_3220 : i32
        %get3A_3222 = arith.index_cast %add3A_3221 : i32 to index
        %get3A_3223 = arith.constant 0 : index
        %get3A_3224 = tpu.vector_load %arg7[%get3A_3222, %get3A_3223] {strides = array<i32>} : memref<1664x16xf32, #tpu.memory_space<vmem>>, vector<1x16xf32>,
        %get3A_3225 = vector.shape_cast %get3A_3224 : vector<1x16xf32> to vector<16xf32>
        %add3A_3226 = arith.addf %add3A_3217, %get3A_3225 : vector<16xf32>
        %mul3A_3227 = arith.mulf %get3A_3225, %get3A_3225 : vector<16xf32>
        %add3A_3228 = arith.addf %add3A_3219, %mul3A_3227 : vector<16xf32>
        %add3A_3229 = arith.constant 4 : i32
        %add3A_3230 = arith.addi %mul3A_3188, %add3A_3229 : i32
        %get3A_3231 = arith.index_cast %add3A_3230 : i32 to index
        %get3A_3232 = arith.constant 0 : index
        %get3A_3233 = tpu.vector_load %arg7[%get3A_3231, %get3A_3232] {strides = array<i32>} : memref<1664x16xf32, #tpu.memory_space<vmem>>, vector<1x16xf32>,
        %get3A_3234 = vector.shape_cast %get3A_3233 : vector<1x16xf32> to vector<16xf32>
        %add3A_3235 = arith.addf %add3A_3226, %get3A_3234 : vector<16xf32>
        %mul3A_3236 = arith.mulf %get3A_3234, %get3A_3234 : vector<16xf32>
        %add3A_3237 = arith.addf %add3A_3228, %mul3A_3236 : vector<16xf32>
        %add3A_3238 = arith.constant 5 : i32
        %add3A_3239 = arith.addi %mul3A_3188, %add3A_3238 : i32
        %get3A_3240 = arith.index_cast %add3A_3239 : i32 to index
        %get3A_3241 = arith.constant 0 : index
        %get3A_3242 = tpu.vector_load %arg7[%get3A_3240, %get3A_3241] {strides = array<i32>} : memref<1664x16xf32, #tpu.memory_space<vmem>>, vector<1x16xf32>,
        %get3A_3243 = vector.shape_cast %get3A_3242 : vector<1x16xf32> to vector<16xf32>
        %add3A_3244 = arith.addf %add3A_3235, %get3A_3243 : vector<16xf32>
        %mul3A_3245 = arith.mulf %get3A_3243, %get3A_3243 : vector<16xf32>
        %add3A_3246 = arith.addf %add3A_3237, %mul3A_3245 : vector<16xf32>
        %add3A_3247 = arith.constant 6 : i32
        %add3A_3248 = arith.addi %mul3A_3188, %add3A_3247 : i32
        %get3A_3249 = arith.index_cast %add3A_3248 : i32 to index
        %get3A_3250 = arith.constant 0 : index
        %get3A_3251 = tpu.vector_load %arg7[%get3A_3249, %get3A_3250] {strides = array<i32>} : memref<1664x16xf32, #tpu.memory_space<vmem>>, vector<1x16xf32>,
        %get3A_3252 = vector.shape_cast %get3A_3251 : vector<1x16xf32> to vector<16xf32>
        %add3A_3253 = arith.addf %add3A_3244, %get3A_3252 : vector<16xf32>
        %mul3A_3254 = arith.mulf %get3A_3252, %get3A_3252 : vector<16xf32>
        %add3A_3255 = arith.addf %add3A_3246, %mul3A_3254 : vector<16xf32>
        %add3A_3256 = arith.constant 7 : i32
        %add3A_3257 = arith.addi %mul3A_3188, %add3A_3256 : i32
        %get3A_3258 = arith.index_cast %add3A_3257 : i32 to index
        %get3A_3259 = arith.constant 0 : index
        %get3A_3260 = tpu.vector_load %arg7[%get3A_3258, %get3A_3259] {strides = array<i32>} : memref<1664x16xf32, #tpu.memory_space<vmem>>, vector<1x16xf32>,
        %get3A_3261 = vector.shape_cast %get3A_3260 : vector<1x16xf32> to vector<16xf32>
        %add3A_3262 = arith.addf %add3A_3253, %get3A_3261 : vector<16xf32>
        %mul3A_3263 = arith.mulf %get3A_3261, %get3A_3261 : vector<16xf32>
        %add3A_3264 = arith.addf %add3A_3255, %mul3A_3263 : vector<16xf32>
        %add3A_3265 = arith.constant 8 : i32
        %add3A_3266 = arith.addi %mul3A_3188, %add3A_3265 : i32
        %get3A_3267 = arith.index_cast %add3A_3266 : i32 to index
        %get3A_3268 = arith.constant 0 : index
        %get3A_3269 = tpu.vector_load %arg7[%get3A_3267, %get3A_3268] {strides = array<i32>} : memref<1664x16xf32, #tpu.memory_space<vmem>>, vector<1x16xf32>,
        %get3A_3270 = vector.shape_cast %get3A_3269 : vector<1x16xf32> to vector<16xf32>
        %add3A_3271 = arith.addf %add3A_3262, %get3A_3270 : vector<16xf32>
        %mul3A_3272 = arith.mulf %get3A_3270, %get3A_3270 : vector<16xf32>
        %add3A_3273 = arith.addf %add3A_3264, %mul3A_3272 : vector<16xf32>
        %add3A_3274 = arith.constant 9 : i32
        %add3A_3275 = arith.addi %mul3A_3188, %add3A_3274 : i32
        %get3A_3276 = arith.index_cast %add3A_3275 : i32 to index
        %get3A_3277 = arith.constant 0 : index
        %get3A_3278 = tpu.vector_load %arg7[%get3A_3276, %get3A_3277] {strides = array<i32>} : memref<1664x16xf32, #tpu.memory_space<vmem>>, vector<1x16xf32>,
        %get3A_3279 = vector.shape_cast %get3A_3278 : vector<1x16xf32> to vector<16xf32>
        %add3A_3280 = arith.addf %add3A_3271, %get3A_3279 : vector<16xf32>
        %mul3A_3281 = arith.mulf %get3A_3279, %get3A_3279 : vector<16xf32>
        %add3A_3282 = arith.addf %add3A_3273, %mul3A_3281 : vector<16xf32>
        %add3A_3283 = arith.constant 10 : i32
        %add3A_3284 = arith.addi %mul3A_3188, %add3A_3283 : i32
        %get3A_3285 = arith.index_cast %add3A_3284 : i32 to index
        %get3A_3286 = arith.constant 0 : index
        %get3A_3287 = tpu.vector_load %arg7[%get3A_3285, %get3A_3286] {strides = array<i32>} : memref<1664x16xf32, #tpu.memory_space<vmem>>, vector<1x16xf32>,
        %get3A_3288 = vector.shape_cast %get3A_3287 : vector<1x16xf32> to vector<16xf32>
        %add3A_3289 = arith.addf %add3A_3280, %get3A_3288 : vector<16xf32>
        %mul3A_3290 = arith.mulf %get3A_3288, %get3A_3288 : vector<16xf32>
        %add3A_3291 = arith.addf %add3A_3282, %mul3A_3290 : vector<16xf32>
        %add3A_3292 = arith.constant 11 : i32
        %add3A_3293 = arith.addi %mul3A_3188, %add3A_3292 : i32
        %get3A_3294 = arith.index_cast %add3A_3293 : i32 to index
        %get3A_3295 = arith.constant 0 : index
        %get3A_3296 = tpu.vector_load %arg7[%get3A_3294, %get3A_3295] {strides = array<i32>} : memref<1664x16xf32, #tpu.memory_space<vmem>>, vector<1x16xf32>,
        %get3A_3297 = vector.shape_cast %get3A_3296 : vector<1x16xf32> to vector<16xf32>
        %add3A_3298 = arith.addf %add3A_3289, %get3A_3297 : vector<16xf32>
        %mul3A_3299 = arith.mulf %get3A_3297, %get3A_3297 : vector<16xf32>
        %add3A_3300 = arith.addf %add3A_3291, %mul3A_3299 : vector<16xf32>
        %add3A_3301 = arith.constant 12 : i32
        %add3A_3302 = arith.addi %mul3A_3188, %add3A_3301 : i32
        %get3A_3303 = arith.index_cast %add3A_3302 : i32 to index
        %get3A_3304 = arith.constant 0 : index
        %get3A_3305 = tpu.vector_load %arg7[%get3A_3303, %get3A_3304] {strides = array<i32>} : memref<1664x16xf32, #tpu.memory_space<vmem>>, vector<1x16xf32>,
        %get3A_3306 = vector.shape_cast %get3A_3305 : vector<1x16xf32> to vector<16xf32>
        %add3A_3307 = arith.addf %add3A_3298, %get3A_3306 : vector<16xf32>
        %mul3A_3308 = arith.mulf %get3A_3306, %get3A_3306 : vector<16xf32>
        %add3A_3309 = arith.addf %add3A_3300, %mul3A_3308 : vector<16xf32>
        %add3A_3310 = arith.constant 13 : i32
        %add3A_3311 = arith.addi %mul3A_3188, %add3A_3310 : i32
        %get3A_3312 = arith.index_cast %add3A_3311 : i32 to index
        %get3A_3313 = arith.constant 0 : index
        %get3A_3314 = tpu.vector_load %arg7[%get3A_3312, %get3A_3313] {strides = array<i32>} : memref<1664x16xf32, #tpu.memory_space<vmem>>, vector<1x16xf32>,
        %get3A_3315 = vector.shape_cast %get3A_3314 : vector<1x16xf32> to vector<16xf32>
        %add3A_3316 = arith.addf %add3A_3307, %get3A_3315 : vector<16xf32>
        %mul3A_3317 = arith.mulf %get3A_3315, %get3A_3315 : vector<16xf32>
        %add3A_3318 = arith.addf %add3A_3309, %mul3A_3317 : vector<16xf32>
        %add3A_3319 = arith.constant 14 : i32
        %add3A_3320 = arith.addi %mul3A_3188, %add3A_3319 : i32
        %get3A_3321 = arith.index_cast %add3A_3320 : i32 to index
        %get3A_3322 = arith.constant 0 : index
        %get3A_3323 = tpu.vector_load %arg7[%get3A_3321, %get3A_3322] {strides = array<i32>} : memref<1664x16xf32, #tpu.memory_space<vmem>>, vector<1x16xf32>,
        %get3A_3324 = vector.shape_cast %get3A_3323 : vector<1x16xf32> to vector<16xf32>
        %add3A_3325 = arith.addf %add3A_3316, %get3A_3324 : vector<16xf32>
        %mul3A_3326 = arith.mulf %get3A_3324, %get3A_3324 : vector<16xf32>
        %add3A_3327 = arith.addf %add3A_3318, %mul3A_3326 : vector<16xf32>
        %add3A_3328 = arith.constant 15 : i32
        %add3A_3329 = arith.addi %mul3A_3188, %add3A_3328 : i32
        %get3A_3330 = arith.index_cast %add3A_3329 : i32 to index
        %get3A_3331 = arith.constant 0 : index
        %get3A_3332 = tpu.vector_load %arg7[%get3A_3330, %get3A_3331] {strides = array<i32>} : memref<1664x16xf32, #tpu.memory_space<vmem>>, vector<1x16xf32>,
        %get3A_3333 = vector.shape_cast %get3A_3332 : vector<1x16xf32> to vector<16xf32>
        %add3A_3334 = arith.addf %add3A_3325, %get3A_3333 : vector<16xf32>
        %mul3A_3335 = arith.mulf %get3A_3333, %get3A_3333 : vector<16xf32>
        %add3A_3336 = arith.addf %add3A_3327, %mul3A_3335 : vector<16xf32>
        %add3A_3337 = arith.constant 16 : i32
        %add3A_3338 = arith.addi %mul3A_3188, %add3A_3337 : i32
        %get3A_3339 = arith.index_cast %add3A_3338 : i32 to index
        %get3A_3340 = arith.constant 0 : index
        %get3A_3341 = tpu.vector_load %arg7[%get3A_3339, %get3A_3340] {strides = array<i32>} : memref<1664x16xf32, #tpu.memory_space<vmem>>, vector<1x16xf32>,
        %get3A_3342 = vector.shape_cast %get3A_3341 : vector<1x16xf32> to vector<16xf32>
        %add3A_3343 = arith.addf %add3A_3334, %get3A_3342 : vector<16xf32>
        %mul3A_3344 = arith.mulf %get3A_3342, %get3A_3342 : vector<16xf32>
        %add3A_3345 = arith.addf %add3A_3336, %mul3A_3344 : vector<16xf32>
        %add3A_3346 = arith.constant 17 : i32
        %add3A_3347 = arith.addi %mul3A_3188, %add3A_3346 : i32
        %get3A_3348 = arith.index_cast %add3A_3347 : i32 to index
        %get3A_3349 = arith.constant 0 : index
        %get3A_3350 = tpu.vector_load %arg7[%get3A_3348, %get3A_3349] {strides = array<i32>} : memref<1664x16xf32, #tpu.memory_space<vmem>>, vector<1x16xf32>,
        %get3A_3351 = vector.shape_cast %get3A_3350 : vector<1x16xf32> to vector<16xf32>
        %add3A_3352 = arith.addf %add3A_3343, %get3A_3351 : vector<16xf32>
        %mul3A_3353 = arith.mulf %get3A_3351, %get3A_3351 : vector<16xf32>
        %add3A_3354 = arith.addf %add3A_3345, %mul3A_3353 : vector<16xf32>
        %add3A_3355 = arith.constant 18 : i32
        %add3A_3356 = arith.addi %mul3A_3188, %add3A_3355 : i32
        %get3A_3357 = arith.index_cast %add3A_3356 : i32 to index
        %get3A_3358 = arith.constant 0 : index
        %get3A_3359 = tpu.vector_load %arg7[%get3A_3357, %get3A_3358] {strides = array<i32>} : memref<1664x16xf32, #tpu.memory_space<vmem>>, vector<1x16xf32>,
        %get3A_3360 = vector.shape_cast %get3A_3359 : vector<1x16xf32> to vector<16xf32>
        %add3A_3361 = arith.addf %add3A_3352, %get3A_3360 : vector<16xf32>
        %mul3A_3362 = arith.mulf %get3A_3360, %get3A_3360 : vector<16xf32>
        %add3A_3363 = arith.addf %add3A_3354, %mul3A_3362 : vector<16xf32>
        %add3A_3364 = arith.constant 19 : i32
        %add3A_3365 = arith.addi %mul3A_3188, %add3A_3364 : i32
        %get3A_3366 = arith.index_cast %add3A_3365 : i32 to index
        %get3A_3367 = arith.constant 0 : index
        %get3A_3368 = tpu.vector_load %arg7[%get3A_3366, %get3A_3367] {strides = array<i32>} : memref<1664x16xf32, #tpu.memory_space<vmem>>, vector<1x16xf32>,
        %get3A_3369 = vector.shape_cast %get3A_3368 : vector<1x16xf32> to vector<16xf32>
        %add3A_3370 = arith.addf %add3A_3361, %get3A_3369 : vector<16xf32>
        %mul3A_3371 = arith.mulf %get3A_3369, %get3A_3369 : vector<16xf32>
        %add3A_3372 = arith.addf %add3A_3363, %mul3A_3371 : vector<16xf32>
        %add3A_3373 = arith.constant 20 : i32
        %add3A_3374 = arith.addi %mul3A_3188, %add3A_3373 : i32
        %get3A_3375 = arith.index_cast %add3A_3374 : i32 to index
        %get3A_3376 = arith.constant 0 : index
        %get3A_3377 = tpu.vector_load %arg7[%get3A_3375, %get3A_3376] {strides = array<i32>} : memref<1664x16xf32, #tpu.memory_space<vmem>>, vector<1x16xf32>,
        %get3A_3378 = vector.shape_cast %get3A_3377 : vector<1x16xf32> to vector<16xf32>
        %add3A_3379 = arith.addf %add3A_3370, %get3A_3378 : vector<16xf32>
        %mul3A_3380 = arith.mulf %get3A_3378, %get3A_3378 : vector<16xf32>
        %add3A_3381 = arith.addf %add3A_3372, %mul3A_3380 : vector<16xf32>
        %add3A_3382 = arith.constant 21 : i32
        %add3A_3383 = arith.addi %mul3A_3188, %add3A_3382 : i32
        %get3A_3384 = arith.index_cast %add3A_3383 : i32 to index
        %get3A_3385 = arith.constant 0 : index
        %get3A_3386 = tpu.vector_load %arg7[%get3A_3384, %get3A_3385] {strides = array<i32>} : memref<1664x16xf32, #tpu.memory_space<vmem>>, vector<1x16xf32>,
        %get3A_3387 = vector.shape_cast %get3A_3386 : vector<1x16xf32> to vector<16xf32>
        %add3A_3388 = arith.addf %add3A_3379, %get3A_3387 : vector<16xf32>
        %mul3A_3389 = arith.mulf %get3A_3387, %get3A_3387 : vector<16xf32>
        %add3A_3390 = arith.addf %add3A_3381, %mul3A_3389 : vector<16xf32>
        %add3A_3391 = arith.constant 22 : i32
        %add3A_3392 = arith.addi %mul3A_3188, %add3A_3391 : i32
        %get3A_3393 = arith.index_cast %add3A_3392 : i32 to index
        %get3A_3394 = arith.constant 0 : index
        %get3A_3395 = tpu.vector_load %arg7[%get3A_3393, %get3A_3394] {strides = array<i32>} : memref<1664x16xf32, #tpu.memory_space<vmem>>, vector<1x16xf32>,
        %get3A_3396 = vector.shape_cast %get3A_3395 : vector<1x16xf32> to vector<16xf32>
        %add3A_3397 = arith.addf %add3A_3388, %get3A_3396 : vector<16xf32>
        %mul3A_3398 = arith.mulf %get3A_3396, %get3A_3396 : vector<16xf32>
        %add3A_3399 = arith.addf %add3A_3390, %mul3A_3398 : vector<16xf32>
        %add3A_3400 = arith.constant 23 : i32
        %add3A_3401 = arith.addi %mul3A_3188, %add3A_3400 : i32
        %get3A_3402 = arith.index_cast %add3A_3401 : i32 to index
        %get3A_3403 = arith.constant 0 : index
        %get3A_3404 = tpu.vector_load %arg7[%get3A_3402, %get3A_3403] {strides = array<i32>} : memref<1664x16xf32, #tpu.memory_space<vmem>>, vector<1x16xf32>,
        %get3A_3405 = vector.shape_cast %get3A_3404 : vector<1x16xf32> to vector<16xf32>
        %add3A_3406 = arith.addf %add3A_3397, %get3A_3405 : vector<16xf32>
        %mul3A_3407 = arith.mulf %get3A_3405, %get3A_3405 : vector<16xf32>
        %add3A_3408 = arith.addf %add3A_3399, %mul3A_3407 : vector<16xf32>
        %add3A_3409 = arith.constant 24 : i32
        %add3A_3410 = arith.addi %mul3A_3188, %add3A_3409 : i32
        %get3A_3411 = arith.index_cast %add3A_3410 : i32 to index
        %get3A_3412 = arith.constant 0 : index
        %get3A_3413 = tpu.vector_load %arg7[%get3A_3411, %get3A_3412] {strides = array<i32>} : memref<1664x16xf32, #tpu.memory_space<vmem>>, vector<1x16xf32>,
        %get3A_3414 = vector.shape_cast %get3A_3413 : vector<1x16xf32> to vector<16xf32>
        %add3A_3415 = arith.addf %add3A_3406, %get3A_3414 : vector<16xf32>
        %mul3A_3416 = arith.mulf %get3A_3414, %get3A_3414 : vector<16xf32>
        %add3A_3417 = arith.addf %add3A_3408, %mul3A_3416 : vector<16xf32>
        %add3A_3418 = arith.constant 25 : i32
        %add3A_3419 = arith.addi %mul3A_3188, %add3A_3418 : i32
        %get3A_3420 = arith.index_cast %add3A_3419 : i32 to index
        %get3A_3421 = arith.constant 0 : index
        %get3A_3422 = tpu.vector_load %arg7[%get3A_3420, %get3A_3421] {strides = array<i32>} : memref<1664x16xf32, #tpu.memory_space<vmem>>, vector<1x16xf32>,
        %get3A_3423 = vector.shape_cast %get3A_3422 : vector<1x16xf32> to vector<16xf32>
        %add3A_3424 = arith.addf %add3A_3415, %get3A_3423 : vector<16xf32>
        %mul3A_3425 = arith.mulf %get3A_3423, %get3A_3423 : vector<16xf32>
        %add3A_3426 = arith.addf %add3A_3417, %mul3A_3425 : vector<16xf32>
        %get3A_3427 = arith.index_cast %mul3A_3188 : i32 to index
        %get3A_3428 = tpu.vector_load %arg8[%get3A_3427] {strides = array<i32>} : memref<1696xf32, #tpu.memory_space<vmem>>, vector<16xf32>,
        %get3A_3429 = vector.shape_cast %get3A_3428 : vector<16xf32> to vector<16xf32>
        %add3A_3430 = arith.constant 16 : i32
        %add3A_3431 = arith.addi %mul3A_3188, %add3A_3430 : i32
        %get3A_3432 = arith.index_cast %add3A_3431 : i32 to index
        %get3A_3433 = tpu.vector_load %arg8[%get3A_3432] {strides = array<i32>} : memref<1696xf32, #tpu.memory_space<vmem>>, vector<16xf32>,
        %get3A_3434 = vector.shape_cast %get3A_3433 : vector<16xf32> to vector<16xf32>
        %lt3A_3435 = arith.constant 10 : i32
        %lt3A_3436 = vector.broadcast %lt3A_3435 : i32 to vector<16xi32>
        %lt3A_3437 = arith.cmpi slt, %iota3A, %lt3A_3436 : vector<16xi32>
        %jit3A_3438 = arith.constant 0.000000e+00 : f32
        %broadcast_in_dim3A_3439 = vector.broadcast %jit3A_3438 : f32 to vector<16xf32>
        %select_n3A_3440 = arith.select %lt3A_3437, %get3A_3434, %broadcast_in_dim3A_3439 : vector<16xi1>, vector<16xf32>
        %mul3A_3441 = arith.mulf %add3A_3424, %add3A_3424 : vector<16xf32>
        %sub3A_3442 = arith.subf %mul3A_3441, %add3A_3426 : vector<16xf32>
        %mul3A_3443 = arith.constant 5.000000e-01 : f32
        %mul3A_3444 = vector.broadcast %mul3A_3443 : f32 to vector<16xf32>
        %mul3A_3445 = arith.mulf %mul3A_3444, %sub3A_3442 : vector<16xf32>
        %add3A_3446 = arith.addf %mul3A_3445, %get3A_3429 : vector<16xf32>
        %add3A_3447 = arith.addf %add3A_3446, %select_n3A_3440 : vector<16xf32>
        %mul3A_3448 = arith.constant 16 : i32
        %mul3A_3449 = arith.muli %scan3A_538, %mul3A_3448 : i32
        %add3A_3450 = arith.constant 11 : i32
        %add3A_3451 = arith.addi %mul3A_3449, %add3A_3450 : i32
        %mul3A_3452 = arith.constant 26 : i32
        %mul3A_3453 = arith.muli %add3A_3451, %mul3A_3452 : i32
        %broadcast_in_dim3A_3454 = arith.constant 0.000000e+00 : f32
        %broadcast_in_dim3A_3455 = vector.broadcast %broadcast_in_dim3A_3454 : f32 to vector<16xf32>
        %broadcast_in_dim3A_3456 = arith.constant 0.000000e+00 : f32
        %broadcast_in_dim3A_3457 = vector.broadcast %broadcast_in_dim3A_3456 : f32 to vector<16xf32>
        %add3A_3458 = arith.constant 0 : i32
        %add3A_3459 = arith.addi %mul3A_3453, %add3A_3458 : i32
        %get3A_3460 = arith.index_cast %add3A_3459 : i32 to index
        %get3A_3461 = arith.constant 0 : index
        %get3A_3462 = tpu.vector_load %arg7[%get3A_3460, %get3A_3461] {strides = array<i32>} : memref<1664x16xf32, #tpu.memory_space<vmem>>, vector<1x16xf32>,
        %get3A_3463 = vector.shape_cast %get3A_3462 : vector<1x16xf32> to vector<16xf32>
        %add3A_3464 = arith.addf %broadcast_in_dim3A_3455, %get3A_3463 : vector<16xf32>
        %mul3A_3465 = arith.mulf %get3A_3463, %get3A_3463 : vector<16xf32>
        %add3A_3466 = arith.addf %broadcast_in_dim3A_3457, %mul3A_3465 : vector<16xf32>
        %add3A_3467 = arith.constant 1 : i32
        %add3A_3468 = arith.addi %mul3A_3453, %add3A_3467 : i32
        %get3A_3469 = arith.index_cast %add3A_3468 : i32 to index
        %get3A_3470 = arith.constant 0 : index
        %get3A_3471 = tpu.vector_load %arg7[%get3A_3469, %get3A_3470] {strides = array<i32>} : memref<1664x16xf32, #tpu.memory_space<vmem>>, vector<1x16xf32>,
        %get3A_3472 = vector.shape_cast %get3A_3471 : vector<1x16xf32> to vector<16xf32>
        %add3A_3473 = arith.addf %add3A_3464, %get3A_3472 : vector<16xf32>
        %mul3A_3474 = arith.mulf %get3A_3472, %get3A_3472 : vector<16xf32>
        %add3A_3475 = arith.addf %add3A_3466, %mul3A_3474 : vector<16xf32>
        %add3A_3476 = arith.constant 2 : i32
        %add3A_3477 = arith.addi %mul3A_3453, %add3A_3476 : i32
        %get3A_3478 = arith.index_cast %add3A_3477 : i32 to index
        %get3A_3479 = arith.constant 0 : index
        %get3A_3480 = tpu.vector_load %arg7[%get3A_3478, %get3A_3479] {strides = array<i32>} : memref<1664x16xf32, #tpu.memory_space<vmem>>, vector<1x16xf32>,
        %get3A_3481 = vector.shape_cast %get3A_3480 : vector<1x16xf32> to vector<16xf32>
        %add3A_3482 = arith.addf %add3A_3473, %get3A_3481 : vector<16xf32>
        %mul3A_3483 = arith.mulf %get3A_3481, %get3A_3481 : vector<16xf32>
        %add3A_3484 = arith.addf %add3A_3475, %mul3A_3483 : vector<16xf32>
        %add3A_3485 = arith.constant 3 : i32
        %add3A_3486 = arith.addi %mul3A_3453, %add3A_3485 : i32
        %get3A_3487 = arith.index_cast %add3A_3486 : i32 to index
        %get3A_3488 = arith.constant 0 : index
        %get3A_3489 = tpu.vector_load %arg7[%get3A_3487, %get3A_3488] {strides = array<i32>} : memref<1664x16xf32, #tpu.memory_space<vmem>>, vector<1x16xf32>,
        %get3A_3490 = vector.shape_cast %get3A_3489 : vector<1x16xf32> to vector<16xf32>
        %add3A_3491 = arith.addf %add3A_3482, %get3A_3490 : vector<16xf32>
        %mul3A_3492 = arith.mulf %get3A_3490, %get3A_3490 : vector<16xf32>
        %add3A_3493 = arith.addf %add3A_3484, %mul3A_3492 : vector<16xf32>
        %add3A_3494 = arith.constant 4 : i32
        %add3A_3495 = arith.addi %mul3A_3453, %add3A_3494 : i32
        %get3A_3496 = arith.index_cast %add3A_3495 : i32 to index
        %get3A_3497 = arith.constant 0 : index
        %get3A_3498 = tpu.vector_load %arg7[%get3A_3496, %get3A_3497] {strides = array<i32>} : memref<1664x16xf32, #tpu.memory_space<vmem>>, vector<1x16xf32>,
        %get3A_3499 = vector.shape_cast %get3A_3498 : vector<1x16xf32> to vector<16xf32>
        %add3A_3500 = arith.addf %add3A_3491, %get3A_3499 : vector<16xf32>
        %mul3A_3501 = arith.mulf %get3A_3499, %get3A_3499 : vector<16xf32>
        %add3A_3502 = arith.addf %add3A_3493, %mul3A_3501 : vector<16xf32>
        %add3A_3503 = arith.constant 5 : i32
        %add3A_3504 = arith.addi %mul3A_3453, %add3A_3503 : i32
        %get3A_3505 = arith.index_cast %add3A_3504 : i32 to index
        %get3A_3506 = arith.constant 0 : index
        %get3A_3507 = tpu.vector_load %arg7[%get3A_3505, %get3A_3506] {strides = array<i32>} : memref<1664x16xf32, #tpu.memory_space<vmem>>, vector<1x16xf32>,
        %get3A_3508 = vector.shape_cast %get3A_3507 : vector<1x16xf32> to vector<16xf32>
        %add3A_3509 = arith.addf %add3A_3500, %get3A_3508 : vector<16xf32>
        %mul3A_3510 = arith.mulf %get3A_3508, %get3A_3508 : vector<16xf32>
        %add3A_3511 = arith.addf %add3A_3502, %mul3A_3510 : vector<16xf32>
        %add3A_3512 = arith.constant 6 : i32
        %add3A_3513 = arith.addi %mul3A_3453, %add3A_3512 : i32
        %get3A_3514 = arith.index_cast %add3A_3513 : i32 to index
        %get3A_3515 = arith.constant 0 : index
        %get3A_3516 = tpu.vector_load %arg7[%get3A_3514, %get3A_3515] {strides = array<i32>} : memref<1664x16xf32, #tpu.memory_space<vmem>>, vector<1x16xf32>,
        %get3A_3517 = vector.shape_cast %get3A_3516 : vector<1x16xf32> to vector<16xf32>
        %add3A_3518 = arith.addf %add3A_3509, %get3A_3517 : vector<16xf32>
        %mul3A_3519 = arith.mulf %get3A_3517, %get3A_3517 : vector<16xf32>
        %add3A_3520 = arith.addf %add3A_3511, %mul3A_3519 : vector<16xf32>
        %add3A_3521 = arith.constant 7 : i32
        %add3A_3522 = arith.addi %mul3A_3453, %add3A_3521 : i32
        %get3A_3523 = arith.index_cast %add3A_3522 : i32 to index
        %get3A_3524 = arith.constant 0 : index
        %get3A_3525 = tpu.vector_load %arg7[%get3A_3523, %get3A_3524] {strides = array<i32>} : memref<1664x16xf32, #tpu.memory_space<vmem>>, vector<1x16xf32>,
        %get3A_3526 = vector.shape_cast %get3A_3525 : vector<1x16xf32> to vector<16xf32>
        %add3A_3527 = arith.addf %add3A_3518, %get3A_3526 : vector<16xf32>
        %mul3A_3528 = arith.mulf %get3A_3526, %get3A_3526 : vector<16xf32>
        %add3A_3529 = arith.addf %add3A_3520, %mul3A_3528 : vector<16xf32>
        %add3A_3530 = arith.constant 8 : i32
        %add3A_3531 = arith.addi %mul3A_3453, %add3A_3530 : i32
        %get3A_3532 = arith.index_cast %add3A_3531 : i32 to index
        %get3A_3533 = arith.constant 0 : index
        %get3A_3534 = tpu.vector_load %arg7[%get3A_3532, %get3A_3533] {strides = array<i32>} : memref<1664x16xf32, #tpu.memory_space<vmem>>, vector<1x16xf32>,
        %get3A_3535 = vector.shape_cast %get3A_3534 : vector<1x16xf32> to vector<16xf32>
        %add3A_3536 = arith.addf %add3A_3527, %get3A_3535 : vector<16xf32>
        %mul3A_3537 = arith.mulf %get3A_3535, %get3A_3535 : vector<16xf32>
        %add3A_3538 = arith.addf %add3A_3529, %mul3A_3537 : vector<16xf32>
        %add3A_3539 = arith.constant 9 : i32
        %add3A_3540 = arith.addi %mul3A_3453, %add3A_3539 : i32
        %get3A_3541 = arith.index_cast %add3A_3540 : i32 to index
        %get3A_3542 = arith.constant 0 : index
        %get3A_3543 = tpu.vector_load %arg7[%get3A_3541, %get3A_3542] {strides = array<i32>} : memref<1664x16xf32, #tpu.memory_space<vmem>>, vector<1x16xf32>,
        %get3A_3544 = vector.shape_cast %get3A_3543 : vector<1x16xf32> to vector<16xf32>
        %add3A_3545 = arith.addf %add3A_3536, %get3A_3544 : vector<16xf32>
        %mul3A_3546 = arith.mulf %get3A_3544, %get3A_3544 : vector<16xf32>
        %add3A_3547 = arith.addf %add3A_3538, %mul3A_3546 : vector<16xf32>
        %add3A_3548 = arith.constant 10 : i32
        %add3A_3549 = arith.addi %mul3A_3453, %add3A_3548 : i32
        %get3A_3550 = arith.index_cast %add3A_3549 : i32 to index
        %get3A_3551 = arith.constant 0 : index
        %get3A_3552 = tpu.vector_load %arg7[%get3A_3550, %get3A_3551] {strides = array<i32>} : memref<1664x16xf32, #tpu.memory_space<vmem>>, vector<1x16xf32>,
        %get3A_3553 = vector.shape_cast %get3A_3552 : vector<1x16xf32> to vector<16xf32>
        %add3A_3554 = arith.addf %add3A_3545, %get3A_3553 : vector<16xf32>
        %mul3A_3555 = arith.mulf %get3A_3553, %get3A_3553 : vector<16xf32>
        %add3A_3556 = arith.addf %add3A_3547, %mul3A_3555 : vector<16xf32>
        %add3A_3557 = arith.constant 11 : i32
        %add3A_3558 = arith.addi %mul3A_3453, %add3A_3557 : i32
        %get3A_3559 = arith.index_cast %add3A_3558 : i32 to index
        %get3A_3560 = arith.constant 0 : index
        %get3A_3561 = tpu.vector_load %arg7[%get3A_3559, %get3A_3560] {strides = array<i32>} : memref<1664x16xf32, #tpu.memory_space<vmem>>, vector<1x16xf32>,
        %get3A_3562 = vector.shape_cast %get3A_3561 : vector<1x16xf32> to vector<16xf32>
        %add3A_3563 = arith.addf %add3A_3554, %get3A_3562 : vector<16xf32>
        %mul3A_3564 = arith.mulf %get3A_3562, %get3A_3562 : vector<16xf32>
        %add3A_3565 = arith.addf %add3A_3556, %mul3A_3564 : vector<16xf32>
        %add3A_3566 = arith.constant 12 : i32
        %add3A_3567 = arith.addi %mul3A_3453, %add3A_3566 : i32
        %get3A_3568 = arith.index_cast %add3A_3567 : i32 to index
        %get3A_3569 = arith.constant 0 : index
        %get3A_3570 = tpu.vector_load %arg7[%get3A_3568, %get3A_3569] {strides = array<i32>} : memref<1664x16xf32, #tpu.memory_space<vmem>>, vector<1x16xf32>,
        %get3A_3571 = vector.shape_cast %get3A_3570 : vector<1x16xf32> to vector<16xf32>
        %add3A_3572 = arith.addf %add3A_3563, %get3A_3571 : vector<16xf32>
        %mul3A_3573 = arith.mulf %get3A_3571, %get3A_3571 : vector<16xf32>
        %add3A_3574 = arith.addf %add3A_3565, %mul3A_3573 : vector<16xf32>
        %add3A_3575 = arith.constant 13 : i32
        %add3A_3576 = arith.addi %mul3A_3453, %add3A_3575 : i32
        %get3A_3577 = arith.index_cast %add3A_3576 : i32 to index
        %get3A_3578 = arith.constant 0 : index
        %get3A_3579 = tpu.vector_load %arg7[%get3A_3577, %get3A_3578] {strides = array<i32>} : memref<1664x16xf32, #tpu.memory_space<vmem>>, vector<1x16xf32>,
        %get3A_3580 = vector.shape_cast %get3A_3579 : vector<1x16xf32> to vector<16xf32>
        %add3A_3581 = arith.addf %add3A_3572, %get3A_3580 : vector<16xf32>
        %mul3A_3582 = arith.mulf %get3A_3580, %get3A_3580 : vector<16xf32>
        %add3A_3583 = arith.addf %add3A_3574, %mul3A_3582 : vector<16xf32>
        %add3A_3584 = arith.constant 14 : i32
        %add3A_3585 = arith.addi %mul3A_3453, %add3A_3584 : i32
        %get3A_3586 = arith.index_cast %add3A_3585 : i32 to index
        %get3A_3587 = arith.constant 0 : index
        %get3A_3588 = tpu.vector_load %arg7[%get3A_3586, %get3A_3587] {strides = array<i32>} : memref<1664x16xf32, #tpu.memory_space<vmem>>, vector<1x16xf32>,
        %get3A_3589 = vector.shape_cast %get3A_3588 : vector<1x16xf32> to vector<16xf32>
        %add3A_3590 = arith.addf %add3A_3581, %get3A_3589 : vector<16xf32>
        %mul3A_3591 = arith.mulf %get3A_3589, %get3A_3589 : vector<16xf32>
        %add3A_3592 = arith.addf %add3A_3583, %mul3A_3591 : vector<16xf32>
        %add3A_3593 = arith.constant 15 : i32
        %add3A_3594 = arith.addi %mul3A_3453, %add3A_3593 : i32
        %get3A_3595 = arith.index_cast %add3A_3594 : i32 to index
        %get3A_3596 = arith.constant 0 : index
        %get3A_3597 = tpu.vector_load %arg7[%get3A_3595, %get3A_3596] {strides = array<i32>} : memref<1664x16xf32, #tpu.memory_space<vmem>>, vector<1x16xf32>,
        %get3A_3598 = vector.shape_cast %get3A_3597 : vector<1x16xf32> to vector<16xf32>
        %add3A_3599 = arith.addf %add3A_3590, %get3A_3598 : vector<16xf32>
        %mul3A_3600 = arith.mulf %get3A_3598, %get3A_3598 : vector<16xf32>
        %add3A_3601 = arith.addf %add3A_3592, %mul3A_3600 : vector<16xf32>
        %add3A_3602 = arith.constant 16 : i32
        %add3A_3603 = arith.addi %mul3A_3453, %add3A_3602 : i32
        %get3A_3604 = arith.index_cast %add3A_3603 : i32 to index
        %get3A_3605 = arith.constant 0 : index
        %get3A_3606 = tpu.vector_load %arg7[%get3A_3604, %get3A_3605] {strides = array<i32>} : memref<1664x16xf32, #tpu.memory_space<vmem>>, vector<1x16xf32>,
        %get3A_3607 = vector.shape_cast %get3A_3606 : vector<1x16xf32> to vector<16xf32>
        %add3A_3608 = arith.addf %add3A_3599, %get3A_3607 : vector<16xf32>
        %mul3A_3609 = arith.mulf %get3A_3607, %get3A_3607 : vector<16xf32>
        %add3A_3610 = arith.addf %add3A_3601, %mul3A_3609 : vector<16xf32>
        %add3A_3611 = arith.constant 17 : i32
        %add3A_3612 = arith.addi %mul3A_3453, %add3A_3611 : i32
        %get3A_3613 = arith.index_cast %add3A_3612 : i32 to index
        %get3A_3614 = arith.constant 0 : index
        %get3A_3615 = tpu.vector_load %arg7[%get3A_3613, %get3A_3614] {strides = array<i32>} : memref<1664x16xf32, #tpu.memory_space<vmem>>, vector<1x16xf32>,
        %get3A_3616 = vector.shape_cast %get3A_3615 : vector<1x16xf32> to vector<16xf32>
        %add3A_3617 = arith.addf %add3A_3608, %get3A_3616 : vector<16xf32>
        %mul3A_3618 = arith.mulf %get3A_3616, %get3A_3616 : vector<16xf32>
        %add3A_3619 = arith.addf %add3A_3610, %mul3A_3618 : vector<16xf32>
        %add3A_3620 = arith.constant 18 : i32
        %add3A_3621 = arith.addi %mul3A_3453, %add3A_3620 : i32
        %get3A_3622 = arith.index_cast %add3A_3621 : i32 to index
        %get3A_3623 = arith.constant 0 : index
        %get3A_3624 = tpu.vector_load %arg7[%get3A_3622, %get3A_3623] {strides = array<i32>} : memref<1664x16xf32, #tpu.memory_space<vmem>>, vector<1x16xf32>,
        %get3A_3625 = vector.shape_cast %get3A_3624 : vector<1x16xf32> to vector<16xf32>
        %add3A_3626 = arith.addf %add3A_3617, %get3A_3625 : vector<16xf32>
        %mul3A_3627 = arith.mulf %get3A_3625, %get3A_3625 : vector<16xf32>
        %add3A_3628 = arith.addf %add3A_3619, %mul3A_3627 : vector<16xf32>
        %add3A_3629 = arith.constant 19 : i32
        %add3A_3630 = arith.addi %mul3A_3453, %add3A_3629 : i32
        %get3A_3631 = arith.index_cast %add3A_3630 : i32 to index
        %get3A_3632 = arith.constant 0 : index
        %get3A_3633 = tpu.vector_load %arg7[%get3A_3631, %get3A_3632] {strides = array<i32>} : memref<1664x16xf32, #tpu.memory_space<vmem>>, vector<1x16xf32>,
        %get3A_3634 = vector.shape_cast %get3A_3633 : vector<1x16xf32> to vector<16xf32>
        %add3A_3635 = arith.addf %add3A_3626, %get3A_3634 : vector<16xf32>
        %mul3A_3636 = arith.mulf %get3A_3634, %get3A_3634 : vector<16xf32>
        %add3A_3637 = arith.addf %add3A_3628, %mul3A_3636 : vector<16xf32>
        %add3A_3638 = arith.constant 20 : i32
        %add3A_3639 = arith.addi %mul3A_3453, %add3A_3638 : i32
        %get3A_3640 = arith.index_cast %add3A_3639 : i32 to index
        %get3A_3641 = arith.constant 0 : index
        %get3A_3642 = tpu.vector_load %arg7[%get3A_3640, %get3A_3641] {strides = array<i32>} : memref<1664x16xf32, #tpu.memory_space<vmem>>, vector<1x16xf32>,
        %get3A_3643 = vector.shape_cast %get3A_3642 : vector<1x16xf32> to vector<16xf32>
        %add3A_3644 = arith.addf %add3A_3635, %get3A_3643 : vector<16xf32>
        %mul3A_3645 = arith.mulf %get3A_3643, %get3A_3643 : vector<16xf32>
        %add3A_3646 = arith.addf %add3A_3637, %mul3A_3645 : vector<16xf32>
        %add3A_3647 = arith.constant 21 : i32
        %add3A_3648 = arith.addi %mul3A_3453, %add3A_3647 : i32
        %get3A_3649 = arith.index_cast %add3A_3648 : i32 to index
        %get3A_3650 = arith.constant 0 : index
        %get3A_3651 = tpu.vector_load %arg7[%get3A_3649, %get3A_3650] {strides = array<i32>} : memref<1664x16xf32, #tpu.memory_space<vmem>>, vector<1x16xf32>,
        %get3A_3652 = vector.shape_cast %get3A_3651 : vector<1x16xf32> to vector<16xf32>
        %add3A_3653 = arith.addf %add3A_3644, %get3A_3652 : vector<16xf32>
        %mul3A_3654 = arith.mulf %get3A_3652, %get3A_3652 : vector<16xf32>
        %add3A_3655 = arith.addf %add3A_3646, %mul3A_3654 : vector<16xf32>
        %add3A_3656 = arith.constant 22 : i32
        %add3A_3657 = arith.addi %mul3A_3453, %add3A_3656 : i32
        %get3A_3658 = arith.index_cast %add3A_3657 : i32 to index
        %get3A_3659 = arith.constant 0 : index
        %get3A_3660 = tpu.vector_load %arg7[%get3A_3658, %get3A_3659] {strides = array<i32>} : memref<1664x16xf32, #tpu.memory_space<vmem>>, vector<1x16xf32>,
        %get3A_3661 = vector.shape_cast %get3A_3660 : vector<1x16xf32> to vector<16xf32>
        %add3A_3662 = arith.addf %add3A_3653, %get3A_3661 : vector<16xf32>
        %mul3A_3663 = arith.mulf %get3A_3661, %get3A_3661 : vector<16xf32>
        %add3A_3664 = arith.addf %add3A_3655, %mul3A_3663 : vector<16xf32>
        %add3A_3665 = arith.constant 23 : i32
        %add3A_3666 = arith.addi %mul3A_3453, %add3A_3665 : i32
        %get3A_3667 = arith.index_cast %add3A_3666 : i32 to index
        %get3A_3668 = arith.constant 0 : index
        %get3A_3669 = tpu.vector_load %arg7[%get3A_3667, %get3A_3668] {strides = array<i32>} : memref<1664x16xf32, #tpu.memory_space<vmem>>, vector<1x16xf32>,
        %get3A_3670 = vector.shape_cast %get3A_3669 : vector<1x16xf32> to vector<16xf32>
        %add3A_3671 = arith.addf %add3A_3662, %get3A_3670 : vector<16xf32>
        %mul3A_3672 = arith.mulf %get3A_3670, %get3A_3670 : vector<16xf32>
        %add3A_3673 = arith.addf %add3A_3664, %mul3A_3672 : vector<16xf32>
        %add3A_3674 = arith.constant 24 : i32
        %add3A_3675 = arith.addi %mul3A_3453, %add3A_3674 : i32
        %get3A_3676 = arith.index_cast %add3A_3675 : i32 to index
        %get3A_3677 = arith.constant 0 : index
        %get3A_3678 = tpu.vector_load %arg7[%get3A_3676, %get3A_3677] {strides = array<i32>} : memref<1664x16xf32, #tpu.memory_space<vmem>>, vector<1x16xf32>,
        %get3A_3679 = vector.shape_cast %get3A_3678 : vector<1x16xf32> to vector<16xf32>
        %add3A_3680 = arith.addf %add3A_3671, %get3A_3679 : vector<16xf32>
        %mul3A_3681 = arith.mulf %get3A_3679, %get3A_3679 : vector<16xf32>
        %add3A_3682 = arith.addf %add3A_3673, %mul3A_3681 : vector<16xf32>
        %add3A_3683 = arith.constant 25 : i32
        %add3A_3684 = arith.addi %mul3A_3453, %add3A_3683 : i32
        %get3A_3685 = arith.index_cast %add3A_3684 : i32 to index
        %get3A_3686 = arith.constant 0 : index
        %get3A_3687 = tpu.vector_load %arg7[%get3A_3685, %get3A_3686] {strides = array<i32>} : memref<1664x16xf32, #tpu.memory_space<vmem>>, vector<1x16xf32>,
        %get3A_3688 = vector.shape_cast %get3A_3687 : vector<1x16xf32> to vector<16xf32>
        %add3A_3689 = arith.addf %add3A_3680, %get3A_3688 : vector<16xf32>
        %mul3A_3690 = arith.mulf %get3A_3688, %get3A_3688 : vector<16xf32>
        %add3A_3691 = arith.addf %add3A_3682, %mul3A_3690 : vector<16xf32>
        %get3A_3692 = arith.index_cast %mul3A_3453 : i32 to index
        %get3A_3693 = tpu.vector_load %arg8[%get3A_3692] {strides = array<i32>} : memref<1696xf32, #tpu.memory_space<vmem>>, vector<16xf32>,
        %get3A_3694 = vector.shape_cast %get3A_3693 : vector<16xf32> to vector<16xf32>
        %add3A_3695 = arith.constant 16 : i32
        %add3A_3696 = arith.addi %mul3A_3453, %add3A_3695 : i32
        %get3A_3697 = arith.index_cast %add3A_3696 : i32 to index
        %get3A_3698 = tpu.vector_load %arg8[%get3A_3697] {strides = array<i32>} : memref<1696xf32, #tpu.memory_space<vmem>>, vector<16xf32>,
        %get3A_3699 = vector.shape_cast %get3A_3698 : vector<16xf32> to vector<16xf32>
        %lt3A_3700 = arith.constant 10 : i32
        %lt3A_3701 = vector.broadcast %lt3A_3700 : i32 to vector<16xi32>
        %lt3A_3702 = arith.cmpi slt, %iota3A, %lt3A_3701 : vector<16xi32>
        %jit3A_3703 = arith.constant 0.000000e+00 : f32
        %broadcast_in_dim3A_3704 = vector.broadcast %jit3A_3703 : f32 to vector<16xf32>
        %select_n3A_3705 = arith.select %lt3A_3702, %get3A_3699, %broadcast_in_dim3A_3704 : vector<16xi1>, vector<16xf32>
        %mul3A_3706 = arith.mulf %add3A_3689, %add3A_3689 : vector<16xf32>
        %sub3A_3707 = arith.subf %mul3A_3706, %add3A_3691 : vector<16xf32>
        %mul3A_3708 = arith.constant 5.000000e-01 : f32
        %mul3A_3709 = vector.broadcast %mul3A_3708 : f32 to vector<16xf32>
        %mul3A_3710 = arith.mulf %mul3A_3709, %sub3A_3707 : vector<16xf32>
        %add3A_3711 = arith.addf %mul3A_3710, %get3A_3694 : vector<16xf32>
        %add3A_3712 = arith.addf %add3A_3711, %select_n3A_3705 : vector<16xf32>
        %mul3A_3713 = arith.constant 16 : i32
        %mul3A_3714 = arith.muli %scan3A_538, %mul3A_3713 : i32
        %add3A_3715 = arith.constant 12 : i32
        %add3A_3716 = arith.addi %mul3A_3714, %add3A_3715 : i32
        %mul3A_3717 = arith.constant 26 : i32
        %mul3A_3718 = arith.muli %add3A_3716, %mul3A_3717 : i32
        %broadcast_in_dim3A_3719 = arith.constant 0.000000e+00 : f32
        %broadcast_in_dim3A_3720 = vector.broadcast %broadcast_in_dim3A_3719 : f32 to vector<16xf32>
        %broadcast_in_dim3A_3721 = arith.constant 0.000000e+00 : f32
        %broadcast_in_dim3A_3722 = vector.broadcast %broadcast_in_dim3A_3721 : f32 to vector<16xf32>
        %add3A_3723 = arith.constant 0 : i32
        %add3A_3724 = arith.addi %mul3A_3718, %add3A_3723 : i32
        %get3A_3725 = arith.index_cast %add3A_3724 : i32 to index
        %get3A_3726 = arith.constant 0 : index
        %get3A_3727 = tpu.vector_load %arg7[%get3A_3725, %get3A_3726] {strides = array<i32>} : memref<1664x16xf32, #tpu.memory_space<vmem>>, vector<1x16xf32>,
        %get3A_3728 = vector.shape_cast %get3A_3727 : vector<1x16xf32> to vector<16xf32>
        %add3A_3729 = arith.addf %broadcast_in_dim3A_3720, %get3A_3728 : vector<16xf32>
        %mul3A_3730 = arith.mulf %get3A_3728, %get3A_3728 : vector<16xf32>
        %add3A_3731 = arith.addf %broadcast_in_dim3A_3722, %mul3A_3730 : vector<16xf32>
        %add3A_3732 = arith.constant 1 : i32
        %add3A_3733 = arith.addi %mul3A_3718, %add3A_3732 : i32
        %get3A_3734 = arith.index_cast %add3A_3733 : i32 to index
        %get3A_3735 = arith.constant 0 : index
        %get3A_3736 = tpu.vector_load %arg7[%get3A_3734, %get3A_3735] {strides = array<i32>} : memref<1664x16xf32, #tpu.memory_space<vmem>>, vector<1x16xf32>,
        %get3A_3737 = vector.shape_cast %get3A_3736 : vector<1x16xf32> to vector<16xf32>
        %add3A_3738 = arith.addf %add3A_3729, %get3A_3737 : vector<16xf32>
        %mul3A_3739 = arith.mulf %get3A_3737, %get3A_3737 : vector<16xf32>
        %add3A_3740 = arith.addf %add3A_3731, %mul3A_3739 : vector<16xf32>
        %add3A_3741 = arith.constant 2 : i32
        %add3A_3742 = arith.addi %mul3A_3718, %add3A_3741 : i32
        %get3A_3743 = arith.index_cast %add3A_3742 : i32 to index
        %get3A_3744 = arith.constant 0 : index
        %get3A_3745 = tpu.vector_load %arg7[%get3A_3743, %get3A_3744] {strides = array<i32>} : memref<1664x16xf32, #tpu.memory_space<vmem>>, vector<1x16xf32>,
        %get3A_3746 = vector.shape_cast %get3A_3745 : vector<1x16xf32> to vector<16xf32>
        %add3A_3747 = arith.addf %add3A_3738, %get3A_3746 : vector<16xf32>
        %mul3A_3748 = arith.mulf %get3A_3746, %get3A_3746 : vector<16xf32>
        %add3A_3749 = arith.addf %add3A_3740, %mul3A_3748 : vector<16xf32>
        %add3A_3750 = arith.constant 3 : i32
        %add3A_3751 = arith.addi %mul3A_3718, %add3A_3750 : i32
        %get3A_3752 = arith.index_cast %add3A_3751 : i32 to index
        %get3A_3753 = arith.constant 0 : index
        %get3A_3754 = tpu.vector_load %arg7[%get3A_3752, %get3A_3753] {strides = array<i32>} : memref<1664x16xf32, #tpu.memory_space<vmem>>, vector<1x16xf32>,
        %get3A_3755 = vector.shape_cast %get3A_3754 : vector<1x16xf32> to vector<16xf32>
        %add3A_3756 = arith.addf %add3A_3747, %get3A_3755 : vector<16xf32>
        %mul3A_3757 = arith.mulf %get3A_3755, %get3A_3755 : vector<16xf32>
        %add3A_3758 = arith.addf %add3A_3749, %mul3A_3757 : vector<16xf32>
        %add3A_3759 = arith.constant 4 : i32
        %add3A_3760 = arith.addi %mul3A_3718, %add3A_3759 : i32
        %get3A_3761 = arith.index_cast %add3A_3760 : i32 to index
        %get3A_3762 = arith.constant 0 : index
        %get3A_3763 = tpu.vector_load %arg7[%get3A_3761, %get3A_3762] {strides = array<i32>} : memref<1664x16xf32, #tpu.memory_space<vmem>>, vector<1x16xf32>,
        %get3A_3764 = vector.shape_cast %get3A_3763 : vector<1x16xf32> to vector<16xf32>
        %add3A_3765 = arith.addf %add3A_3756, %get3A_3764 : vector<16xf32>
        %mul3A_3766 = arith.mulf %get3A_3764, %get3A_3764 : vector<16xf32>
        %add3A_3767 = arith.addf %add3A_3758, %mul3A_3766 : vector<16xf32>
        %add3A_3768 = arith.constant 5 : i32
        %add3A_3769 = arith.addi %mul3A_3718, %add3A_3768 : i32
        %get3A_3770 = arith.index_cast %add3A_3769 : i32 to index
        %get3A_3771 = arith.constant 0 : index
        %get3A_3772 = tpu.vector_load %arg7[%get3A_3770, %get3A_3771] {strides = array<i32>} : memref<1664x16xf32, #tpu.memory_space<vmem>>, vector<1x16xf32>,
        %get3A_3773 = vector.shape_cast %get3A_3772 : vector<1x16xf32> to vector<16xf32>
        %add3A_3774 = arith.addf %add3A_3765, %get3A_3773 : vector<16xf32>
        %mul3A_3775 = arith.mulf %get3A_3773, %get3A_3773 : vector<16xf32>
        %add3A_3776 = arith.addf %add3A_3767, %mul3A_3775 : vector<16xf32>
        %add3A_3777 = arith.constant 6 : i32
        %add3A_3778 = arith.addi %mul3A_3718, %add3A_3777 : i32
        %get3A_3779 = arith.index_cast %add3A_3778 : i32 to index
        %get3A_3780 = arith.constant 0 : index
        %get3A_3781 = tpu.vector_load %arg7[%get3A_3779, %get3A_3780] {strides = array<i32>} : memref<1664x16xf32, #tpu.memory_space<vmem>>, vector<1x16xf32>,
        %get3A_3782 = vector.shape_cast %get3A_3781 : vector<1x16xf32> to vector<16xf32>
        %add3A_3783 = arith.addf %add3A_3774, %get3A_3782 : vector<16xf32>
        %mul3A_3784 = arith.mulf %get3A_3782, %get3A_3782 : vector<16xf32>
        %add3A_3785 = arith.addf %add3A_3776, %mul3A_3784 : vector<16xf32>
        %add3A_3786 = arith.constant 7 : i32
        %add3A_3787 = arith.addi %mul3A_3718, %add3A_3786 : i32
        %get3A_3788 = arith.index_cast %add3A_3787 : i32 to index
        %get3A_3789 = arith.constant 0 : index
        %get3A_3790 = tpu.vector_load %arg7[%get3A_3788, %get3A_3789] {strides = array<i32>} : memref<1664x16xf32, #tpu.memory_space<vmem>>, vector<1x16xf32>,
        %get3A_3791 = vector.shape_cast %get3A_3790 : vector<1x16xf32> to vector<16xf32>
        %add3A_3792 = arith.addf %add3A_3783, %get3A_3791 : vector<16xf32>
        %mul3A_3793 = arith.mulf %get3A_3791, %get3A_3791 : vector<16xf32>
        %add3A_3794 = arith.addf %add3A_3785, %mul3A_3793 : vector<16xf32>
        %add3A_3795 = arith.constant 8 : i32
        %add3A_3796 = arith.addi %mul3A_3718, %add3A_3795 : i32
        %get3A_3797 = arith.index_cast %add3A_3796 : i32 to index
        %get3A_3798 = arith.constant 0 : index
        %get3A_3799 = tpu.vector_load %arg7[%get3A_3797, %get3A_3798] {strides = array<i32>} : memref<1664x16xf32, #tpu.memory_space<vmem>>, vector<1x16xf32>,
        %get3A_3800 = vector.shape_cast %get3A_3799 : vector<1x16xf32> to vector<16xf32>
        %add3A_3801 = arith.addf %add3A_3792, %get3A_3800 : vector<16xf32>
        %mul3A_3802 = arith.mulf %get3A_3800, %get3A_3800 : vector<16xf32>
        %add3A_3803 = arith.addf %add3A_3794, %mul3A_3802 : vector<16xf32>
        %add3A_3804 = arith.constant 9 : i32
        %add3A_3805 = arith.addi %mul3A_3718, %add3A_3804 : i32
        %get3A_3806 = arith.index_cast %add3A_3805 : i32 to index
        %get3A_3807 = arith.constant 0 : index
        %get3A_3808 = tpu.vector_load %arg7[%get3A_3806, %get3A_3807] {strides = array<i32>} : memref<1664x16xf32, #tpu.memory_space<vmem>>, vector<1x16xf32>,
        %get3A_3809 = vector.shape_cast %get3A_3808 : vector<1x16xf32> to vector<16xf32>
        %add3A_3810 = arith.addf %add3A_3801, %get3A_3809 : vector<16xf32>
        %mul3A_3811 = arith.mulf %get3A_3809, %get3A_3809 : vector<16xf32>
        %add3A_3812 = arith.addf %add3A_3803, %mul3A_3811 : vector<16xf32>
        %add3A_3813 = arith.constant 10 : i32
        %add3A_3814 = arith.addi %mul3A_3718, %add3A_3813 : i32
        %get3A_3815 = arith.index_cast %add3A_3814 : i32 to index
        %get3A_3816 = arith.constant 0 : index
        %get3A_3817 = tpu.vector_load %arg7[%get3A_3815, %get3A_3816] {strides = array<i32>} : memref<1664x16xf32, #tpu.memory_space<vmem>>, vector<1x16xf32>,
        %get3A_3818 = vector.shape_cast %get3A_3817 : vector<1x16xf32> to vector<16xf32>
        %add3A_3819 = arith.addf %add3A_3810, %get3A_3818 : vector<16xf32>
        %mul3A_3820 = arith.mulf %get3A_3818, %get3A_3818 : vector<16xf32>
        %add3A_3821 = arith.addf %add3A_3812, %mul3A_3820 : vector<16xf32>
        %add3A_3822 = arith.constant 11 : i32
        %add3A_3823 = arith.addi %mul3A_3718, %add3A_3822 : i32
        %get3A_3824 = arith.index_cast %add3A_3823 : i32 to index
        %get3A_3825 = arith.constant 0 : index
        %get3A_3826 = tpu.vector_load %arg7[%get3A_3824, %get3A_3825] {strides = array<i32>} : memref<1664x16xf32, #tpu.memory_space<vmem>>, vector<1x16xf32>,
        %get3A_3827 = vector.shape_cast %get3A_3826 : vector<1x16xf32> to vector<16xf32>
        %add3A_3828 = arith.addf %add3A_3819, %get3A_3827 : vector<16xf32>
        %mul3A_3829 = arith.mulf %get3A_3827, %get3A_3827 : vector<16xf32>
        %add3A_3830 = arith.addf %add3A_3821, %mul3A_3829 : vector<16xf32>
        %add3A_3831 = arith.constant 12 : i32
        %add3A_3832 = arith.addi %mul3A_3718, %add3A_3831 : i32
        %get3A_3833 = arith.index_cast %add3A_3832 : i32 to index
        %get3A_3834 = arith.constant 0 : index
        %get3A_3835 = tpu.vector_load %arg7[%get3A_3833, %get3A_3834] {strides = array<i32>} : memref<1664x16xf32, #tpu.memory_space<vmem>>, vector<1x16xf32>,
        %get3A_3836 = vector.shape_cast %get3A_3835 : vector<1x16xf32> to vector<16xf32>
        %add3A_3837 = arith.addf %add3A_3828, %get3A_3836 : vector<16xf32>
        %mul3A_3838 = arith.mulf %get3A_3836, %get3A_3836 : vector<16xf32>
        %add3A_3839 = arith.addf %add3A_3830, %mul3A_3838 : vector<16xf32>
        %add3A_3840 = arith.constant 13 : i32
        %add3A_3841 = arith.addi %mul3A_3718, %add3A_3840 : i32
        %get3A_3842 = arith.index_cast %add3A_3841 : i32 to index
        %get3A_3843 = arith.constant 0 : index
        %get3A_3844 = tpu.vector_load %arg7[%get3A_3842, %get3A_3843] {strides = array<i32>} : memref<1664x16xf32, #tpu.memory_space<vmem>>, vector<1x16xf32>,
        %get3A_3845 = vector.shape_cast %get3A_3844 : vector<1x16xf32> to vector<16xf32>
        %add3A_3846 = arith.addf %add3A_3837, %get3A_3845 : vector<16xf32>
        %mul3A_3847 = arith.mulf %get3A_3845, %get3A_3845 : vector<16xf32>
        %add3A_3848 = arith.addf %add3A_3839, %mul3A_3847 : vector<16xf32>
        %add3A_3849 = arith.constant 14 : i32
        %add3A_3850 = arith.addi %mul3A_3718, %add3A_3849 : i32
        %get3A_3851 = arith.index_cast %add3A_3850 : i32 to index
        %get3A_3852 = arith.constant 0 : index
        %get3A_3853 = tpu.vector_load %arg7[%get3A_3851, %get3A_3852] {strides = array<i32>} : memref<1664x16xf32, #tpu.memory_space<vmem>>, vector<1x16xf32>,
        %get3A_3854 = vector.shape_cast %get3A_3853 : vector<1x16xf32> to vector<16xf32>
        %add3A_3855 = arith.addf %add3A_3846, %get3A_3854 : vector<16xf32>
        %mul3A_3856 = arith.mulf %get3A_3854, %get3A_3854 : vector<16xf32>
        %add3A_3857 = arith.addf %add3A_3848, %mul3A_3856 : vector<16xf32>
        %add3A_3858 = arith.constant 15 : i32
        %add3A_3859 = arith.addi %mul3A_3718, %add3A_3858 : i32
        %get3A_3860 = arith.index_cast %add3A_3859 : i32 to index
        %get3A_3861 = arith.constant 0 : index
        %get3A_3862 = tpu.vector_load %arg7[%get3A_3860, %get3A_3861] {strides = array<i32>} : memref<1664x16xf32, #tpu.memory_space<vmem>>, vector<1x16xf32>,
        %get3A_3863 = vector.shape_cast %get3A_3862 : vector<1x16xf32> to vector<16xf32>
        %add3A_3864 = arith.addf %add3A_3855, %get3A_3863 : vector<16xf32>
        %mul3A_3865 = arith.mulf %get3A_3863, %get3A_3863 : vector<16xf32>
        %add3A_3866 = arith.addf %add3A_3857, %mul3A_3865 : vector<16xf32>
        %add3A_3867 = arith.constant 16 : i32
        %add3A_3868 = arith.addi %mul3A_3718, %add3A_3867 : i32
        %get3A_3869 = arith.index_cast %add3A_3868 : i32 to index
        %get3A_3870 = arith.constant 0 : index
        %get3A_3871 = tpu.vector_load %arg7[%get3A_3869, %get3A_3870] {strides = array<i32>} : memref<1664x16xf32, #tpu.memory_space<vmem>>, vector<1x16xf32>,
        %get3A_3872 = vector.shape_cast %get3A_3871 : vector<1x16xf32> to vector<16xf32>
        %add3A_3873 = arith.addf %add3A_3864, %get3A_3872 : vector<16xf32>
        %mul3A_3874 = arith.mulf %get3A_3872, %get3A_3872 : vector<16xf32>
        %add3A_3875 = arith.addf %add3A_3866, %mul3A_3874 : vector<16xf32>
        %add3A_3876 = arith.constant 17 : i32
        %add3A_3877 = arith.addi %mul3A_3718, %add3A_3876 : i32
        %get3A_3878 = arith.index_cast %add3A_3877 : i32 to index
        %get3A_3879 = arith.constant 0 : index
        %get3A_3880 = tpu.vector_load %arg7[%get3A_3878, %get3A_3879] {strides = array<i32>} : memref<1664x16xf32, #tpu.memory_space<vmem>>, vector<1x16xf32>,
        %get3A_3881 = vector.shape_cast %get3A_3880 : vector<1x16xf32> to vector<16xf32>
        %add3A_3882 = arith.addf %add3A_3873, %get3A_3881 : vector<16xf32>
        %mul3A_3883 = arith.mulf %get3A_3881, %get3A_3881 : vector<16xf32>
        %add3A_3884 = arith.addf %add3A_3875, %mul3A_3883 : vector<16xf32>
        %add3A_3885 = arith.constant 18 : i32
        %add3A_3886 = arith.addi %mul3A_3718, %add3A_3885 : i32
        %get3A_3887 = arith.index_cast %add3A_3886 : i32 to index
        %get3A_3888 = arith.constant 0 : index
        %get3A_3889 = tpu.vector_load %arg7[%get3A_3887, %get3A_3888] {strides = array<i32>} : memref<1664x16xf32, #tpu.memory_space<vmem>>, vector<1x16xf32>,
        %get3A_3890 = vector.shape_cast %get3A_3889 : vector<1x16xf32> to vector<16xf32>
        %add3A_3891 = arith.addf %add3A_3882, %get3A_3890 : vector<16xf32>
        %mul3A_3892 = arith.mulf %get3A_3890, %get3A_3890 : vector<16xf32>
        %add3A_3893 = arith.addf %add3A_3884, %mul3A_3892 : vector<16xf32>
        %add3A_3894 = arith.constant 19 : i32
        %add3A_3895 = arith.addi %mul3A_3718, %add3A_3894 : i32
        %get3A_3896 = arith.index_cast %add3A_3895 : i32 to index
        %get3A_3897 = arith.constant 0 : index
        %get3A_3898 = tpu.vector_load %arg7[%get3A_3896, %get3A_3897] {strides = array<i32>} : memref<1664x16xf32, #tpu.memory_space<vmem>>, vector<1x16xf32>,
        %get3A_3899 = vector.shape_cast %get3A_3898 : vector<1x16xf32> to vector<16xf32>
        %add3A_3900 = arith.addf %add3A_3891, %get3A_3899 : vector<16xf32>
        %mul3A_3901 = arith.mulf %get3A_3899, %get3A_3899 : vector<16xf32>
        %add3A_3902 = arith.addf %add3A_3893, %mul3A_3901 : vector<16xf32>
        %add3A_3903 = arith.constant 20 : i32
        %add3A_3904 = arith.addi %mul3A_3718, %add3A_3903 : i32
        %get3A_3905 = arith.index_cast %add3A_3904 : i32 to index
        %get3A_3906 = arith.constant 0 : index
        %get3A_3907 = tpu.vector_load %arg7[%get3A_3905, %get3A_3906] {strides = array<i32>} : memref<1664x16xf32, #tpu.memory_space<vmem>>, vector<1x16xf32>,
        %get3A_3908 = vector.shape_cast %get3A_3907 : vector<1x16xf32> to vector<16xf32>
        %add3A_3909 = arith.addf %add3A_3900, %get3A_3908 : vector<16xf32>
        %mul3A_3910 = arith.mulf %get3A_3908, %get3A_3908 : vector<16xf32>
        %add3A_3911 = arith.addf %add3A_3902, %mul3A_3910 : vector<16xf32>
        %add3A_3912 = arith.constant 21 : i32
        %add3A_3913 = arith.addi %mul3A_3718, %add3A_3912 : i32
        %get3A_3914 = arith.index_cast %add3A_3913 : i32 to index
        %get3A_3915 = arith.constant 0 : index
        %get3A_3916 = tpu.vector_load %arg7[%get3A_3914, %get3A_3915] {strides = array<i32>} : memref<1664x16xf32, #tpu.memory_space<vmem>>, vector<1x16xf32>,
        %get3A_3917 = vector.shape_cast %get3A_3916 : vector<1x16xf32> to vector<16xf32>
        %add3A_3918 = arith.addf %add3A_3909, %get3A_3917 : vector<16xf32>
        %mul3A_3919 = arith.mulf %get3A_3917, %get3A_3917 : vector<16xf32>
        %add3A_3920 = arith.addf %add3A_3911, %mul3A_3919 : vector<16xf32>
        %add3A_3921 = arith.constant 22 : i32
        %add3A_3922 = arith.addi %mul3A_3718, %add3A_3921 : i32
        %get3A_3923 = arith.index_cast %add3A_3922 : i32 to index
        %get3A_3924 = arith.constant 0 : index
        %get3A_3925 = tpu.vector_load %arg7[%get3A_3923, %get3A_3924] {strides = array<i32>} : memref<1664x16xf32, #tpu.memory_space<vmem>>, vector<1x16xf32>,
        %get3A_3926 = vector.shape_cast %get3A_3925 : vector<1x16xf32> to vector<16xf32>
        %add3A_3927 = arith.addf %add3A_3918, %get3A_3926 : vector<16xf32>
        %mul3A_3928 = arith.mulf %get3A_3926, %get3A_3926 : vector<16xf32>
        %add3A_3929 = arith.addf %add3A_3920, %mul3A_3928 : vector<16xf32>
        %add3A_3930 = arith.constant 23 : i32
        %add3A_3931 = arith.addi %mul3A_3718, %add3A_3930 : i32
        %get3A_3932 = arith.index_cast %add3A_3931 : i32 to index
        %get3A_3933 = arith.constant 0 : index
        %get3A_3934 = tpu.vector_load %arg7[%get3A_3932, %get3A_3933] {strides = array<i32>} : memref<1664x16xf32, #tpu.memory_space<vmem>>, vector<1x16xf32>,
        %get3A_3935 = vector.shape_cast %get3A_3934 : vector<1x16xf32> to vector<16xf32>
        %add3A_3936 = arith.addf %add3A_3927, %get3A_3935 : vector<16xf32>
        %mul3A_3937 = arith.mulf %get3A_3935, %get3A_3935 : vector<16xf32>
        %add3A_3938 = arith.addf %add3A_3929, %mul3A_3937 : vector<16xf32>
        %add3A_3939 = arith.constant 24 : i32
        %add3A_3940 = arith.addi %mul3A_3718, %add3A_3939 : i32
        %get3A_3941 = arith.index_cast %add3A_3940 : i32 to index
        %get3A_3942 = arith.constant 0 : index
        %get3A_3943 = tpu.vector_load %arg7[%get3A_3941, %get3A_3942] {strides = array<i32>} : memref<1664x16xf32, #tpu.memory_space<vmem>>, vector<1x16xf32>,
        %get3A_3944 = vector.shape_cast %get3A_3943 : vector<1x16xf32> to vector<16xf32>
        %add3A_3945 = arith.addf %add3A_3936, %get3A_3944 : vector<16xf32>
        %mul3A_3946 = arith.mulf %get3A_3944, %get3A_3944 : vector<16xf32>
        %add3A_3947 = arith.addf %add3A_3938, %mul3A_3946 : vector<16xf32>
        %add3A_3948 = arith.constant 25 : i32
        %add3A_3949 = arith.addi %mul3A_3718, %add3A_3948 : i32
        %get3A_3950 = arith.index_cast %add3A_3949 : i32 to index
        %get3A_3951 = arith.constant 0 : index
        %get3A_3952 = tpu.vector_load %arg7[%get3A_3950, %get3A_3951] {strides = array<i32>} : memref<1664x16xf32, #tpu.memory_space<vmem>>, vector<1x16xf32>,
        %get3A_3953 = vector.shape_cast %get3A_3952 : vector<1x16xf32> to vector<16xf32>
        %add3A_3954 = arith.addf %add3A_3945, %get3A_3953 : vector<16xf32>
        %mul3A_3955 = arith.mulf %get3A_3953, %get3A_3953 : vector<16xf32>
        %add3A_3956 = arith.addf %add3A_3947, %mul3A_3955 : vector<16xf32>
        %get3A_3957 = arith.index_cast %mul3A_3718 : i32 to index
        %get3A_3958 = tpu.vector_load %arg8[%get3A_3957] {strides = array<i32>} : memref<1696xf32, #tpu.memory_space<vmem>>, vector<16xf32>,
        %get3A_3959 = vector.shape_cast %get3A_3958 : vector<16xf32> to vector<16xf32>
        %add3A_3960 = arith.constant 16 : i32
        %add3A_3961 = arith.addi %mul3A_3718, %add3A_3960 : i32
        %get3A_3962 = arith.index_cast %add3A_3961 : i32 to index
        %get3A_3963 = tpu.vector_load %arg8[%get3A_3962] {strides = array<i32>} : memref<1696xf32, #tpu.memory_space<vmem>>, vector<16xf32>,
        %get3A_3964 = vector.shape_cast %get3A_3963 : vector<16xf32> to vector<16xf32>
        %lt3A_3965 = arith.constant 10 : i32
        %lt3A_3966 = vector.broadcast %lt3A_3965 : i32 to vector<16xi32>
        %lt3A_3967 = arith.cmpi slt, %iota3A, %lt3A_3966 : vector<16xi32>
        %jit3A_3968 = arith.constant 0.000000e+00 : f32
        %broadcast_in_dim3A_3969 = vector.broadcast %jit3A_3968 : f32 to vector<16xf32>
        %select_n3A_3970 = arith.select %lt3A_3967, %get3A_3964, %broadcast_in_dim3A_3969 : vector<16xi1>, vector<16xf32>
        %mul3A_3971 = arith.mulf %add3A_3954, %add3A_3954 : vector<16xf32>
        %sub3A_3972 = arith.subf %mul3A_3971, %add3A_3956 : vector<16xf32>
        %mul3A_3973 = arith.constant 5.000000e-01 : f32
        %mul3A_3974 = vector.broadcast %mul3A_3973 : f32 to vector<16xf32>
        %mul3A_3975 = arith.mulf %mul3A_3974, %sub3A_3972 : vector<16xf32>
        %add3A_3976 = arith.addf %mul3A_3975, %get3A_3959 : vector<16xf32>
        %add3A_3977 = arith.addf %add3A_3976, %select_n3A_3970 : vector<16xf32>
        %mul3A_3978 = arith.constant 16 : i32
        %mul3A_3979 = arith.muli %scan3A_538, %mul3A_3978 : i32
        %add3A_3980 = arith.constant 13 : i32
        %add3A_3981 = arith.addi %mul3A_3979, %add3A_3980 : i32
        %mul3A_3982 = arith.constant 26 : i32
        %mul3A_3983 = arith.muli %add3A_3981, %mul3A_3982 : i32
        %broadcast_in_dim3A_3984 = arith.constant 0.000000e+00 : f32
        %broadcast_in_dim3A_3985 = vector.broadcast %broadcast_in_dim3A_3984 : f32 to vector<16xf32>
        %broadcast_in_dim3A_3986 = arith.constant 0.000000e+00 : f32
        %broadcast_in_dim3A_3987 = vector.broadcast %broadcast_in_dim3A_3986 : f32 to vector<16xf32>
        %add3A_3988 = arith.constant 0 : i32
        %add3A_3989 = arith.addi %mul3A_3983, %add3A_3988 : i32
        %get3A_3990 = arith.index_cast %add3A_3989 : i32 to index
        %get3A_3991 = arith.constant 0 : index
        %get3A_3992 = tpu.vector_load %arg7[%get3A_3990, %get3A_3991] {strides = array<i32>} : memref<1664x16xf32, #tpu.memory_space<vmem>>, vector<1x16xf32>,
        %get3A_3993 = vector.shape_cast %get3A_3992 : vector<1x16xf32> to vector<16xf32>
        %add3A_3994 = arith.addf %broadcast_in_dim3A_3985, %get3A_3993 : vector<16xf32>
        %mul3A_3995 = arith.mulf %get3A_3993, %get3A_3993 : vector<16xf32>
        %add3A_3996 = arith.addf %broadcast_in_dim3A_3987, %mul3A_3995 : vector<16xf32>
        %add3A_3997 = arith.constant 1 : i32
        %add3A_3998 = arith.addi %mul3A_3983, %add3A_3997 : i32
        %get3A_3999 = arith.index_cast %add3A_3998 : i32 to index
        %get3A_4000 = arith.constant 0 : index
        %get3A_4001 = tpu.vector_load %arg7[%get3A_3999, %get3A_4000] {strides = array<i32>} : memref<1664x16xf32, #tpu.memory_space<vmem>>, vector<1x16xf32>,
        %get3A_4002 = vector.shape_cast %get3A_4001 : vector<1x16xf32> to vector<16xf32>
        %add3A_4003 = arith.addf %add3A_3994, %get3A_4002 : vector<16xf32>
        %mul3A_4004 = arith.mulf %get3A_4002, %get3A_4002 : vector<16xf32>
        %add3A_4005 = arith.addf %add3A_3996, %mul3A_4004 : vector<16xf32>
        %add3A_4006 = arith.constant 2 : i32
        %add3A_4007 = arith.addi %mul3A_3983, %add3A_4006 : i32
        %get3A_4008 = arith.index_cast %add3A_4007 : i32 to index
        %get3A_4009 = arith.constant 0 : index
        %get3A_4010 = tpu.vector_load %arg7[%get3A_4008, %get3A_4009] {strides = array<i32>} : memref<1664x16xf32, #tpu.memory_space<vmem>>, vector<1x16xf32>,
        %get3A_4011 = vector.shape_cast %get3A_4010 : vector<1x16xf32> to vector<16xf32>
        %add3A_4012 = arith.addf %add3A_4003, %get3A_4011 : vector<16xf32>
        %mul3A_4013 = arith.mulf %get3A_4011, %get3A_4011 : vector<16xf32>
        %add3A_4014 = arith.addf %add3A_4005, %mul3A_4013 : vector<16xf32>
        %add3A_4015 = arith.constant 3 : i32
        %add3A_4016 = arith.addi %mul3A_3983, %add3A_4015 : i32
        %get3A_4017 = arith.index_cast %add3A_4016 : i32 to index
        %get3A_4018 = arith.constant 0 : index
        %get3A_4019 = tpu.vector_load %arg7[%get3A_4017, %get3A_4018] {strides = array<i32>} : memref<1664x16xf32, #tpu.memory_space<vmem>>, vector<1x16xf32>,
        %get3A_4020 = vector.shape_cast %get3A_4019 : vector<1x16xf32> to vector<16xf32>
        %add3A_4021 = arith.addf %add3A_4012, %get3A_4020 : vector<16xf32>
        %mul3A_4022 = arith.mulf %get3A_4020, %get3A_4020 : vector<16xf32>
        %add3A_4023 = arith.addf %add3A_4014, %mul3A_4022 : vector<16xf32>
        %add3A_4024 = arith.constant 4 : i32
        %add3A_4025 = arith.addi %mul3A_3983, %add3A_4024 : i32
        %get3A_4026 = arith.index_cast %add3A_4025 : i32 to index
        %get3A_4027 = arith.constant 0 : index
        %get3A_4028 = tpu.vector_load %arg7[%get3A_4026, %get3A_4027] {strides = array<i32>} : memref<1664x16xf32, #tpu.memory_space<vmem>>, vector<1x16xf32>,
        %get3A_4029 = vector.shape_cast %get3A_4028 : vector<1x16xf32> to vector<16xf32>
        %add3A_4030 = arith.addf %add3A_4021, %get3A_4029 : vector<16xf32>
        %mul3A_4031 = arith.mulf %get3A_4029, %get3A_4029 : vector<16xf32>
        %add3A_4032 = arith.addf %add3A_4023, %mul3A_4031 : vector<16xf32>
        %add3A_4033 = arith.constant 5 : i32
        %add3A_4034 = arith.addi %mul3A_3983, %add3A_4033 : i32
        %get3A_4035 = arith.index_cast %add3A_4034 : i32 to index
        %get3A_4036 = arith.constant 0 : index
        %get3A_4037 = tpu.vector_load %arg7[%get3A_4035, %get3A_4036] {strides = array<i32>} : memref<1664x16xf32, #tpu.memory_space<vmem>>, vector<1x16xf32>,
        %get3A_4038 = vector.shape_cast %get3A_4037 : vector<1x16xf32> to vector<16xf32>
        %add3A_4039 = arith.addf %add3A_4030, %get3A_4038 : vector<16xf32>
        %mul3A_4040 = arith.mulf %get3A_4038, %get3A_4038 : vector<16xf32>
        %add3A_4041 = arith.addf %add3A_4032, %mul3A_4040 : vector<16xf32>
        %add3A_4042 = arith.constant 6 : i32
        %add3A_4043 = arith.addi %mul3A_3983, %add3A_4042 : i32
        %get3A_4044 = arith.index_cast %add3A_4043 : i32 to index
        %get3A_4045 = arith.constant 0 : index
        %get3A_4046 = tpu.vector_load %arg7[%get3A_4044, %get3A_4045] {strides = array<i32>} : memref<1664x16xf32, #tpu.memory_space<vmem>>, vector<1x16xf32>,
        %get3A_4047 = vector.shape_cast %get3A_4046 : vector<1x16xf32> to vector<16xf32>
        %add3A_4048 = arith.addf %add3A_4039, %get3A_4047 : vector<16xf32>
        %mul3A_4049 = arith.mulf %get3A_4047, %get3A_4047 : vector<16xf32>
        %add3A_4050 = arith.addf %add3A_4041, %mul3A_4049 : vector<16xf32>
        %add3A_4051 = arith.constant 7 : i32
        %add3A_4052 = arith.addi %mul3A_3983, %add3A_4051 : i32
        %get3A_4053 = arith.index_cast %add3A_4052 : i32 to index
        %get3A_4054 = arith.constant 0 : index
        %get3A_4055 = tpu.vector_load %arg7[%get3A_4053, %get3A_4054] {strides = array<i32>} : memref<1664x16xf32, #tpu.memory_space<vmem>>, vector<1x16xf32>,
        %get3A_4056 = vector.shape_cast %get3A_4055 : vector<1x16xf32> to vector<16xf32>
        %add3A_4057 = arith.addf %add3A_4048, %get3A_4056 : vector<16xf32>
        %mul3A_4058 = arith.mulf %get3A_4056, %get3A_4056 : vector<16xf32>
        %add3A_4059 = arith.addf %add3A_4050, %mul3A_4058 : vector<16xf32>
        %add3A_4060 = arith.constant 8 : i32
        %add3A_4061 = arith.addi %mul3A_3983, %add3A_4060 : i32
        %get3A_4062 = arith.index_cast %add3A_4061 : i32 to index
        %get3A_4063 = arith.constant 0 : index
        %get3A_4064 = tpu.vector_load %arg7[%get3A_4062, %get3A_4063] {strides = array<i32>} : memref<1664x16xf32, #tpu.memory_space<vmem>>, vector<1x16xf32>,
        %get3A_4065 = vector.shape_cast %get3A_4064 : vector<1x16xf32> to vector<16xf32>
        %add3A_4066 = arith.addf %add3A_4057, %get3A_4065 : vector<16xf32>
        %mul3A_4067 = arith.mulf %get3A_4065, %get3A_4065 : vector<16xf32>
        %add3A_4068 = arith.addf %add3A_4059, %mul3A_4067 : vector<16xf32>
        %add3A_4069 = arith.constant 9 : i32
        %add3A_4070 = arith.addi %mul3A_3983, %add3A_4069 : i32
        %get3A_4071 = arith.index_cast %add3A_4070 : i32 to index
        %get3A_4072 = arith.constant 0 : index
        %get3A_4073 = tpu.vector_load %arg7[%get3A_4071, %get3A_4072] {strides = array<i32>} : memref<1664x16xf32, #tpu.memory_space<vmem>>, vector<1x16xf32>,
        %get3A_4074 = vector.shape_cast %get3A_4073 : vector<1x16xf32> to vector<16xf32>
        %add3A_4075 = arith.addf %add3A_4066, %get3A_4074 : vector<16xf32>
        %mul3A_4076 = arith.mulf %get3A_4074, %get3A_4074 : vector<16xf32>
        %add3A_4077 = arith.addf %add3A_4068, %mul3A_4076 : vector<16xf32>
        %add3A_4078 = arith.constant 10 : i32
        %add3A_4079 = arith.addi %mul3A_3983, %add3A_4078 : i32
        %get3A_4080 = arith.index_cast %add3A_4079 : i32 to index
        %get3A_4081 = arith.constant 0 : index
        %get3A_4082 = tpu.vector_load %arg7[%get3A_4080, %get3A_4081] {strides = array<i32>} : memref<1664x16xf32, #tpu.memory_space<vmem>>, vector<1x16xf32>,
        %get3A_4083 = vector.shape_cast %get3A_4082 : vector<1x16xf32> to vector<16xf32>
        %add3A_4084 = arith.addf %add3A_4075, %get3A_4083 : vector<16xf32>
        %mul3A_4085 = arith.mulf %get3A_4083, %get3A_4083 : vector<16xf32>
        %add3A_4086 = arith.addf %add3A_4077, %mul3A_4085 : vector<16xf32>
        %add3A_4087 = arith.constant 11 : i32
        %add3A_4088 = arith.addi %mul3A_3983, %add3A_4087 : i32
        %get3A_4089 = arith.index_cast %add3A_4088 : i32 to index
        %get3A_4090 = arith.constant 0 : index
        %get3A_4091 = tpu.vector_load %arg7[%get3A_4089, %get3A_4090] {strides = array<i32>} : memref<1664x16xf32, #tpu.memory_space<vmem>>, vector<1x16xf32>,
        %get3A_4092 = vector.shape_cast %get3A_4091 : vector<1x16xf32> to vector<16xf32>
        %add3A_4093 = arith.addf %add3A_4084, %get3A_4092 : vector<16xf32>
        %mul3A_4094 = arith.mulf %get3A_4092, %get3A_4092 : vector<16xf32>
        %add3A_4095 = arith.addf %add3A_4086, %mul3A_4094 : vector<16xf32>
        %add3A_4096 = arith.constant 12 : i32
        %add3A_4097 = arith.addi %mul3A_3983, %add3A_4096 : i32
        %get3A_4098 = arith.index_cast %add3A_4097 : i32 to index
        %get3A_4099 = arith.constant 0 : index
        %get3A_4100 = tpu.vector_load %arg7[%get3A_4098, %get3A_4099] {strides = array<i32>} : memref<1664x16xf32, #tpu.memory_space<vmem>>, vector<1x16xf32>,
        %get3A_4101 = vector.shape_cast %get3A_4100 : vector<1x16xf32> to vector<16xf32>
        %add3A_4102 = arith.addf %add3A_4093, %get3A_4101 : vector<16xf32>
        %mul3A_4103 = arith.mulf %get3A_4101, %get3A_4101 : vector<16xf32>
        %add3A_4104 = arith.addf %add3A_4095, %mul3A_4103 : vector<16xf32>
        %add3A_4105 = arith.constant 13 : i32
        %add3A_4106 = arith.addi %mul3A_3983, %add3A_4105 : i32
        %get3A_4107 = arith.index_cast %add3A_4106 : i32 to index
        %get3A_4108 = arith.constant 0 : index
        %get3A_4109 = tpu.vector_load %arg7[%get3A_4107, %get3A_4108] {strides = array<i32>} : memref<1664x16xf32, #tpu.memory_space<vmem>>, vector<1x16xf32>,
        %get3A_4110 = vector.shape_cast %get3A_4109 : vector<1x16xf32> to vector<16xf32>
        %add3A_4111 = arith.addf %add3A_4102, %get3A_4110 : vector<16xf32>
        %mul3A_4112 = arith.mulf %get3A_4110, %get3A_4110 : vector<16xf32>
        %add3A_4113 = arith.addf %add3A_4104, %mul3A_4112 : vector<16xf32>
        %add3A_4114 = arith.constant 14 : i32
        %add3A_4115 = arith.addi %mul3A_3983, %add3A_4114 : i32
        %get3A_4116 = arith.index_cast %add3A_4115 : i32 to index
        %get3A_4117 = arith.constant 0 : index
        %get3A_4118 = tpu.vector_load %arg7[%get3A_4116, %get3A_4117] {strides = array<i32>} : memref<1664x16xf32, #tpu.memory_space<vmem>>, vector<1x16xf32>,
        %get3A_4119 = vector.shape_cast %get3A_4118 : vector<1x16xf32> to vector<16xf32>
        %add3A_4120 = arith.addf %add3A_4111, %get3A_4119 : vector<16xf32>
        %mul3A_4121 = arith.mulf %get3A_4119, %get3A_4119 : vector<16xf32>
        %add3A_4122 = arith.addf %add3A_4113, %mul3A_4121 : vector<16xf32>
        %add3A_4123 = arith.constant 15 : i32
        %add3A_4124 = arith.addi %mul3A_3983, %add3A_4123 : i32
        %get3A_4125 = arith.index_cast %add3A_4124 : i32 to index
        %get3A_4126 = arith.constant 0 : index
        %get3A_4127 = tpu.vector_load %arg7[%get3A_4125, %get3A_4126] {strides = array<i32>} : memref<1664x16xf32, #tpu.memory_space<vmem>>, vector<1x16xf32>,
        %get3A_4128 = vector.shape_cast %get3A_4127 : vector<1x16xf32> to vector<16xf32>
        %add3A_4129 = arith.addf %add3A_4120, %get3A_4128 : vector<16xf32>
        %mul3A_4130 = arith.mulf %get3A_4128, %get3A_4128 : vector<16xf32>
        %add3A_4131 = arith.addf %add3A_4122, %mul3A_4130 : vector<16xf32>
        %add3A_4132 = arith.constant 16 : i32
        %add3A_4133 = arith.addi %mul3A_3983, %add3A_4132 : i32
        %get3A_4134 = arith.index_cast %add3A_4133 : i32 to index
        %get3A_4135 = arith.constant 0 : index
        %get3A_4136 = tpu.vector_load %arg7[%get3A_4134, %get3A_4135] {strides = array<i32>} : memref<1664x16xf32, #tpu.memory_space<vmem>>, vector<1x16xf32>,
        %get3A_4137 = vector.shape_cast %get3A_4136 : vector<1x16xf32> to vector<16xf32>
        %add3A_4138 = arith.addf %add3A_4129, %get3A_4137 : vector<16xf32>
        %mul3A_4139 = arith.mulf %get3A_4137, %get3A_4137 : vector<16xf32>
        %add3A_4140 = arith.addf %add3A_4131, %mul3A_4139 : vector<16xf32>
        %add3A_4141 = arith.constant 17 : i32
        %add3A_4142 = arith.addi %mul3A_3983, %add3A_4141 : i32
        %get3A_4143 = arith.index_cast %add3A_4142 : i32 to index
        %get3A_4144 = arith.constant 0 : index
        %get3A_4145 = tpu.vector_load %arg7[%get3A_4143, %get3A_4144] {strides = array<i32>} : memref<1664x16xf32, #tpu.memory_space<vmem>>, vector<1x16xf32>,
        %get3A_4146 = vector.shape_cast %get3A_4145 : vector<1x16xf32> to vector<16xf32>
        %add3A_4147 = arith.addf %add3A_4138, %get3A_4146 : vector<16xf32>
        %mul3A_4148 = arith.mulf %get3A_4146, %get3A_4146 : vector<16xf32>
        %add3A_4149 = arith.addf %add3A_4140, %mul3A_4148 : vector<16xf32>
        %add3A_4150 = arith.constant 18 : i32
        %add3A_4151 = arith.addi %mul3A_3983, %add3A_4150 : i32
        %get3A_4152 = arith.index_cast %add3A_4151 : i32 to index
        %get3A_4153 = arith.constant 0 : index
        %get3A_4154 = tpu.vector_load %arg7[%get3A_4152, %get3A_4153] {strides = array<i32>} : memref<1664x16xf32, #tpu.memory_space<vmem>>, vector<1x16xf32>,
        %get3A_4155 = vector.shape_cast %get3A_4154 : vector<1x16xf32> to vector<16xf32>
        %add3A_4156 = arith.addf %add3A_4147, %get3A_4155 : vector<16xf32>
        %mul3A_4157 = arith.mulf %get3A_4155, %get3A_4155 : vector<16xf32>
        %add3A_4158 = arith.addf %add3A_4149, %mul3A_4157 : vector<16xf32>
        %add3A_4159 = arith.constant 19 : i32
        %add3A_4160 = arith.addi %mul3A_3983, %add3A_4159 : i32
        %get3A_4161 = arith.index_cast %add3A_4160 : i32 to index
        %get3A_4162 = arith.constant 0 : index
        %get3A_4163 = tpu.vector_load %arg7[%get3A_4161, %get3A_4162] {strides = array<i32>} : memref<1664x16xf32, #tpu.memory_space<vmem>>, vector<1x16xf32>,
        %get3A_4164 = vector.shape_cast %get3A_4163 : vector<1x16xf32> to vector<16xf32>
        %add3A_4165 = arith.addf %add3A_4156, %get3A_4164 : vector<16xf32>
        %mul3A_4166 = arith.mulf %get3A_4164, %get3A_4164 : vector<16xf32>
        %add3A_4167 = arith.addf %add3A_4158, %mul3A_4166 : vector<16xf32>
        %add3A_4168 = arith.constant 20 : i32
        %add3A_4169 = arith.addi %mul3A_3983, %add3A_4168 : i32
        %get3A_4170 = arith.index_cast %add3A_4169 : i32 to index
        %get3A_4171 = arith.constant 0 : index
        %get3A_4172 = tpu.vector_load %arg7[%get3A_4170, %get3A_4171] {strides = array<i32>} : memref<1664x16xf32, #tpu.memory_space<vmem>>, vector<1x16xf32>,
        %get3A_4173 = vector.shape_cast %get3A_4172 : vector<1x16xf32> to vector<16xf32>
        %add3A_4174 = arith.addf %add3A_4165, %get3A_4173 : vector<16xf32>
        %mul3A_4175 = arith.mulf %get3A_4173, %get3A_4173 : vector<16xf32>
        %add3A_4176 = arith.addf %add3A_4167, %mul3A_4175 : vector<16xf32>
        %add3A_4177 = arith.constant 21 : i32
        %add3A_4178 = arith.addi %mul3A_3983, %add3A_4177 : i32
        %get3A_4179 = arith.index_cast %add3A_4178 : i32 to index
        %get3A_4180 = arith.constant 0 : index
        %get3A_4181 = tpu.vector_load %arg7[%get3A_4179, %get3A_4180] {strides = array<i32>} : memref<1664x16xf32, #tpu.memory_space<vmem>>, vector<1x16xf32>,
        %get3A_4182 = vector.shape_cast %get3A_4181 : vector<1x16xf32> to vector<16xf32>
        %add3A_4183 = arith.addf %add3A_4174, %get3A_4182 : vector<16xf32>
        %mul3A_4184 = arith.mulf %get3A_4182, %get3A_4182 : vector<16xf32>
        %add3A_4185 = arith.addf %add3A_4176, %mul3A_4184 : vector<16xf32>
        %add3A_4186 = arith.constant 22 : i32
        %add3A_4187 = arith.addi %mul3A_3983, %add3A_4186 : i32
        %get3A_4188 = arith.index_cast %add3A_4187 : i32 to index
        %get3A_4189 = arith.constant 0 : index
        %get3A_4190 = tpu.vector_load %arg7[%get3A_4188, %get3A_4189] {strides = array<i32>} : memref<1664x16xf32, #tpu.memory_space<vmem>>, vector<1x16xf32>,
        %get3A_4191 = vector.shape_cast %get3A_4190 : vector<1x16xf32> to vector<16xf32>
        %add3A_4192 = arith.addf %add3A_4183, %get3A_4191 : vector<16xf32>
        %mul3A_4193 = arith.mulf %get3A_4191, %get3A_4191 : vector<16xf32>
        %add3A_4194 = arith.addf %add3A_4185, %mul3A_4193 : vector<16xf32>
        %add3A_4195 = arith.constant 23 : i32
        %add3A_4196 = arith.addi %mul3A_3983, %add3A_4195 : i32
        %get3A_4197 = arith.index_cast %add3A_4196 : i32 to index
        %get3A_4198 = arith.constant 0 : index
        %get3A_4199 = tpu.vector_load %arg7[%get3A_4197, %get3A_4198] {strides = array<i32>} : memref<1664x16xf32, #tpu.memory_space<vmem>>, vector<1x16xf32>,
        %get3A_4200 = vector.shape_cast %get3A_4199 : vector<1x16xf32> to vector<16xf32>
        %add3A_4201 = arith.addf %add3A_4192, %get3A_4200 : vector<16xf32>
        %mul3A_4202 = arith.mulf %get3A_4200, %get3A_4200 : vector<16xf32>
        %add3A_4203 = arith.addf %add3A_4194, %mul3A_4202 : vector<16xf32>
        %add3A_4204 = arith.constant 24 : i32
        %add3A_4205 = arith.addi %mul3A_3983, %add3A_4204 : i32
        %get3A_4206 = arith.index_cast %add3A_4205 : i32 to index
        %get3A_4207 = arith.constant 0 : index
        %get3A_4208 = tpu.vector_load %arg7[%get3A_4206, %get3A_4207] {strides = array<i32>} : memref<1664x16xf32, #tpu.memory_space<vmem>>, vector<1x16xf32>,
        %get3A_4209 = vector.shape_cast %get3A_4208 : vector<1x16xf32> to vector<16xf32>
        %add3A_4210 = arith.addf %add3A_4201, %get3A_4209 : vector<16xf32>
        %mul3A_4211 = arith.mulf %get3A_4209, %get3A_4209 : vector<16xf32>
        %add3A_4212 = arith.addf %add3A_4203, %mul3A_4211 : vector<16xf32>
        %add3A_4213 = arith.constant 25 : i32
        %add3A_4214 = arith.addi %mul3A_3983, %add3A_4213 : i32
        %get3A_4215 = arith.index_cast %add3A_4214 : i32 to index
        %get3A_4216 = arith.constant 0 : index
        %get3A_4217 = tpu.vector_load %arg7[%get3A_4215, %get3A_4216] {strides = array<i32>} : memref<1664x16xf32, #tpu.memory_space<vmem>>, vector<1x16xf32>,
        %get3A_4218 = vector.shape_cast %get3A_4217 : vector<1x16xf32> to vector<16xf32>
        %add3A_4219 = arith.addf %add3A_4210, %get3A_4218 : vector<16xf32>
        %mul3A_4220 = arith.mulf %get3A_4218, %get3A_4218 : vector<16xf32>
        %add3A_4221 = arith.addf %add3A_4212, %mul3A_4220 : vector<16xf32>
        %get3A_4222 = arith.index_cast %mul3A_3983 : i32 to index
        %get3A_4223 = tpu.vector_load %arg8[%get3A_4222] {strides = array<i32>} : memref<1696xf32, #tpu.memory_space<vmem>>, vector<16xf32>,
        %get3A_4224 = vector.shape_cast %get3A_4223 : vector<16xf32> to vector<16xf32>
        %add3A_4225 = arith.constant 16 : i32
        %add3A_4226 = arith.addi %mul3A_3983, %add3A_4225 : i32
        %get3A_4227 = arith.index_cast %add3A_4226 : i32 to index
        %get3A_4228 = tpu.vector_load %arg8[%get3A_4227] {strides = array<i32>} : memref<1696xf32, #tpu.memory_space<vmem>>, vector<16xf32>,
        %get3A_4229 = vector.shape_cast %get3A_4228 : vector<16xf32> to vector<16xf32>
        %lt3A_4230 = arith.constant 10 : i32
        %lt3A_4231 = vector.broadcast %lt3A_4230 : i32 to vector<16xi32>
        %lt3A_4232 = arith.cmpi slt, %iota3A, %lt3A_4231 : vector<16xi32>
        %jit3A_4233 = arith.constant 0.000000e+00 : f32
        %broadcast_in_dim3A_4234 = vector.broadcast %jit3A_4233 : f32 to vector<16xf32>
        %select_n3A_4235 = arith.select %lt3A_4232, %get3A_4229, %broadcast_in_dim3A_4234 : vector<16xi1>, vector<16xf32>
        %mul3A_4236 = arith.mulf %add3A_4219, %add3A_4219 : vector<16xf32>
        %sub3A_4237 = arith.subf %mul3A_4236, %add3A_4221 : vector<16xf32>
        %mul3A_4238 = arith.constant 5.000000e-01 : f32
        %mul3A_4239 = vector.broadcast %mul3A_4238 : f32 to vector<16xf32>
        %mul3A_4240 = arith.mulf %mul3A_4239, %sub3A_4237 : vector<16xf32>
        %add3A_4241 = arith.addf %mul3A_4240, %get3A_4224 : vector<16xf32>
        %add3A_4242 = arith.addf %add3A_4241, %select_n3A_4235 : vector<16xf32>
        %mul3A_4243 = arith.constant 16 : i32
        %mul3A_4244 = arith.muli %scan3A_538, %mul3A_4243 : i32
        %add3A_4245 = arith.constant 14 : i32
        %add3A_4246 = arith.addi %mul3A_4244, %add3A_4245 : i32
        %mul3A_4247 = arith.constant 26 : i32
        %mul3A_4248 = arith.muli %add3A_4246, %mul3A_4247 : i32
        %broadcast_in_dim3A_4249 = arith.constant 0.000000e+00 : f32
        %broadcast_in_dim3A_4250 = vector.broadcast %broadcast_in_dim3A_4249 : f32 to vector<16xf32>
        %broadcast_in_dim3A_4251 = arith.constant 0.000000e+00 : f32
        %broadcast_in_dim3A_4252 = vector.broadcast %broadcast_in_dim3A_4251 : f32 to vector<16xf32>
        %add3A_4253 = arith.constant 0 : i32
        %add3A_4254 = arith.addi %mul3A_4248, %add3A_4253 : i32
        %get3A_4255 = arith.index_cast %add3A_4254 : i32 to index
        %get3A_4256 = arith.constant 0 : index
        %get3A_4257 = tpu.vector_load %arg7[%get3A_4255, %get3A_4256] {strides = array<i32>} : memref<1664x16xf32, #tpu.memory_space<vmem>>, vector<1x16xf32>,
        %get3A_4258 = vector.shape_cast %get3A_4257 : vector<1x16xf32> to vector<16xf32>
        %add3A_4259 = arith.addf %broadcast_in_dim3A_4250, %get3A_4258 : vector<16xf32>
        %mul3A_4260 = arith.mulf %get3A_4258, %get3A_4258 : vector<16xf32>
        %add3A_4261 = arith.addf %broadcast_in_dim3A_4252, %mul3A_4260 : vector<16xf32>
        %add3A_4262 = arith.constant 1 : i32
        %add3A_4263 = arith.addi %mul3A_4248, %add3A_4262 : i32
        %get3A_4264 = arith.index_cast %add3A_4263 : i32 to index
        %get3A_4265 = arith.constant 0 : index
        %get3A_4266 = tpu.vector_load %arg7[%get3A_4264, %get3A_4265] {strides = array<i32>} : memref<1664x16xf32, #tpu.memory_space<vmem>>, vector<1x16xf32>,
        %get3A_4267 = vector.shape_cast %get3A_4266 : vector<1x16xf32> to vector<16xf32>
        %add3A_4268 = arith.addf %add3A_4259, %get3A_4267 : vector<16xf32>
        %mul3A_4269 = arith.mulf %get3A_4267, %get3A_4267 : vector<16xf32>
        %add3A_4270 = arith.addf %add3A_4261, %mul3A_4269 : vector<16xf32>
        %add3A_4271 = arith.constant 2 : i32
        %add3A_4272 = arith.addi %mul3A_4248, %add3A_4271 : i32
        %get3A_4273 = arith.index_cast %add3A_4272 : i32 to index
        %get3A_4274 = arith.constant 0 : index
        %get3A_4275 = tpu.vector_load %arg7[%get3A_4273, %get3A_4274] {strides = array<i32>} : memref<1664x16xf32, #tpu.memory_space<vmem>>, vector<1x16xf32>,
        %get3A_4276 = vector.shape_cast %get3A_4275 : vector<1x16xf32> to vector<16xf32>
        %add3A_4277 = arith.addf %add3A_4268, %get3A_4276 : vector<16xf32>
        %mul3A_4278 = arith.mulf %get3A_4276, %get3A_4276 : vector<16xf32>
        %add3A_4279 = arith.addf %add3A_4270, %mul3A_4278 : vector<16xf32>
        %add3A_4280 = arith.constant 3 : i32
        %add3A_4281 = arith.addi %mul3A_4248, %add3A_4280 : i32
        %get3A_4282 = arith.index_cast %add3A_4281 : i32 to index
        %get3A_4283 = arith.constant 0 : index
        %get3A_4284 = tpu.vector_load %arg7[%get3A_4282, %get3A_4283] {strides = array<i32>} : memref<1664x16xf32, #tpu.memory_space<vmem>>, vector<1x16xf32>,
        %get3A_4285 = vector.shape_cast %get3A_4284 : vector<1x16xf32> to vector<16xf32>
        %add3A_4286 = arith.addf %add3A_4277, %get3A_4285 : vector<16xf32>
        %mul3A_4287 = arith.mulf %get3A_4285, %get3A_4285 : vector<16xf32>
        %add3A_4288 = arith.addf %add3A_4279, %mul3A_4287 : vector<16xf32>
        %add3A_4289 = arith.constant 4 : i32
        %add3A_4290 = arith.addi %mul3A_4248, %add3A_4289 : i32
        %get3A_4291 = arith.index_cast %add3A_4290 : i32 to index
        %get3A_4292 = arith.constant 0 : index
        %get3A_4293 = tpu.vector_load %arg7[%get3A_4291, %get3A_4292] {strides = array<i32>} : memref<1664x16xf32, #tpu.memory_space<vmem>>, vector<1x16xf32>,
        %get3A_4294 = vector.shape_cast %get3A_4293 : vector<1x16xf32> to vector<16xf32>
        %add3A_4295 = arith.addf %add3A_4286, %get3A_4294 : vector<16xf32>
        %mul3A_4296 = arith.mulf %get3A_4294, %get3A_4294 : vector<16xf32>
        %add3A_4297 = arith.addf %add3A_4288, %mul3A_4296 : vector<16xf32>
        %add3A_4298 = arith.constant 5 : i32
        %add3A_4299 = arith.addi %mul3A_4248, %add3A_4298 : i32
        %get3A_4300 = arith.index_cast %add3A_4299 : i32 to index
        %get3A_4301 = arith.constant 0 : index
        %get3A_4302 = tpu.vector_load %arg7[%get3A_4300, %get3A_4301] {strides = array<i32>} : memref<1664x16xf32, #tpu.memory_space<vmem>>, vector<1x16xf32>,
        %get3A_4303 = vector.shape_cast %get3A_4302 : vector<1x16xf32> to vector<16xf32>
        %add3A_4304 = arith.addf %add3A_4295, %get3A_4303 : vector<16xf32>
        %mul3A_4305 = arith.mulf %get3A_4303, %get3A_4303 : vector<16xf32>
        %add3A_4306 = arith.addf %add3A_4297, %mul3A_4305 : vector<16xf32>
        %add3A_4307 = arith.constant 6 : i32
        %add3A_4308 = arith.addi %mul3A_4248, %add3A_4307 : i32
        %get3A_4309 = arith.index_cast %add3A_4308 : i32 to index
        %get3A_4310 = arith.constant 0 : index
        %get3A_4311 = tpu.vector_load %arg7[%get3A_4309, %get3A_4310] {strides = array<i32>} : memref<1664x16xf32, #tpu.memory_space<vmem>>, vector<1x16xf32>,
        %get3A_4312 = vector.shape_cast %get3A_4311 : vector<1x16xf32> to vector<16xf32>
        %add3A_4313 = arith.addf %add3A_4304, %get3A_4312 : vector<16xf32>
        %mul3A_4314 = arith.mulf %get3A_4312, %get3A_4312 : vector<16xf32>
        %add3A_4315 = arith.addf %add3A_4306, %mul3A_4314 : vector<16xf32>
        %add3A_4316 = arith.constant 7 : i32
        %add3A_4317 = arith.addi %mul3A_4248, %add3A_4316 : i32
        %get3A_4318 = arith.index_cast %add3A_4317 : i32 to index
        %get3A_4319 = arith.constant 0 : index
        %get3A_4320 = tpu.vector_load %arg7[%get3A_4318, %get3A_4319] {strides = array<i32>} : memref<1664x16xf32, #tpu.memory_space<vmem>>, vector<1x16xf32>,
        %get3A_4321 = vector.shape_cast %get3A_4320 : vector<1x16xf32> to vector<16xf32>
        %add3A_4322 = arith.addf %add3A_4313, %get3A_4321 : vector<16xf32>
        %mul3A_4323 = arith.mulf %get3A_4321, %get3A_4321 : vector<16xf32>
        %add3A_4324 = arith.addf %add3A_4315, %mul3A_4323 : vector<16xf32>
        %add3A_4325 = arith.constant 8 : i32
        %add3A_4326 = arith.addi %mul3A_4248, %add3A_4325 : i32
        %get3A_4327 = arith.index_cast %add3A_4326 : i32 to index
        %get3A_4328 = arith.constant 0 : index
        %get3A_4329 = tpu.vector_load %arg7[%get3A_4327, %get3A_4328] {strides = array<i32>} : memref<1664x16xf32, #tpu.memory_space<vmem>>, vector<1x16xf32>,
        %get3A_4330 = vector.shape_cast %get3A_4329 : vector<1x16xf32> to vector<16xf32>
        %add3A_4331 = arith.addf %add3A_4322, %get3A_4330 : vector<16xf32>
        %mul3A_4332 = arith.mulf %get3A_4330, %get3A_4330 : vector<16xf32>
        %add3A_4333 = arith.addf %add3A_4324, %mul3A_4332 : vector<16xf32>
        %add3A_4334 = arith.constant 9 : i32
        %add3A_4335 = arith.addi %mul3A_4248, %add3A_4334 : i32
        %get3A_4336 = arith.index_cast %add3A_4335 : i32 to index
        %get3A_4337 = arith.constant 0 : index
        %get3A_4338 = tpu.vector_load %arg7[%get3A_4336, %get3A_4337] {strides = array<i32>} : memref<1664x16xf32, #tpu.memory_space<vmem>>, vector<1x16xf32>,
        %get3A_4339 = vector.shape_cast %get3A_4338 : vector<1x16xf32> to vector<16xf32>
        %add3A_4340 = arith.addf %add3A_4331, %get3A_4339 : vector<16xf32>
        %mul3A_4341 = arith.mulf %get3A_4339, %get3A_4339 : vector<16xf32>
        %add3A_4342 = arith.addf %add3A_4333, %mul3A_4341 : vector<16xf32>
        %add3A_4343 = arith.constant 10 : i32
        %add3A_4344 = arith.addi %mul3A_4248, %add3A_4343 : i32
        %get3A_4345 = arith.index_cast %add3A_4344 : i32 to index
        %get3A_4346 = arith.constant 0 : index
        %get3A_4347 = tpu.vector_load %arg7[%get3A_4345, %get3A_4346] {strides = array<i32>} : memref<1664x16xf32, #tpu.memory_space<vmem>>, vector<1x16xf32>,
        %get3A_4348 = vector.shape_cast %get3A_4347 : vector<1x16xf32> to vector<16xf32>
        %add3A_4349 = arith.addf %add3A_4340, %get3A_4348 : vector<16xf32>
        %mul3A_4350 = arith.mulf %get3A_4348, %get3A_4348 : vector<16xf32>
        %add3A_4351 = arith.addf %add3A_4342, %mul3A_4350 : vector<16xf32>
        %add3A_4352 = arith.constant 11 : i32
        %add3A_4353 = arith.addi %mul3A_4248, %add3A_4352 : i32
        %get3A_4354 = arith.index_cast %add3A_4353 : i32 to index
        %get3A_4355 = arith.constant 0 : index
        %get3A_4356 = tpu.vector_load %arg7[%get3A_4354, %get3A_4355] {strides = array<i32>} : memref<1664x16xf32, #tpu.memory_space<vmem>>, vector<1x16xf32>,
        %get3A_4357 = vector.shape_cast %get3A_4356 : vector<1x16xf32> to vector<16xf32>
        %add3A_4358 = arith.addf %add3A_4349, %get3A_4357 : vector<16xf32>
        %mul3A_4359 = arith.mulf %get3A_4357, %get3A_4357 : vector<16xf32>
        %add3A_4360 = arith.addf %add3A_4351, %mul3A_4359 : vector<16xf32>
        %add3A_4361 = arith.constant 12 : i32
        %add3A_4362 = arith.addi %mul3A_4248, %add3A_4361 : i32
        %get3A_4363 = arith.index_cast %add3A_4362 : i32 to index
        %get3A_4364 = arith.constant 0 : index
        %get3A_4365 = tpu.vector_load %arg7[%get3A_4363, %get3A_4364] {strides = array<i32>} : memref<1664x16xf32, #tpu.memory_space<vmem>>, vector<1x16xf32>,
        %get3A_4366 = vector.shape_cast %get3A_4365 : vector<1x16xf32> to vector<16xf32>
        %add3A_4367 = arith.addf %add3A_4358, %get3A_4366 : vector<16xf32>
        %mul3A_4368 = arith.mulf %get3A_4366, %get3A_4366 : vector<16xf32>
        %add3A_4369 = arith.addf %add3A_4360, %mul3A_4368 : vector<16xf32>
        %add3A_4370 = arith.constant 13 : i32
        %add3A_4371 = arith.addi %mul3A_4248, %add3A_4370 : i32
        %get3A_4372 = arith.index_cast %add3A_4371 : i32 to index
        %get3A_4373 = arith.constant 0 : index
        %get3A_4374 = tpu.vector_load %arg7[%get3A_4372, %get3A_4373] {strides = array<i32>} : memref<1664x16xf32, #tpu.memory_space<vmem>>, vector<1x16xf32>,
        %get3A_4375 = vector.shape_cast %get3A_4374 : vector<1x16xf32> to vector<16xf32>
        %add3A_4376 = arith.addf %add3A_4367, %get3A_4375 : vector<16xf32>
        %mul3A_4377 = arith.mulf %get3A_4375, %get3A_4375 : vector<16xf32>
        %add3A_4378 = arith.addf %add3A_4369, %mul3A_4377 : vector<16xf32>
        %add3A_4379 = arith.constant 14 : i32
        %add3A_4380 = arith.addi %mul3A_4248, %add3A_4379 : i32
        %get3A_4381 = arith.index_cast %add3A_4380 : i32 to index
        %get3A_4382 = arith.constant 0 : index
        %get3A_4383 = tpu.vector_load %arg7[%get3A_4381, %get3A_4382] {strides = array<i32>} : memref<1664x16xf32, #tpu.memory_space<vmem>>, vector<1x16xf32>,
        %get3A_4384 = vector.shape_cast %get3A_4383 : vector<1x16xf32> to vector<16xf32>
        %add3A_4385 = arith.addf %add3A_4376, %get3A_4384 : vector<16xf32>
        %mul3A_4386 = arith.mulf %get3A_4384, %get3A_4384 : vector<16xf32>
        %add3A_4387 = arith.addf %add3A_4378, %mul3A_4386 : vector<16xf32>
        %add3A_4388 = arith.constant 15 : i32
        %add3A_4389 = arith.addi %mul3A_4248, %add3A_4388 : i32
        %get3A_4390 = arith.index_cast %add3A_4389 : i32 to index
        %get3A_4391 = arith.constant 0 : index
        %get3A_4392 = tpu.vector_load %arg7[%get3A_4390, %get3A_4391] {strides = array<i32>} : memref<1664x16xf32, #tpu.memory_space<vmem>>, vector<1x16xf32>,
        %get3A_4393 = vector.shape_cast %get3A_4392 : vector<1x16xf32> to vector<16xf32>
        %add3A_4394 = arith.addf %add3A_4385, %get3A_4393 : vector<16xf32>
        %mul3A_4395 = arith.mulf %get3A_4393, %get3A_4393 : vector<16xf32>
        %add3A_4396 = arith.addf %add3A_4387, %mul3A_4395 : vector<16xf32>
        %add3A_4397 = arith.constant 16 : i32
        %add3A_4398 = arith.addi %mul3A_4248, %add3A_4397 : i32
        %get3A_4399 = arith.index_cast %add3A_4398 : i32 to index
        %get3A_4400 = arith.constant 0 : index
        %get3A_4401 = tpu.vector_load %arg7[%get3A_4399, %get3A_4400] {strides = array<i32>} : memref<1664x16xf32, #tpu.memory_space<vmem>>, vector<1x16xf32>,
        %get3A_4402 = vector.shape_cast %get3A_4401 : vector<1x16xf32> to vector<16xf32>
        %add3A_4403 = arith.addf %add3A_4394, %get3A_4402 : vector<16xf32>
        %mul3A_4404 = arith.mulf %get3A_4402, %get3A_4402 : vector<16xf32>
        %add3A_4405 = arith.addf %add3A_4396, %mul3A_4404 : vector<16xf32>
        %add3A_4406 = arith.constant 17 : i32
        %add3A_4407 = arith.addi %mul3A_4248, %add3A_4406 : i32
        %get3A_4408 = arith.index_cast %add3A_4407 : i32 to index
        %get3A_4409 = arith.constant 0 : index
        %get3A_4410 = tpu.vector_load %arg7[%get3A_4408, %get3A_4409] {strides = array<i32>} : memref<1664x16xf32, #tpu.memory_space<vmem>>, vector<1x16xf32>,
        %get3A_4411 = vector.shape_cast %get3A_4410 : vector<1x16xf32> to vector<16xf32>
        %add3A_4412 = arith.addf %add3A_4403, %get3A_4411 : vector<16xf32>
        %mul3A_4413 = arith.mulf %get3A_4411, %get3A_4411 : vector<16xf32>
        %add3A_4414 = arith.addf %add3A_4405, %mul3A_4413 : vector<16xf32>
        %add3A_4415 = arith.constant 18 : i32
        %add3A_4416 = arith.addi %mul3A_4248, %add3A_4415 : i32
        %get3A_4417 = arith.index_cast %add3A_4416 : i32 to index
        %get3A_4418 = arith.constant 0 : index
        %get3A_4419 = tpu.vector_load %arg7[%get3A_4417, %get3A_4418] {strides = array<i32>} : memref<1664x16xf32, #tpu.memory_space<vmem>>, vector<1x16xf32>,
        %get3A_4420 = vector.shape_cast %get3A_4419 : vector<1x16xf32> to vector<16xf32>
        %add3A_4421 = arith.addf %add3A_4412, %get3A_4420 : vector<16xf32>
        %mul3A_4422 = arith.mulf %get3A_4420, %get3A_4420 : vector<16xf32>
        %add3A_4423 = arith.addf %add3A_4414, %mul3A_4422 : vector<16xf32>
        %add3A_4424 = arith.constant 19 : i32
        %add3A_4425 = arith.addi %mul3A_4248, %add3A_4424 : i32
        %get3A_4426 = arith.index_cast %add3A_4425 : i32 to index
        %get3A_4427 = arith.constant 0 : index
        %get3A_4428 = tpu.vector_load %arg7[%get3A_4426, %get3A_4427] {strides = array<i32>} : memref<1664x16xf32, #tpu.memory_space<vmem>>, vector<1x16xf32>,
        %get3A_4429 = vector.shape_cast %get3A_4428 : vector<1x16xf32> to vector<16xf32>
        %add3A_4430 = arith.addf %add3A_4421, %get3A_4429 : vector<16xf32>
        %mul3A_4431 = arith.mulf %get3A_4429, %get3A_4429 : vector<16xf32>
        %add3A_4432 = arith.addf %add3A_4423, %mul3A_4431 : vector<16xf32>
        %add3A_4433 = arith.constant 20 : i32
        %add3A_4434 = arith.addi %mul3A_4248, %add3A_4433 : i32
        %get3A_4435 = arith.index_cast %add3A_4434 : i32 to index
        %get3A_4436 = arith.constant 0 : index
        %get3A_4437 = tpu.vector_load %arg7[%get3A_4435, %get3A_4436] {strides = array<i32>} : memref<1664x16xf32, #tpu.memory_space<vmem>>, vector<1x16xf32>,
        %get3A_4438 = vector.shape_cast %get3A_4437 : vector<1x16xf32> to vector<16xf32>
        %add3A_4439 = arith.addf %add3A_4430, %get3A_4438 : vector<16xf32>
        %mul3A_4440 = arith.mulf %get3A_4438, %get3A_4438 : vector<16xf32>
        %add3A_4441 = arith.addf %add3A_4432, %mul3A_4440 : vector<16xf32>
        %add3A_4442 = arith.constant 21 : i32
        %add3A_4443 = arith.addi %mul3A_4248, %add3A_4442 : i32
        %get3A_4444 = arith.index_cast %add3A_4443 : i32 to index
        %get3A_4445 = arith.constant 0 : index
        %get3A_4446 = tpu.vector_load %arg7[%get3A_4444, %get3A_4445] {strides = array<i32>} : memref<1664x16xf32, #tpu.memory_space<vmem>>, vector<1x16xf32>,
        %get3A_4447 = vector.shape_cast %get3A_4446 : vector<1x16xf32> to vector<16xf32>
        %add3A_4448 = arith.addf %add3A_4439, %get3A_4447 : vector<16xf32>
        %mul3A_4449 = arith.mulf %get3A_4447, %get3A_4447 : vector<16xf32>
        %add3A_4450 = arith.addf %add3A_4441, %mul3A_4449 : vector<16xf32>
        %add3A_4451 = arith.constant 22 : i32
        %add3A_4452 = arith.addi %mul3A_4248, %add3A_4451 : i32
        %get3A_4453 = arith.index_cast %add3A_4452 : i32 to index
        %get3A_4454 = arith.constant 0 : index
        %get3A_4455 = tpu.vector_load %arg7[%get3A_4453, %get3A_4454] {strides = array<i32>} : memref<1664x16xf32, #tpu.memory_space<vmem>>, vector<1x16xf32>,
        %get3A_4456 = vector.shape_cast %get3A_4455 : vector<1x16xf32> to vector<16xf32>
        %add3A_4457 = arith.addf %add3A_4448, %get3A_4456 : vector<16xf32>
        %mul3A_4458 = arith.mulf %get3A_4456, %get3A_4456 : vector<16xf32>
        %add3A_4459 = arith.addf %add3A_4450, %mul3A_4458 : vector<16xf32>
        %add3A_4460 = arith.constant 23 : i32
        %add3A_4461 = arith.addi %mul3A_4248, %add3A_4460 : i32
        %get3A_4462 = arith.index_cast %add3A_4461 : i32 to index
        %get3A_4463 = arith.constant 0 : index
        %get3A_4464 = tpu.vector_load %arg7[%get3A_4462, %get3A_4463] {strides = array<i32>} : memref<1664x16xf32, #tpu.memory_space<vmem>>, vector<1x16xf32>,
        %get3A_4465 = vector.shape_cast %get3A_4464 : vector<1x16xf32> to vector<16xf32>
        %add3A_4466 = arith.addf %add3A_4457, %get3A_4465 : vector<16xf32>
        %mul3A_4467 = arith.mulf %get3A_4465, %get3A_4465 : vector<16xf32>
        %add3A_4468 = arith.addf %add3A_4459, %mul3A_4467 : vector<16xf32>
        %add3A_4469 = arith.constant 24 : i32
        %add3A_4470 = arith.addi %mul3A_4248, %add3A_4469 : i32
        %get3A_4471 = arith.index_cast %add3A_4470 : i32 to index
        %get3A_4472 = arith.constant 0 : index
        %get3A_4473 = tpu.vector_load %arg7[%get3A_4471, %get3A_4472] {strides = array<i32>} : memref<1664x16xf32, #tpu.memory_space<vmem>>, vector<1x16xf32>,
        %get3A_4474 = vector.shape_cast %get3A_4473 : vector<1x16xf32> to vector<16xf32>
        %add3A_4475 = arith.addf %add3A_4466, %get3A_4474 : vector<16xf32>
        %mul3A_4476 = arith.mulf %get3A_4474, %get3A_4474 : vector<16xf32>
        %add3A_4477 = arith.addf %add3A_4468, %mul3A_4476 : vector<16xf32>
        %add3A_4478 = arith.constant 25 : i32
        %add3A_4479 = arith.addi %mul3A_4248, %add3A_4478 : i32
        %get3A_4480 = arith.index_cast %add3A_4479 : i32 to index
        %get3A_4481 = arith.constant 0 : index
        %get3A_4482 = tpu.vector_load %arg7[%get3A_4480, %get3A_4481] {strides = array<i32>} : memref<1664x16xf32, #tpu.memory_space<vmem>>, vector<1x16xf32>,
        %get3A_4483 = vector.shape_cast %get3A_4482 : vector<1x16xf32> to vector<16xf32>
        %add3A_4484 = arith.addf %add3A_4475, %get3A_4483 : vector<16xf32>
        %mul3A_4485 = arith.mulf %get3A_4483, %get3A_4483 : vector<16xf32>
        %add3A_4486 = arith.addf %add3A_4477, %mul3A_4485 : vector<16xf32>
        %get3A_4487 = arith.index_cast %mul3A_4248 : i32 to index
        %get3A_4488 = tpu.vector_load %arg8[%get3A_4487] {strides = array<i32>} : memref<1696xf32, #tpu.memory_space<vmem>>, vector<16xf32>,
        %get3A_4489 = vector.shape_cast %get3A_4488 : vector<16xf32> to vector<16xf32>
        %add3A_4490 = arith.constant 16 : i32
        %add3A_4491 = arith.addi %mul3A_4248, %add3A_4490 : i32
        %get3A_4492 = arith.index_cast %add3A_4491 : i32 to index
        %get3A_4493 = tpu.vector_load %arg8[%get3A_4492] {strides = array<i32>} : memref<1696xf32, #tpu.memory_space<vmem>>, vector<16xf32>,
        %get3A_4494 = vector.shape_cast %get3A_4493 : vector<16xf32> to vector<16xf32>
        %lt3A_4495 = arith.constant 10 : i32
        %lt3A_4496 = vector.broadcast %lt3A_4495 : i32 to vector<16xi32>
        %lt3A_4497 = arith.cmpi slt, %iota3A, %lt3A_4496 : vector<16xi32>
        %jit3A_4498 = arith.constant 0.000000e+00 : f32
        %broadcast_in_dim3A_4499 = vector.broadcast %jit3A_4498 : f32 to vector<16xf32>
        %select_n3A_4500 = arith.select %lt3A_4497, %get3A_4494, %broadcast_in_dim3A_4499 : vector<16xi1>, vector<16xf32>
        %mul3A_4501 = arith.mulf %add3A_4484, %add3A_4484 : vector<16xf32>
        %sub3A_4502 = arith.subf %mul3A_4501, %add3A_4486 : vector<16xf32>
        %mul3A_4503 = arith.constant 5.000000e-01 : f32
        %mul3A_4504 = vector.broadcast %mul3A_4503 : f32 to vector<16xf32>
        %mul3A_4505 = arith.mulf %mul3A_4504, %sub3A_4502 : vector<16xf32>
        %add3A_4506 = arith.addf %mul3A_4505, %get3A_4489 : vector<16xf32>
        %add3A_4507 = arith.addf %add3A_4506, %select_n3A_4500 : vector<16xf32>
        %mul3A_4508 = arith.constant 16 : i32
        %mul3A_4509 = arith.muli %scan3A_538, %mul3A_4508 : i32
        %add3A_4510 = arith.constant 15 : i32
        %add3A_4511 = arith.addi %mul3A_4509, %add3A_4510 : i32
        %mul3A_4512 = arith.constant 26 : i32
        %mul3A_4513 = arith.muli %add3A_4511, %mul3A_4512 : i32
        %broadcast_in_dim3A_4514 = arith.constant 0.000000e+00 : f32
        %broadcast_in_dim3A_4515 = vector.broadcast %broadcast_in_dim3A_4514 : f32 to vector<16xf32>
        %broadcast_in_dim3A_4516 = arith.constant 0.000000e+00 : f32
        %broadcast_in_dim3A_4517 = vector.broadcast %broadcast_in_dim3A_4516 : f32 to vector<16xf32>
        %add3A_4518 = arith.constant 0 : i32
        %add3A_4519 = arith.addi %mul3A_4513, %add3A_4518 : i32
        %get3A_4520 = arith.index_cast %add3A_4519 : i32 to index
        %get3A_4521 = arith.constant 0 : index
        %get3A_4522 = tpu.vector_load %arg7[%get3A_4520, %get3A_4521] {strides = array<i32>} : memref<1664x16xf32, #tpu.memory_space<vmem>>, vector<1x16xf32>,
        %get3A_4523 = vector.shape_cast %get3A_4522 : vector<1x16xf32> to vector<16xf32>
        %add3A_4524 = arith.addf %broadcast_in_dim3A_4515, %get3A_4523 : vector<16xf32>
        %mul3A_4525 = arith.mulf %get3A_4523, %get3A_4523 : vector<16xf32>
        %add3A_4526 = arith.addf %broadcast_in_dim3A_4517, %mul3A_4525 : vector<16xf32>
        %add3A_4527 = arith.constant 1 : i32
        %add3A_4528 = arith.addi %mul3A_4513, %add3A_4527 : i32
        %get3A_4529 = arith.index_cast %add3A_4528 : i32 to index
        %get3A_4530 = arith.constant 0 : index
        %get3A_4531 = tpu.vector_load %arg7[%get3A_4529, %get3A_4530] {strides = array<i32>} : memref<1664x16xf32, #tpu.memory_space<vmem>>, vector<1x16xf32>,
        %get3A_4532 = vector.shape_cast %get3A_4531 : vector<1x16xf32> to vector<16xf32>
        %add3A_4533 = arith.addf %add3A_4524, %get3A_4532 : vector<16xf32>
        %mul3A_4534 = arith.mulf %get3A_4532, %get3A_4532 : vector<16xf32>
        %add3A_4535 = arith.addf %add3A_4526, %mul3A_4534 : vector<16xf32>
        %add3A_4536 = arith.constant 2 : i32
        %add3A_4537 = arith.addi %mul3A_4513, %add3A_4536 : i32
        %get3A_4538 = arith.index_cast %add3A_4537 : i32 to index
        %get3A_4539 = arith.constant 0 : index
        %get3A_4540 = tpu.vector_load %arg7[%get3A_4538, %get3A_4539] {strides = array<i32>} : memref<1664x16xf32, #tpu.memory_space<vmem>>, vector<1x16xf32>,
        %get3A_4541 = vector.shape_cast %get3A_4540 : vector<1x16xf32> to vector<16xf32>
        %add3A_4542 = arith.addf %add3A_4533, %get3A_4541 : vector<16xf32>
        %mul3A_4543 = arith.mulf %get3A_4541, %get3A_4541 : vector<16xf32>
        %add3A_4544 = arith.addf %add3A_4535, %mul3A_4543 : vector<16xf32>
        %add3A_4545 = arith.constant 3 : i32
        %add3A_4546 = arith.addi %mul3A_4513, %add3A_4545 : i32
        %get3A_4547 = arith.index_cast %add3A_4546 : i32 to index
        %get3A_4548 = arith.constant 0 : index
        %get3A_4549 = tpu.vector_load %arg7[%get3A_4547, %get3A_4548] {strides = array<i32>} : memref<1664x16xf32, #tpu.memory_space<vmem>>, vector<1x16xf32>,
        %get3A_4550 = vector.shape_cast %get3A_4549 : vector<1x16xf32> to vector<16xf32>
        %add3A_4551 = arith.addf %add3A_4542, %get3A_4550 : vector<16xf32>
        %mul3A_4552 = arith.mulf %get3A_4550, %get3A_4550 : vector<16xf32>
        %add3A_4553 = arith.addf %add3A_4544, %mul3A_4552 : vector<16xf32>
        %add3A_4554 = arith.constant 4 : i32
        %add3A_4555 = arith.addi %mul3A_4513, %add3A_4554 : i32
        %get3A_4556 = arith.index_cast %add3A_4555 : i32 to index
        %get3A_4557 = arith.constant 0 : index
        %get3A_4558 = tpu.vector_load %arg7[%get3A_4556, %get3A_4557] {strides = array<i32>} : memref<1664x16xf32, #tpu.memory_space<vmem>>, vector<1x16xf32>,
        %get3A_4559 = vector.shape_cast %get3A_4558 : vector<1x16xf32> to vector<16xf32>
        %add3A_4560 = arith.addf %add3A_4551, %get3A_4559 : vector<16xf32>
        %mul3A_4561 = arith.mulf %get3A_4559, %get3A_4559 : vector<16xf32>
        %add3A_4562 = arith.addf %add3A_4553, %mul3A_4561 : vector<16xf32>
        %add3A_4563 = arith.constant 5 : i32
        %add3A_4564 = arith.addi %mul3A_4513, %add3A_4563 : i32
        %get3A_4565 = arith.index_cast %add3A_4564 : i32 to index
        %get3A_4566 = arith.constant 0 : index
        %get3A_4567 = tpu.vector_load %arg7[%get3A_4565, %get3A_4566] {strides = array<i32>} : memref<1664x16xf32, #tpu.memory_space<vmem>>, vector<1x16xf32>,
        %get3A_4568 = vector.shape_cast %get3A_4567 : vector<1x16xf32> to vector<16xf32>
        %add3A_4569 = arith.addf %add3A_4560, %get3A_4568 : vector<16xf32>
        %mul3A_4570 = arith.mulf %get3A_4568, %get3A_4568 : vector<16xf32>
        %add3A_4571 = arith.addf %add3A_4562, %mul3A_4570 : vector<16xf32>
        %add3A_4572 = arith.constant 6 : i32
        %add3A_4573 = arith.addi %mul3A_4513, %add3A_4572 : i32
        %get3A_4574 = arith.index_cast %add3A_4573 : i32 to index
        %get3A_4575 = arith.constant 0 : index
        %get3A_4576 = tpu.vector_load %arg7[%get3A_4574, %get3A_4575] {strides = array<i32>} : memref<1664x16xf32, #tpu.memory_space<vmem>>, vector<1x16xf32>,
        %get3A_4577 = vector.shape_cast %get3A_4576 : vector<1x16xf32> to vector<16xf32>
        %add3A_4578 = arith.addf %add3A_4569, %get3A_4577 : vector<16xf32>
        %mul3A_4579 = arith.mulf %get3A_4577, %get3A_4577 : vector<16xf32>
        %add3A_4580 = arith.addf %add3A_4571, %mul3A_4579 : vector<16xf32>
        %add3A_4581 = arith.constant 7 : i32
        %add3A_4582 = arith.addi %mul3A_4513, %add3A_4581 : i32
        %get3A_4583 = arith.index_cast %add3A_4582 : i32 to index
        %get3A_4584 = arith.constant 0 : index
        %get3A_4585 = tpu.vector_load %arg7[%get3A_4583, %get3A_4584] {strides = array<i32>} : memref<1664x16xf32, #tpu.memory_space<vmem>>, vector<1x16xf32>,
        %get3A_4586 = vector.shape_cast %get3A_4585 : vector<1x16xf32> to vector<16xf32>
        %add3A_4587 = arith.addf %add3A_4578, %get3A_4586 : vector<16xf32>
        %mul3A_4588 = arith.mulf %get3A_4586, %get3A_4586 : vector<16xf32>
        %add3A_4589 = arith.addf %add3A_4580, %mul3A_4588 : vector<16xf32>
        %add3A_4590 = arith.constant 8 : i32
        %add3A_4591 = arith.addi %mul3A_4513, %add3A_4590 : i32
        %get3A_4592 = arith.index_cast %add3A_4591 : i32 to index
        %get3A_4593 = arith.constant 0 : index
        %get3A_4594 = tpu.vector_load %arg7[%get3A_4592, %get3A_4593] {strides = array<i32>} : memref<1664x16xf32, #tpu.memory_space<vmem>>, vector<1x16xf32>,
        %get3A_4595 = vector.shape_cast %get3A_4594 : vector<1x16xf32> to vector<16xf32>
        %add3A_4596 = arith.addf %add3A_4587, %get3A_4595 : vector<16xf32>
        %mul3A_4597 = arith.mulf %get3A_4595, %get3A_4595 : vector<16xf32>
        %add3A_4598 = arith.addf %add3A_4589, %mul3A_4597 : vector<16xf32>
        %add3A_4599 = arith.constant 9 : i32
        %add3A_4600 = arith.addi %mul3A_4513, %add3A_4599 : i32
        %get3A_4601 = arith.index_cast %add3A_4600 : i32 to index
        %get3A_4602 = arith.constant 0 : index
        %get3A_4603 = tpu.vector_load %arg7[%get3A_4601, %get3A_4602] {strides = array<i32>} : memref<1664x16xf32, #tpu.memory_space<vmem>>, vector<1x16xf32>,
        %get3A_4604 = vector.shape_cast %get3A_4603 : vector<1x16xf32> to vector<16xf32>
        %add3A_4605 = arith.addf %add3A_4596, %get3A_4604 : vector<16xf32>
        %mul3A_4606 = arith.mulf %get3A_4604, %get3A_4604 : vector<16xf32>
        %add3A_4607 = arith.addf %add3A_4598, %mul3A_4606 : vector<16xf32>
        %add3A_4608 = arith.constant 10 : i32
        %add3A_4609 = arith.addi %mul3A_4513, %add3A_4608 : i32
        %get3A_4610 = arith.index_cast %add3A_4609 : i32 to index
        %get3A_4611 = arith.constant 0 : index
        %get3A_4612 = tpu.vector_load %arg7[%get3A_4610, %get3A_4611] {strides = array<i32>} : memref<1664x16xf32, #tpu.memory_space<vmem>>, vector<1x16xf32>,
        %get3A_4613 = vector.shape_cast %get3A_4612 : vector<1x16xf32> to vector<16xf32>
        %add3A_4614 = arith.addf %add3A_4605, %get3A_4613 : vector<16xf32>
        %mul3A_4615 = arith.mulf %get3A_4613, %get3A_4613 : vector<16xf32>
        %add3A_4616 = arith.addf %add3A_4607, %mul3A_4615 : vector<16xf32>
        %add3A_4617 = arith.constant 11 : i32
        %add3A_4618 = arith.addi %mul3A_4513, %add3A_4617 : i32
        %get3A_4619 = arith.index_cast %add3A_4618 : i32 to index
        %get3A_4620 = arith.constant 0 : index
        %get3A_4621 = tpu.vector_load %arg7[%get3A_4619, %get3A_4620] {strides = array<i32>} : memref<1664x16xf32, #tpu.memory_space<vmem>>, vector<1x16xf32>,
        %get3A_4622 = vector.shape_cast %get3A_4621 : vector<1x16xf32> to vector<16xf32>
        %add3A_4623 = arith.addf %add3A_4614, %get3A_4622 : vector<16xf32>
        %mul3A_4624 = arith.mulf %get3A_4622, %get3A_4622 : vector<16xf32>
        %add3A_4625 = arith.addf %add3A_4616, %mul3A_4624 : vector<16xf32>
        %add3A_4626 = arith.constant 12 : i32
        %add3A_4627 = arith.addi %mul3A_4513, %add3A_4626 : i32
        %get3A_4628 = arith.index_cast %add3A_4627 : i32 to index
        %get3A_4629 = arith.constant 0 : index
        %get3A_4630 = tpu.vector_load %arg7[%get3A_4628, %get3A_4629] {strides = array<i32>} : memref<1664x16xf32, #tpu.memory_space<vmem>>, vector<1x16xf32>,
        %get3A_4631 = vector.shape_cast %get3A_4630 : vector<1x16xf32> to vector<16xf32>
        %add3A_4632 = arith.addf %add3A_4623, %get3A_4631 : vector<16xf32>
        %mul3A_4633 = arith.mulf %get3A_4631, %get3A_4631 : vector<16xf32>
        %add3A_4634 = arith.addf %add3A_4625, %mul3A_4633 : vector<16xf32>
        %add3A_4635 = arith.constant 13 : i32
        %add3A_4636 = arith.addi %mul3A_4513, %add3A_4635 : i32
        %get3A_4637 = arith.index_cast %add3A_4636 : i32 to index
        %get3A_4638 = arith.constant 0 : index
        %get3A_4639 = tpu.vector_load %arg7[%get3A_4637, %get3A_4638] {strides = array<i32>} : memref<1664x16xf32, #tpu.memory_space<vmem>>, vector<1x16xf32>,
        %get3A_4640 = vector.shape_cast %get3A_4639 : vector<1x16xf32> to vector<16xf32>
        %add3A_4641 = arith.addf %add3A_4632, %get3A_4640 : vector<16xf32>
        %mul3A_4642 = arith.mulf %get3A_4640, %get3A_4640 : vector<16xf32>
        %add3A_4643 = arith.addf %add3A_4634, %mul3A_4642 : vector<16xf32>
        %add3A_4644 = arith.constant 14 : i32
        %add3A_4645 = arith.addi %mul3A_4513, %add3A_4644 : i32
        %get3A_4646 = arith.index_cast %add3A_4645 : i32 to index
        %get3A_4647 = arith.constant 0 : index
        %get3A_4648 = tpu.vector_load %arg7[%get3A_4646, %get3A_4647] {strides = array<i32>} : memref<1664x16xf32, #tpu.memory_space<vmem>>, vector<1x16xf32>,
        %get3A_4649 = vector.shape_cast %get3A_4648 : vector<1x16xf32> to vector<16xf32>
        %add3A_4650 = arith.addf %add3A_4641, %get3A_4649 : vector<16xf32>
        %mul3A_4651 = arith.mulf %get3A_4649, %get3A_4649 : vector<16xf32>
        %add3A_4652 = arith.addf %add3A_4643, %mul3A_4651 : vector<16xf32>
        %add3A_4653 = arith.constant 15 : i32
        %add3A_4654 = arith.addi %mul3A_4513, %add3A_4653 : i32
        %get3A_4655 = arith.index_cast %add3A_4654 : i32 to index
        %get3A_4656 = arith.constant 0 : index
        %get3A_4657 = tpu.vector_load %arg7[%get3A_4655, %get3A_4656] {strides = array<i32>} : memref<1664x16xf32, #tpu.memory_space<vmem>>, vector<1x16xf32>,
        %get3A_4658 = vector.shape_cast %get3A_4657 : vector<1x16xf32> to vector<16xf32>
        %add3A_4659 = arith.addf %add3A_4650, %get3A_4658 : vector<16xf32>
        %mul3A_4660 = arith.mulf %get3A_4658, %get3A_4658 : vector<16xf32>
        %add3A_4661 = arith.addf %add3A_4652, %mul3A_4660 : vector<16xf32>
        %add3A_4662 = arith.constant 16 : i32
        %add3A_4663 = arith.addi %mul3A_4513, %add3A_4662 : i32
        %get3A_4664 = arith.index_cast %add3A_4663 : i32 to index
        %get3A_4665 = arith.constant 0 : index
        %get3A_4666 = tpu.vector_load %arg7[%get3A_4664, %get3A_4665] {strides = array<i32>} : memref<1664x16xf32, #tpu.memory_space<vmem>>, vector<1x16xf32>,
        %get3A_4667 = vector.shape_cast %get3A_4666 : vector<1x16xf32> to vector<16xf32>
        %add3A_4668 = arith.addf %add3A_4659, %get3A_4667 : vector<16xf32>
        %mul3A_4669 = arith.mulf %get3A_4667, %get3A_4667 : vector<16xf32>
        %add3A_4670 = arith.addf %add3A_4661, %mul3A_4669 : vector<16xf32>
        %add3A_4671 = arith.constant 17 : i32
        %add3A_4672 = arith.addi %mul3A_4513, %add3A_4671 : i32
        %get3A_4673 = arith.index_cast %add3A_4672 : i32 to index
        %get3A_4674 = arith.constant 0 : index
        %get3A_4675 = tpu.vector_load %arg7[%get3A_4673, %get3A_4674] {strides = array<i32>} : memref<1664x16xf32, #tpu.memory_space<vmem>>, vector<1x16xf32>,
        %get3A_4676 = vector.shape_cast %get3A_4675 : vector<1x16xf32> to vector<16xf32>
        %add3A_4677 = arith.addf %add3A_4668, %get3A_4676 : vector<16xf32>
        %mul3A_4678 = arith.mulf %get3A_4676, %get3A_4676 : vector<16xf32>
        %add3A_4679 = arith.addf %add3A_4670, %mul3A_4678 : vector<16xf32>
        %add3A_4680 = arith.constant 18 : i32
        %add3A_4681 = arith.addi %mul3A_4513, %add3A_4680 : i32
        %get3A_4682 = arith.index_cast %add3A_4681 : i32 to index
        %get3A_4683 = arith.constant 0 : index
        %get3A_4684 = tpu.vector_load %arg7[%get3A_4682, %get3A_4683] {strides = array<i32>} : memref<1664x16xf32, #tpu.memory_space<vmem>>, vector<1x16xf32>,
        %get3A_4685 = vector.shape_cast %get3A_4684 : vector<1x16xf32> to vector<16xf32>
        %add3A_4686 = arith.addf %add3A_4677, %get3A_4685 : vector<16xf32>
        %mul3A_4687 = arith.mulf %get3A_4685, %get3A_4685 : vector<16xf32>
        %add3A_4688 = arith.addf %add3A_4679, %mul3A_4687 : vector<16xf32>
        %add3A_4689 = arith.constant 19 : i32
        %add3A_4690 = arith.addi %mul3A_4513, %add3A_4689 : i32
        %get3A_4691 = arith.index_cast %add3A_4690 : i32 to index
        %get3A_4692 = arith.constant 0 : index
        %get3A_4693 = tpu.vector_load %arg7[%get3A_4691, %get3A_4692] {strides = array<i32>} : memref<1664x16xf32, #tpu.memory_space<vmem>>, vector<1x16xf32>,
        %get3A_4694 = vector.shape_cast %get3A_4693 : vector<1x16xf32> to vector<16xf32>
        %add3A_4695 = arith.addf %add3A_4686, %get3A_4694 : vector<16xf32>
        %mul3A_4696 = arith.mulf %get3A_4694, %get3A_4694 : vector<16xf32>
        %add3A_4697 = arith.addf %add3A_4688, %mul3A_4696 : vector<16xf32>
        %add3A_4698 = arith.constant 20 : i32
        %add3A_4699 = arith.addi %mul3A_4513, %add3A_4698 : i32
        %get3A_4700 = arith.index_cast %add3A_4699 : i32 to index
        %get3A_4701 = arith.constant 0 : index
        %get3A_4702 = tpu.vector_load %arg7[%get3A_4700, %get3A_4701] {strides = array<i32>} : memref<1664x16xf32, #tpu.memory_space<vmem>>, vector<1x16xf32>,
        %get3A_4703 = vector.shape_cast %get3A_4702 : vector<1x16xf32> to vector<16xf32>
        %add3A_4704 = arith.addf %add3A_4695, %get3A_4703 : vector<16xf32>
        %mul3A_4705 = arith.mulf %get3A_4703, %get3A_4703 : vector<16xf32>
        %add3A_4706 = arith.addf %add3A_4697, %mul3A_4705 : vector<16xf32>
        %add3A_4707 = arith.constant 21 : i32
        %add3A_4708 = arith.addi %mul3A_4513, %add3A_4707 : i32
        %get3A_4709 = arith.index_cast %add3A_4708 : i32 to index
        %get3A_4710 = arith.constant 0 : index
        %get3A_4711 = tpu.vector_load %arg7[%get3A_4709, %get3A_4710] {strides = array<i32>} : memref<1664x16xf32, #tpu.memory_space<vmem>>, vector<1x16xf32>,
        %get3A_4712 = vector.shape_cast %get3A_4711 : vector<1x16xf32> to vector<16xf32>
        %add3A_4713 = arith.addf %add3A_4704, %get3A_4712 : vector<16xf32>
        %mul3A_4714 = arith.mulf %get3A_4712, %get3A_4712 : vector<16xf32>
        %add3A_4715 = arith.addf %add3A_4706, %mul3A_4714 : vector<16xf32>
        %add3A_4716 = arith.constant 22 : i32
        %add3A_4717 = arith.addi %mul3A_4513, %add3A_4716 : i32
        %get3A_4718 = arith.index_cast %add3A_4717 : i32 to index
        %get3A_4719 = arith.constant 0 : index
        %get3A_4720 = tpu.vector_load %arg7[%get3A_4718, %get3A_4719] {strides = array<i32>} : memref<1664x16xf32, #tpu.memory_space<vmem>>, vector<1x16xf32>,
        %get3A_4721 = vector.shape_cast %get3A_4720 : vector<1x16xf32> to vector<16xf32>
        %add3A_4722 = arith.addf %add3A_4713, %get3A_4721 : vector<16xf32>
        %mul3A_4723 = arith.mulf %get3A_4721, %get3A_4721 : vector<16xf32>
        %add3A_4724 = arith.addf %add3A_4715, %mul3A_4723 : vector<16xf32>
        %add3A_4725 = arith.constant 23 : i32
        %add3A_4726 = arith.addi %mul3A_4513, %add3A_4725 : i32
        %get3A_4727 = arith.index_cast %add3A_4726 : i32 to index
        %get3A_4728 = arith.constant 0 : index
        %get3A_4729 = tpu.vector_load %arg7[%get3A_4727, %get3A_4728] {strides = array<i32>} : memref<1664x16xf32, #tpu.memory_space<vmem>>, vector<1x16xf32>,
        %get3A_4730 = vector.shape_cast %get3A_4729 : vector<1x16xf32> to vector<16xf32>
        %add3A_4731 = arith.addf %add3A_4722, %get3A_4730 : vector<16xf32>
        %mul3A_4732 = arith.mulf %get3A_4730, %get3A_4730 : vector<16xf32>
        %add3A_4733 = arith.addf %add3A_4724, %mul3A_4732 : vector<16xf32>
        %add3A_4734 = arith.constant 24 : i32
        %add3A_4735 = arith.addi %mul3A_4513, %add3A_4734 : i32
        %get3A_4736 = arith.index_cast %add3A_4735 : i32 to index
        %get3A_4737 = arith.constant 0 : index
        %get3A_4738 = tpu.vector_load %arg7[%get3A_4736, %get3A_4737] {strides = array<i32>} : memref<1664x16xf32, #tpu.memory_space<vmem>>, vector<1x16xf32>,
        %get3A_4739 = vector.shape_cast %get3A_4738 : vector<1x16xf32> to vector<16xf32>
        %add3A_4740 = arith.addf %add3A_4731, %get3A_4739 : vector<16xf32>
        %mul3A_4741 = arith.mulf %get3A_4739, %get3A_4739 : vector<16xf32>
        %add3A_4742 = arith.addf %add3A_4733, %mul3A_4741 : vector<16xf32>
        %add3A_4743 = arith.constant 25 : i32
        %add3A_4744 = arith.addi %mul3A_4513, %add3A_4743 : i32
        %get3A_4745 = arith.index_cast %add3A_4744 : i32 to index
        %get3A_4746 = arith.constant 0 : index
        %get3A_4747 = tpu.vector_load %arg7[%get3A_4745, %get3A_4746] {strides = array<i32>} : memref<1664x16xf32, #tpu.memory_space<vmem>>, vector<1x16xf32>,
        %get3A_4748 = vector.shape_cast %get3A_4747 : vector<1x16xf32> to vector<16xf32>
        %add3A_4749 = arith.addf %add3A_4740, %get3A_4748 : vector<16xf32>
        %mul3A_4750 = arith.mulf %get3A_4748, %get3A_4748 : vector<16xf32>
        %add3A_4751 = arith.addf %add3A_4742, %mul3A_4750 : vector<16xf32>
        %get3A_4752 = arith.index_cast %mul3A_4513 : i32 to index
        %get3A_4753 = tpu.vector_load %arg8[%get3A_4752] {strides = array<i32>} : memref<1696xf32, #tpu.memory_space<vmem>>, vector<16xf32>,
        %get3A_4754 = vector.shape_cast %get3A_4753 : vector<16xf32> to vector<16xf32>
        %add3A_4755 = arith.constant 16 : i32
        %add3A_4756 = arith.addi %mul3A_4513, %add3A_4755 : i32
        %get3A_4757 = arith.index_cast %add3A_4756 : i32 to index
        %get3A_4758 = tpu.vector_load %arg8[%get3A_4757] {strides = array<i32>} : memref<1696xf32, #tpu.memory_space<vmem>>, vector<16xf32>,
        %get3A_4759 = vector.shape_cast %get3A_4758 : vector<16xf32> to vector<16xf32>
        %lt3A_4760 = arith.constant 10 : i32
        %lt3A_4761 = vector.broadcast %lt3A_4760 : i32 to vector<16xi32>
        %lt3A_4762 = arith.cmpi slt, %iota3A, %lt3A_4761 : vector<16xi32>
        %jit3A_4763 = arith.constant 0.000000e+00 : f32
        %broadcast_in_dim3A_4764 = vector.broadcast %jit3A_4763 : f32 to vector<16xf32>
        %select_n3A_4765 = arith.select %lt3A_4762, %get3A_4759, %broadcast_in_dim3A_4764 : vector<16xi1>, vector<16xf32>
        %mul3A_4766 = arith.mulf %add3A_4749, %add3A_4749 : vector<16xf32>
        %sub3A_4767 = arith.subf %mul3A_4766, %add3A_4751 : vector<16xf32>
        %mul3A_4768 = arith.constant 5.000000e-01 : f32
        %mul3A_4769 = vector.broadcast %mul3A_4768 : f32 to vector<16xf32>
        %mul3A_4770 = arith.mulf %mul3A_4769, %sub3A_4767 : vector<16xf32>
        %add3A_4771 = arith.addf %mul3A_4770, %get3A_4754 : vector<16xf32>
        %add3A_4772 = arith.addf %add3A_4771, %select_n3A_4765 : vector<16xf32>
        %xor3A = arith.constant 1 : i32
        %xor3A_4773 = vector.broadcast %xor3A : i32 to vector<16xi32>
        %xor3A_4774 = arith.xori %iota3A, %xor3A_4773 : vector<16xi32>
        %shift_right_arithmetic3A = arith.constant 0 : i32
        %shift_right_arithmetic3A_4775 = vector.broadcast %shift_right_arithmetic3A : i32 to vector<16xi32>
        %shift_right_arithmetic3A_4776 = arith.shrsi %iota3A, %shift_right_arithmetic3A_4775 : vector<16xi32>
        %and3A = arith.constant 1 : i32
        %and3A_4777 = vector.broadcast %and3A : i32 to vector<16xi32>
        %and3A_4778 = arith.andi %shift_right_arithmetic3A_4776, %and3A_4777 : vector<16xi32>
        %eq3A = arith.constant 0 : i32
        %eq3A_4779 = vector.broadcast %eq3A : i32 to vector<16xi32>
        %eq3A_4780 = arith.cmpi eq, %and3A_4778, %eq3A_4779 : vector<16xi32>
        %broadcast_in_dim3A_4781 = vector.shape_cast %xor3A_4774 : vector<16xi32> to vector<16x1xi32>
        %gather3A = vector.shape_cast %broadcast_in_dim3A_4781 : vector<16x1xi32> to vector<16xi32>
        %gather3A_4782 = tpu.dynamic_gather %add3A_797[%gather3A] in [0] : vector<16xf32>, vector<16xi32> -> vector<16xf32>
        %add3A_4783 = arith.addf %add3A_797, %gather3A_4782 : vector<16xf32>
        %broadcast_in_dim3A_4784 = vector.shape_cast %xor3A_4774 : vector<16xi32> to vector<16x1xi32>
        %gather3A_4785 = vector.shape_cast %broadcast_in_dim3A_4784 : vector<16x1xi32> to vector<16xi32>
        %gather3A_4786 = tpu.dynamic_gather %add3A_1062[%gather3A_4785] in [0] : vector<16xf32>, vector<16xi32> -> vector<16xf32>
        %add3A_4787 = arith.addf %add3A_1062, %gather3A_4786 : vector<16xf32>
        %select_n3A_4788 = arith.select %eq3A_4780, %add3A_4783, %add3A_4787 : vector<16xi1>, vector<16xf32>
        %broadcast_in_dim3A_4789 = vector.shape_cast %xor3A_4774 : vector<16xi32> to vector<16x1xi32>
        %gather3A_4790 = vector.shape_cast %broadcast_in_dim3A_4789 : vector<16x1xi32> to vector<16xi32>
        %gather3A_4791 = tpu.dynamic_gather %add3A_1327[%gather3A_4790] in [0] : vector<16xf32>, vector<16xi32> -> vector<16xf32>
        %add3A_4792 = arith.addf %add3A_1327, %gather3A_4791 : vector<16xf32>
        %broadcast_in_dim3A_4793 = vector.shape_cast %xor3A_4774 : vector<16xi32> to vector<16x1xi32>
        %gather3A_4794 = vector.shape_cast %broadcast_in_dim3A_4793 : vector<16x1xi32> to vector<16xi32>
        %gather3A_4795 = tpu.dynamic_gather %add3A_1592[%gather3A_4794] in [0] : vector<16xf32>, vector<16xi32> -> vector<16xf32>
        %add3A_4796 = arith.addf %add3A_1592, %gather3A_4795 : vector<16xf32>
        %select_n3A_4797 = arith.select %eq3A_4780, %add3A_4792, %add3A_4796 : vector<16xi1>, vector<16xf32>
        %broadcast_in_dim3A_4798 = vector.shape_cast %xor3A_4774 : vector<16xi32> to vector<16x1xi32>
        %gather3A_4799 = vector.shape_cast %broadcast_in_dim3A_4798 : vector<16x1xi32> to vector<16xi32>
        %gather3A_4800 = tpu.dynamic_gather %add3A_1857[%gather3A_4799] in [0] : vector<16xf32>, vector<16xi32> -> vector<16xf32>
        %add3A_4801 = arith.addf %add3A_1857, %gather3A_4800 : vector<16xf32>
        %broadcast_in_dim3A_4802 = vector.shape_cast %xor3A_4774 : vector<16xi32> to vector<16x1xi32>
        %gather3A_4803 = vector.shape_cast %broadcast_in_dim3A_4802 : vector<16x1xi32> to vector<16xi32>
        %gather3A_4804 = tpu.dynamic_gather %add3A_2122[%gather3A_4803] in [0] : vector<16xf32>, vector<16xi32> -> vector<16xf32>
        %add3A_4805 = arith.addf %add3A_2122, %gather3A_4804 : vector<16xf32>
        %select_n3A_4806 = arith.select %eq3A_4780, %add3A_4801, %add3A_4805 : vector<16xi1>, vector<16xf32>
        %broadcast_in_dim3A_4807 = vector.shape_cast %xor3A_4774 : vector<16xi32> to vector<16x1xi32>
        %gather3A_4808 = vector.shape_cast %broadcast_in_dim3A_4807 : vector<16x1xi32> to vector<16xi32>
        %gather3A_4809 = tpu.dynamic_gather %add3A_2387[%gather3A_4808] in [0] : vector<16xf32>, vector<16xi32> -> vector<16xf32>
        %add3A_4810 = arith.addf %add3A_2387, %gather3A_4809 : vector<16xf32>
        %broadcast_in_dim3A_4811 = vector.shape_cast %xor3A_4774 : vector<16xi32> to vector<16x1xi32>
        %gather3A_4812 = vector.shape_cast %broadcast_in_dim3A_4811 : vector<16x1xi32> to vector<16xi32>
        %gather3A_4813 = tpu.dynamic_gather %add3A_2652[%gather3A_4812] in [0] : vector<16xf32>, vector<16xi32> -> vector<16xf32>
        %add3A_4814 = arith.addf %add3A_2652, %gather3A_4813 : vector<16xf32>
        %select_n3A_4815 = arith.select %eq3A_4780, %add3A_4810, %add3A_4814 : vector<16xi1>, vector<16xf32>
        %broadcast_in_dim3A_4816 = vector.shape_cast %xor3A_4774 : vector<16xi32> to vector<16x1xi32>
        %gather3A_4817 = vector.shape_cast %broadcast_in_dim3A_4816 : vector<16x1xi32> to vector<16xi32>
        %gather3A_4818 = tpu.dynamic_gather %add3A_2917[%gather3A_4817] in [0] : vector<16xf32>, vector<16xi32> -> vector<16xf32>
        %add3A_4819 = arith.addf %add3A_2917, %gather3A_4818 : vector<16xf32>
        %broadcast_in_dim3A_4820 = vector.shape_cast %xor3A_4774 : vector<16xi32> to vector<16x1xi32>
        %gather3A_4821 = vector.shape_cast %broadcast_in_dim3A_4820 : vector<16x1xi32> to vector<16xi32>
        %gather3A_4822 = tpu.dynamic_gather %add3A_3182[%gather3A_4821] in [0] : vector<16xf32>, vector<16xi32> -> vector<16xf32>
        %add3A_4823 = arith.addf %add3A_3182, %gather3A_4822 : vector<16xf32>
        %select_n3A_4824 = arith.select %eq3A_4780, %add3A_4819, %add3A_4823 : vector<16xi1>, vector<16xf32>
        %broadcast_in_dim3A_4825 = vector.shape_cast %xor3A_4774 : vector<16xi32> to vector<16x1xi32>
        %gather3A_4826 = vector.shape_cast %broadcast_in_dim3A_4825 : vector<16x1xi32> to vector<16xi32>
        %gather3A_4827 = tpu.dynamic_gather %add3A_3447[%gather3A_4826] in [0] : vector<16xf32>, vector<16xi32> -> vector<16xf32>
        %add3A_4828 = arith.addf %add3A_3447, %gather3A_4827 : vector<16xf32>
        %broadcast_in_dim3A_4829 = vector.shape_cast %xor3A_4774 : vector<16xi32> to vector<16x1xi32>
        %gather3A_4830 = vector.shape_cast %broadcast_in_dim3A_4829 : vector<16x1xi32> to vector<16xi32>
        %gather3A_4831 = tpu.dynamic_gather %add3A_3712[%gather3A_4830] in [0] : vector<16xf32>, vector<16xi32> -> vector<16xf32>
        %add3A_4832 = arith.addf %add3A_3712, %gather3A_4831 : vector<16xf32>
        %select_n3A_4833 = arith.select %eq3A_4780, %add3A_4828, %add3A_4832 : vector<16xi1>, vector<16xf32>
        %broadcast_in_dim3A_4834 = vector.shape_cast %xor3A_4774 : vector<16xi32> to vector<16x1xi32>
        %gather3A_4835 = vector.shape_cast %broadcast_in_dim3A_4834 : vector<16x1xi32> to vector<16xi32>
        %gather3A_4836 = tpu.dynamic_gather %add3A_3977[%gather3A_4835] in [0] : vector<16xf32>, vector<16xi32> -> vector<16xf32>
        %add3A_4837 = arith.addf %add3A_3977, %gather3A_4836 : vector<16xf32>
        %broadcast_in_dim3A_4838 = vector.shape_cast %xor3A_4774 : vector<16xi32> to vector<16x1xi32>
        %gather3A_4839 = vector.shape_cast %broadcast_in_dim3A_4838 : vector<16x1xi32> to vector<16xi32>
        %gather3A_4840 = tpu.dynamic_gather %add3A_4242[%gather3A_4839] in [0] : vector<16xf32>, vector<16xi32> -> vector<16xf32>
        %add3A_4841 = arith.addf %add3A_4242, %gather3A_4840 : vector<16xf32>
        %select_n3A_4842 = arith.select %eq3A_4780, %add3A_4837, %add3A_4841 : vector<16xi1>, vector<16xf32>
        %broadcast_in_dim3A_4843 = vector.shape_cast %xor3A_4774 : vector<16xi32> to vector<16x1xi32>
        %gather3A_4844 = vector.shape_cast %broadcast_in_dim3A_4843 : vector<16x1xi32> to vector<16xi32>
        %gather3A_4845 = tpu.dynamic_gather %add3A_4507[%gather3A_4844] in [0] : vector<16xf32>, vector<16xi32> -> vector<16xf32>
        %add3A_4846 = arith.addf %add3A_4507, %gather3A_4845 : vector<16xf32>
        %broadcast_in_dim3A_4847 = vector.shape_cast %xor3A_4774 : vector<16xi32> to vector<16x1xi32>
        %gather3A_4848 = vector.shape_cast %broadcast_in_dim3A_4847 : vector<16x1xi32> to vector<16xi32>
        %gather3A_4849 = tpu.dynamic_gather %add3A_4772[%gather3A_4848] in [0] : vector<16xf32>, vector<16xi32> -> vector<16xf32>
        %add3A_4850 = arith.addf %add3A_4772, %gather3A_4849 : vector<16xf32>
        %select_n3A_4851 = arith.select %eq3A_4780, %add3A_4846, %add3A_4850 : vector<16xi1>, vector<16xf32>
        %xor3A_4852 = arith.constant 2 : i32
        %xor3A_4853 = vector.broadcast %xor3A_4852 : i32 to vector<16xi32>
        %xor3A_4854 = arith.xori %iota3A, %xor3A_4853 : vector<16xi32>
        %shift_right_arithmetic3A_4855 = arith.constant 1 : i32
        %shift_right_arithmetic3A_4856 = vector.broadcast %shift_right_arithmetic3A_4855 : i32 to vector<16xi32>
        %shift_right_arithmetic3A_4857 = arith.shrsi %iota3A, %shift_right_arithmetic3A_4856 : vector<16xi32>
        %and3A_4858 = arith.constant 1 : i32
        %and3A_4859 = vector.broadcast %and3A_4858 : i32 to vector<16xi32>
        %and3A_4860 = arith.andi %shift_right_arithmetic3A_4857, %and3A_4859 : vector<16xi32>
        %eq3A_4861 = arith.constant 0 : i32
        %eq3A_4862 = vector.broadcast %eq3A_4861 : i32 to vector<16xi32>
        %eq3A_4863 = arith.cmpi eq, %and3A_4860, %eq3A_4862 : vector<16xi32>
        %broadcast_in_dim3A_4864 = vector.shape_cast %xor3A_4854 : vector<16xi32> to vector<16x1xi32>
        %gather3A_4865 = vector.shape_cast %broadcast_in_dim3A_4864 : vector<16x1xi32> to vector<16xi32>
        %gather3A_4866 = tpu.dynamic_gather %select_n3A_4788[%gather3A_4865] in [0] : vector<16xf32>, vector<16xi32> -> vector<16xf32>
        %add3A_4867 = arith.addf %select_n3A_4788, %gather3A_4866 : vector<16xf32>
        %broadcast_in_dim3A_4868 = vector.shape_cast %xor3A_4854 : vector<16xi32> to vector<16x1xi32>
        %gather3A_4869 = vector.shape_cast %broadcast_in_dim3A_4868 : vector<16x1xi32> to vector<16xi32>
        %gather3A_4870 = tpu.dynamic_gather %select_n3A_4797[%gather3A_4869] in [0] : vector<16xf32>, vector<16xi32> -> vector<16xf32>
        %add3A_4871 = arith.addf %select_n3A_4797, %gather3A_4870 : vector<16xf32>
        %select_n3A_4872 = arith.select %eq3A_4863, %add3A_4867, %add3A_4871 : vector<16xi1>, vector<16xf32>
        %broadcast_in_dim3A_4873 = vector.shape_cast %xor3A_4854 : vector<16xi32> to vector<16x1xi32>
        %gather3A_4874 = vector.shape_cast %broadcast_in_dim3A_4873 : vector<16x1xi32> to vector<16xi32>
        %gather3A_4875 = tpu.dynamic_gather %select_n3A_4806[%gather3A_4874] in [0] : vector<16xf32>, vector<16xi32> -> vector<16xf32>
        %add3A_4876 = arith.addf %select_n3A_4806, %gather3A_4875 : vector<16xf32>
        %broadcast_in_dim3A_4877 = vector.shape_cast %xor3A_4854 : vector<16xi32> to vector<16x1xi32>
        %gather3A_4878 = vector.shape_cast %broadcast_in_dim3A_4877 : vector<16x1xi32> to vector<16xi32>
        %gather3A_4879 = tpu.dynamic_gather %select_n3A_4815[%gather3A_4878] in [0] : vector<16xf32>, vector<16xi32> -> vector<16xf32>
        %add3A_4880 = arith.addf %select_n3A_4815, %gather3A_4879 : vector<16xf32>
        %select_n3A_4881 = arith.select %eq3A_4863, %add3A_4876, %add3A_4880 : vector<16xi1>, vector<16xf32>
        %broadcast_in_dim3A_4882 = vector.shape_cast %xor3A_4854 : vector<16xi32> to vector<16x1xi32>
        %gather3A_4883 = vector.shape_cast %broadcast_in_dim3A_4882 : vector<16x1xi32> to vector<16xi32>
        %gather3A_4884 = tpu.dynamic_gather %select_n3A_4824[%gather3A_4883] in [0] : vector<16xf32>, vector<16xi32> -> vector<16xf32>
        %add3A_4885 = arith.addf %select_n3A_4824, %gather3A_4884 : vector<16xf32>
        %broadcast_in_dim3A_4886 = vector.shape_cast %xor3A_4854 : vector<16xi32> to vector<16x1xi32>
        %gather3A_4887 = vector.shape_cast %broadcast_in_dim3A_4886 : vector<16x1xi32> to vector<16xi32>
        %gather3A_4888 = tpu.dynamic_gather %select_n3A_4833[%gather3A_4887] in [0] : vector<16xf32>, vector<16xi32> -> vector<16xf32>
        %add3A_4889 = arith.addf %select_n3A_4833, %gather3A_4888 : vector<16xf32>
        %select_n3A_4890 = arith.select %eq3A_4863, %add3A_4885, %add3A_4889 : vector<16xi1>, vector<16xf32>
        %broadcast_in_dim3A_4891 = vector.shape_cast %xor3A_4854 : vector<16xi32> to vector<16x1xi32>
        %gather3A_4892 = vector.shape_cast %broadcast_in_dim3A_4891 : vector<16x1xi32> to vector<16xi32>
        %gather3A_4893 = tpu.dynamic_gather %select_n3A_4842[%gather3A_4892] in [0] : vector<16xf32>, vector<16xi32> -> vector<16xf32>
        %add3A_4894 = arith.addf %select_n3A_4842, %gather3A_4893 : vector<16xf32>
        %broadcast_in_dim3A_4895 = vector.shape_cast %xor3A_4854 : vector<16xi32> to vector<16x1xi32>
        %gather3A_4896 = vector.shape_cast %broadcast_in_dim3A_4895 : vector<16x1xi32> to vector<16xi32>
        %gather3A_4897 = tpu.dynamic_gather %select_n3A_4851[%gather3A_4896] in [0] : vector<16xf32>, vector<16xi32> -> vector<16xf32>
        %add3A_4898 = arith.addf %select_n3A_4851, %gather3A_4897 : vector<16xf32>
        %select_n3A_4899 = arith.select %eq3A_4863, %add3A_4894, %add3A_4898 : vector<16xi1>, vector<16xf32>
        %xor3A_4900 = arith.constant 4 : i32
        %xor3A_4901 = vector.broadcast %xor3A_4900 : i32 to vector<16xi32>
        %xor3A_4902 = arith.xori %iota3A, %xor3A_4901 : vector<16xi32>
        %shift_right_arithmetic3A_4903 = arith.constant 2 : i32
        %shift_right_arithmetic3A_4904 = vector.broadcast %shift_right_arithmetic3A_4903 : i32 to vector<16xi32>
        %shift_right_arithmetic3A_4905 = arith.shrsi %iota3A, %shift_right_arithmetic3A_4904 : vector<16xi32>
        %and3A_4906 = arith.constant 1 : i32
        %and3A_4907 = vector.broadcast %and3A_4906 : i32 to vector<16xi32>
        %and3A_4908 = arith.andi %shift_right_arithmetic3A_4905, %and3A_4907 : vector<16xi32>
        %eq3A_4909 = arith.constant 0 : i32
        %eq3A_4910 = vector.broadcast %eq3A_4909 : i32 to vector<16xi32>
        %eq3A_4911 = arith.cmpi eq, %and3A_4908, %eq3A_4910 : vector<16xi32>
        %broadcast_in_dim3A_4912 = vector.shape_cast %xor3A_4902 : vector<16xi32> to vector<16x1xi32>
        %gather3A_4913 = vector.shape_cast %broadcast_in_dim3A_4912 : vector<16x1xi32> to vector<16xi32>
        %gather3A_4914 = tpu.dynamic_gather %select_n3A_4872[%gather3A_4913] in [0] : vector<16xf32>, vector<16xi32> -> vector<16xf32>
        %add3A_4915 = arith.addf %select_n3A_4872, %gather3A_4914 : vector<16xf32>
        %broadcast_in_dim3A_4916 = vector.shape_cast %xor3A_4902 : vector<16xi32> to vector<16x1xi32>
        %gather3A_4917 = vector.shape_cast %broadcast_in_dim3A_4916 : vector<16x1xi32> to vector<16xi32>
        %gather3A_4918 = tpu.dynamic_gather %select_n3A_4881[%gather3A_4917] in [0] : vector<16xf32>, vector<16xi32> -> vector<16xf32>
        %add3A_4919 = arith.addf %select_n3A_4881, %gather3A_4918 : vector<16xf32>
        %select_n3A_4920 = arith.select %eq3A_4911, %add3A_4915, %add3A_4919 : vector<16xi1>, vector<16xf32>
        %broadcast_in_dim3A_4921 = vector.shape_cast %xor3A_4902 : vector<16xi32> to vector<16x1xi32>
        %gather3A_4922 = vector.shape_cast %broadcast_in_dim3A_4921 : vector<16x1xi32> to vector<16xi32>
        %gather3A_4923 = tpu.dynamic_gather %select_n3A_4890[%gather3A_4922] in [0] : vector<16xf32>, vector<16xi32> -> vector<16xf32>
        %add3A_4924 = arith.addf %select_n3A_4890, %gather3A_4923 : vector<16xf32>
        %broadcast_in_dim3A_4925 = vector.shape_cast %xor3A_4902 : vector<16xi32> to vector<16x1xi32>
        %gather3A_4926 = vector.shape_cast %broadcast_in_dim3A_4925 : vector<16x1xi32> to vector<16xi32>
        %gather3A_4927 = tpu.dynamic_gather %select_n3A_4899[%gather3A_4926] in [0] : vector<16xf32>, vector<16xi32> -> vector<16xf32>
        %add3A_4928 = arith.addf %select_n3A_4899, %gather3A_4927 : vector<16xf32>
        %select_n3A_4929 = arith.select %eq3A_4911, %add3A_4924, %add3A_4928 : vector<16xi1>, vector<16xf32>
        %xor3A_4930 = arith.constant 8 : i32
        %xor3A_4931 = vector.broadcast %xor3A_4930 : i32 to vector<16xi32>
        %xor3A_4932 = arith.xori %iota3A, %xor3A_4931 : vector<16xi32>
        %shift_right_arithmetic3A_4933 = arith.constant 3 : i32
        %shift_right_arithmetic3A_4934 = vector.broadcast %shift_right_arithmetic3A_4933 : i32 to vector<16xi32>
        %shift_right_arithmetic3A_4935 = arith.shrsi %iota3A, %shift_right_arithmetic3A_4934 : vector<16xi32>
        %and3A_4936 = arith.constant 1 : i32
        %and3A_4937 = vector.broadcast %and3A_4936 : i32 to vector<16xi32>
        %and3A_4938 = arith.andi %shift_right_arithmetic3A_4935, %and3A_4937 : vector<16xi32>
        %eq3A_4939 = arith.constant 0 : i32
        %eq3A_4940 = vector.broadcast %eq3A_4939 : i32 to vector<16xi32>
        %eq3A_4941 = arith.cmpi eq, %and3A_4938, %eq3A_4940 : vector<16xi32>
        %broadcast_in_dim3A_4942 = vector.shape_cast %xor3A_4932 : vector<16xi32> to vector<16x1xi32>
        %gather3A_4943 = vector.shape_cast %broadcast_in_dim3A_4942 : vector<16x1xi32> to vector<16xi32>
        %gather3A_4944 = tpu.dynamic_gather %select_n3A_4920[%gather3A_4943] in [0] : vector<16xf32>, vector<16xi32> -> vector<16xf32>
        %add3A_4945 = arith.addf %select_n3A_4920, %gather3A_4944 : vector<16xf32>
        %broadcast_in_dim3A_4946 = vector.shape_cast %xor3A_4932 : vector<16xi32> to vector<16x1xi32>
        %gather3A_4947 = vector.shape_cast %broadcast_in_dim3A_4946 : vector<16x1xi32> to vector<16xi32>
        %gather3A_4948 = tpu.dynamic_gather %select_n3A_4929[%gather3A_4947] in [0] : vector<16xf32>, vector<16xi32> -> vector<16xf32>
        %add3A_4949 = arith.addf %select_n3A_4929, %gather3A_4948 : vector<16xf32>
        %select_n3A_4950 = arith.select %eq3A_4941, %add3A_4945, %add3A_4949 : vector<16xi1>, vector<16xf32>
        %mul3A_4951 = arith.constant 16 : i32
        %mul3A_4952 = arith.muli %scan3A_538, %mul3A_4951 : i32
        %swap3A = arith.index_cast %mul3A_4952 : i32 to index
        %swap3A_4953 = tpu.vector_load %arg9[%swap3A] {strides = array<i32>} : memref<64xf32, #tpu.memory_space<vmem>>, vector<16xf32>,
        %swap3A_4954 = vector.shape_cast %swap3A_4953 : vector<16xf32> to vector<16xf32>
        %swap3A_4955 = vector.shape_cast %select_n3A_4950 : vector<16xf32> to vector<16xf32>
        tpu.vector_store %arg9[%swap3A], %swap3A_4955 {strides = array<i32>} : memref<64xf32, #tpu.memory_space<vmem>>, vector<16xf32>,
      }
      %scan3A_532 = arith.constant 4 : i32
      %mul3A_533 = arith.constant 512 : i32
      %mul3A_534 = arith.muli %add3A, %mul3A_533 : i32
      %mul3A_535 = arith.constant 64 : i32
      %mul3A_536 = arith.muli %scan3A_8, %mul3A_535 : i32
      %add3A_537 = arith.addi %mul3A_534, %mul3A_536 : i32
      "tpu.region"() ({
        %run_scoped3A = tpu.sem_alloc : memref<!tpu.dma_semaphore, #tpu.memory_space<semaphore_mem>>
        %dma_start3A_538 = tpu.memref_slice %arg5[%add3A_537] : memref<16384xf32, #tpu.memory_space<hbm>> -> memref<64xf32, #tpu.memory_space<hbm>>
        %dma_start3A_539 = tpu.memref_slice %arg5[%add3A_537] : memref<16384xf32, #tpu.memory_space<hbm>> -> memref<64xf32, #tpu.memory_space<hbm>>
        tpu.enqueue_dma source(%arg9 : memref<64xf32, #tpu.memory_space<vmem>>) target(%dma_start3A_539 : memref<64xf32, #tpu.memory_space<hbm>>) target_semaphore(%run_scoped3A : memref<!tpu.dma_semaphore, #tpu.memory_space<semaphore_mem>>)
        %dma_wait3A_540 = tpu.memref_slice %arg5[%add3A_537] : memref<16384xf32, #tpu.memory_space<hbm>> -> memref<64xf32, #tpu.memory_space<hbm>>
        %dma_wait3A_541 = tpu.memref_slice %arg5[%add3A_537] : memref<16384xf32, #tpu.memory_space<hbm>> -> memref<64xf32, #tpu.memory_space<hbm>>
        tpu.wait_dma2 semaphore(%run_scoped3A : memref<!tpu.dma_semaphore, #tpu.memory_space<semaphore_mem>>) src(%arg9 : memref<64xf32, #tpu.memory_space<vmem>>) dst(%dma_wait3A_541 : memref<64xf32, #tpu.memory_space<hbm>>)
        tpu.yield
      }) : () -> ()
    }
    %scan3A_7 = arith.constant 8 : i32
    return
  }
}

</mosaic_0001>

<sc_bundles>
// kernel: kernel.3.cloned.1.call-start
scs
__scs_entry_jumppad:
0x0: {  	(pc) =	sbr.rel $0x88, $3  }
0x1: {  	(tag) =	ssettag $0x0;
	lr =	simm.s32 $0x1  }
0x2: {  	[smem:$0x3F9E] =	sst lr;
	_ =	strace $0xD0000000  }
0x3: {  	_ = 	snop  }
0x4: {  	_ = 	snop  }
0x5: {  	_ = 	snop  }
0x6: {  	_ = 	snop  }
0x7: {  	_ = 	snop  }
__scs_overlays_trampoline_lowered:
0x8: {  	[smem:$0x3FAD] =	sst s0  }
0x9: {  	[smem:$0x3FAE] =	sst s1  }
0xa: {  	[smem:$0x3FAF] =	sst s2  }
0xb: {  	[smem:$0x3FB0] =	sst s3  }
0xc: {  	[smem:$0x3FB1] =	sst s4  }
0xd: {  	[smem:$0x3FB2] =	sst s5  }
0xe: {  	[smem:$0x3FB3] =	sst s6  }
0xf: {  	[smem:$0x3FB4] =	sst s7  }
0x10: {  	[smem:$0x3FB5] =	sst s8  }
0x11: {  	[smem:$0x3FB6] =	sst s9;
	s0 =	simm.s32 @!p0 $0x0  }
0x12: {  	s1 =	sld [smem:$0x3F9C];
	s0 =	simm.s32 @p0 $0x1  }
0x13: {  	[smem:$0x3FB7] =	sst s0;
	s0 =	simm.s32 @!p1 $0x0  }
0x14: {  	s2 =	sld [smem:$0x3F9B];
	s0 =	simm.s32 @p1 $0x1  }
0x15: {  	[smem:$0x3FB8] =	sst s0;
	s0 =	simm.s32 @!p2 $0x0  }
0x16: {  	s3 =	sld [smem:$0x3FDB];
	s0 =	simm.s32 @p2 $0x1  }
0x17: {  	s4 =	simm.s32 $0x1BF5;
	[smem:$0x3FBA] =	sst s0  }
0x18: {  	s0 =	sld [smem:$0x3F9D];
	_ =	swait.ge [sflag:s4], $0x0  }
0x19: {  	s7 =	sld [smem:$0x3F9E]  }
0x1a: {  	s8 =	sadd.s32 $0xFFFFE003, lr  }
0x1b: {  	s9 =	sadd.s32 $0xFFFFFEF7, lr;
	s5 =	simm.s32 $0xFFFFFFFF;
	p2 =	slt.u32 s8, $0xFFFFF086  }
0x1c: {  	p1 =	slt.u32 s9, $0xF7A;
	s5 =	simm.s32 @!p2 $0x0  }
0x1d: {  	s5 =	simm.s32 @p1 $0x1;
	p0 =	seq.s32 s7, s2  }
0x1e: {  	s7 =	smul.u32 @!p0 $0xF7A, s2;
	p2 =	seq.s32 @!p0 s5, $0x0  }
0x1f: {  	s9 =	smul.u32 $0xF7A, s1;
	s8 =	simm.s32 @!p0 $0x1BF5;
	p2 =	por !p2, p0  }
0x20: {  	[sflag:s8] =	ssyncset.s32 @!p0 $0xFFFFF086;
	s6 =	sadd.s32 @!p0 s3, s7;
	s7 =	simm.s32 @!p0 $0x108  }
0x21: {  	s3 =	sadd.s32 s3, s9;
	s6 =	sadd.s32 @!p0 $0x88, s6;
	s7 =	simm.s32 @p2 $0x1082  }
0x22: {  	[simem:s7], [sflag:s8] =	dma.local @!p0 [hbm:s6], $0xF7A  }
0x23: {  	s9 =	sor.u32 $0xD0000000, s2;
	s6 =	simm.s32 $0x108;
	_ =	swait.ge @!p0 [sflag:s8], $0x0  }
0x24: {  	s3 =	sadd.s32 $0x88, s3;
	s6 =	simm.s32 @!p1 $0x1082;
	[sflag:s4] =	ssyncset.s32 $0xFFFFF086  }
0x25: {  	[simem:s6], [sflag:s4] =	dma.local [hbm:s3], $0xF7A  }
0x26: {  	[smem:$0x3F9E] =	sst s1;
	(tag) =	ssettag s2;
	_ =	strace s9  }
0x27: {  	s1 =	sld [smem:$0x3FAE]  }
0x28: {  	s2 =	sld [smem:$0x3FAF]  }
0x29: {  	s4 =	sld [smem:$0x3FB1]  }
0x2a: {  	p0 =	seq.s32 s5, $0x0;
	s5 =	sld [smem:$0x3FB2]  }
0x2b: {  	s6 =	sld [smem:$0x3FB3]  }
0x2c: {  	s7 =	sld [smem:$0x3FB4]  }
0x2d: {  	s3 =	simm.s32 $0x108;
	s8 =	sld [smem:$0x3FB5]  }
0x2e: {  	s3 =	simm.s32 @!p0 $0x1082;
	s9 =	sld [smem:$0x3FB6]  }
0x2f: {  	lr =	sadd.s32 s0, s3;
	s0 =	sld [smem:$0x3FAD]  }
0x30: {  	s3 =	sld [smem:$0x3FB0]  }
0x31: {  	[smem:$0x3FB9] =	sst s10  }
0x32: {  	s10 =	sld [smem:$0x3FB7];
	_ =	sdelay $0x3  }
0x33: {  	p0 =	seq.s32 s10, $0x1;
	s10 =	sld [smem:$0x3FB9];
	_ =	sdelay $0x3  }
0x34: {  	[smem:$0x3FB9] =	sst s10  }
0x35: {  	s10 =	sld [smem:$0x3FB8];
	_ =	sdelay $0x3  }
0x36: {  	p1 =	seq.s32 s10, $0x1;
	s10 =	sld [smem:$0x3FB9];
	_ =	sdelay $0x3  }
0x37: {  	[smem:$0x3FB9] =	sst s10  }
0x38: {  	s10 =	sld [smem:$0x3FBA]  }
0x39: {  	_ = 	snop;
	(pc) =	sbr.ind lr, $3  }
0x3a: {  	_ = 	snop  }
0x3b: {  	_ = 	snop  }
0x3c: {  	p2 =	seq.s32 s10, $0x1;
	s10 =	sld [smem:$0x3FB9]  }
0x3d: {  	_ =	shalt  }
0x3e: {  	_ =	shalt  }
0x3f: {  	_ =	shalt  }
0x40: {  	_ =	shalt  }
0x41: {  	_ =	shalt  }
0x42: {  	_ =	shalt  }
0x43: {  	_ =	shalt  }
0x44: {  	_ =	shalt  }
0x45: {  	_ =	shalt  }
0x46: {  	_ =	shalt  }
0x47: {  	_ =	shalt  }
0x48: {  	_ =	shalt  }
0x49: {  	_ =	shalt  }
0x4a: {  	_ =	shalt  }
0x4b: {  	_ =	shalt  }
0x4c: {  	_ =	shalt  }
0x4d: {  	_ =	shalt  }
0x4e: {  	_ =	shalt  }
0x4f: {  	_ =	shalt  }
0x50: {  	_ =	shalt  }
0x51: {  	_ =	shalt  }
0x52: {  	_ =	shalt  }
0x53: {  	_ =	shalt  }
0x54: {  	_ =	shalt  }
0x55: {  	_ =	shalt  }
0x56: {  	_ =	shalt  }
0x57: {  	_ =	shalt  }
0x58: {  	_ =	shalt  }
0x59: {  	_ =	shalt  }
0x5a: {  	_ =	shalt  }
0x5b: {  	_ =	shalt  }
0x5c: {  	_ =	shalt  }
0x5d: {  	_ =	shalt  }
0x5e: {  	_ =	shalt  }
0x5f: {  	_ =	shalt  }
0x60: {  	_ =	shalt  }
0x61: {  	_ =	shalt  }
0x62: {  	_ =	shalt  }
0x63: {  	_ =	shalt  }
0x64: {  	_ =	shalt  }
0x65: {  	_ =	shalt  }
0x66: {  	_ =	shalt  }
0x67: {  	_ =	shalt  }
0x68: {  	_ =	shalt  }
0x69: {  	_ =	shalt  }
0x6a: {  	_ =	shalt  }
0x6b: {  	_ =	shalt  }
0x6c: {  	_ =	shalt  }
0x6d: {  	_ =	shalt  }
0x6e: {  	_ =	shalt  }
0x6f: {  	_ =	shalt  }
0x70: {  	_ =	shalt  }
0x71: {  	_ =	shalt  }
0x72: {  	_ =	shalt  }
0x73: {  	_ =	shalt  }
0x74: {  	_ =	shalt  }
0x75: {  	_ =	shalt  }
0x76: {  	_ =	shalt  }
0x77: {  	_ =	shalt  }
0x78: {  	_ =	shalt  }
0x79: {  	_ =	shalt  }
0x7a: {  	_ =	shalt  }
0x7b: {  	_ =	shalt  }
0x7c: {  	_ =	shalt  }
0x7d: {  	_ =	shalt  }
0x7e: {  	_ =	shalt  }
0x7f: {  	_ =	shalt  }
0x80: {  	_ =	shalt  }
0x81: {  	_ =	shalt  }
0x82: {  	_ =	shalt  }
0x83: {  	_ =	shalt  }
0x84: {  	_ =	shalt  }
0x85: {  	_ =	shalt  }
0x86: {  	_ =	shalt  }
0x87: {  	_ =	shalt  }
.Lfunc_end0:
.L_simem_size_0:
called_computation_lowered:
.L_overlay_start_0:
0x88: {  	s2 =	sld [smem:$0x3FD9]  }
0x89: {  	s3 =	sld [smem:$0x3FFE];
	_ =	sdelay $0x1  }
0x8a: {  	s1 =	srdreg.scid  }
0x8b: {  	s0 =	sand.u32 $0x1, s1  }
0x8c: {  	s17 =	sshll.u32 s0, $0xA;
	s2 =	sadd.s32 s3, s2  }
0x8d: {  	s2 =	sadd.s32 s2, s17  }
0x8e: {  	[smem:$0x3FC5] =	sst s2  }
0x8f: {  	_ = 	snop  }
0x90: {  	s2 =	sld [smem:$0x3FD0];
	(tm) =	ssettm $0x1  }
0x91: {  	s18 =	sld [smem:$0x3FFB];
	_ =	sdelay $0x3  }
0x92: {  	_ =	strace s18  }
0x93: {  	s3 =	sld [smem:$0x3FFC];
	_ =	sdelay $0x3  }
0x94: {  	_ =	strace s3  }
0x95: {  	s3 =	sld [smem:$0x3FFD];
	_ =	sdelay $0x3  }
0x96: {  	_ =	strace s3  }
0x97: {  	_ =	strace $0x8FFFFFFF  }
0x98: {  	s19 =	sld [smem:$0x3FDB];
	_ =	sdelay $0x1  }
0x99: {  	s4 =	simm.s32 $_scs_section_size  }
0x9a: {  	s5 =	simm.s32 $_size__tile_overlayer_lowered;
	s6 =	simm.s32 $_tile_overlayer_lowered  }
0x9b: {  	s22 =	simm.s32 $0x1BFF;
	s21 =	sshll.u32 s6, $0x1;
	s3 =	sadd.s32 s4, s19  }
0x9c: {  	s7 =	simm.s32 $0x0;
	s20 =	sshll.u32 s5, $0x1;
	s5 =	sadd.s32 s21, s3  }
0x9d: {  	[timem:s7], [sflag:s22] =	dma.local [hbm:s5], s20  }
0x9e: {  	_ =	swait.ge [sflag:s22], s20  }
0x9f: {  	s4 =	ssub.s32 $0x0, s20;
	[sflag:s22] =	ssyncset.done $0x0  }
0xa0: {  	[sflag:s22] =	ssyncadd.s32 s4;
	_ =	sdelay $0x1  }
0xa1: {  	s23 =	simm.s32 $0x1B8B  }
0xa2: {  	_ =	swait.ge [sflag:s23], $0x1  }
0xa3: {  	[sflag:s23] =	ssyncset.done $0x0  }
0xa4: {  	s25 =	simm.s32 $0x1B8E;
	s24 =	sld [smem:$0x3FFE];
	[sflag:s23] =	ssyncadd.s32 $0xFFFFFFFF  }
0xa5: {  	s26 =	simm.s32 $execute0_lowered;
	[smem:$0x3FD2] =	sst s25  }
0xa6: {  	s5 =	sshll.u32 s26, $0x1;
	_ =	strace $0x80000046;
	[dreg:$0x1] =	wrdreg $0xFFFFFFFF  }
0xa7: {  	s28 =	simm.s32 $_size_execute0_lowered;
	s3 =	sadd.s32 s3, s5;
	[dreg:$0x0] =	wrdreg $0x0  }
0xa8: {  	s5 =	sshll.u32 s28, $0x1;
	[dreg:$0x2] =	wrdreg s3  }
0xa9: {  	[dreg:$0x3] =	wrdreg s5  }
0xaa: {  	[dreg:$0x4] =	wrdreg $0xC0  }
0xab: {  	_ =	task [dreg:s7], $0x5FFFF  }
0xac: {  	[dreg:$0x1] =	wrdreg $0xFFFFFFFF  }
0xad: {  	[dreg:$0x0] =	wrdreg $0x60  }
0xae: {  	[dreg:$0x2] =	wrdreg s24  }
0xaf: {  	[dreg:$0x3] =	wrdreg s2  }
0xb0: {  	[dreg:$0x4] =	wrdreg $0x9  }
0xb1: {  	_ =	task.clear_ibuf [dreg:s7], $0x5FFFF;
	_ =	strace $0x90000046  }
0xb2: {  	s29 =	simm.s32 $0x9;
	_ =	strace $0x80000048  }
0xb3: {  	_ =	swait.ge [sflag:s29], $0x1  }
0xb4: {  	[sflag:s29] =	ssyncadd.s32 $0xFFFFFFFF  }
0xb5: {  	_ =	strace $0x90000048  }
0xb6: {  	_ =	sfence  }
0xb7: {  	s30 =	sld [smem:$0x0];
	_ =	sdelay $0x2  }
0xb8: {  	s31 =	sshll.u32 s1, $0xD;
	s1 =	sshrl.u32 s1, $0x2  }
0xb9: {  	s3 =	sand.u32 $0x4000, s31;
	s1 =	sadd.s32 s1, s30  }
0xba: {  	s0 =	sor.u32 s3, s0;
	s1 =	sshll.u32 s1, $0x11  }
0xbb: {  	s0 =	sor.u32 s1, s0  }
0xbc: {  	s0 =	sadd.s32 $0x8F2B, s0  }
0xbd: {  	[sflag:s0] =	ssyncadd.remote.s32 $0x1  }
0xbe: {  	_ =	sfence.sel $0xFFFF  }
0xbf: {  	[dreg:$0x0] =	wrdreg $0xFFFFFFFF;
	(pc) =	sbr.abs _section_cstart, $3  }
0xc0: {  	[dreg:$0x1] =	wrdreg $0xFFFFFFFF  }
0xc1: {  	_ =	task.clear_ibuf [dreg:s7], $0x2FFFF;
	_ =	strace $0x9FFFFFFF  }
0xc2: {  	(tm) =	ssettm $0x7FFFFFFF  }
0xc3: {  	_ =	shalt  }
tec
execute0_lowered:
.L_overlay_start_1:
0x0: {  	(tag) =	ssettag $0x1  }
0x1: {  	v0 =	vimm.s32 $0xEFCDAB89;
	v1 =	vimm.s32 $0x67452301  }
0x2: {  	vm0 =	vcmask $0xB08;
	vm1 =	vcmask $0x300;
	v2 =	vimm.s32 $0xDCFE98BA  }
0x3: {  	v3 =	vimm.s32 $0x54761032;
	v4 =	vimm.s32 $0x32107654;
	vm2 =	vcmask $0x700  }
0x4: {  	vm3 =	vcmask $0x3B38;
	vm4 =	vmmov $0xff;
	v0 =	vunpack.c.l.s4.s8 v0  }
0x5: {  	s0 =	rddreg [dreg:$0x0];
	v1 =	vunpack.c.l.s4.s8 v1;
	vm0 =	vmor vm1, vm0;
	vm1 =	vcmask $0x1310  }
0x6: {  	s1 =	srdreg.scid;
	s2 =	stileid.u32;
	v2 =	vunpack.c.l.s4.s8 v2;
	v3 =	vunpack.c.l.s4.s8 v3;
	vm0 =	vmor vm0, vm1  }
0x7: {  	s5 =	rddreg [dreg:$0x1];
	s8 =	simm.s32 $0x3;
	s9 =	simm.s32 $0x80;
	vm1 =	vcmask $0x1B18;
	v0 =	vunpack.c.0.s8.s32 v0;
	v1 =	vunpack.c.0.s8.s32 v1  }
0x8: {  	s20 =	simm.s32 $0x5C00;
	s21 =	simm.s32 $0x9E80;
	s22 =	simm.s32 $0x6400;
	v4 =	vunpack.c.l.s4.s8 v4;
	vm0 =	vmor vm0, vm1;
	vm1 =	vcmask $0x2320  }
0x9: {  	s23 =	simm.s32 $0x9F00;
	s24 =	simm.s32 $0x6C00;
	s28 =	simm.s32 $0xA000;
	vm0 =	vmor vm0, vm1;
	vm1 =	vcmask $0x2B28;
	v0 =	vcombine.low v1, v0  }
0xa: {  	s29 =	simm.s32 $0x7C00;
	s30 =	simm.s32 $0xA080;
	s31 =	simm.s32 $0x8400;
	v1 =	vunpack.c.0.s8.s32 v2;
	v2 =	vunpack.c.0.s8.s32 v3;
	v3 =	vimm.s32 $0xBA98FEDC  }
0xb: {  	s10 =	simm.s32 $0xA200;
	s11 =	simm.s32 $0x1;
	s12 =	simm.s32 $0x2;
	vm0 =	vmor vm0, vm1;
	vm1 =	vcmask $0x3330;
	v3 =	vunpack.c.l.s4.s8 v3  }
0xc: {  	s13 =	simm.s32 $0xA2A0;
	s15 =	simm.s32 $0x0;
	s1 =	sand.u32 $0x1, s1;
	vm0 =	vmor vm0, vm1;
	vm1 =	vcmask $0x1710;
	v1 =	vcombine.low v2, v1  }
0xd: {  	s3 =	sshll.u32 s2, $0x1;
	s2 =	simm.s32 $0x0;
	s4 =	sadd.s32 $0xF42800, s0;
	vm1 =	vmor vm2, vm1;
	v2 =	vunpack.c.0.s8.s32 v3;
	v3 =	vunpack.c.0.s8.s32 v4  }
0xe: {  	s6 =	sor.u32 s1, s3;
	[smem:$0x7FF] =	sst s2;
	s1 =	ssub.s32 $0x2, s1;
	vm2 =	vcmask $0x2720;
	vm0 =	vmor vm0, vm3;
	v4 =	vimm.s32 $0xFEDCBA98  }
0xf: {  	s3 =	smul.u32 $0x680, s6;
	_ =	strace $0x80000047;
	s6 =	sshll.u32 s6, $0x6;
	v4 =	vunpack.c.l.s4.s8 v4;
	v2 =	vcombine.low v3, v2;
	v3 =	vimm.s32 $0x76543210  }
0x10: {  	s25 =	sshrl.u32 s1, $0x1;
	s6 =	sadd.s32 s5, s6;
	s5 =	simm.s32 $0xA180;
	vm3 =	vcmask $0xF00;
	v0 =	vand.u32 $0xF, v0;
	v3 =	vunpack.c.l.s4.s8 v3  }
0x11: {  	s7 =	sadd.s32 s3, s0;
	s3 =	sadd.s32 $0xD400, s0;
	s0 =	ssub.s32 s1, s25;
	vm1 =	vmor vm1, vm2;
	vm2 =	vcmask $0x3730;
	v4 =	vunpack.c.0.s8.s32 v4  }
0x12: {  	s25 =	simm.s32 $0x9F80;
	s1 =	simm.s32 $0xA100;
	s26 =	sadd.s32 $0x400, s7;
	vm1 =	vmor vm1, vm2;
	vm2 =	vcmask $0x2F20;
	v3 =	vunpack.c.0.s8.s32 v3  }
0x13: {  	s0 =	smax.u32 s0, $0x1;
	s7 =	simm.s32 $0x9400;
	[dreg:$0x3] =	wrdreg s26;
	v1 =	vand.u32 $0xF, v1;
	vm2 =	vmor vm3, vm2;
	v4 =	vand.u32 $0xF, v4  }
0x14: {  	[dreg:$0x4] =	wrdreg s0;
	s26 =	simm.s32 $0x7400;
	s0 =	simm.s32 $0x8C00;
	vm3 =	vmmov $0x3ff;
	v2 =	vand.u32 $0xF, v2;
	v3 =	vcombine.low v4, v3  }
.LBB2_1:
0x15: {  	[dreg:$0x5] =	wrdreg s15  }
0x16: {  	s14 =	rddreg [dreg:$0x3]  }
0x17: {  	[tilespmem:s2], [sflag:$0x3] =	stream.linear.gather [hbm4b:s14+s2], $0x3400, $0x38;
	[tilespmem:$0xA2E0] =	vst v63  }
0x18: {  	_ =	swait.ge [sflag:s8], $0x3400  }
0x19: {  	[sflag:s8] =	ssyncset.done $0x0  }
0x1a: {  	s14 =	simm.s32 $0x0;
	[sflag:s8] =	ssyncadd.s32 $0xFFFFCC00  }
.LBB2_2:
0x1b: {  	s15 =	smul.u32 $0x1A00, s14;
	_ =	sdelay $0x1  }
0x1c: {  	s16 =	simm.s32 $0x3400;
	s15 =	sshra.s32 s15, $0x2  }
0x1d: {  	[tilespmem:s16], [sflag:$0x1] =	stream.indirect.gather [hbm4b:s4+s9], $0x10, s15, s9, $0xb8;
	[tilespmem:$0xA2E0] =	vst v63  }
0x1e: {  	s18 =	simm.s32 $0x9C00  }
0x1f: {  	[tilespmem:s18], [sflag:$0x2] =	stream.indirect.gather [hbm4b:s3+s9], $0x1, s15, s9, $0xb8;
	[tilespmem:$0xA2E0] =	vst v63  }
0x20: {  	s17 =	simm.s32 $0x3C00;
	s19 =	sadd.s32 $0x80, s15  }
0x21: {  	[tilespmem:s17], [sflag:$0x1] =	stream.indirect.gather [hbm4b:s4+s9], $0x10, s19, s9, $0xb8;
	[tilespmem:$0xA2E0] =	vst v63  }
0x22: {  	s18 =	simm.s32 $0x9C80  }
0x23: {  	[tilespmem:s18], [sflag:$0x2] =	stream.indirect.gather [hbm4b:s3+s9], $0x1, s19, s9, $0xb8;
	[tilespmem:$0xA2E0] =	vst v63  }
0x24: {  	s16 =	sadd.s32 $0x100, s15;
	s19 =	simm.s32 $0x4400  }
0x25: {  	[tilespmem:s19], [sflag:$0x1] =	stream.indirect.gather [hbm4b:s4+s9], $0x10, s16, s9, $0xb8;
	[tilespmem:$0xA2E0] =	vst v63  }
0x26: {  	s18 =	simm.s32 $0x9D00  }
0x27: {  	[tilespmem:s18], [sflag:$0x2] =	stream.indirect.gather [hbm4b:s3+s9], $0x1, s16, s9, $0xb8;
	[tilespmem:$0xA2E0] =	vst v63  }
0x28: {  	s19 =	simm.s32 $0x4C00;
	s16 =	sadd.s32 $0x180, s15  }
0x29: {  	[tilespmem:s19], [sflag:$0x1] =	stream.indirect.gather [hbm4b:s4+s9], $0x10, s16, s9, $0xb8;
	[tilespmem:$0xA2E0] =	vst v63  }
0x2a: {  	s18 =	simm.s32 $0x9D80  }
0x2b: {  	[tilespmem:s18], [sflag:$0x2] =	stream.indirect.gather [hbm4b:s3+s9], $0x1, s16, s9, $0xb8;
	[tilespmem:$0xA2E0] =	vst v63  }
0x2c: {  	s19 =	simm.s32 $0x5400;
	s16 =	sadd.s32 $0x200, s15  }
0x2d: {  	[tilespmem:s19], [sflag:$0x1] =	stream.indirect.gather [hbm4b:s4+s9], $0x10, s16, s9, $0xb8;
	[tilespmem:$0xA2E0] =	vst v63  }
0x2e: {  	s18 =	simm.s32 $0x9E00  }
0x2f: {  	[tilespmem:s18], [sflag:$0x2] =	stream.indirect.gather [hbm4b:s3+s9], $0x1, s16, s9, $0xb8;
	[tilespmem:$0xA2E0] =	vst v63  }
0x30: {  	s19 =	sadd.s32 $0x280, s15  }
0x31: {  	[tilespmem:s20], [sflag:$0x1] =	stream.indirect.gather [hbm4b:s4+s9], $0x10, s19, s9, $0xb8;
	[tilespmem:$0xA2E0] =	vst v63  }
0x32: {  	_ = 	snop  }
0x33: {  	[tilespmem:s21], [sflag:$0x2] =	stream.indirect.gather [hbm4b:s3+s9], $0x1, s19, s9, $0xb8;
	[tilespmem:$0xA2E0] =	vst v63  }
0x34: {  	s17 =	sadd.s32 $0x300, s15  }
0x35: {  	[tilespmem:s22], [sflag:$0x1] =	stream.indirect.gather [hbm4b:s4+s9], $0x10, s17, s9, $0xb8;
	[tilespmem:$0xA2E0] =	vst v63  }
0x36: {  	_ = 	snop  }
0x37: {  	[tilespmem:s23], [sflag:$0x2] =	stream.indirect.gather [hbm4b:s3+s9], $0x1, s17, s9, $0xb8;
	[tilespmem:$0xA2E0] =	vst v63  }
0x38: {  	s18 =	sadd.s32 $0x380, s15  }
0x39: {  	[tilespmem:s24], [sflag:$0x1] =	stream.indirect.gather [hbm4b:s4+s9], $0x10, s18, s9, $0xb8;
	[tilespmem:$0xA2E0] =	vst v63  }
0x3a: {  	_ = 	snop  }
0x3b: {  	[tilespmem:s25], [sflag:$0x2] =	stream.indirect.gather [hbm4b:s3+s9], $0x1, s18, s9, $0xb8;
	[tilespmem:$0xA2E0] =	vst v63  }
0x3c: {  	s19 =	sadd.s32 $0x400, s15  }
0x3d: {  	[tilespmem:s26], [sflag:$0x1] =	stream.indirect.gather [hbm4b:s4+s9], $0x10, s19, s9, $0xb8;
	[tilespmem:$0xA2E0] =	vst v63  }
0x3e: {  	_ = 	snop  }
0x3f: {  	[tilespmem:s28], [sflag:$0x2] =	stream.indirect.gather [hbm4b:s3+s9], $0x1, s19, s9, $0xb8;
	[tilespmem:$0xA2E0] =	vst v63  }
0x40: {  	s17 =	sadd.s32 $0x480, s15  }
0x41: {  	[tilespmem:s29], [sflag:$0x1] =	stream.indirect.gather [hbm4b:s4+s9], $0x10, s17, s9, $0xb8;
	[tilespmem:$0xA2E0] =	vst v63  }
0x42: {  	_ = 	snop  }
0x43: {  	[tilespmem:s30], [sflag:$0x2] =	stream.indirect.gather [hbm4b:s3+s9], $0x1, s17, s9, $0xb8;
	[tilespmem:$0xA2E0] =	vst v63  }
0x44: {  	s18 =	sadd.s32 $0x500, s15  }
0x45: {  	[tilespmem:s31], [sflag:$0x1] =	stream.indirect.gather [hbm4b:s4+s9], $0x10, s18, s9, $0xb8;
	[tilespmem:$0xA2E0] =	vst v63  }
0x46: {  	_ = 	snop  }
0x47: {  	[tilespmem:s1], [sflag:$0x2] =	stream.indirect.gather [hbm4b:s3+s9], $0x1, s18, s9, $0xb8;
	[tilespmem:$0xA2E0] =	vst v63  }
0x48: {  	s19 =	sadd.s32 $0x580, s15  }
0x49: {  	[tilespmem:s0], [sflag:$0x1] =	stream.indirect.gather [hbm4b:s4+s9], $0x10, s19, s9, $0xb8;
	[tilespmem:$0xA2E0] =	vst v63  }
0x4a: {  	_ = 	snop  }
0x4b: {  	[tilespmem:s5], [sflag:$0x2] =	stream.indirect.gather [hbm4b:s3+s9], $0x1, s19, s9, $0xb8;
	[tilespmem:$0xA2E0] =	vst v63  }
0x4c: {  	s15 =	sadd.s32 $0x600, s15  }
0x4d: {  	[tilespmem:s7], [sflag:$0x1] =	stream.indirect.gather [hbm4b:s4+s9], $0x10, s15, s9, $0xb8;
	[tilespmem:$0xA2E0] =	vst v63  }
0x4e: {  	_ = 	snop  }
0x4f: {  	[tilespmem:s10], [sflag:$0x2] =	stream.indirect.gather [hbm4b:s3+s9], $0x1, s15, s9, $0xb8;
	[tilespmem:$0xA2E0] =	vst v63  }
0x50: {  	_ =	swait.ge [sflag:s11], $0x800  }
0x51: {  	[sflag:s11] =	ssyncset.done $0x0  }
0x52: {  	[sflag:s11] =	ssyncadd.s32 $0xFFFFF800  }
0x53: {  	_ =	swait.ge [sflag:s12], $0x80  }
0x54: {  	[sflag:s12] =	ssyncset.done $0x0  }
0x55: {  	[sflag:s12] =	ssyncadd.s32 $0xFFFFFF80  }
0x56: {  	_ =	swait.ge [sflag:s11], $0x800  }
0x57: {  	[sflag:s11] =	ssyncset.done $0x0  }
0x58: {  	[sflag:s11] =	ssyncadd.s32 $0xFFFFF800  }
0x59: {  	_ =	swait.ge [sflag:s12], $0x80  }
0x5a: {  	[sflag:s12] =	ssyncset.done $0x0  }
0x5b: {  	[sflag:s12] =	ssyncadd.s32 $0xFFFFFF80  }
0x5c: {  	_ =	swait.ge [sflag:s11], $0x800  }
0x5d: {  	[sflag:s11] =	ssyncset.done $0x0  }
0x5e: {  	[sflag:s11] =	ssyncadd.s32 $0xFFFFF800  }
0x5f: {  	_ =	swait.ge [sflag:s12], $0x80  }
0x60: {  	[sflag:s12] =	ssyncset.done $0x0  }
0x61: {  	[sflag:s12] =	ssyncadd.s32 $0xFFFFFF80  }
0x62: {  	_ =	swait.ge [sflag:s11], $0x800  }
0x63: {  	[sflag:s11] =	ssyncset.done $0x0  }
0x64: {  	[sflag:s11] =	ssyncadd.s32 $0xFFFFF800  }
0x65: {  	_ =	swait.ge [sflag:s12], $0x80  }
0x66: {  	[sflag:s12] =	ssyncset.done $0x0  }
0x67: {  	[sflag:s12] =	ssyncadd.s32 $0xFFFFFF80  }
0x68: {  	_ =	swait.ge [sflag:s11], $0x800  }
0x69: {  	[sflag:s11] =	ssyncset.done $0x0  }
0x6a: {  	[sflag:s11] =	ssyncadd.s32 $0xFFFFF800  }
0x6b: {  	_ =	swait.ge [sflag:s12], $0x80  }
0x6c: {  	[sflag:s12] =	ssyncset.done $0x0  }
0x6d: {  	[sflag:s12] =	ssyncadd.s32 $0xFFFFFF80  }
0x6e: {  	_ =	swait.ge [sflag:s11], $0x800  }
0x6f: {  	[sflag:s11] =	ssyncset.done $0x0  }
0x70: {  	[sflag:s11] =	ssyncadd.s32 $0xFFFFF800  }
0x71: {  	_ =	swait.ge [sflag:s12], $0x80  }
0x72: {  	[sflag:s12] =	ssyncset.done $0x0  }
0x73: {  	[sflag:s12] =	ssyncadd.s32 $0xFFFFFF80  }
0x74: {  	_ =	swait.ge [sflag:s11], $0x800  }
0x75: {  	[sflag:s11] =	ssyncset.done $0x0  }
0x76: {  	[sflag:s11] =	ssyncadd.s32 $0xFFFFF800  }
0x77: {  	_ =	swait.ge [sflag:s12], $0x80  }
0x78: {  	[sflag:s12] =	ssyncset.done $0x0  }
0x79: {  	[sflag:s12] =	ssyncadd.s32 $0xFFFFFF80  }
0x7a: {  	_ =	swait.ge [sflag:s11], $0x800  }
0x7b: {  	[sflag:s11] =	ssyncset.done $0x0  }
0x7c: {  	[sflag:s11] =	ssyncadd.s32 $0xFFFFF800  }
0x7d: {  	_ =	swait.ge [sflag:s12], $0x80  }
0x7e: {  	[sflag:s12] =	ssyncset.done $0x0  }
0x7f: {  	[sflag:s12] =	ssyncadd.s32 $0xFFFFFF80  }
0x80: {  	_ =	swait.ge [sflag:s11], $0x800  }
0x81: {  	[sflag:s11] =	ssyncset.done $0x0  }
0x82: {  	[sflag:s11] =	ssyncadd.s32 $0xFFFFF800  }
0x83: {  	_ =	swait.ge [sflag:s12], $0x80  }
0x84: {  	[sflag:s12] =	ssyncset.done $0x0  }
0x85: {  	[sflag:s12] =	ssyncadd.s32 $0xFFFFFF80  }
0x86: {  	_ =	swait.ge [sflag:s11], $0x800  }
0x87: {  	[sflag:s11] =	ssyncset.done $0x0  }
0x88: {  	[sflag:s11] =	ssyncadd.s32 $0xFFFFF800  }
0x89: {  	_ =	swait.ge [sflag:s12], $0x80  }
0x8a: {  	[sflag:s12] =	ssyncset.done $0x0  }
0x8b: {  	[sflag:s12] =	ssyncadd.s32 $0xFFFFFF80  }
0x8c: {  	_ =	swait.ge [sflag:s11], $0x800  }
0x8d: {  	[sflag:s11] =	ssyncset.done $0x0  }
0x8e: {  	[sflag:s11] =	ssyncadd.s32 $0xFFFFF800  }
0x8f: {  	_ =	swait.ge [sflag:s12], $0x80  }
0x90: {  	[sflag:s12] =	ssyncset.done $0x0  }
0x91: {  	[sflag:s12] =	ssyncadd.s32 $0xFFFFFF80  }
0x92: {  	_ =	swait.ge [sflag:s11], $0x800  }
0x93: {  	[sflag:s11] =	ssyncset.done $0x0  }
0x94: {  	[sflag:s11] =	ssyncadd.s32 $0xFFFFF800  }
0x95: {  	_ =	swait.ge [sflag:s12], $0x80  }
0x96: {  	[sflag:s12] =	ssyncset.done $0x0  }
0x97: {  	[sflag:s12] =	ssyncadd.s32 $0xFFFFFF80  }
0x98: {  	_ =	swait.ge [sflag:s11], $0x800  }
0x99: {  	[sflag:s11] =	ssyncset.done $0x0  }
0x9a: {  	[sflag:s11] =	ssyncadd.s32 $0xFFFFF800  }
0x9b: {  	_ =	swait.ge [sflag:s12], $0x80  }
0x9c: {  	[sflag:s12] =	ssyncset.done $0x0  }
0x9d: {  	s15 =	simm.s32 $0x0;
	[sflag:s12] =	ssyncadd.s32 $0xFFFFFF80  }
.LBB2_3:
0x9e: {  	s16 =	smul.u32 $0x6800, s15;
	_ =	sdelay $0x1  }
0x9f: {  	s17 =	sshra.s32 s16, $0x2  }
0xa0: {  	v4 =	vld [tilespmem:s17+$0x3400]  }
0xa1: {  	v5 =	vld [tilespmem:s17+$0x3410]  }
0xa2: {  	v6 =	vld [tilespmem:s17+$0x3420]  }
0xa3: {  	v8 =	vld [tilespmem:s17+$0x3430]  }
0xa4: {  	v9 =	vld [tilespmem:s17+$0x3440]  }
0xa5: {  	v29 =	vld [tilespmem:s17+$0x3450]  }
0xa6: {  	v31 =	vld [tilespmem:s17+$0x3460]  }
0xa7: {  	v33 =	vld [tilespmem:s17+$0x3470]  }
0xa8: {  	v35 =	vld [tilespmem:s17+$0x3480]  }
0xa9: {  	v37 =	vld [tilespmem:s17+$0x3490]  }
0xaa: {  	v39 =	vld [tilespmem:s17+$0x34A0]  }
0xab: {  	v10 =	vld [tilespmem:s17+$0x34B0];
	v7 =	vadd.f32 $0.0e+00, v4  }
0xac: {  	v41 =	vld [tilespmem:s17+$0x34C0]  }
0xad: {  	v11 =	vld [tilespmem:s17+$0x34D0];
	v4 =	vmul.f32 v4, v4;
	v7 =	vadd.f32 v5, v7;
	v5 =	vmul.f32 v5, v5  }
0xae: {  	v12 =	vld [tilespmem:s17+$0x34E0]  }
0xaf: {  	v45 =	vld [tilespmem:s17+$0x35B0];
	v4 =	vadd.f32 v5, v4;
	v5 =	vadd.f32 v6, v7;
	v6 =	vmul.f32 v6, v6  }
0xb0: {  	v13 =	vld [tilespmem:s17+$0x34F0]  }
0xb1: {  	v47 =	vld [tilespmem:s17+$0x35C0];
	v30 =	vmul.f32 v8, v8;
	v4 =	vadd.f32 v6, v4;
	v5 =	vadd.f32 v8, v5  }
0xb2: {  	s16 =	smul.u32 $0x1A0, s15;
	v49 =	vld [tilespmem:s17+$0x35D0];
	v32 =	vmul.f32 v9, v9  }
0xb3: {  	v16 =	vld [tilespmem:s17+$0x3510];
	v34 =	vmul.f32 v29, v29;
	v4 =	vadd.f32 v30, v4;
	v5 =	vadd.f32 v9, v5  }
0xb4: {  	v51 =	vld [tilespmem:s17+$0x35E0];
	s18 =	sshll.u32 s16, $0x4;
	v36 =	vmul.f32 v31, v31;
	v38 =	vmul.f32 v33, v33  }
0xb5: {  	v54 =	vld [tilespmem:s17+$0x35F0];
	s19 =	sor.u32 $0x1A0, s18;
	v40 =	vmul.f32 v35, v35;
	v4 =	vadd.f32 v32, v4;
	v5 =	vadd.f32 v29, v5  }
0xb6: {  	v57 =	vld [tilespmem:s17+$0x3600];
	s19 =	sand.u32 $0x3FFFFFA0, s19;
	v42 =	vmul.f32 v37, v37;
	v44 =	vmul.f32 v39, v39  }
0xb7: {  	v43 =	vld [tilespmem:s19+$0x3400];
	v46 =	vmul.f32 v10, v10;
	v4 =	vadd.f32 v34, v4;
	v5 =	vadd.f32 v31, v5  }
0xb8: {  	v17 =	vld [tilespmem:s17+$0x3520];
	v48 =	vmul.f32 v41, v41;
	v50 =	vmul.f32 v11, v11  }
0xb9: {  	v55 =	vld [tilespmem:s17+$0x3530];
	v53 =	vmul.f32 v12, v12;
	v4 =	vadd.f32 v36, v4;
	v5 =	vadd.f32 v33, v5  }
0xba: {  	v62 =	vld [tilespmem:s17+$0x3610];
	s19 =	sor.u32 $0x100, s18;
	v56 =	vmul.f32 v13, v13;
	v60 =	vmul.f32 v51, v51  }
0xbb: {  	v58 =	vld [tilespmem:s17+$0x3540];
	s19 =	sand.u32 $0x3FFFFF00, s19;
	v20 =	vmul.f32 v54, v54;
	v4 =	vadd.f32 v38, v4;
	v5 =	vadd.f32 v35, v5  }
0xbc: {  	v21 =	vmul.f32 v16, v16;
	v24 =	vmul.f32 v57, v57;
	v14 =	vld [tilespmem:s19+$0x3400];
	v15 =	vadd.f32 $0.0e+00, v43  }
0xbd: {  	v63 =	vld [tilespmem:s17+$0x3550];
	v25 =	vmul.f32 v17, v17;
	v4 =	vadd.f32 v40, v4;
	v5 =	vadd.f32 v37, v5  }
0xbe: {  	v22 =	vld [tilespmem:s17+$0x3620];
	v8 =	vmul.f32 v43, v43;
	v15 =	vadd.f32 v45, v15;
	v9 =	vmul.f32 v45, v45  }
0xbf: {  	v28 =	vmul.f32 v62, v62;
	v43 =	vld [tilespmem:s17+$0x3680];
	v4 =	vadd.f32 v42, v4;
	v5 =	vadd.f32 v39, v5  }
0xc0: {  	v23 =	vld [tilespmem:s17+$0x3560];
	v7 =	vmul.f32 v49, v49;
	v52 =	vadd.f32 v47, v15;
	v8 =	vadd.f32 v9, v8  }
0xc1: {  	v26 =	vld [tilespmem:s17+$0x3630];
	v61 =	vmul.f32 v14, v14;
	v4 =	vadd.f32 v44, v4;
	v5 =	vadd.f32 v10, v5  }
0xc2: {  	v27 =	vld [tilespmem:s17+$0x3570];
	v9 =	vadd.f32 v49, v52;
	v29 =	vmul.f32 v55, v55;
	v10 =	vmul.f32 v47, v47  }
0xc3: {  	v30 =	vld [tilespmem:s17+$0x3640];
	v32 =	vmul.f32 v22, v22;
	v4 =	vadd.f32 v46, v4;
	v5 =	vadd.f32 v41, v5  }
0xc4: {  	v52 =	vmul.f32 v43, v43;
	v59 =	vadd.f32 v51, v9;
	v31 =	vld [tilespmem:s17+$0x3580];
	v8 =	vadd.f32 v10, v8  }
0xc5: {  	v33 =	vmul.f32 v58, v58;
	v38 =	vld [tilespmem:s17+$0x3660];
	v4 =	vadd.f32 v48, v4;
	v5 =	vadd.f32 v11, v5  }
0xc6: {  	s19 =	sadd.s32 $0x2A0, s18;
	v34 =	vld [tilespmem:s17+$0x3650];
	v36 =	vmul.f32 v26, v26;
	v7 =	vadd.f32 v7, v8;
	v8 =	vadd.f32 v54, v59  }
0xc7: {  	s19 =	sand.u32 $0x3FFFFEA0, s19;
	v35 =	vld [tilespmem:s17+$0x3590];
	v37 =	vmul.f32 v63, v63;
	v4 =	vadd.f32 v50, v4;
	v5 =	vadd.f32 v12, v5  }
0xc8: {  	v39 =	vmul.f32 v23, v23;
	v47 =	vld [tilespmem:s19+$0x3400];
	s19 =	sadd.s32 $0x340, s18;
	v7 =	vadd.f32 v60, v7;
	v8 =	vadd.f32 v57, v8  }
0xc9: {  	v40 =	vld [tilespmem:s17+$0x3670];
	v42 =	vmul.f32 v27, v27;
	s19 =	sand.u32 $0x3FFFFF40, s19;
	v4 =	vadd.f32 v53, v4;
	v5 =	vadd.f32 v13, v5  }
0xca: {  	v44 =	vmul.f32 v38, v38;
	v7 =	vadd.f32 v20, v7;
	v8 =	vadd.f32 v62, v8;
	v53 =	vld [tilespmem:s19+$0x3400]  }
0xcb: {  	v41 =	vmul.f32 v34, v34;
	v4 =	vadd.f32 v56, v4;
	v5 =	vadd.f32 v14, v5  }
0xcc: {  	v46 =	vmul.f32 v31, v31;
	v7 =	vadd.f32 v24, v7;
	v8 =	vadd.f32 v22, v8;
	v56 =	vld [tilespmem:s17+$0x3750]  }
0xcd: {  	v19 =	vld [tilespmem:s17+$0x3700];
	v11 =	vmul.f32 v30, v30;
	v4 =	vadd.f32 v61, v4;
	v5 =	vadd.f32 v16, v5  }
0xce: {  	v49 =	vld [tilespmem:s17+$0x36B0];
	v48 =	vmul.f32 v40, v40;
	v7 =	vadd.f32 v28, v7;
	v8 =	vadd.f32 v26, v8  }
0xcf: {  	v51 =	vld [tilespmem:s17+$0x36C0];
	v50 =	vmul.f32 v35, v35;
	v18 =	vadd.f32 $0.0e+00, v53;
	v4 =	vadd.f32 v21, v4  }
0xd0: {  	v54 =	vld [tilespmem:s17+$0x36D0];
	v57 =	vmul.f32 v47, v47;
	v5 =	vadd.f32 v17, v5;
	v7 =	vadd.f32 v32, v7  }
0xd1: {  	v45 =	vld [tilespmem:s17+$0x3690];
	v12 =	vmul.f32 v53, v53;
	v8 =	vadd.f32 v30, v8;
	v18 =	vadd.f32 v56, v18  }
0xd2: {  	v22 =	vld [tilespmem:s17+$0x3790];
	v14 =	vmul.f32 v56, v56;
	v4 =	vadd.f32 v25, v4;
	v5 =	vadd.f32 v55, v5  }
0xd3: {  	v60 =	vmul.f32 v49, v49;
	v61 =	vld [tilespmem:s17+$0x3770];
	v9 =	vadd.f32 v36, v7;
	v8 =	vadd.f32 v34, v8  }
0xd4: {  	v62 =	vmul.f32 v51, v51;
	v28 =	vld [tilespmem:s17+$0x37B0];
	v12 =	vadd.f32 v14, v12;
	v4 =	vadd.f32 v29, v4  }
0xd5: {  	v10 =	vmul.f32 v54, v54;
	v5 =	vadd.f32 v58, v5;
	v9 =	vadd.f32 v11, v9;
	v58 =	vld [tilespmem:s17+$0x3760]  }
0xd6: {  	v20 =	vld [tilespmem:s17+$0x3710];
	v30 =	vmul.f32 v19, v19;
	v8 =	vadd.f32 v38, v8;
	v4 =	vadd.f32 v33, v4  }
0xd7: {  	v26 =	vld [tilespmem:s17+$0x3730];
	v55 =	vmul.f32 v45, v45;
	v5 =	vadd.f32 v63, v5;
	v9 =	vadd.f32 v41, v9  }
0xd8: {  	v7 =	vld [tilespmem:s16+$0x9C10];
	v24 =	vmul.f32 v61, v61;
	v8 =	vadd.f32 v40, v8;
	v4 =	vadd.f32 v37, v4  }
0xd9: {  	v34 =	vld [tilespmem:s17+$0x37D0];
	v36 =	vmul.f32 v28, v28;
	v5 =	vadd.f32 v23, v5;
	v9 =	vadd.f32 v44, v9  }
0xda: {  	v11 =	vmul.f32 v22, v22;
	v63 =	vld [tilespmem:s17+$0x3780];
	v8 =	vadd.f32 v43, v8;
	v21 =	vadd.f32 v58, v18  }
0xdb: {  	v53 =	vld [tilespmem:s17+$0x3830];
	v15 =	vmul.f32 v58, v58;
	v4 =	vadd.f32 v39, v4;
	v5 =	vadd.f32 v27, v5  }
0xdc: {  	v33 =	vmul.f32 v20, v20;
	v23 =	vld [tilespmem:s17+$0x3720];
	v9 =	vadd.f32 v48, v9;
	v8 =	vadd.f32 v45, v8  }
0xdd: {  	s19 =	sadd.s32 $0x4E0, s18;
	v7 =	vnsel vm3, $0x0, v7;
	v37 =	vld [tilespmem:s17+$0x37E0];
	v12 =	vadd.f32 v15, v12;
	v14 =	vadd.f32 v61, v21  }
0xde: {  	s19 =	sand.u32 $0x3FFFFEE0, s19;
	v25 =	vld [tilespmem:s17+$0x37A0];
	v44 =	vmul.f32 v34, v34;
	v4 =	vadd.f32 v42, v4;
	v5 =	vadd.f32 v31, v5  }
0xdf: {  	v41 =	vld [tilespmem:s19+$0x3400];
	v13 =	vmul.f32 v63, v63;
	v9 =	vadd.f32 v52, v9;
	v8 =	vadd.f32 v47, v8  }
0xe0: {  	v45 =	vld [tilespmem:s17+$0x38F0];
	v42 =	vmul.f32 v26, v26;
	v12 =	vadd.f32 v24, v12;
	v14 =	vadd.f32 v63, v14  }
0xe1: {  	v48 =	vld [tilespmem:s17+$0x3900];
	v38 =	vmul.f32 v23, v23;
	v4 =	vadd.f32 v46, v4;
	v5 =	vadd.f32 v35, v5  }
0xe2: {  	v39 =	vld [tilespmem:s17+$0x37F0];
	v47 =	vmul.f32 v37, v37;
	v9 =	vadd.f32 v55, v9;
	v8 =	vadd.f32 v49, v8  }
0xe3: {  	v6 =	vld [tilespmem:s16+$0x9C00];
	v24 =	vmul.f32 v53, v53;
	v12 =	vadd.f32 v13, v12;
	v29 =	vadd.f32 v22, v14  }
0xe4: {  	v31 =	vld [tilespmem:s17+$0x37C0];
	v4 =	vadd.f32 v50, v4;
	v5 =	vmul.f32 v5, v5;
	v9 =	vadd.f32 v57, v9  }
0xe5: {  	v61 =	vld [tilespmem:s17+$0x3940];
	v14 =	vmul.f32 v45, v45;
	v8 =	vadd.f32 v51, v8;
	v50 =	vadd.f32 $0.0e+00, v41  }
0xe6: {  	v15 =	vmul.f32 v48, v48;
	v4 =	vsub.f32 v5, v4;
	v5 =	vld [tilespmem:s17+$0x36E0];
	v9 =	vadd.f32 v60, v9  }
0xe7: {  	v52 =	vld [tilespmem:s17+$0x3910];
	v51 =	vmul.f32 v39, v39;
	v11 =	vadd.f32 v11, v12;
	v32 =	vadd.f32 v25, v29  }
0xe8: {  	v17 =	vadd.f32 v45, v50;
	v59 =	vmul.f32 $5.000000000e-01, v4;
	v4 =	vld [tilespmem:s17+$0x36F0];
	v9 =	vadd.f32 v62, v9  }
0xe9: {  	s19 =	sadd.s32 $0x440, s18;
	v43 =	vld [tilespmem:s17+$0x3800];
	v40 =	vmul.f32 v31, v31;
	v8 =	vadd.f32 v54, v8;
	v35 =	vadd.f32 v28, v32  }
0xea: {  	s19 =	sand.u32 $0x3FFFFE40, s19;
	v58 =	vld [tilespmem:s17+$0x3850];
	v17 =	vadd.f32 v48, v17;
	v9 =	vadd.f32 v10, v9;
	v10 =	vmul.f32 v25, v25  }
0xeb: {  	v21 =	vld [tilespmem:s19+$0x3400];
	v6 =	vadd.f32 v59, v6;
	v8 =	vadd.f32 v5, v8;
	v5 =	vmul.f32 v5, v5  }
0xec: {  	v46 =	vld [tilespmem:s17+$0x3810];
	v12 =	vmul.f32 v61, v61;
	v59 =	vadd.f32 v52, v17;
	v10 =	vadd.f32 v10, v11  }
0xed: {  	v55 =	vld [tilespmem:s17+$0x3920];
	v11 =	vadd.f32 v31, v35;
	v5 =	vadd.f32 v5, v9;
	v27 =	vmul.f32 v4, v4  }
0xee: {  	v57 =	vld [tilespmem:s17+$0x3930];
	v54 =	vmul.f32 v43, v43;
	v8 =	vadd.f32 v4, v8;
	v10 =	vadd.f32 v36, v10  }
0xef: {  	v49 =	vld [tilespmem:s17+$0x3820];
	v60 =	vmul.f32 v52, v52;
	v11 =	vadd.f32 v34, v11;
	v9 =	vadd.f32 v27, v5  }
0xf0: {  	v62 =	vld [tilespmem:s17+$0x3860];
	v8 =	vadd.f32 v19, v8;
	v19 =	vmul.f32 v41, v41;
	v10 =	vadd.f32 v40, v10  }
0xf1: {  	v22 =	vld [tilespmem:s17+$0x3B60];
	v56 =	vmul.f32 v46, v46;
	v11 =	vadd.f32 v37, v11;
	v9 =	vadd.f32 v30, v9  }
0xf2: {  	v16 =	vmul.f32 v55, v55;
	v25 =	vld [tilespmem:s17+$0x3950];
	v8 =	vadd.f32 v20, v8;
	v14 =	vadd.f32 v14, v19  }
0xf3: {  	v28 =	vld [tilespmem:s17+$0x3960];
	v13 =	vmul.f32 v57, v57;
	v10 =	vadd.f32 v44, v10;
	v11 =	vadd.f32 v39, v11  }
0xf4: {  	v29 =	vld [tilespmem:s17+$0x3880];
	v31 =	vmul.f32 v58, v58;
	v9 =	vadd.f32 v33, v9;
	v8 =	vadd.f32 v23, v8  }
0xf5: {  	v45 =	vld [tilespmem:s17+$0x39A0];
	v36 =	vmul.f32 v62, v62;
	v14 =	vadd.f32 v15, v14;
	v15 =	vadd.f32 v55, v59  }
0xf6: {  	v50 =	vld [tilespmem:s17+$0x38D0];
	v27 =	vmul.f32 v21, v21;
	v10 =	vadd.f32 v47, v10;
	v11 =	vadd.f32 v43, v11  }
0xf7: {  	v32 =	vld [tilespmem:s17+$0x3970];
	v35 =	vmul.f32 v25, v25;
	v9 =	vadd.f32 v38, v9;
	v8 =	vadd.f32 v26, v8  }
0xf8: {  	v4 =	vld [tilespmem:s16+$0x9C1A];
	v39 =	vmul.f32 v28, v28;
	v14 =	vadd.f32 v60, v14;
	v15 =	vadd.f32 v57, v15  }
0xf9: {  	v5 =	vld [tilespmem:s16+$0x9C2A];
	v44 =	vmul.f32 v29, v29;
	v10 =	vadd.f32 v51, v10;
	v11 =	vadd.f32 v46, v11  }
0xfa: {  	v41 =	vld [tilespmem:s17+$0x3990];
	v9 =	vadd.f32 v42, v9;
	v8 =	vmul.f32 v8, v8;
	v14 =	vadd.f32 v16, v14  }
0xfb: {  	v37 =	vld [tilespmem:s17+$0x3980];
	v55 =	vmul.f32 v45, v45;
	v30 =	vadd.f32 v61, v15;
	v10 =	vadd.f32 v54, v10  }
0xfc: {  	v33 =	vld [tilespmem:s17+$0x3890];
	v23 =	vmul.f32 v50, v50;
	v11 =	vadd.f32 v49, v11;
	v8 =	vsub.f32 v8, v9  }
0xfd: {  	v26 =	vld [tilespmem:s17+$0x3870];
	v9 =	vmul.f32 v49, v49;
	v13 =	vadd.f32 v13, v14;
	v34 =	vadd.f32 v25, v30  }
0xfe: {  	v38 =	vld [tilespmem:s17+$0x38A0];
	v30 =	vnsel vm3, $0x0, v5;
	v5 =	vadd.f32 v6, v7;
	v10 =	vadd.f32 v56, v10  }
0xff: {  	v43 =	vmul.f32 v32, v32;
	v57 =	vld [tilespmem:s17+$0x39D0];
	v63 =	vadd.f32 v53, v11;
	v12 =	vadd.f32 v12, v13  }
0x100: {  	s19 =	sadd.s32 $0x5E0, s18;
	v46 =	vld [tilespmem:s17+$0x38C0];
	v13 =	vadd.f32 v28, v34;
	v8 =	vmul.f32 $5.000000000e-01, v8;
	v9 =	vadd.f32 v9, v10  }
0x101: {  	s19 =	sand.u32 $0x3FFFFFE0, s19;
	v47 =	vmul.f32 v37, v37;
	v42 =	vld [tilespmem:s17+$0x38B0];
	v10 =	vadd.f32 v21, v63;
	v12 =	vadd.f32 v35, v12  }
0x102: {  	v51 =	vmul.f32 v41, v41;
	v61 =	vld [tilespmem:s19+$0x3400];
	v13 =	vadd.f32 v32, v13;
	v4 =	vadd.f32 v8, v4  }
0x103: {  	v48 =	vmul.f32 v33, v33;
	v54 =	vld [tilespmem:s16+$0x9C34];
	v9 =	vadd.f32 v24, v9;
	v10 =	vadd.f32 v58, v10  }
0x104: {  	v49 =	vld [tilespmem:s17+$0x39B0];
	v40 =	vmul.f32 v26, v26;
	v12 =	vadd.f32 v39, v12;
	v13 =	vadd.f32 v37, v13  }
0x105: {  	v52 =	vmul.f32 v38, v38;
	v53 =	vld [tilespmem:s17+$0x39C0];
	v4 =	vadd.f32 v4, v30;
	v9 =	vadd.f32 v27, v9  }
0x106: {  	v25 =	vmul.f32 v57, v57;
	v63 =	vld [tilespmem:s17+$0x39F0];
	v10 =	vadd.f32 v62, v10;
	v12 =	vadd.f32 v43, v12  }
0x107: {  	v60 =	vmul.f32 v46, v46;
	v8 =	vld [tilespmem:s16+$0x9C5E];
	v13 =	vadd.f32 v41, v13;
	v9 =	vadd.f32 v31, v9  }
0x108: {  	s19 =	sadd.s32 $0x680, s18;
	v56 =	vmul.f32 v42, v42;
	v58 =	vld [tilespmem:s16+$0x9C44];
	v10 =	vadd.f32 v26, v10;
	v12 =	vadd.f32 v47, v12  }
0x109: {  	s19 =	sand.u32 $0x3FFFFE80, s19;
	v28 =	vmul.f32 v61, v61;
	v24 =	vld [tilespmem:s17+$0x3A00];
	v13 =	vadd.f32 v45, v13;
	v9 =	vadd.f32 v36, v9  }
0x10a: {  	v59 =	vmul.f32 v49, v49;
	v10 =	vadd.f32 v29, v10;
	v29 =	vld [tilespmem:s19+$0x3400];
	v12 =	vadd.f32 v51, v12  }
0x10b: {  	v62 =	vmul.f32 v53, v53;
	v36 =	vld [tilespmem:s17+$0x3A90];
	v13 =	vadd.f32 v49, v13;
	v9 =	vadd.f32 v40, v9  }
0x10c: {  	v27 =	vld [tilespmem:s17+$0x3A20];
	v35 =	vmul.f32 v63, v63;
	v10 =	vadd.f32 v33, v10;
	v12 =	vadd.f32 v55, v12  }
0x10d: {  	v26 =	vld [tilespmem:s17+$0x3A10];
	v8 =	vnsel vm3, $0x0, v8;
	v13 =	vadd.f32 v53, v13;
	v9 =	vadd.f32 v44, v9  }
0x10e: {  	v41 =	vmul.f32 v24, v24;
	v47 =	vld [tilespmem:s17+$0x3AB0];
	v10 =	vadd.f32 v38, v10;
	v12 =	vadd.f32 v59, v12  }
0x10f: {  	v49 =	vld [tilespmem:s17+$0x3AC0];
	v13 =	vadd.f32 v57, v13;
	v45 =	vadd.f32 $0.0e+00, v29;
	v17 =	vmul.f32 v29, v29  }
0x110: {  	v55 =	vld [tilespmem:s17+$0x3AE0];
	v14 =	vmul.f32 v36, v36;
	v9 =	vadd.f32 v48, v9;
	v10 =	vadd.f32 v42, v10  }
0x111: {  	v43 =	vnsel vm3, $0x0, v58;
	v44 =	vld [tilespmem:s17+$0x3A50];
	v12 =	vadd.f32 v62, v12;
	v13 =	vadd.f32 v61, v13  }
0x112: {  	v11 =	vmul.f32 v27, v27;
	v42 =	vld [tilespmem:s17+$0x3AA0];
	v19 =	vadd.f32 v36, v45;
	v14 =	vadd.f32 v14, v17  }
0x113: {  	v15 =	vmul.f32 v47, v47;
	v48 =	vld [tilespmem:s17+$0x3A60];
	v9 =	vadd.f32 v52, v9;
	v10 =	vadd.f32 v46, v10  }
0x114: {  	v62 =	vld [tilespmem:s17+$0x3B10];
	v46 =	vmul.f32 v26, v26;
	v12 =	vadd.f32 v25, v12;
	v34 =	vadd.f32 v63, v13  }
0x115: {  	v36 =	vld [tilespmem:s17+$0x3B50];
	v63 =	vmul.f32 v55, v55;
	v9 =	vadd.f32 v56, v9;
	v10 =	vadd.f32 v50, v10  }
0x116: {  	s19 =	sadd.s32 $0x820, s18;
	v52 =	vld [tilespmem:s17+$0x3AD0];
	v56 =	vmul.f32 v44, v44;
	v33 =	vadd.f32 v28, v12;
	v40 =	vadd.f32 v24, v34  }
0x117: {  	s19 =	sand.u32 $0x3FFFFE20, s19;
	v50 =	vld [tilespmem:s17+$0x3A70];
	v51 =	vadd.f32 v42, v19;
	v13 =	vmul.f32 v42, v42;
	v12 =	vmul.f32 v49, v49  }
0x118: {  	v61 =	vmul.f32 v48, v48;
	v24 =	vld [tilespmem:s19+$0x3400];
	v9 =	vadd.f32 v60, v9;
	v39 =	vadd.f32 v35, v33  }
0x119: {  	v28 =	vld [tilespmem:s17+$0x3C30];
	v10 =	vmul.f32 v10, v10;
	v13 =	vadd.f32 v13, v14;
	v53 =	vadd.f32 v47, v51  }
0x11a: {  	v32 =	vld [tilespmem:s17+$0x3A30];
	v34 =	vmul.f32 v62, v62;
	v9 =	vadd.f32 v23, v9;
	v7 =	vadd.f32 v41, v39  }
0x11b: {  	v38 =	vld [tilespmem:s17+$0x3A40];
	v59 =	vmul.f32 v52, v52;
	v13 =	vadd.f32 v15, v13;
	v14 =	vadd.f32 v49, v53  }
0x11c: {  	v60 =	vld [tilespmem:s17+$0x3B00];
	v25 =	vmul.f32 v50, v50;
	v49 =	vmul.f32 v36, v36;
	v31 =	vsub.f32 v10, v9  }
0x11d: {  	v57 =	vld [tilespmem:s17+$0x3AF0];
	v10 =	vadd.f32 v26, v40;
	v33 =	vadd.f32 $0.0e+00, v24;
	v17 =	vmul.f32 v24, v24  }
0x11e: {  	v29 =	vld [tilespmem:s17+$0x3B30];
	v15 =	vmul.f32 v28, v28;
	v7 =	vadd.f32 v46, v7;
	v12 =	vadd.f32 v12, v13  }
0x11f: {  	v45 =	vld [tilespmem:s17+$0x3C80];
	v9 =	vmul.f32 v32, v32;
	v58 =	vadd.f32 v52, v14;
	v10 =	vadd.f32 v27, v10  }
0x120: {  	v53 =	vld [tilespmem:s17+$0x3CA0];
	v37 =	vmul.f32 $5.000000000e-01, v31;
	v18 =	vadd.f32 v28, v33;
	v15 =	vadd.f32 v15, v17  }
0x121: {  	v26 =	vld [tilespmem:s17+$0x3B20];
	v30 =	vmul.f32 v60, v60;
	v11 =	vadd.f32 v11, v7;
	v12 =	vadd.f32 v59, v12  }
0x122: {  	v52 =	vmul.f32 v22, v22;
	v31 =	vld [tilespmem:s17+$0x3C40];
	v13 =	vadd.f32 v55, v58;
	v6 =	vadd.f32 v37, v54  }
0x123: {  	v35 =	vld [tilespmem:s17+$0x3C50];
	v27 =	vmul.f32 v57, v57;
	v10 =	vadd.f32 v32, v10;
	v9 =	vadd.f32 v9, v11  }
0x124: {  	v40 =	vld [tilespmem:s17+$0x3C70];
	v54 =	vmul.f32 v38, v38;
	v12 =	vadd.f32 v63, v12;
	v13 =	vadd.f32 v57, v13  }
0x125: {  	v41 =	vld [tilespmem:s17+$0x3B70];
	v24 =	vmul.f32 v53, v53;
	v10 =	vadd.f32 v38, v10;
	v6 =	vadd.f32 v6, v43  }
0x126: {  	v58 =	vld [tilespmem:s17+$0x3BB0];
	v37 =	vmul.f32 v26, v26;
	v9 =	vadd.f32 v54, v9;
	v12 =	vadd.f32 v27, v12  }
0x127: {  	v11 =	vmul.f32 v29, v29;
	v57 =	vld [tilespmem:s17+$0x3CB0];
	v13 =	vadd.f32 v60, v13;
	v39 =	vadd.f32 v31, v18  }
0x128: {  	s19 =	sadd.s32 $0x780, s18;
	v38 =	vld [tilespmem:s17+$0x3C60];
	v16 =	vmul.f32 v31, v31;
	v10 =	vadd.f32 v44, v10;
	v9 =	vadd.f32 v56, v9  }
0x129: {  	v19 =	vld [tilespmem:s16+$0x9C78];
	s19 =	sand.u32 $0x3FFFFF80, s19;
	v14 =	vmul.f32 v40, v40;
	v12 =	vadd.f32 v30, v12;
	v13 =	vadd.f32 v62, v13  }
0x12a: {  	v46 =	vld [tilespmem:s19+$0x3400];
	v43 =	vmul.f32 v35, v35;
	v15 =	vadd.f32 v16, v15;
	v42 =	vadd.f32 v35, v39  }
0x12b: {  	v51 =	vld [tilespmem:s17+$0x3B90];
	v33 =	vmul.f32 v58, v58;
	v10 =	vadd.f32 v48, v10;
	v9 =	vadd.f32 v61, v9  }
0x12c: {  	v32 =	vld [tilespmem:s17+$0x3B40];
	v56 =	vmul.f32 v41, v41;
	v12 =	vadd.f32 v34, v12;
	v13 =	vadd.f32 v26, v13  }
0x12d: {  	v7 =	vld [tilespmem:s16+$0x9C4E];
	v28 =	vmul.f32 v57, v57;
	v15 =	vadd.f32 v43, v15;
	v16 =	vadd.f32 v38, v42  }
0x12e: {  	v63 =	vld [tilespmem:s17+$0x3BC0];
	v47 =	vmul.f32 v38, v38;
	v10 =	vadd.f32 v50, v10;
	v9 =	vadd.f32 v25, v9  }
0x12f: {  	v61 =	vmul.f32 v46, v46;
	v50 =	vld [tilespmem:s17+$0x3C90];
	v12 =	vadd.f32 v37, v12;
	v13 =	vadd.f32 v29, v13  }
0x130: {  	v54 =	vld [tilespmem:s17+$0x3BA0];
	v15 =	vadd.f32 v47, v15;
	v16 =	vadd.f32 v40, v16;
	v25 =	vmul.f32 v51, v51  }
0x131: {  	v27 =	vld [tilespmem:s17+$0x3BD0];
	v10 =	vmul.f32 v10, v10;
	v11 =	vadd.f32 v11, v12;
	v44 =	vadd.f32 v32, v13  }
0x132: {  	v31 =	vld [tilespmem:s17+$0x3BE0];
	v14 =	vadd.f32 v14, v15;
	v55 =	vadd.f32 v45, v16;
	v13 =	vmul.f32 v45, v45  }
0x133: {  	v30 =	vld [tilespmem:s17+$0x3CE0];
	v9 =	vsub.f32 v10, v9;
	v10 =	vmul.f32 v32, v32;
	v48 =	vadd.f32 v36, v44  }
0x134: {  	v62 =	vld [tilespmem:s17+$0x3CC0];
	v13 =	vadd.f32 v13, v14;
	v59 =	vadd.f32 v50, v55;
	v60 =	vmul.f32 v50, v50  }
0x135: {  	v35 =	vld [tilespmem:s17+$0x3BF0];
	v10 =	vadd.f32 v10, v11;
	v9 =	vmul.f32 $5.000000000e-01, v9;
	v11 =	vadd.f32 v22, v48  }
0x136: {  	v38 =	vld [tilespmem:s17+$0x3D00];
	v29 =	vmul.f32 v54, v54;
	v13 =	vadd.f32 v60, v13;
	v14 =	vadd.f32 v53, v59  }
0x137: {  	v26 =	vld [tilespmem:s17+$0x3CD0];
	v37 =	vmul.f32 v63, v63;
	v10 =	vadd.f32 v49, v10;
	v7 =	vadd.f32 v9, v7  }
0x138: {  	v34 =	vld [tilespmem:s17+$0x3CF0];
	v40 =	vmul.f32 v30, v30;
	v11 =	vadd.f32 v41, v11;
	v13 =	vadd.f32 v24, v13  }
0x139: {  	v42 =	vld [tilespmem:s17+$0x3D10];
	v45 =	vmul.f32 v31, v31;
	v14 =	vadd.f32 v57, v14;
	v10 =	vadd.f32 v52, v10  }
0x13a: {  	v43 =	vld [tilespmem:s17+$0x3C10];
	v32 =	vmul.f32 v62, v62;
	v7 =	vadd.f32 v7, v8;
	v11 =	vadd.f32 v46, v11  }
0x13b: {  	v39 =	vld [tilespmem:s17+$0x3C00];
	v47 =	vmul.f32 v38, v38;
	v13 =	vadd.f32 v28, v13;
	v14 =	vadd.f32 v62, v14  }
0x13c: {  	v36 =	vmul.f32 v26, v26;
	v59 =	vld [tilespmem:s17+$0x3D70];
	v10 =	vadd.f32 v56, v10;
	v11 =	vadd.f32 v51, v11  }
0x13d: {  	s19 =	sadd.s32 $0x920, s18;
	v44 =	vmul.f32 v34, v34;
	v49 =	vld [tilespmem:s17+$0x3D30];
	v13 =	vadd.f32 v32, v13;
	v14 =	vadd.f32 v26, v14  }
0x13e: {  	s19 =	sand.u32 $0x3FFFFF20, s19;
	v50 =	vmul.f32 v42, v42;
	v9 =	vld [tilespmem:s16+$0x9C92];
	v10 =	vadd.f32 v61, v10;
	v11 =	vadd.f32 v54, v11  }
0x13f: {  	v55 =	vmul.f32 v43, v43;
	v46 =	vld [tilespmem:s19+$0x3400];
	s19 =	sadd.s32 $0x9C0, s18;
	v13 =	vadd.f32 v36, v13;
	v14 =	vadd.f32 v30, v14  }
0x140: {  	v48 =	vmul.f32 v35, v35;
	s19 =	sand.u32 $0x3FFFFFC0, s19;
	v61 =	vld [tilespmem:s17+$0x3DD0];
	v10 =	vadd.f32 v25, v10;
	v11 =	vadd.f32 v58, v11  }
0x141: {  	v41 =	vmul.f32 v27, v27;
	v13 =	vadd.f32 v40, v13;
	v14 =	vadd.f32 v34, v14;
	v58 =	vld [tilespmem:s19+$0x3400]  }
0x142: {  	v52 =	vld [tilespmem:s17+$0x3D40];
	v12 =	vmul.f32 v59, v59;
	v10 =	vadd.f32 v29, v10;
	v11 =	vadd.f32 v63, v11  }
0x143: {  	v56 =	vld [tilespmem:s17+$0x3D60];
	v51 =	vmul.f32 v39, v39;
	v13 =	vadd.f32 v44, v13;
	v14 =	vadd.f32 v38, v14  }
0x144: {  	v57 =	vmul.f32 v49, v49;
	v32 =	vld [tilespmem:s17+$0x3E00];
	v10 =	vadd.f32 v33, v10;
	v11 =	vadd.f32 v27, v11  }
0x145: {  	v9 =	vnsel vm3, $0x0, v9;
	v25 =	vld [tilespmem:s17+$0x3DE0];
	v13 =	vadd.f32 v47, v13;
	v14 =	vadd.f32 v42, v14  }
0x146: {  	v54 =	vld [tilespmem:s17+$0x3D50];
	v16 =	vmul.f32 v61, v61;
	v10 =	vadd.f32 v37, v10;
	v28 =	vadd.f32 $0.0e+00, v58  }
0x147: {  	v30 =	vld [tilespmem:s17+$0x3DF0];
	v17 =	vmul.f32 v58, v58;
	v11 =	vadd.f32 v31, v11;
	v13 =	vadd.f32 v50, v13  }
0x148: {  	v53 =	vmul.f32 v46, v46;
	v40 =	vld [tilespmem:s17+$0x3E20];
	v14 =	vadd.f32 v46, v14;
	v10 =	vadd.f32 v41, v10  }
0x149: {  	v60 =	vmul.f32 v52, v52;
	v27 =	vld [tilespmem:s17+$0x3D90];
	v8 =	vadd.f32 v61, v28;
	v16 =	vadd.f32 v16, v17  }
0x14a: {  	v15 =	vmul.f32 v25, v25;
	v42 =	vld [tilespmem:s17+$0x3E30];
	v11 =	vadd.f32 v35, v11;
	v13 =	vadd.f32 v53, v13  }
0x14b: {  	v29 =	vmul.f32 v56, v56;
	v31 =	vld [tilespmem:s17+$0x3DA0];
	v14 =	vadd.f32 v49, v14;
	v10 =	vadd.f32 v45, v10  }
0x14c: {  	v63 =	vld [tilespmem:s17+$0x3D80];
	v24 =	vmul.f32 v54, v54;
	v33 =	vadd.f32 v25, v8;
	v15 =	vadd.f32 v15, v16  }
0x14d: {  	v37 =	vmul.f32 v30, v30;
	v58 =	vld [tilespmem:s17+$0x3E70];
	v11 =	vadd.f32 v39, v11;
	v13 =	vadd.f32 v57, v13  }
0x14e: {  	s19 =	sadd.s32 $0xB60, s18;
	v49 =	vld [tilespmem:s17+$0x3F70];
	v14 =	vadd.f32 v52, v14;
	v39 =	vmul.f32 v27, v27;
	v10 =	vadd.f32 v48, v10  }
0x14f: {  	s19 =	sand.u32 $0x3FFFFF60, s19;
	v35 =	vld [tilespmem:s17+$0x3E10];
	v52 =	vmul.f32 v42, v42;
	v36 =	vadd.f32 v30, v33;
	v15 =	vadd.f32 v37, v15  }
0x150: {  	v44 =	vld [tilespmem:s19+$0x3400];
	v41 =	vmul.f32 v31, v31;
	v48 =	vmul.f32 v40, v40;
	v11 =	vadd.f32 v43, v11  }
0x151: {  	v53 =	vld [tilespmem:s17+$0x3F80];
	v21 =	vadd.f32 v60, v13;
	v23 =	vadd.f32 v54, v14;
	v14 =	vmul.f32 v32, v32  }
0x152: {  	v46 =	vld [tilespmem:s17+$0x3E40];
	v30 =	vmul.f32 v58, v58;
	v10 =	vadd.f32 v51, v10;
	v16 =	vadd.f32 v32, v36  }
0x153: {  	v22 =	vld [tilespmem:s16+$0x9C68];
	v20 =	vmul.f32 v49, v49;
	v13 =	vadd.f32 v56, v23;
	v14 =	vadd.f32 v14, v15  }
0x154: {  	v57 =	vld [tilespmem:s17+$0x3F90];
	v11 =	vmul.f32 v11, v11;
	v10 =	vadd.f32 v55, v10;
	v43 =	vadd.f32 v35, v16  }
0x155: {  	v8 =	vld [tilespmem:s16+$0x9C82];
	v55 =	vadd.f32 $0.0e+00, v44;
	v16 =	vmul.f32 v44, v44;
	v13 =	vadd.f32 v59, v13  }
0x156: {  	v25 =	vld [tilespmem:s17+$0x41A0];
	v17 =	vmul.f32 v53, v53;
	v62 =	vsub.f32 v11, v10;
	v11 =	vadd.f32 v24, v21  }
0x157: {  	v60 =	vld [tilespmem:s17+$0x3FA0];
	v56 =	vmul.f32 v46, v46;
	v16 =	vadd.f32 v20, v16;
	v34 =	vadd.f32 v63, v13  }
0x158: {  	v54 =	vld [tilespmem:s17+$0x3E60];
	v47 =	vadd.f32 v40, v43;
	v13 =	vmul.f32 v35, v35;
	v11 =	vadd.f32 v29, v11  }
0x159: {  	v51 =	vld [tilespmem:s17+$0x3E50];
	v16 =	vadd.f32 v17, v16;
	v29 =	vmul.f32 v57, v57;
	v38 =	vadd.f32 v27, v34  }
0x15a: {  	v26 =	vmul.f32 $5.000000000e-01, v62;
	v62 =	vld [tilespmem:s17+$0x3FB0];
	v13 =	vadd.f32 v13, v14;
	v14 =	vadd.f32 v42, v47  }
0x15b: {  	v23 =	vld [tilespmem:s17+$0x3DB0];
	v10 =	vmul.f32 v63, v63;
	v11 =	vadd.f32 v12, v11;
	v16 =	vadd.f32 v29, v16  }
0x15c: {  	v24 =	vld [tilespmem:s17+$0x3E80];
	v33 =	vmul.f32 v60, v60;
	v13 =	vadd.f32 v48, v13;
	v14 =	vadd.f32 v46, v14  }
0x15d: {  	v32 =	vld [tilespmem:s17+$0x3EA0];
	v61 =	vmul.f32 v54, v54;
	v10 =	vadd.f32 v10, v11;
	v11 =	vadd.f32 v31, v38  }
0x15e: {  	v36 =	vld [tilespmem:s17+$0x3EB0];
	v59 =	vmul.f32 v51, v51;
	v16 =	vadd.f32 v33, v16;
	v13 =	vadd.f32 v52, v13  }
0x15f: {  	v31 =	vld [tilespmem:s17+$0x3FC0];
	v14 =	vadd.f32 v51, v14;
	v18 =	vmul.f32 v62, v62;
	v10 =	vadd.f32 v39, v10  }
0x160: {  	v63 =	vld [tilespmem:s17+$0x3E90];
	v45 =	vmul.f32 v23, v23;
	v11 =	vadd.f32 v23, v11;
	v13 =	vadd.f32 v56, v13  }
0x161: {  	v35 =	vld [tilespmem:s17+$0x3FD0];
	v34 =	vmul.f32 v24, v24;
	v14 =	vadd.f32 v54, v14;
	v16 =	vadd.f32 v18, v16  }
0x162: {  	v42 =	vld [tilespmem:s17+$0x3FF0];
	v12 =	vadd.f32 v41, v10;
	v10 =	vadd.f32 v26, v22;
	v50 =	vmul.f32 v11, v11  }
0x163: {  	v43 =	vld [tilespmem:s17+$0x3ED0];
	v11 =	vnsel vm3, $0x0, v19;
	v19 =	vadd.f32 v49, v55;
	v13 =	vadd.f32 v59, v13  }
0x164: {  	v38 =	vld [tilespmem:s17+$0x3FE0];
	v14 =	vadd.f32 v58, v14;
	v40 =	vmul.f32 v31, v31;
	v12 =	vadd.f32 v45, v12  }
0x165: {  	v47 =	vld [tilespmem:s17+$0x3EE0];
	v37 =	vmul.f32 v63, v63;
	v19 =	vadd.f32 v53, v19;
	v13 =	vadd.f32 v61, v13  }
0x166: {  	v46 =	vld [tilespmem:s17+$0x4000];
	v44 =	vmul.f32 v35, v35;
	v14 =	vadd.f32 v24, v14;
	v16 =	vadd.f32 v40, v16  }
0x167: {  	s19 =	sadd.s32 $0xAC0, s18;
	v29 =	vld [tilespmem:s17+$0x3F30];
	v52 =	vmul.f32 v42, v42;
	v12 =	vsub.f32 v50, v12;
	v28 =	vadd.f32 v57, v19  }
0x168: {  	s19 =	sand.u32 $0x3FFFFEC0, s19;
	v33 =	vld [tilespmem:s17+$0x3F40];
	v41 =	vmul.f32 v32, v32;
	v13 =	vadd.f32 v30, v13;
	v14 =	vadd.f32 v63, v14  }
0x169: {  	v39 =	vld [tilespmem:s19+$0x3400];
	v48 =	vmul.f32 v38, v38;
	v16 =	vadd.f32 v44, v16;
	v17 =	vadd.f32 v60, v28  }
0x16a: {  	v51 =	vld [tilespmem:s17+$0x3EF0];
	v12 =	vmul.f32 $5.000000000e-01, v12;
	v13 =	vadd.f32 v34, v13;
	v14 =	vadd.f32 v32, v14  }
0x16b: {  	v56 =	vmul.f32 v46, v46;
	v50 =	vld [tilespmem:s17+$0x4010];
	v16 =	vadd.f32 v48, v16;
	v17 =	vadd.f32 v62, v17  }
0x16c: {  	v54 =	vld [tilespmem:s17+$0x4020];
	v45 =	vmul.f32 v36, v36;
	v12 =	vadd.f32 v12, v8;
	v8 =	vadd.f32 v10, v11  }
0x16d: {  	v55 =	vld [tilespmem:s17+$0x3F00];
	v53 =	vmul.f32 v43, v43;
	v13 =	vadd.f32 v37, v13;
	v14 =	vadd.f32 v36, v14  }
0x16e: {  	v58 =	vld [tilespmem:s17+$0x4030];
	v49 =	vmul.f32 v39, v39;
	v16 =	vadd.f32 v52, v16;
	v17 =	vadd.f32 v31, v17  }
0x16f: {  	v59 =	vld [tilespmem:s17+$0x3F10];
	v61 =	vmul.f32 v51, v51;
	v9 =	vadd.f32 v12, v9;
	v13 =	vadd.f32 v41, v13  }
0x170: {  	v40 =	vld [tilespmem:s17+$0x4080];
	v60 =	vmul.f32 v50, v50;
	v14 =	vadd.f32 v39, v14;
	v16 =	vadd.f32 v56, v16  }
0x171: {  	v57 =	vmul.f32 v47, v47;
	v62 =	vld [tilespmem:s17+$0x4040];
	v17 =	vadd.f32 v35, v17;
	v13 =	vadd.f32 v45, v13  }
0x172: {  	s19 =	sadd.s32 $0xC60, s18;
	v26 =	vmul.f32 v54, v54;
	v44 =	vld [tilespmem:s17+$0x4090];
	v14 =	vadd.f32 v43, v14;
	v16 =	vadd.f32 v60, v16  }
0x173: {  	s19 =	sand.u32 $0x3FFFFE60, s19;
	v27 =	vmul.f32 v55, v55;
	v28 =	vld [tilespmem:s17+$0x4050];
	v17 =	vadd.f32 v38, v17;
	v13 =	vadd.f32 v49, v13  }
0x174: {  	v30 =	vmul.f32 v58, v58;
	v32 =	vld [tilespmem:s19+$0x3400];
	s19 =	sadd.s32 $0xD00, s18;
	v14 =	vadd.f32 v47, v14;
	v16 =	vadd.f32 v26, v16  }
0x175: {  	s19 =	sand.u32 $0x3FFFFF00, s19;
	v31 =	vmul.f32 v59, v59;
	v56 =	vld [tilespmem:s17+$0x4110];
	v17 =	vadd.f32 v42, v17;
	v13 =	vadd.f32 v53, v13  }
0x176: {  	v34 =	vmul.f32 v62, v62;
	v14 =	vadd.f32 v51, v14;
	v16 =	vadd.f32 v30, v16;
	v53 =	vld [tilespmem:s19+$0x3400]  }
0x177: {  	v63 =	vld [tilespmem:s17+$0x3F20];
	v52 =	vmul.f32 v44, v44;
	v17 =	vadd.f32 v46, v17;
	v13 =	vadd.f32 v57, v13  }
0x178: {  	v36 =	vld [tilespmem:s17+$0x4070];
	v38 =	vmul.f32 v28, v28;
	v14 =	vadd.f32 v55, v14;
	v16 =	vadd.f32 v34, v16  }
0x179: {  	v48 =	vld [tilespmem:s17+$0x40A0];
	v42 =	vmul.f32 v32, v32;
	v17 =	vadd.f32 v50, v17;
	v13 =	vadd.f32 v61, v13  }
0x17a: {  	v11 =	vld [tilespmem:s16+$0x9CB6];
	v19 =	vmul.f32 v56, v56;
	v14 =	vadd.f32 v59, v14;
	v16 =	vadd.f32 v38, v16  }
0x17b: {  	v37 =	vld [tilespmem:s17+$0x3F50];
	v17 =	vadd.f32 v54, v17;
	v21 =	vmul.f32 v53, v53;
	v13 =	vadd.f32 v27, v13  }
0x17c: {  	v39 =	vmul.f32 v29, v29;
	v41 =	vld [tilespmem:s16+$0x9C9C];
	v14 =	vadd.f32 v63, v14;
	v16 =	vadd.f32 v42, v16  }
0x17d: {  	v45 =	vld [tilespmem:s16+$0x9CAC];
	v46 =	vmul.f32 v36, v36;
	v17 =	vadd.f32 v58, v17;
	v19 =	vadd.f32 v19, v21  }
0x17e: {  	v35 =	vmul.f32 v63, v63;
	v51 =	vld [tilespmem:s17+$0x40C0];
	v13 =	vadd.f32 v31, v13;
	v14 =	vadd.f32 v29, v14  }
0x17f: {  	v49 =	vmul.f32 v40, v40;
	v30 =	vld [tilespmem:s17+$0x4130];
	v16 =	vadd.f32 v46, v16;
	v29 =	vadd.f32 $0.0e+00, v53  }
0x180: {  	v43 =	vmul.f32 v33, v33;
	s19 =	sadd.s32 $0xEA0, s18;
	v50 =	vld [tilespmem:s17+$0x40B0];
	v17 =	vadd.f32 v62, v17;
	v13 =	vadd.f32 v35, v13  }
0x181: {  	v47 =	vmul.f32 v37, v37;
	s19 =	sand.u32 $0x3FFFFEA0, s19;
	v53 =	vld [tilespmem:s17+$0x42E0];
	v14 =	vadd.f32 v33, v14;
	v16 =	vadd.f32 v49, v16  }
0x182: {  	v55 =	vmul.f32 v48, v48;
	v38 =	vld [tilespmem:s19+$0x3400];
	v22 =	vadd.f32 v56, v29;
	v17 =	vadd.f32 v28, v17  }
0x183: {  	v15 =	vmul.f32 v51, v51;
	v62 =	vld [tilespmem:s17+$0x4120];
	v13 =	vadd.f32 v39, v13;
	v16 =	vadd.f32 v52, v16  }
0x184: {  	v54 =	vld [tilespmem:s17+$0x40D0];
	v63 =	vnsel vm3, $0x0, v45;
	v14 =	vadd.f32 v37, v14;
	v17 =	vadd.f32 v32, v17  }
0x185: {  	v61 =	vmul.f32 v50, v50;
	v56 =	vld [tilespmem:s17+$0x41B0];
	v13 =	vadd.f32 v43, v13;
	v59 =	vadd.f32 v55, v16  }
0x186: {  	v37 =	vmul.f32 v30, v30;
	v18 =	vmul.f32 v53, v53;
	v43 =	vld [tilespmem:s17+$0x42B0];
	v17 =	vadd.f32 v36, v17  }
0x187: {  	v58 =	vld [tilespmem:s17+$0x40E0];
	v14 =	vmul.f32 v14, v14;
	v13 =	vadd.f32 v47, v13;
	v16 =	vadd.f32 v61, v59  }
0x188: {  	v28 =	vld [tilespmem:s17+$0x40F0];
	v33 =	vadd.f32 v62, v22;
	v22 =	vmul.f32 v38, v38;
	v17 =	vadd.f32 v40, v17  }
0x189: {  	v26 =	vld [tilespmem:s17+$0x44C0];
	v13 =	vsub.f32 v14, v13;
	v15 =	vadd.f32 v15, v16;
	v14 =	vmul.f32 v54, v54  }
0x18a: {  	v32 =	vld [tilespmem:s17+$0x4140];
	v36 =	vadd.f32 v30, v33;
	v30 =	vmul.f32 v56, v56;
	v17 =	vadd.f32 v44, v17  }
0x18b: {  	v35 =	vld [tilespmem:s17+$0x4150];
	v23 =	vmul.f32 v43, v43;
	v57 =	vmul.f32 $5.000000000e-01, v13;
	v14 =	vadd.f32 v14, v15  }
0x18c: {  	v46 =	vld [tilespmem:s17+$0x42C0];
	v13 =	vmul.f32 v58, v58;
	v17 =	vadd.f32 v48, v17;
	v48 =	vadd.f32 $0.0e+00, v38  }
0x18d: {  	v40 =	vmul.f32 v28, v28;
	v44 =	vld [tilespmem:s17+$0x4170];
	v22 =	vadd.f32 v23, v22;
	v10 =	vadd.f32 v57, v41  }
0x18e: {  	v52 =	vld [tilespmem:s17+$0x4190];
	v13 =	vadd.f32 v13, v14;
	v60 =	vadd.f32 v50, v17;
	v17 =	vmul.f32 v62, v62  }
0x18f: {  	v42 =	vmul.f32 v32, v32;
	v41 =	vld [tilespmem:s17+$0x4160];
	v21 =	vadd.f32 v43, v48;
	v10 =	vadd.f32 v10, v63  }
0x190: {  	v16 =	vmul.f32 v35, v35;
	v63 =	vld [tilespmem:s17+$0x4310];
	v12 =	vadd.f32 v51, v60;
	v17 =	vadd.f32 v17, v19  }
0x191: {  	v62 =	vmul.f32 v25, v25;
	v13 =	vadd.f32 v40, v13;
	v19 =	vadd.f32 v32, v36;
	v51 =	vld [tilespmem:s17+$0x42D0]  }
0x192: {  	v15 =	vmul.f32 v44, v44;
	v60 =	vld [tilespmem:s17+$0x41C0];
	v31 =	vadd.f32 v54, v12;
	v17 =	vadd.f32 v37, v17  }
0x193: {  	v21 =	vadd.f32 v46, v21;
	v32 =	vld [tilespmem:s17+$0x41E0];
	v45 =	vadd.f32 v35, v19;
	v19 =	vmul.f32 v46, v46  }
0x194: {  	v47 =	vld [tilespmem:s17+$0x4180];
	v50 =	vmul.f32 v41, v41;
	v34 =	vadd.f32 v58, v31;
	v17 =	vadd.f32 v42, v17  }
0x195: {  	v36 =	vld [tilespmem:s17+$0x4330];
	v49 =	vadd.f32 v41, v45;
	v19 =	vadd.f32 v19, v22;
	v58 =	vmul.f32 v52, v52  }
0x196: {  	v55 =	vld [tilespmem:s17+$0x42F0];
	v38 =	vmul.f32 v63, v63;
	v21 =	vadd.f32 v51, v21;
	v20 =	vmul.f32 v51, v51  }
0x197: {  	v27 =	vld [tilespmem:s17+$0x44D0];
	v35 =	vmul.f32 v60, v60;
	v39 =	vadd.f32 v28, v34;
	v16 =	vadd.f32 v16, v17  }
0x198: {  	v59 =	vld [tilespmem:s17+$0x4300];
	v43 =	vmul.f32 v32, v32;
	v17 =	vadd.f32 v44, v49;
	v19 =	vadd.f32 v20, v19  }
0x199: {  	v12 =	vld [tilespmem:s16+$0x9CC6];
	v61 =	vadd.f32 v53, v21;
	v14 =	vmul.f32 v39, v39;
	v16 =	vadd.f32 v50, v16  }
0x19a: {  	v48 =	vld [tilespmem:s17+$0x4360];
	v46 =	vmul.f32 v36, v36;
	v54 =	vadd.f32 v47, v17;
	v18 =	vadd.f32 v18, v19  }
0x19b: {  	s19 =	sadd.s32 $0xE00, s18;
	v40 =	vld [tilespmem:s17+$0x4340];
	v17 =	vmul.f32 v55, v55;
	v29 =	vadd.f32 v55, v61;
	v13 =	vsub.f32 v14, v13  }
0x19c: {  	s19 =	sand.u32 $0x3FFFFE00, s19;
	v31 =	vld [tilespmem:s17+$0x4320];
	v15 =	vadd.f32 v15, v16;
	v14 =	vmul.f32 v47, v47;
	v57 =	vadd.f32 v52, v54  }
0x19d: {  	v41 =	vld [tilespmem:s19+$0x3400];
	v34 =	vmul.f32 v59, v59;
	v17 =	vadd.f32 v17, v18;
	v33 =	vadd.f32 v59, v29  }
0x19e: {  	v45 =	vld [tilespmem:s17+$0x4210];
	v12 =	vnsel vm3, $0x0, v12;
	v14 =	vadd.f32 v14, v15;
	v15 =	vadd.f32 v25, v57  }
0x19f: {  	v37 =	vld [tilespmem:s17+$0x41F0];
	v13 =	vmul.f32 $5.000000000e-01, v13;
	v17 =	vadd.f32 v34, v17;
	v18 =	vadd.f32 v63, v33  }
0x1a0: {  	v28 =	vld [tilespmem:s17+$0x41D0];
	v50 =	vmul.f32 v40, v40;
	v14 =	vadd.f32 v58, v14;
	v15 =	vadd.f32 v56, v15  }
0x1a1: {  	v44 =	vld [tilespmem:s17+$0x4350];
	v42 =	vmul.f32 v31, v31;
	v11 =	vadd.f32 v13, v11;
	v17 =	vadd.f32 v38, v17  }
0x1a2: {  	v49 =	vld [tilespmem:s17+$0x4220];
	v51 =	vmul.f32 v41, v41;
	v18 =	vadd.f32 v31, v18;
	v14 =	vadd.f32 v62, v14  }
0x1a3: {  	v53 =	vld [tilespmem:s17+$0x4230];
	v55 =	vmul.f32 v45, v45;
	v15 =	vadd.f32 v60, v15;
	v11 =	vadd.f32 v11, v12  }
0x1a4: {  	v61 =	vld [tilespmem:s17+$0x4250];
	v47 =	vmul.f32 v37, v37;
	v17 =	vadd.f32 v42, v17;
	v18 =	vadd.f32 v36, v18  }
0x1a5: {  	v52 =	vld [tilespmem:s17+$0x4370];
	v39 =	vmul.f32 v28, v28;
	v14 =	vadd.f32 v30, v14;
	v15 =	vadd.f32 v28, v15  }
0x1a6: {  	v54 =	vmul.f32 v44, v44;
	v57 =	vld [tilespmem:s17+$0x4240];
	v17 =	vadd.f32 v46, v17;
	v18 =	vadd.f32 v40, v18  }
0x1a7: {  	v59 =	vmul.f32 v49, v49;
	v56 =	vld [tilespmem:s17+$0x4380];
	v14 =	vadd.f32 v35, v14;
	v15 =	vadd.f32 v32, v15  }
0x1a8: {  	v29 =	vld [tilespmem:s17+$0x4260];
	v63 =	vmul.f32 v53, v53;
	v17 =	vadd.f32 v50, v17;
	v18 =	vadd.f32 v44, v18  }
0x1a9: {  	v58 =	vmul.f32 v48, v48;
	v60 =	vld [tilespmem:s17+$0x4390];
	v14 =	vadd.f32 v39, v14;
	v15 =	vadd.f32 v37, v15  }
0x1aa: {  	s19 =	sadd.s32 $0xFA0, s18;
	v33 =	vld [tilespmem:s17+$0x4270];
	v62 =	vmul.f32 v52, v52;
	v17 =	vadd.f32 v54, v17;
	v18 =	vadd.f32 v48, v18  }
0x1ab: {  	s19 =	sand.u32 $0x3FFFFFA0, s19;
	v31 =	vmul.f32 v57, v57;
	v36 =	vld [tilespmem:s17+$0x43C0];
	v14 =	vadd.f32 v43, v14;
	v15 =	vadd.f32 v41, v15  }
0x1ac: {  	v28 =	vld [tilespmem:s19+$0x3400];
	v30 =	vmul.f32 v56, v56;
	v17 =	vadd.f32 v58, v17;
	v18 =	vadd.f32 v52, v18  }
0x1ad: {  	v40 =	vld [tilespmem:s17+$0x43D0];
	v35 =	vmul.f32 v61, v61;
	v14 =	vadd.f32 v47, v14;
	v15 =	vadd.f32 v45, v15  }
0x1ae: {  	v32 =	vld [tilespmem:s17+$0x43B0];
	v34 =	vmul.f32 v60, v60;
	v17 =	vadd.f32 v62, v17;
	v18 =	vadd.f32 v56, v18  }
0x1af: {  	v44 =	vld [tilespmem:s17+$0x43E0];
	v39 =	vmul.f32 v29, v29;
	v14 =	vadd.f32 v51, v14;
	v15 =	vadd.f32 v49, v15  }
0x1b0: {  	s19 =	sadd.s32 $0x1040, s18;
	v37 =	vld [tilespmem:s17+$0x4280];
	v46 =	vmul.f32 v36, v36;
	v17 =	vadd.f32 v30, v17;
	v18 =	vadd.f32 v60, v18  }
0x1b1: {  	s19 =	sand.u32 $0x3FFFFE40, s19;
	v38 =	vmul.f32 v28, v28;
	v48 =	vld [tilespmem:s17+$0x43F0];
	v14 =	vadd.f32 v55, v14;
	v15 =	vadd.f32 v53, v15  }
0x1b2: {  	v54 =	vld [tilespmem:s19+$0x3400];
	v43 =	vmul.f32 v33, v33;
	v17 =	vadd.f32 v34, v17;
	v18 =	vadd.f32 v28, v18  }
0x1b3: {  	v41 =	vld [tilespmem:s17+$0x4290];
	v50 =	vmul.f32 v40, v40;
	v14 =	vadd.f32 v59, v14;
	v15 =	vadd.f32 v57, v15  }
0x1b4: {  	v42 =	vmul.f32 v32, v32;
	v52 =	vld [tilespmem:s17+$0x4400];
	v17 =	vadd.f32 v38, v17;
	v18 =	vadd.f32 v32, v18  }
0x1b5: {  	s19 =	sadd.s32 $0x11E0, s18;
	v47 =	vmul.f32 v37, v37;
	v57 =	vld [tilespmem:s17+$0x4450];
	v14 =	vadd.f32 v63, v14;
	v15 =	vadd.f32 v61, v15  }
0x1b6: {  	s19 =	sand.u32 $0x3FFFFFE0, s19;
	v56 =	vmul.f32 v48, v48;
	v55 =	vld [tilespmem:s17+$0x4410];
	v17 =	vadd.f32 v42, v17;
	v18 =	vadd.f32 v36, v18  }
0x1b7: {  	v20 =	vmul.f32 v54, v54;
	v34 =	vld [tilespmem:s19+$0x3400];
	v14 =	vadd.f32 v31, v14;
	v15 =	vadd.f32 v29, v15  }
0x1b8: {  	v51 =	vmul.f32 v41, v41;
	v28 =	vld [tilespmem:s17+$0x4430];
	v29 =	vadd.f32 $0.0e+00, v54;
	v17 =	vadd.f32 v46, v17  }
0x1b9: {  	v53 =	vmul.f32 v44, v44;
	v63 =	vld [tilespmem:s17+$0x4460];
	v18 =	vadd.f32 v40, v18;
	v14 =	vadd.f32 v35, v14  }
0x1ba: {  	v12 =	vld [tilespmem:s16+$0x9CEA];
	v22 =	vmul.f32 v57, v57;
	v15 =	vadd.f32 v33, v15;
	v25 =	vadd.f32 v57, v29  }
0x1bb: {  	v30 =	vld [tilespmem:s17+$0x4470];
	v62 =	vmul.f32 v52, v52;
	v17 =	vadd.f32 v50, v17;
	v18 =	vadd.f32 v44, v18  }
0x1bc: {  	v16 =	vmul.f32 v55, v55;
	v42 =	vld [tilespmem:s17+$0x4600];
	v20 =	vadd.f32 v22, v20;
	v44 =	vadd.f32 $0.0e+00, v34  }
0x1bd: {  	v59 =	vld [tilespmem:s17+$0x4420];
	v36 =	vmul.f32 v28, v28;
	v14 =	vadd.f32 v39, v14;
	v15 =	vadd.f32 v37, v15  }
0x1be: {  	v32 =	vld [tilespmem:s17+$0x4480];
	v19 =	vmul.f32 v63, v63;
	v33 =	vadd.f32 v63, v25;
	v17 =	vadd.f32 v53, v17  }
0x1bf: {  	v54 =	vmul.f32 v26, v26;
	v40 =	vld [tilespmem:s17+$0x44A0];
	v18 =	vadd.f32 v48, v18;
	v14 =	vadd.f32 v43, v14  }
0x1c0: {  	v37 =	vld [tilespmem:s17+$0x4490];
	v25 =	vmul.f32 v34, v34;
	v19 =	vadd.f32 v19, v20;
	v15 =	vadd.f32 v41, v15  }
0x1c1: {  	v39 =	vld [tilespmem:s17+$0x45F0];
	v20 =	vmul.f32 v42, v42;
	v38 =	vadd.f32 v30, v33;
	v14 =	vadd.f32 v47, v14  }
0x1c2: {  	v45 =	vld [tilespmem:s16+$0x9CD0];
	v60 =	vadd.f32 v56, v17;
	v61 =	vadd.f32 v52, v18;
	v18 =	vmul.f32 v30, v30  }
0x1c3: {  	v49 =	vld [tilespmem:s16+$0x9CE0];
	v15 =	vmul.f32 v15, v15;
	v41 =	vadd.f32 v32, v38;
	v14 =	vadd.f32 v51, v14  }
0x1c4: {  	v50 =	vld [tilespmem:s17+$0x4630];
	v48 =	vmul.f32 v40, v40;
	v17 =	vadd.f32 v55, v61;
	v18 =	vadd.f32 v18, v19  }
0x1c5: {  	v34 =	vld [tilespmem:s17+$0x4670];
	v46 =	vmul.f32 v37, v37;
	v58 =	vsub.f32 v15, v14;
	v15 =	vadd.f32 v62, v60  }
0x1c6: {  	v63 =	vld [tilespmem:s17+$0x4660];
	v24 =	vadd.f32 v39, v44;
	v22 =	vmul.f32 v39, v39;
	v31 =	vadd.f32 v59, v17  }
0x1c7: {  	v43 =	vld [tilespmem:s17+$0x44B0];
	v17 =	vmul.f32 v32, v32;
	v14 =	vmul.f32 v59, v59;
	v15 =	vadd.f32 v16, v15  }
0x1c8: {  	v56 =	vld [tilespmem:s17+$0x44F0];
	v22 =	vadd.f32 v22, v25;
	v35 =	vadd.f32 v28, v31;
	v13 =	vmul.f32 $5.000000000e-01, v58  }
0x1c9: {  	v47 =	vld [tilespmem:s17+$0x4610];
	v19 =	vmul.f32 v50, v50;
	v17 =	vadd.f32 v17, v18;
	v14 =	vadd.f32 v14, v15  }
0x1ca: {  	v30 =	vld [tilespmem:s17+$0x4510];
	v44 =	vmul.f32 v34, v34;
	v13 =	vadd.f32 v13, v45;
	v45 =	vadd.f32 v37, v41  }
0x1cb: {  	v38 =	vld [tilespmem:s17+$0x4680];
	v17 =	vadd.f32 v46, v17;
	v15 =	vmul.f32 v35, v35;
	v16 =	vadd.f32 v36, v14  }
0x1cc: {  	v24 =	vadd.f32 v42, v24;
	v14 =	vnsel vm3, $0x0, v49;
	v18 =	vadd.f32 v40, v45;
	v49 =	vld [tilespmem:s17+$0x4620]  }
0x1cd: {  	v55 =	vld [tilespmem:s17+$0x4640];
	v17 =	vadd.f32 v48, v17;
	v15 =	vsub.f32 v15, v16;
	v16 =	vmul.f32 v43, v43  }
0x1ce: {  	v61 =	vld [tilespmem:s17+$0x4500];
	v20 =	vadd.f32 v20, v22;
	v21 =	vmul.f32 v47, v47;
	v18 =	vadd.f32 v43, v18  }
0x1cf: {  	v51 =	vld [tilespmem:s17+$0x44E0];
	v59 =	vmul.f32 v27, v27;
	v52 =	vadd.f32 v47, v24;
	v16 =	vadd.f32 v16, v17  }
0x1d0: {  	v39 =	vld [tilespmem:s17+$0x4530];
	v20 =	vadd.f32 v21, v20;
	v53 =	vadd.f32 v26, v18;
	v15 =	vmul.f32 $5.000000000e-01, v15  }
0x1d1: {  	v42 =	vld [tilespmem:s17+$0x4690];
	v57 =	vadd.f32 v49, v52;
	v58 =	vmul.f32 v49, v49;
	v16 =	vadd.f32 v54, v16  }
0x1d2: {  	v60 =	vld [tilespmem:s17+$0x4650];
	v33 =	vmul.f32 v56, v56;
	v17 =	vadd.f32 v27, v53;
	v15 =	vadd.f32 v15, v12  }
0x1d3: {  	v47 =	vld [tilespmem:s17+$0x4550];
	v32 =	vmul.f32 v55, v55;
	v12 =	vadd.f32 v13, v14;
	v20 =	vadd.f32 v58, v20  }
0x1d4: {  	s19 =	sadd.s32 $0x1140, s18;
	v62 =	vmul.f32 v51, v51;
	v46 =	vld [tilespmem:s17+$0x46A0];
	v21 =	vadd.f32 v50, v57;
	v16 =	vadd.f32 v59, v16  }
0x1d5: {  	s19 =	sand.u32 $0x3FFFFF40, s19;
	v35 =	vld [tilespmem:s17+$0x4520];
	v37 =	vmul.f32 v61, v61;
	v17 =	vadd.f32 v51, v17;
	v19 =	vadd.f32 v19, v20  }
0x1d6: {  	v41 =	vmul.f32 v30, v30;
	v43 =	vld [tilespmem:s19+$0x3400];
	v31 =	vadd.f32 v55, v21;
	v16 =	vadd.f32 v62, v16  }
0x1d7: {  	v36 =	vmul.f32 v60, v60;
	v54 =	vld [tilespmem:s17+$0x46C0];
	v17 =	vadd.f32 v56, v17;
	v19 =	vadd.f32 v32, v19  }
0x1d8: {  	v48 =	vmul.f32 v38, v38;
	v50 =	vld [tilespmem:s17+$0x46B0];
	v20 =	vadd.f32 v60, v31;
	v16 =	vadd.f32 v33, v16  }
0x1d9: {  	v40 =	vmul.f32 v63, v63;
	v58 =	vld [tilespmem:s17+$0x46D0];
	v17 =	vadd.f32 v61, v17;
	v19 =	vadd.f32 v36, v19  }
0x1da: {  	v45 =	vmul.f32 v35, v35;
	v51 =	vld [tilespmem:s17+$0x4560];
	v20 =	vadd.f32 v63, v20;
	v16 =	vadd.f32 v37, v16  }
0x1db: {  	s19 =	sadd.s32 $0x12E0, s18;
	v49 =	vmul.f32 v39, v39;
	v59 =	vld [tilespmem:s17+$0x4580];
	v17 =	vadd.f32 v30, v17;
	v19 =	vadd.f32 v40, v19  }
0x1dc: {  	s19 =	sand.u32 $0x3FFFFEE0, s19;
	v52 =	vmul.f32 v42, v42;
	v55 =	vld [tilespmem:s17+$0x4570];
	v20 =	vadd.f32 v34, v20;
	v16 =	vadd.f32 v41, v16  }
0x1dd: {  	v53 =	vmul.f32 v43, v43;
	v62 =	vld [tilespmem:s19+$0x3400];
	v17 =	vadd.f32 v35, v17;
	v19 =	vadd.f32 v44, v19  }
0x1de: {  	v57 =	vmul.f32 v47, v47;
	v31 =	vld [tilespmem:s17+$0x45A0];
	v20 =	vadd.f32 v38, v20;
	v16 =	vadd.f32 v45, v16  }
0x1df: {  	v56 =	vmul.f32 v46, v46;
	v63 =	vld [tilespmem:s17+$0x4590];
	v17 =	vadd.f32 v39, v17;
	v19 =	vadd.f32 v48, v19  }
0x1e0: {  	v28 =	vmul.f32 v54, v54;
	v30 =	vld [tilespmem:s17+$0x46F0];
	v20 =	vadd.f32 v42, v20;
	v16 =	vadd.f32 v49, v16  }
0x1e1: {  	v60 =	vmul.f32 v50, v50;
	v34 =	vld [tilespmem:s17+$0x4700];
	v17 =	vadd.f32 v43, v17;
	v19 =	vadd.f32 v52, v19  }
0x1e2: {  	v32 =	vmul.f32 v58, v58;
	v35 =	vld [tilespmem:s17+$0x45B0];
	v20 =	vadd.f32 v46, v20;
	v16 =	vadd.f32 v53, v16  }
0x1e3: {  	v61 =	vmul.f32 v51, v51;
	v17 =	vadd.f32 v47, v17;
	v47 =	vld [tilespmem:s16+$0x9CFA];
	v19 =	vadd.f32 v56, v19  }
0x1e4: {  	v33 =	vmul.f32 v59, v59;
	v38 =	vld [tilespmem:s17+$0x4710];
	v20 =	vadd.f32 v50, v20;
	v16 =	vadd.f32 v57, v16  }
0x1e5: {  	v29 =	vmul.f32 v55, v55;
	v39 =	vld [tilespmem:s17+$0x45C0];
	v17 =	vadd.f32 v51, v17;
	v19 =	vadd.f32 v60, v19  }
0x1e6: {  	v36 =	vmul.f32 v62, v62;
	v42 =	vld [tilespmem:s17+$0x4720];
	v20 =	vadd.f32 v54, v20;
	v16 =	vadd.f32 v61, v16  }
0x1e7: {  	v41 =	vmul.f32 v31, v31;
	v43 =	vld [tilespmem:s17+$0x45D0];
	v17 =	vadd.f32 v55, v17;
	v19 =	vadd.f32 v28, v19  }
0x1e8: {  	s19 =	sadd.s32 $0x1380, s18;
	v46 =	vld [tilespmem:s17+$0x4730];
	v20 =	vadd.f32 v58, v20;
	v60 =	vnsel vm3, $0x0, v47;
	v16 =	vadd.f32 v29, v16  }
0x1e9: {  	s19 =	sand.u32 $0x3FFFFF80, s19;
	v37 =	vmul.f32 v63, v63;
	v50 =	vld [tilespmem:s17+$0x4740];
	v17 =	vadd.f32 v59, v17;
	v13 =	vadd.f32 v15, v60  }
0x1ea: {  	v40 =	vmul.f32 v30, v30;
	v59 =	vld [tilespmem:s19+$0x3400];
	v19 =	vadd.f32 v32, v19;
	v20 =	vadd.f32 v62, v20  }
0x1eb: {  	v44 =	vmul.f32 v34, v34;
	v51 =	vld [tilespmem:s16+$0x9D04];
	v16 =	vadd.f32 v33, v16;
	v17 =	vadd.f32 v63, v17  }
0x1ec: {  	v45 =	vmul.f32 v35, v35;
	v63 =	vld [tilespmem:s17+$0x4790];
	v19 =	vadd.f32 v36, v19;
	v20 =	vadd.f32 v30, v20  }
0x1ed: {  	v48 =	vmul.f32 v38, v38;
	v57 =	vld [tilespmem:s17+$0x4760];
	v16 =	vadd.f32 v37, v16;
	v17 =	vadd.f32 v31, v17  }
0x1ee: {  	v49 =	vmul.f32 v39, v39;
	v54 =	vld [tilespmem:s17+$0x4750];
	v19 =	vadd.f32 v40, v19;
	v20 =	vadd.f32 v34, v20  }
0x1ef: {  	v52 =	vmul.f32 v42, v42;
	s19 =	sadd.s32 $0x1520, s18;
	v31 =	vld [tilespmem:s17+$0x47A0];
	v33 =	vadd.f32 $0.0e+00, v59;
	v16 =	vadd.f32 v41, v16  }
0x1f0: {  	v53 =	vmul.f32 v43, v43;
	s19 =	sand.u32 $0x3FFFFF20, s19;
	v36 =	vld [tilespmem:s17+$0x4930];
	v17 =	vadd.f32 v35, v17;
	v19 =	vadd.f32 v44, v19  }
0x1f1: {  	v34 =	vld [tilespmem:s19+$0x3400];
	v23 =	vmul.f32 v59, v59;
	v20 =	vadd.f32 v38, v20;
	v21 =	vadd.f32 v63, v33  }
0x1f2: {  	v35 =	vld [tilespmem:s17+$0x47B0];
	v22 =	vmul.f32 v63, v63;
	v16 =	vadd.f32 v45, v16;
	v17 =	vadd.f32 v39, v17  }
0x1f3: {  	v55 =	vld [tilespmem:s16+$0x9D14];
	v56 =	vmul.f32 v46, v46;
	v19 =	vadd.f32 v48, v19;
	v20 =	vadd.f32 v42, v20  }
0x1f4: {  	v47 =	vld [tilespmem:s17+$0x47F0];
	v58 =	vmul.f32 v50, v50;
	v38 =	vadd.f32 v22, v23;
	v21 =	vadd.f32 v31, v21  }
0x1f5: {  	v18 =	vmul.f32 v57, v57;
	v37 =	vld [tilespmem:s17+$0x47C0];
	v16 =	vadd.f32 v49, v16;
	v17 =	vadd.f32 v43, v17  }
0x1f6: {  	v39 =	vld [tilespmem:s17+$0x4940];
	v25 =	vmul.f32 v36, v36;
	v41 =	vadd.f32 $0.0e+00, v34;
	v19 =	vadd.f32 v52, v19  }
0x1f7: {  	v44 =	vld [tilespmem:s17+$0x47E0];
	v24 =	vmul.f32 v34, v34;
	v20 =	vadd.f32 v46, v20;
	v42 =	vadd.f32 v35, v21  }
0x1f8: {  	v62 =	vmul.f32 v54, v54;
	v40 =	vld [tilespmem:s17+$0x47D0];
	v16 =	vadd.f32 v53, v16;
	v23 =	vadd.f32 v36, v41  }
0x1f9: {  	v43 =	vld [tilespmem:s17+$0x4950];
	v17 =	vmul.f32 v17, v17;
	v24 =	vadd.f32 v25, v24;
	v19 =	vadd.f32 v56, v19  }
0x1fa: {  	v61 =	vld [tilespmem:s17+$0x4770];
	v32 =	vnsel vm3, $0x0, v55;
	v20 =	vadd.f32 v50, v20;
	v45 =	vadd.f32 v37, v42  }
0x1fb: {  	v46 =	vld [tilespmem:s17+$0x4960];
	v22 =	vmul.f32 v39, v39;
	v16 =	vsub.f32 v17, v16;
	v23 =	vadd.f32 v39, v23  }
0x1fc: {  	v52 =	vmul.f32 v44, v44;
	v53 =	vld [tilespmem:s17+$0x4980];
	v19 =	vadd.f32 v58, v19;
	v20 =	vadd.f32 v54, v20  }
0x1fd: {  	v50 =	vld [tilespmem:s17+$0x4800];
	v56 =	vmul.f32 v47, v47;
	v48 =	vadd.f32 v40, v45;
	v22 =	vadd.f32 v22, v24  }
0x1fe: {  	v34 =	vld [tilespmem:s17+$0x49C0];
	v21 =	vmul.f32 v43, v43;
	v28 =	vmul.f32 $5.000000000e-01, v16;
	v23 =	vadd.f32 v43, v23  }
0x1ff: {  	v49 =	vld [tilespmem:s17+$0x4970];
	v17 =	vmul.f32 v61, v61;
	v29 =	vadd.f32 v62, v19;
	v30 =	vadd.f32 v57, v20  }
0x200: {  	v54 =	vld [tilespmem:s17+$0x4810];
	v19 =	vmul.f32 v31, v31;
	v21 =	vadd.f32 v21, v22;
	v14 =	vadd.f32 v28, v51  }
0x201: {  	v39 =	vld [tilespmem:s17+$0x4860];
	v20 =	vmul.f32 v46, v46;
	v51 =	vadd.f32 v44, v48;
	v55 =	vadd.f32 v46, v23  }
0x202: {  	v58 =	vld [tilespmem:s17+$0x4820];
	v60 =	vmul.f32 v50, v50;
	v28 =	vmul.f32 v53, v53;
	v15 =	vadd.f32 v18, v29  }
0x203: {  	v43 =	vld [tilespmem:s17+$0x4870];
	v44 =	vmul.f32 v34, v34;
	v16 =	vadd.f32 v61, v30;
	v19 =	vadd.f32 v19, v38  }
0x204: {  	v57 =	vld [tilespmem:s17+$0x4990];
	v18 =	vmul.f32 v35, v35;
	v20 =	vadd.f32 v20, v21;
	v14 =	vadd.f32 v14, v32  }
0x205: {  	v62 =	vld [tilespmem:s17+$0x4830];
	v59 =	vadd.f32 v49, v55;
	v29 =	vmul.f32 v54, v54;
	v15 =	vadd.f32 v17, v15  }
0x206: {  	v31 =	vld [tilespmem:s17+$0x4840];
	v16 =	vmul.f32 v16, v16;
	v18 =	vadd.f32 v18, v19;
	v17 =	vmul.f32 v37, v37  }
0x207: {  	v61 =	vld [tilespmem:s17+$0x49A0];
	v33 =	vmul.f32 v58, v58;
	v19 =	vmul.f32 v49, v49;
	v63 =	vadd.f32 v53, v59  }
0x208: {  	v42 =	vld [tilespmem:s17+$0x49E0];
	v15 =	vsub.f32 v16, v15;
	v17 =	vadd.f32 v17, v18;
	v16 =	vmul.f32 v40, v40  }
0x209: {  	v30 =	vld [tilespmem:s17+$0x49B0];
	v49 =	vmul.f32 v39, v39;
	v32 =	vmul.f32 v57, v57;
	v19 =	vadd.f32 v19, v20  }
0x20a: {  	v35 =	vld [tilespmem:s17+$0x4850];
	v37 =	vmul.f32 v62, v62;
	v20 =	vadd.f32 v57, v63;
	v16 =	vadd.f32 v16, v17  }
0x20b: {  	v38 =	vld [tilespmem:s17+$0x49D0];
	v41 =	vmul.f32 v31, v31;
	v17 =	vadd.f32 v47, v51;
	v19 =	vadd.f32 v28, v19  }
0x20c: {  	v46 =	vld [tilespmem:s17+$0x49F0];
	v53 =	vmul.f32 v43, v43;
	v20 =	vadd.f32 v61, v20;
	v16 =	vadd.f32 v52, v16  }
0x20d: {  	s19 =	sadd.s32 $0x1480, s18;
	v55 =	vld [tilespmem:s17+$0x48A0];
	v36 =	vmul.f32 v61, v61;
	v17 =	vadd.f32 v50, v17;
	v19 =	vadd.f32 v32, v19  }
0x20e: {  	s19 =	sand.u32 $0x3FFFFE80, s19;
	v59 =	vld [tilespmem:s17+$0x48B0];
	v40 =	vmul.f32 v30, v30;
	v20 =	vadd.f32 v30, v20;
	v16 =	vadd.f32 v56, v16  }
0x20f: {  	v45 =	vmul.f32 v35, v35;
	v47 =	vld [tilespmem:s19+$0x3400];
	v17 =	vadd.f32 v54, v17;
	v19 =	vadd.f32 v36, v19  }
0x210: {  	v48 =	vmul.f32 v38, v38;
	v51 =	vld [tilespmem:s17+$0x4890];
	v20 =	vadd.f32 v34, v20;
	v16 =	vadd.f32 v60, v16  }
0x211: {  	v15 =	vmul.f32 $5.000000000e-01, v15;
	v50 =	vld [tilespmem:s17+$0x4A00];
	v17 =	vadd.f32 v58, v17;
	v19 =	vadd.f32 v40, v19  }
0x212: {  	v52 =	vmul.f32 v42, v42;
	v54 =	vld [tilespmem:s17+$0x4A10];
	v20 =	vadd.f32 v38, v20;
	v16 =	vadd.f32 v29, v16  }
0x213: {  	s19 =	sadd.s32 $0x1620, s18;
	v32 =	vld [tilespmem:s17+$0x4A40];
	v56 =	vmul.f32 v46, v46;
	v17 =	vadd.f32 v62, v17;
	v19 =	vadd.f32 v44, v19  }
0x214: {  	v63 =	vld [tilespmem:s17+$0x48C0];
	s19 =	sand.u32 $0x3FFFFE20, s19;
	v57 =	vmul.f32 v47, v47;
	v20 =	vadd.f32 v42, v20;
	v16 =	vadd.f32 v33, v16  }
0x215: {  	v61 =	vmul.f32 v51, v51;
	v58 =	vld [tilespmem:s19+$0x3400];
	v17 =	vadd.f32 v31, v17;
	v19 =	vadd.f32 v48, v19  }
0x216: {  	v36 =	vld [tilespmem:s17+$0x4A50];
	v60 =	vmul.f32 v50, v50;
	v20 =	vadd.f32 v46, v20;
	v16 =	vadd.f32 v37, v16  }
0x217: {  	v40 =	vld [tilespmem:s17+$0x4A60];
	v30 =	vmul.f32 v54, v54;
	v17 =	vadd.f32 v35, v17;
	v19 =	vadd.f32 v52, v19  }
0x218: {  	v62 =	vld [tilespmem:s17+$0x4A30];
	v42 =	vmul.f32 v32, v32;
	v20 =	vadd.f32 v50, v20;
	v16 =	vadd.f32 v41, v16  }
0x219: {  	v44 =	vld [tilespmem:s17+$0x4A70];
	v31 =	vmul.f32 v55, v55;
	v17 =	vadd.f32 v39, v17;
	v19 =	vadd.f32 v56, v19  }
0x21a: {  	v33 =	vld [tilespmem:s17+$0x48D0];
	v34 =	vmul.f32 v58, v58;
	v20 =	vadd.f32 v54, v20;
	v16 =	vadd.f32 v45, v16  }
0x21b: {  	v48 =	vld [tilespmem:s17+$0x4A80];
	v46 =	vmul.f32 v36, v36;
	v17 =	vadd.f32 v43, v17;
	v19 =	vadd.f32 v60, v19  }
0x21c: {  	v35 =	vmul.f32 v59, v59;
	v37 =	vld [tilespmem:s17+$0x48E0];
	v20 =	vadd.f32 v58, v20;
	v16 =	vadd.f32 v49, v16  }
0x21d: {  	v38 =	vmul.f32 v62, v62;
	v41 =	vld [tilespmem:s17+$0x48F0];
	v17 =	vadd.f32 v47, v17;
	v19 =	vadd.f32 v30, v19  }
0x21e: {  	s19 =	sadd.s32 $0x16C0, s18;
	v50 =	vmul.f32 v40, v40;
	v45 =	vld [tilespmem:s17+$0x4900];
	v20 =	vadd.f32 v62, v20;
	v16 =	vadd.f32 v53, v16  }
0x21f: {  	s19 =	sand.u32 $0x3FFFFEC0, s19;
	v39 =	vmul.f32 v63, v63;
	v17 =	vadd.f32 v51, v17;
	v19 =	vadd.f32 v34, v19;
	v53 =	vld [tilespmem:s16+$0x9D1E]  }
0x220: {  	v54 =	vmul.f32 v44, v44;
	v60 =	vld [tilespmem:s19+$0x3400];
	v20 =	vadd.f32 v32, v20;
	v16 =	vadd.f32 v57, v16  }
0x221: {  	v43 =	vmul.f32 v33, v33;
	v58 =	vld [tilespmem:s17+$0x4AB0];
	v17 =	vadd.f32 v55, v17;
	v19 =	vadd.f32 v38, v19  }
0x222: {  	v47 =	vmul.f32 v37, v37;
	v62 =	vld [tilespmem:s17+$0x4AD0];
	v20 =	vadd.f32 v36, v20;
	v16 =	vadd.f32 v61, v16  }
0x223: {  	v49 =	vld [tilespmem:s17+$0x4910];
	v51 =	vmul.f32 v41, v41;
	v17 =	vadd.f32 v59, v17;
	v19 =	vadd.f32 v42, v19  }
0x224: {  	v52 =	vld [tilespmem:s17+$0x4A90];
	v55 =	vmul.f32 v45, v45;
	v20 =	vadd.f32 v40, v20;
	v15 =	vadd.f32 v15, v53  }
0x225: {  	v57 =	vmul.f32 v48, v48;
	v36 =	vld [tilespmem:s17+$0x4AE0];
	v40 =	vadd.f32 $0.0e+00, v60;
	v16 =	vadd.f32 v31, v16  }
0x226: {  	v56 =	vld [tilespmem:s17+$0x4AA0];
	s19 =	sadd.s32 $0x1860, s18;
	v38 =	vmul.f32 v58, v58;
	v17 =	vadd.f32 v63, v17;
	v19 =	vadd.f32 v46, v19  }
0x227: {  	s19 =	sand.u32 $0x3FFFFE60, s19;
	v53 =	vld [tilespmem:s17+$0x4CB0];
	v31 =	vperm.xlane v6, v0;
	v20 =	vadd.f32 v44, v20;
	v22 =	vadd.f32 v62, v40  }
0x228: {  	v59 =	vmul.f32 v49, v49;
	v63 =	vld [tilespmem:s19+$0x3400];
	v16 =	vadd.f32 v35, v16;
	v17 =	vadd.f32 v33, v17  }
0x229: {  	v61 =	vmul.f32 v52, v52;
	v46 =	vld [tilespmem:s17+$0x4C90];
	v19 =	vadd.f32 v50, v19;
	v6 =	vadd.f32 v31, v6  }
0x22a: {  	v28 =	vld [tilespmem:s17+$0x4C80];
	v42 =	vmul.f32 v62, v62;
	v20 =	vadd.f32 v48, v20;
	v21 =	vadd.f32 v36, v22  }
0x22b: {  	v30 =	vld [tilespmem:s17+$0x4B10];
	v35 =	vmul.f32 v56, v56;
	v16 =	vadd.f32 v39, v16;
	v17 =	vadd.f32 v37, v17  }
0x22c: {  	v19 =	vadd.f32 v54, v19;
	v37 =	vld [tilespmem:s17+$0x4C70];
	v23 =	vmul.f32 v53, v53;
	v20 =	vadd.f32 v52, v20  }
0x22d: {  	v39 =	vld [tilespmem:s17+$0x4AF0];
	v29 =	vadd.f32 $0.0e+00, v63;
	v27 =	vmul.f32 v63, v63;
	v16 =	vadd.f32 v43, v16  }
0x22e: {  	v50 =	vld [tilespmem:s17+$0x4B20];
	v26 =	vmul.f32 v46, v46;
	v17 =	vadd.f32 v41, v17;
	v19 =	vadd.f32 v57, v19  }
0x22f: {  	v54 =	vld [tilespmem:s17+$0x4B30];
	v41 =	vmul.f32 v60, v60;
	v34 =	vadd.f32 v56, v20;
	v16 =	vadd.f32 v47, v16  }
0x230: {  	v43 =	vld [tilespmem:s17+$0x4B00];
	v56 =	vmul.f32 v30, v30;
	v17 =	vadd.f32 v45, v17;
	v33 =	vadd.f32 v61, v19  }
0x231: {  	v57 =	vld [tilespmem:s17+$0x4CC0];
	v44 =	vadd.f32 v42, v41;
	v45 =	vmul.f32 v36, v36;
	v29 =	vadd.f32 v37, v29  }
0x232: {  	v63 =	vld [tilespmem:s17+$0x4CE0];
	v24 =	vmul.f32 v37, v37;
	v20 =	vadd.f32 v39, v21;
	v16 =	vadd.f32 v51, v16  }
0x233: {  	v60 =	vld [tilespmem:s17+$0x4CD0];
	v48 =	vmul.f32 v39, v39;
	v17 =	vadd.f32 v49, v17;
	v18 =	vadd.f32 v35, v33  }
0x234: {  	v61 =	vld [tilespmem:s17+$0x4B50];
	v62 =	vmul.f32 v54, v54;
	v47 =	vadd.f32 v45, v44;
	v24 =	vadd.f32 v24, v27  }
0x235: {  	v36 =	vld [tilespmem:s17+$0x4B70];
	v29 =	vadd.f32 v28, v29;
	v28 =	vmul.f32 v28, v28;
	v52 =	vmul.f32 v43, v43  }
0x236: {  	v49 =	vld [tilespmem:s17+$0x4CA0];
	v19 =	vadd.f32 v43, v20;
	v22 =	vmul.f32 v57, v57;
	v16 =	vadd.f32 v55, v16  }
0x237: {  	v39 =	vld [tilespmem:s17+$0x4B80];
	v27 =	vmul.f32 v63, v63;
	v18 =	vadd.f32 v38, v18;
	v51 =	vadd.f32 v48, v47  }
0x238: {  	v33 =	vld [tilespmem:s17+$0x4B60];
	v17 =	vmul.f32 v17, v17;
	v24 =	vadd.f32 v28, v24;
	v29 =	vadd.f32 v46, v29  }
0x239: {  	v35 =	vld [tilespmem:s17+$0x4CF0];
	v19 =	vadd.f32 v30, v19;
	v30 =	vmul.f32 v60, v60;
	v37 =	vmul.f32 v61, v61  }
0x23a: {  	v42 =	vld [tilespmem:s17+$0x4B90];
	v43 =	vmul.f32 v36, v36;
	v16 =	vadd.f32 v59, v16;
	v55 =	vadd.f32 v52, v51  }
0x23b: {  	v59 =	vmul.f32 v50, v50;
	v24 =	vadd.f32 v26, v24;
	v29 =	vadd.f32 v49, v29  }
0x23c: {  	v45 =	vld [tilespmem:s17+$0x4BA0];
	v25 =	vmul.f32 v49, v49;
	v19 =	vadd.f32 v50, v19;
	v16 =	vsub.f32 v17, v16  }
0x23d: {  	v46 =	vmul.f32 v39, v39;
	v17 =	vadd.f32 v58, v34;
	v58 =	vld [tilespmem:s17+$0x4B40];
	v20 =	vadd.f32 v56, v55  }
0x23e: {  	v38 =	vld [tilespmem:s17+$0x4D00];
	v40 =	vmul.f32 v33, v33;
	v28 =	vmul.f32 v35, v35;
	v24 =	vadd.f32 v25, v24  }
0x23f: {  	v41 =	vld [tilespmem:s17+$0x4D10];
	v49 =	vmul.f32 v42, v42;
	v29 =	vadd.f32 v53, v29;
	v20 =	vadd.f32 v59, v20  }
0x240: {  	v48 =	vld [tilespmem:s17+$0x4BB0];
	v19 =	vadd.f32 v54, v19;
	v17 =	vmul.f32 v17, v17;
	v23 =	vadd.f32 v23, v24  }
0x241: {  	v52 =	vmul.f32 v45, v45;
	v29 =	vadd.f32 v57, v29;
	v20 =	vadd.f32 v62, v20  }
0x242: {  	s19 =	sadd.s32 $0x17C0, s18;
	v44 =	vld [tilespmem:s17+$0x4D20];
	v17 =	vsub.f32 v17, v18;
	v34 =	vmul.f32 v58, v58;
	v22 =	vadd.f32 v22, v23  }
0x243: {  	s19 =	sand.u32 $0x3FFFFFC0, s19;
	v47 =	vld [tilespmem:s17+$0x4D30];
	v26 =	vmul.f32 v38, v38;
	v29 =	vadd.f32 v60, v29;
	v19 =	vadd.f32 v58, v19  }
0x244: {  	s18 =	sadd.s32 $0x1960, s18;
	v51 =	vld [tilespmem:s19+$0x3400];
	v25 =	vmul.f32 v41, v41;
	v20 =	vadd.f32 v34, v20;
	v22 =	vadd.f32 v30, v22  }
0x245: {  	s18 =	sand.u32 $0x3FFFFF60, s18;
	v50 =	vld [tilespmem:s17+$0x4D40];
	v55 =	vmul.f32 v48, v48;
	v29 =	vadd.f32 v63, v29;
	v19 =	vadd.f32 v61, v19  }
0x246: {  	v56 =	vld [tilespmem:s18+$0x3400];
	v16 =	vmul.f32 $5.000000000e-01, v16;
	v20 =	vadd.f32 v37, v20;
	v22 =	vadd.f32 v27, v22  }
0x247: {  	v54 =	vld [tilespmem:s17+$0x4BD0];
	v24 =	vmul.f32 v44, v44;
	v29 =	vadd.f32 v35, v29;
	v19 =	vadd.f32 v33, v19  }
0x248: {  	v57 =	vld [tilespmem:s17+$0x4BE0];
	v23 =	vmul.f32 v47, v47;
	v20 =	vadd.f32 v40, v20;
	v22 =	vadd.f32 v28, v22  }
0x249: {  	v53 =	vld [tilespmem:s17+$0x4D50];
	v58 =	vmul.f32 v51, v51;
	v29 =	vadd.f32 v38, v29;
	v19 =	vadd.f32 v36, v19  }
0x24a: {  	v60 =	vld [tilespmem:s17+$0x4BF0];
	v17 =	vmul.f32 $5.000000000e-01, v17;
	v20 =	vadd.f32 v43, v20;
	v22 =	vadd.f32 v26, v22  }
0x24b: {  	v59 =	vld [tilespmem:s17+$0x4D70];
	v30 =	vmul.f32 v50, v50;
	v29 =	vadd.f32 v41, v29;
	v19 =	vadd.f32 v39, v19  }
0x24c: {  	v61 =	vmul.f32 v54, v54;
	v63 =	vld [tilespmem:s17+$0x4C00];
	v20 =	vadd.f32 v46, v20;
	v22 =	vadd.f32 v25, v22  }
0x24d: {  	v62 =	vld [tilespmem:s17+$0x4D80];
	v32 =	vmul.f32 v57, v57;
	v29 =	vadd.f32 v44, v29;
	v19 =	vadd.f32 v42, v19  }
0x24e: {  	v34 =	vld [tilespmem:s17+$0x4C10];
	v27 =	vmul.f32 v53, v53;
	v20 =	vadd.f32 v49, v20;
	v22 =	vadd.f32 v24, v22  }
0x24f: {  	v33 =	vld [tilespmem:s17+$0x4D90];
	v35 =	vmul.f32 v60, v60;
	v29 =	vadd.f32 v47, v29;
	v19 =	vadd.f32 v45, v19  }
0x250: {  	v37 =	vld [tilespmem:s17+$0x4C20];
	v28 =	vmul.f32 v56, v56;
	v20 =	vadd.f32 v52, v20;
	v22 =	vadd.f32 v23, v22  }
0x251: {  	v36 =	vld [tilespmem:s17+$0x4DA0];
	v38 =	vmul.f32 v63, v63;
	v29 =	vadd.f32 v50, v29;
	v19 =	vadd.f32 v48, v19  }
0x252: {  	v40 =	vld [tilespmem:s17+$0x4C30];
	v26 =	vmul.f32 v59, v59;
	v20 =	vadd.f32 v55, v20;
	v22 =	vadd.f32 v30, v22  }
0x253: {  	v39 =	vld [tilespmem:s17+$0x4DB0];
	v41 =	vmul.f32 v34, v34;
	v29 =	vadd.f32 v53, v29;
	v19 =	vadd.f32 v51, v19  }
0x254: {  	v53 =	vld [tilespmem:s16+$0x9D2E];
	v30 =	vperm.xlane v4, v0;
	v20 =	vadd.f32 v58, v20;
	v22 =	vadd.f32 v27, v22  }
0x255: {  	v25 =	vmul.f32 v62, v62;
	v29 =	vadd.f32 v56, v29;
	v19 =	vadd.f32 v54, v19;
	v54 =	vld [tilespmem:s16+$0x9D38]  }
0x256: {  	v44 =	vmul.f32 v37, v37;
	v56 =	vld [tilespmem:s16+$0x9D52];
	v4 =	vadd.f32 v30, v4;
	v20 =	vadd.f32 v61, v20  }
0x257: {  	v24 =	vmul.f32 v33, v33;
	v22 =	vadd.f32 v28, v22;
	v29 =	vadd.f32 v59, v29  }
0x258: {  	v47 =	vmul.f32 v39, v39;
	v55 =	vld [tilespmem:s16+$0x9D48];
	v19 =	vadd.f32 v57, v19;
	v20 =	vadd.f32 v32, v20  }
0x259: {  	v43 =	vld [tilespmem:s17+$0x4C40];
	v58 =	vnsel vm3, $0x0, v53;
	v22 =	vadd.f32 v26, v22;
	v29 =	vadd.f32 v62, v29  }
0x25a: {  	v42 =	vld [tilespmem:s17+$0x4DC0];
	v23 =	vmul.f32 v36, v36;
	v19 =	vadd.f32 v60, v19;
	v15 =	vadd.f32 v15, v58  }
0x25b: {  	v48 =	vmul.f32 v40, v40;
	v16 =	vadd.f32 v16, v54;
	v17 =	vadd.f32 v17, v56  }
0x25c: {  	v32 =	vperm.xlane v7, v0;
	v20 =	vadd.f32 v35, v20;
	v22 =	vadd.f32 v25, v22  }
0x25d: {  	v21 =	vnsel vm3, $0x0, v55;
	v29 =	vadd.f32 v33, v29;
	v19 =	vadd.f32 v63, v19  }
0x25e: {  	v51 =	vmul.f32 v43, v43;
	v7 =	vadd.f32 v32, v7;
	v16 =	vadd.f32 v16, v21  }
0x25f: {  	v27 =	vmul.f32 v42, v42;
	v20 =	vadd.f32 v38, v20;
	v22 =	vadd.f32 v24, v22  }
0x260: {  	v45 =	vld [tilespmem:s17+$0x4DD0];
	v29 =	vadd.f32 v36, v29;
	v19 =	vadd.f32 v34, v19;
	v34 =	vperm.xlane v9, v0  }
0x261: {  	v49 =	vld [tilespmem:s17+$0x4DE0];
	v36 =	vperm.xlane v10, v0;
	v20 =	vadd.f32 v41, v20;
	v22 =	vadd.f32 v23, v22  }
0x262: {  	v52 =	vld [tilespmem:s17+$0x4DF0];
	v6 =	vsel vm0, v6, v7;
	v46 =	vadd.f32 v39, v29;
	v19 =	vadd.f32 v37, v19  }
0x263: {  	v35 =	vadd.f32 v34, v9;
	v37 =	vperm.xlane v11, v0;
	v7 =	vadd.f32 v36, v10  }
0x264: {  	v39 =	vperm.xlane v13, v0;
	v20 =	vadd.f32 v44, v20;
	v22 =	vadd.f32 v47, v22  }
0x265: {  	v50 =	vld [tilespmem:s17+$0x4C50];
	v28 =	vmul.f32 v45, v45;
	v23 =	vadd.f32 v42, v46;
	v19 =	vadd.f32 v40, v19  }
0x266: {  	v26 =	vmul.f32 v49, v49;
	v9 =	vadd.f32 v37, v11;
	v41 =	vadd.f32 v39, v13  }
0x267: {  	v25 =	vmul.f32 v52, v52;
	v22 =	vadd.f32 v27, v22;
	v23 =	vadd.f32 v45, v23  }
0x268: {  	v33 =	vperm.xlane v8, v0;
	v20 =	vadd.f32 v48, v20;
	v19 =	vadd.f32 v43, v19  }
0x269: {  	v38 =	vperm.xlane v12, v0;
	v22 =	vadd.f32 v28, v22;
	v23 =	vadd.f32 v49, v23  }
0x26a: {  	v60 =	vld [tilespmem:s16+$0x9D7C];
	v29 =	vmul.f32 v50, v50;
	v20 =	vadd.f32 v51, v20;
	v19 =	vadd.f32 v50, v19  }
0x26b: {  	v57 =	vld [tilespmem:s16+$0x9D62];
	v40 =	vperm.xlane v14, v0;
	v22 =	vadd.f32 v26, v22;
	v23 =	vadd.f32 v52, v23  }
0x26c: {  	v59 =	vld [tilespmem:s16+$0x9D6C];
	v42 =	vperm.xlane v15, v0;
	v7 =	vsel vm0, v7, v9;
	v20 =	vadd.f32 v29, v20  }
0x26d: {  	v61 =	vld [tilespmem:s16+$0x9D86];
	v19 =	vmul.f32 v19, v19;
	v22 =	vadd.f32 v25, v22;
	v23 =	vmul.f32 v23, v23  }
0x26e: {  	v63 =	vld [tilespmem:s16+$0x9D96];
	v10 =	vadd.f32 v40, v14;
	v43 =	vperm.xlane v16, v0;
	v54 =	vperm.xlane v7, v1  }
0x26f: {  	v27 =	vnsel vm3, $0x0, v60;
	v19 =	vsub.f32 v19, v20;
	v62 =	vsub.f32 v23, v22  }
0x270: {  	v47 =	vadd.f32 v43, v16;
	v7 =	vadd.f32 v54, v7;
	v29 =	vperm.xlane v5, v0  }
0x271: {  	v26 =	vnsel vm3, $0x0, v57;
	v19 =	vmul.f32 $5.000000000e-01, v19;
	v20 =	vmul.f32 $5.000000000e-01, v62  }
0x272: {  	v52 =	vperm.xlane v6, v1;
	v17 =	vadd.f32 v17, v26;
	v5 =	vadd.f32 v29, v5  }
0x273: {  	v28 =	vnsel vm3, $0x0, v63;
	v19 =	vadd.f32 v19, v59;
	v18 =	vadd.f32 v20, v61  }
0x274: {  	v6 =	vadd.f32 v52, v6;
	v4 =	vsel vm0, v5, v4;
	v5 =	vadd.f32 v33, v8  }
0x275: {  	v44 =	vperm.xlane v17, v0;
	v19 =	vadd.f32 v19, v27;
	v18 =	vadd.f32 v18, v28  }
0x276: {  	v8 =	vadd.f32 v38, v12;
	v12 =	vadd.f32 v42, v15  }
0x277: {  	v48 =	vadd.f32 v44, v17;
	v45 =	vperm.xlane v19, v0;
	v46 =	vperm.xlane v18, v0  }
0x278: {  	v51 =	vperm.xlane v4, v1;
	v5 =	vsel vm0, v5, v35;
	v8 =	vsel vm0, v8, v41  }
0x279: {  	v10 =	vsel vm0, v10, v12;
	v49 =	vadd.f32 v45, v19;
	v50 =	vadd.f32 v46, v18  }
0x27a: {  	v9 =	vsel vm0, v47, v48;
	v53 =	vperm.xlane v5, v1;
	v4 =	vadd.f32 v51, v4  }
0x27b: {  	v55 =	vperm.xlane v8, v1;
	v56 =	vperm.xlane v10, v1;
	v11 =	vsel vm0, v49, v50  }
0x27c: {  	v57 =	vperm.xlane v9, v1;
	v5 =	vadd.f32 v53, v5;
	v58 =	vperm.xlane v11, v1  }
0x27d: {  	v8 =	vadd.f32 v55, v8;
	v10 =	vadd.f32 v56, v10  }
0x27e: {  	v4 =	vsel vm1, v4, v6;
	v9 =	vadd.f32 v57, v9;
	v11 =	vadd.f32 v58, v11  }
0x27f: {  	v61 =	vperm.xlane v4, v2;
	v5 =	vsel vm1, v5, v7  }
0x280: {  	v59 =	vsel vm1, v8, v10;
	v62 =	vperm.xlane v5, v2;
	v60 =	vsel vm1, v9, v11  }
0x281: {  	v10 =	vperm.xlane v59, v2;
	v11 =	vperm.xlane v60, v2  }
0x282: {  	v4 =	vadd.f32 v61, v4;
	v5 =	vadd.f32 v62, v5  }
0x283: {  	v6 =	vadd.f32 v10, v59;
	v7 =	vadd.f32 v11, v60;
	_ =	sdelay $0x1  }
0x284: {  	v4 =	vsel vm2, v4, v5;
	v5 =	vsel vm2, v6, v7  }
0x285: {  	p0 =	sne.s32 s15, $0x3;
	v63 =	vperm.xlane v4, v3;
	v7 =	vperm.xlane v5, v3  }
.Ltmp0:
0x286: {  	_ = 	snop;
	(pc) =	sbr.rel @p0 .LBB2_3-.Ltmp0, $4  }
0x287: {  	v4 =	vadd.f32 v63, v4;
	v5 =	vadd.f32 v7, v5  }
0x288: {  	s19 =	sshll.u32 s15, $0x4  }
0x289: {  	s16 =	sand.u32 $0x3FFFFFF0, s19;
	v4 =	vsel vm4, v4, v5  }
0x28a: {  	s15 =	sadd.s32 $0x1, s15;
	[tilespmem:s16+$0xA2A0] =	vst v4  }
0x28b: {  	s15 =	sshll.u32 s14, $0x3;
	s14 =	sadd.s32 $0x1, s14  }
0x28c: {  	p0 =	sne.s32 s14, $0x8  }
.Ltmp1:
0x28d: {  	s15 =	sadd.s32 s15, s6;
	(pc) =	sbr.rel @p0 .LBB2_2-.Ltmp1, $4  }
0x28e: {  	[hbm4b:s15+s2] =	stream.linear.scatter [tilespmem:s13], [sflag:$0x3], $0x40, $0x38;
	[tilespmem:$0xA2E0] =	vst v63  }
0x28f: {  	_ =	swait.ge [sflag:s8], $0x40  }
0x290: {  	[sflag:s8] =	ssyncset.done $0x0  }
0x291: {  	[sflag:s8] =	ssyncadd.s32 $0xFFFFFFC0  }
0x292: {  	s15 =	rddreg [dreg:$0x5]  }
0x293: {  	s14 =	rddreg [dreg:$0x4];
	s15 =	sadd.s32 $0x1, s15  }
0x294: {  	p0 =	sne.s32 s15, s14  }
.Ltmp2:
0x295: {  	_ = 	snop;
	(pc) =	sbr.rel @p0 .LBB2_1-.Ltmp2, $1  }
0x296: {  	_ =	sdelay $0x3  }
0x297: {  	_ =	sfence.sel $0x180000  }
0x298: {  	[bflag:$0x0] =	sbarrier.arrive $0xFFFF  }
0x299: {  	_ =	strace $0x90000047  }
0x29a: {  	s0 =	stileid.u32;
	[bflag:$0x2] =	sbarrier.arrive $0xFFFF  }
0x29b: {  	p0 =	sne.s32 s0, $0x0;
	s0 =	rddreg [dreg:$0x2]  }
0x29c: {  	s0 =	sadd.s32 @!p0 $0x100000, s0  }
0x29d: {  	[sflag:s0] =	ssyncadd.tile.s32 @!p0 $0x1;
	_ =	shalt  }
.Lfunc_end2:
_tile_overlayer_lowered:
.L_overlay_start_2:
0x29e: {  	(tag) =	ssettag $0x2  }
0x29f: {  	s0 =	rddreg [dreg:$0x0];
	s2 =	stileid.u32  }
0x2a0: {  	s1 =	rddreg [dreg:$0x1];
	p0 =	sne.s32 s2, $0x0  }
0x2a1: {  	s3 =	rddreg [dreg:$0x2];
	[bflag:$0x3] =	sbarrier.arrive $0xFFFF;
	s2 =	simm.s32 @!p0 $0x1C03  }
0x2a2: {  	[timem:s3], [sflag:s2] =	dma.local @!p0 [hbm:s0], s1  }
0x2a3: {  	s0 =	simm.s32 @!p0 $0x3  }
0x2a4: {  	_ =	swait.ge @!p0 [sflag:s0], s1  }
0x2a5: {  	s1 =	ssub.s32 @!p0 $0x0, s1;
	[sflag:s0] =	ssyncset.done @!p0 $0x0  }
0x2a6: {  	[sflag:s0] =	ssyncadd.s32 @!p0 s1  }
0x2a7: {  	[bflag:$0x3] =	sbarrier.arrive $0xFFFF  }
0x2a8: {  	_ =	shalt  }

</sc_bundles>
